<compile_context>
chip_gen: v7x
topology: tpu7x:2x2x1
jax: 0.10.2.dev20260603
libtpu: 0.0.44.dev20260713+nightly
codegen_flags: <defaults>
</compile_context>

<pallas_src>
import jax
import jax.numpy as jnp
from jax import lax
from jax.experimental import pallas as pl
from jax.experimental.pallas import tpu as pltpu, tpu_sc as plsc

N = 10000
E = 320000
STATIC_DIM = 128
DYN_DIM = 16
T = 24
GNN_H = 128
RNN_H = 64
RNN_DIM = 2 * RNN_H
FUSED = GNN_H + RNN_DIM
EPS = 1e-12

NC = 2
NS = 16
NW = NC * NS
EPS_SUB = E // NS
CH = 80
NCHUNK = EPS_SUB // CH
ZROWS = 80
NPAD = 10240
ROWS_PER_TILE = NPAD // NS
DEG_PAD = 10240
HALF = 64

_SC_MESH = dict(core_axis_name="c", subcore_axis_name="s",
                num_cores=NC, num_subcores=NS)


def _zero_vmem_2d(ref, nrows, ncols):
    z = jnp.zeros((16,), jnp.float32)

    def body(i, _):
        r = i // (ncols // 16)
        k = i % (ncols // 16)
        ref[r, pl.ds(k * 16, 16)] = z
        return 0

    lax.fori_loop(0, nrows * (ncols // 16), body, 0)


def _zero_vmem_1d(ref, n):
    z = jnp.zeros((16,), jnp.float32)

    def body(i, _):
        ref[pl.ds(i * 16, 16)] = z
        return 0

    lax.fori_loop(0, n // 16, body, 0)


def _segsum_body(xs_hbm, src_hbm, dst_hbm, agg_hbm,
                 idx_src, idx_dst, rows0, rows1, rows2, rows3, zbuf, agg_sh,
                 g0, g1, g2, g3, s0, s1, s2, s3):
    c = lax.axis_index("c")
    s = lax.axis_index("s")
    bufs = (rows0, rows1, rows2, rows3)
    gsem = (g0, g1, g2, g3)
    ssem = (s0, s1, s2, s3)

    _zero_vmem_2d(zbuf, ZROWS, HALF)
    for r in range(ROWS_PER_TILE // ZROWS):
        pltpu.sync_copy(zbuf,
                        agg_sh.at[pl.ds(s * ROWS_PER_TILE + r * ZROWS, ZROWS)])
    plsc.subcore_barrier()

    pltpu.sync_copy(src_hbm.at[s], idx_src)
    pltpu.sync_copy(dst_hbm.at[s], idx_dst)

    xh = xs_hbm.at[c]
    for k in range(4):
        pltpu.async_copy(xh.at[idx_src.at[k]], bufs[k], gsem[k])

    def group(g, _):
        base = 4 * g
        for k in range(4):
            j = base + k
            j4 = j + 4
            pltpu.make_async_copy(xh.at[idx_src.at[j]], bufs[k],
                                  gsem[k]).wait()
            pltpu.async_copy(bufs[k], agg_sh.at[idx_dst.at[j]], ssem[k],
                             add=True)

            @pl.when(j4 < NCHUNK)
            def _():
                pltpu.make_async_copy(bufs[k], agg_sh.at[idx_dst.at[j]],
                                      ssem[k]).wait()
                pltpu.async_copy(xh.at[idx_src.at[j4]], bufs[k], gsem[k])

        return 0

    lax.fori_loop(0, NCHUNK // 4, group, 0)
    for k in range(2):
        j = NCHUNK - 2 + k
        pltpu.make_async_copy(xh.at[idx_src.at[j]], bufs[k], gsem[k]).wait()
        pltpu.async_copy(bufs[k], agg_sh.at[idx_dst.at[j]], ssem[k], add=True)
    for k in range(4):
        j = (NCHUNK - 2 + k) if k < 2 else (NCHUNK - 6 + k)
        pltpu.make_async_copy(bufs[k], agg_sh.at[idx_dst.at[j]],
                              ssem[k]).wait()

    plsc.subcore_barrier()
    pltpu.sync_copy(agg_sh.at[pl.ds(s * ROWS_PER_TILE, ROWS_PER_TILE)],
                    agg_hbm.at[c, pl.ds(s * ROWS_PER_TILE, ROWS_PER_TILE)])


def _sc_segsum(xs, src3d, dst3d):
    k = pl.kernel(
        _segsum_body,
        out_type=jax.ShapeDtypeStruct((NC, NPAD, HALF), jnp.float32),
        mesh=plsc.VectorSubcoreMesh(**_SC_MESH),
        compiler_params=pltpu.CompilerParams(use_tc_tiling_on_sc=False),
        scratch_types=[
            pltpu.VMEM((NCHUNK, CH), jnp.int32),
            pltpu.VMEM((NCHUNK, CH), jnp.int32),
            pltpu.VMEM((CH, HALF), jnp.float32),
            pltpu.VMEM((CH, HALF), jnp.float32),
            pltpu.VMEM((CH, HALF), jnp.float32),
            pltpu.VMEM((CH, HALF), jnp.float32),
            pltpu.VMEM((ZROWS, HALF), jnp.float32),
            pltpu.VMEM_SHARED((NPAD, HALF), jnp.float32),
            pltpu.SemaphoreType.DMA,
            pltpu.SemaphoreType.DMA,
            pltpu.SemaphoreType.DMA,
            pltpu.SemaphoreType.DMA,
            pltpu.SemaphoreType.DMA,
            pltpu.SemaphoreType.DMA,
            pltpu.SemaphoreType.DMA,
            pltpu.SemaphoreType.DMA,
        ],
    )
    return k(xs, src3d, dst3d)


def _deg_body(dst_hbm, deg_hbm, idx_dst, ones_v, zb, deg_sh):
    c = lax.axis_index("c")
    s = lax.axis_index("s")

    _zero_vmem_1d(zb, DEG_PAD // NS)
    pltpu.sync_copy(zb, deg_sh.at[pl.ds(s * (DEG_PAD // NS), DEG_PAD // NS)])

    def ones_init(i, _):
        ones_v[pl.ds(i * 16, 16)] = jnp.ones((16,), jnp.float32)
        return 0

    lax.fori_loop(0, CH // 16, ones_init, 0)
    plsc.subcore_barrier()

    pltpu.sync_copy(dst_hbm.at[s, pl.ds(c * (NCHUNK // 2), NCHUNK // 2)],
                    idx_dst)

    def body(j, _):
        pltpu.sync_copy(ones_v, deg_sh.at[idx_dst.at[j]], add=True)
        return 0

    lax.fori_loop(0, NCHUNK // 2, body, 0)
    plsc.subcore_barrier()
    pltpu.sync_copy(deg_sh.at[pl.ds(s * (DEG_PAD // NS), DEG_PAD // NS)],
                    deg_hbm.at[c, pl.ds(s * (DEG_PAD // NS), DEG_PAD // NS)])


def _sc_degree(dst3d):
    k = pl.kernel(
        _deg_body,
        out_type=jax.ShapeDtypeStruct((NC, DEG_PAD), jnp.float32),
        mesh=plsc.VectorSubcoreMesh(**_SC_MESH),
        compiler_params=pltpu.CompilerParams(use_tc_tiling_on_sc=False),
        scratch_types=[
            pltpu.VMEM((NCHUNK // 2, CH), jnp.int32),
            pltpu.VMEM((CH,), jnp.float32),
            pltpu.VMEM((DEG_PAD // NS,), jnp.float32),
            pltpu.VMEM_SHARED((DEG_PAD,), jnp.float32),
        ],
    )
    return k(dst3d)



BN = 400


def _dot(a, b):
    return jnp.dot(a, b, preferred_element_type=jnp.float32)


def _sage1_tc_body(aggp_ref, degp_ref, x_ref,
                   wl_ref, wr_ref, b_ref, h_ref):
    agg = jnp.concatenate([aggp_ref[0], aggp_ref[1]], axis=1)
    deg = degp_ref[:, 0] + degp_ref[:, 1]
    inv = 1.0 / jnp.maximum(deg, 1.0)
    mean = agg * inv[:, None]
    out = _dot(mean, wl_ref[...]) + _dot(x_ref[...], wr_ref[...]) + b_ref[...]
    nrm = jnp.sqrt(jnp.sum(out * out, axis=1, keepdims=True))
    out = out / jnp.maximum(nrm, EPS)
    h_ref[...] = jnp.maximum(out, 0.0)


def _tc_sage1(aggp, degp, x, wl, wr, b):
    full = lambda a: pl.BlockSpec(a.shape, lambda i: (0,) * a.ndim)
    return pl.pallas_call(
        _sage1_tc_body,
        grid=(N // BN,),
        in_specs=[
            pl.BlockSpec((NC, BN, HALF), lambda i: (0, i, 0)),
            pl.BlockSpec((BN, NC), lambda i: (i, 0)),
            pl.BlockSpec((BN, STATIC_DIM), lambda i: (i, 0)),
            full(wl), full(wr), full(b),
        ],
        out_specs=pl.BlockSpec((BN, GNN_H), lambda i: (i, 0)),
        out_shape=jax.ShapeDtypeStruct((N, GNN_H), jnp.float32),
    )(aggp, degp, x, wl, wr, b)


def _dot16(a, b16):
    return jnp.dot(a.astype(jnp.bfloat16), b16,
                   preferred_element_type=jnp.float32)


def _gates(g, c):
    i = 0.5 * jnp.tanh(g[:, 0:RNN_H]) + 0.5
    f = 0.5 * jnp.tanh(g[:, RNN_H:2 * RNN_H]) + 0.5
    gg = jnp.tanh(g[:, 2 * RNN_H:3 * RNN_H])
    o = 0.5 * jnp.tanh(g[:, 3 * RNN_H:4 * RNN_H]) + 0.5
    c = f * c + i * gg
    h = o * jnp.tanh(c)
    return h, c


BN_L = 1000


def _bilstm_tc_body(xd_ref,
                    w1f_ref, b1f_ref, w1b_ref, b1b_ref,
                    w2f_ref, b2f_ref, w2b_ref, b2b_ref,
                    hrnn_ref):
    xblk = xd_ref[...].astype(jnp.bfloat16)
    xts = [xblk[:, t * DYN_DIM:(t + 1) * DYN_DIM] for t in range(T)]
    zero = jnp.zeros((xblk.shape[0], RNN_H), jnp.float32)
    bf = lambda a: a.astype(jnp.bfloat16)

    w1f = w1f_ref[...]
    w1b = w1b_ref[...]
    b1f = b1f_ref[...]
    b1b = b1b_ref[...]
    hf, cf = zero, zero
    hb, cb = zero, zero
    hf_seq = [None] * T
    hb_seq = [None] * T
    for i in range(T):
        tb = T - 1 - i
        af = jnp.concatenate([xts[i], bf(hf)], axis=1)
        ab = jnp.concatenate([xts[tb], bf(hb)], axis=1)
        gf = jnp.dot(af, w1f, preferred_element_type=jnp.float32) + b1f
        gb = jnp.dot(ab, w1b, preferred_element_type=jnp.float32) + b1b
        hf, cf = _gates(gf, cf)
        hb, cb = _gates(gb, cb)
        hf_seq[i] = hf
        hb_seq[tb] = hb

    w2f = w2f_ref[...]
    b2f = b2f_ref[...]
    h2, c2 = zero, zero
    for t in range(T):
        a2 = jnp.concatenate([bf(hf_seq[t]), bf(hb_seq[t]), bf(h2)], axis=1)
        g2 = jnp.dot(a2, w2f, preferred_element_type=jnp.float32) + b2f
        h2, c2 = _gates(g2, c2)
    a2b = jnp.concatenate([bf(hf_seq[T - 1]), bf(hb_seq[T - 1])], axis=1)
    g2b = jnp.dot(a2b, w2b_ref[...],
                  preferred_element_type=jnp.float32) + b2b_ref[...]
    ib = 0.5 * jnp.tanh(g2b[:, 0:RNN_H]) + 0.5
    ggb = jnp.tanh(g2b[:, 2 * RNN_H:3 * RNN_H])
    ob = 0.5 * jnp.tanh(g2b[:, 3 * RNN_H:4 * RNN_H]) + 0.5
    c2b = ib * ggb
    h2b = ob * jnp.tanh(c2b)
    hrnn_ref[...] = jnp.concatenate([h2, h2b], axis=1)


def _tc_bilstm(xd, weights):
    full = lambda a: pl.BlockSpec(a.shape, lambda i: (0,) * a.ndim)
    return pl.pallas_call(
        _bilstm_tc_body,
        grid=(N // BN_L,),
        in_specs=[pl.BlockSpec((BN_L, T * DYN_DIM), lambda i: (i, 0))]
        + [full(w) for w in weights],
        out_specs=pl.BlockSpec((BN_L, RNN_DIM), lambda i: (i, 0)),
        out_shape=jax.ShapeDtypeStruct((N, RNN_DIM), jnp.float32),
    )(xd, *weights)


def _main_tc_body(aggp_ref, degp_ref, h_ref, hrnn_ref,
                  w2l_ref, w2r_ref, b2_ref,
                  wqg_ref, bqg_ref, wkr_ref, bkr_ref, wvr_ref, bvr_ref,
                  wprg_ref,
                  wqr_ref, bqr_ref, wkg_ref, bkg_ref, wvg_ref, bvg_ref,
                  wpgr_ref,
                  w1m_ref, b1m_ref, w2m_ref, b2m_ref, w3m_ref, b3m_ref,
                  logits_ref, p0_ref, p1_ref):
    h = h_ref[...]
    h_rnn = hrnn_ref[...]
    agg = jnp.concatenate([aggp_ref[0], aggp_ref[1]], axis=1)
    deg = degp_ref[:, 0] + degp_ref[:, 1]
    inv = 1.0 / jnp.maximum(deg, 1.0)
    mean = agg * inv[:, None]
    g = _dot(mean, w2l_ref[...]) + _dot(h, w2r_ref[...]) + b2_ref[...]
    nrm = jnp.sqrt(jnp.sum(g * g, axis=1, keepdims=True))
    h_gnn = g / jnp.maximum(nrm, EPS)

    q_gnn = _dot(h_gnn, wqg_ref[...]) + bqg_ref[...]
    k_rnn = _dot(h_rnn, wkr_ref[...]) + bkr_ref[...]
    v_rnn = _dot(h_rnn, wvr_ref[...]) + bvr_ref[...]
    s_g = jnp.sum(q_gnn * k_rnn, axis=1, keepdims=True)
    a_g = jax.nn.sigmoid(s_g)
    h_gnn_att = h_gnn + a_g * _dot(v_rnn, wprg_ref[...])

    q_rnn = _dot(h_rnn, wqr_ref[...]) + bqr_ref[...]
    k_gnn = _dot(h_gnn, wkg_ref[...]) + bkg_ref[...]
    v_gnn = _dot(h_gnn, wvg_ref[...]) + bvg_ref[...]
    s_r = jnp.sum(q_rnn * k_gnn, axis=1, keepdims=True)
    a_r = jax.nn.sigmoid(s_r)
    h_rnn_att = h_rnn + a_r * _dot(v_gnn, wpgr_ref[...])

    p0 = jax.nn.sigmoid(a_g - a_r)
    p0_ref[...] = p0
    p1_ref[...] = 1.0 - p0

    z = jnp.concatenate([h_gnn_att, h_rnn_att], axis=1)
    z = jnp.maximum(_dot(z, w1m_ref[...]) + b1m_ref[...], 0.0)
    z = jnp.maximum(_dot(z, w2m_ref[...]) + b2m_ref[...], 0.0)
    logits = _dot(z, w3m_ref[...]) + b3m_ref[...]
    logits_ref[...] = logits[:, 0:1]


def _tc_main(aggp2, degp, h, hrnn, weights):
    full = lambda a: pl.BlockSpec(a.shape, lambda i: (0,) * a.ndim)
    in_specs = [
        pl.BlockSpec((NC, BN, HALF), lambda i: (0, i, 0)),
        pl.BlockSpec((BN, NC), lambda i: (i, 0)),
        pl.BlockSpec((BN, GNN_H), lambda i: (i, 0)),
        pl.BlockSpec((BN, RNN_DIM), lambda i: (i, 0)),
    ] + [full(w) for w in weights]
    return pl.pallas_call(
        _main_tc_body,
        grid=(N // BN,),
        in_specs=in_specs,
        out_specs=[
            pl.BlockSpec((BN, 1), lambda i: (i, 0)),
            pl.BlockSpec((BN, 1), lambda i: (i, 0)),
            pl.BlockSpec((BN, 1), lambda i: (i, 0)),
        ],
        out_shape=[
            jax.ShapeDtypeStruct((N, 1), jnp.float32),
            jax.ShapeDtypeStruct((N, 1), jnp.float32),
            jax.ShapeDtypeStruct((N, 1), jnp.float32),
        ],
    )(aggp2, degp, h, hrnn, *weights)


def _prep_weights(params):
    p = params
    w1l = p["sage1_l"]["W"].T
    w1r = p["sage1_r"]["W"].T
    b1 = (p["sage1_l"]["b"] + p["sage1_r"]["b"])[None, :]
    w2l = p["sage2_l"]["W"].T
    w2r = p["sage2_r"]["W"].T
    b2 = (p["sage2_l"]["b"] + p["sage2_r"]["b"])[None, :]

    l1f, l1b = p["lstm"][0]["fwd"], p["lstm"][0]["bwd"]
    l2f, l2b = p["lstm"][1]["fwd"], p["lstm"][1]["bwd"]
    gate_scale = jnp.concatenate([
        jnp.full((2 * RNN_H,), 0.5, jnp.float32),
        jnp.ones((RNN_H,), jnp.float32),
        jnp.full((RNN_H,), 0.5, jnp.float32),
    ])[None, :]
    w1f = jnp.concatenate([l1f["Wih"].T, l1f["Whh"].T], axis=0) * gate_scale
    b1f = (l1f["bih"] + l1f["bhh"])[None, :] * gate_scale
    w1b = jnp.concatenate([l1b["Wih"].T, l1b["Whh"].T], axis=0) * gate_scale
    b1b = (l1b["bih"] + l1b["bhh"])[None, :] * gate_scale
    w2f = jnp.concatenate([l2f["Wih"].T, l2f["Whh"].T], axis=0) * gate_scale
    b2f = (l2f["bih"] + l2f["bhh"])[None, :] * gate_scale
    w2b = l2b["Wih"].T * gate_scale
    b2b = (l2b["bih"] + l2b["bhh"])[None, :] * gate_scale

    sg = 1.0 / jnp.sqrt(jnp.float32(GNN_H))
    sr = 1.0 / jnp.sqrt(jnp.float32(RNN_DIM))
    wqg = p["q_gnn"]["W"].T * sg
    bqg = (p["q_gnn"]["b"] * sg)[None, :]
    wkr = p["k_rnn"]["W"].T
    bkr = p["k_rnn"]["b"][None, :]
    wvr = p["v_rnn"]["W"].T
    bvr = p["v_rnn"]["b"][None, :]
    wprg = p["proj_rnn_to_gnn"]["W"].T
    wqr = p["q_rnn"]["W"].T * sr
    bqr = (p["q_rnn"]["b"] * sr)[None, :]
    wkg = p["k_gnn"]["W"].T
    bkg = p["k_gnn"]["b"][None, :]
    wvg = p["v_gnn"]["W"].T
    bvg = p["v_gnn"]["b"][None, :]
    wpgr = p["proj_gnn_to_rnn"]["W"].T

    s1 = p["bn1"]["gamma"] / jnp.sqrt(p["bn1"]["var"] + 1e-5)
    w1m = p["mlp1"]["W"].T * s1[None, :]
    b1m = ((p["mlp1"]["b"] - p["bn1"]["mean"]) * s1 + p["bn1"]["beta"])[None, :]
    s2 = p["bn2"]["gamma"] / jnp.sqrt(p["bn2"]["var"] + 1e-5)
    w2m = p["mlp2"]["W"].T * s2[None, :]
    b2m = ((p["mlp2"]["b"] - p["bn2"]["mean"]) * s2 + p["bn2"]["beta"])[None, :]
    w3m = jnp.zeros((64, 128), jnp.float32).at[:, 0].set(p["mlp3"]["W"][0])
    b3m = jnp.zeros((1, 128), jnp.float32).at[0, 0].set(p["mlp3"]["b"][0])

    bf = lambda a: a.astype(jnp.bfloat16)
    sage1 = (w1l, w1r, b1)
    lstm = (bf(w1f), b1f, bf(w1b), b1b,
            bf(w2f), b2f, bf(w2b), b2b)
    main = (w2l, w2r, b2,
            wqg, bqg, wkr, bkr, wvr, bvr, wprg,
            wqr, bqr, wkg, bkg, wvg, bvg, wpgr,
            w1m, b1m, w2m, b2m, w3m, b3m)
    return sage1, lstm, main


def _stack_halves(x):
    return jnp.stack([x[:, :HALF], x[:, HALF:]])


def kernel(x_static, x_dynamic, edge_index, params):
    src3d = edge_index[0].reshape(NS, NCHUNK, CH)
    dst3d = edge_index[1].reshape(NS, NCHUNK, CH)
    sage1_w, lstm_w, main_w = _prep_weights(params)

    degp = _sc_degree(dst3d)
    degp = degp[:, :N].T
    aggp1 = _sc_segsum(_stack_halves(x_static), src3d, dst3d)
    xd = x_dynamic.reshape(N, T * DYN_DIM)
    hrnn = _tc_bilstm(xd, lstm_w)
    h = _tc_sage1(aggp1, degp, x_static, *sage1_w)
    aggp2 = _sc_segsum(_stack_halves(h), src3d, dst3d)
    logits, p0, p1 = _tc_main(aggp2, degp, h, hrnn, main_w)
    attn = jnp.concatenate([p0, p1], axis=1)
    return logits[:, 0], attn

# --- scband reference (transcript-rebuilt; emitter-appended) ---
"""Pipeline reference for scband-landslide-risk-model-15985868275839 (READ-ONLY COPY).

The authoritative reference and input builder live on the scoring server;
editing this copy changes nothing except your own understanding.
"""

import jax, jax.numpy as jnp
import numpy as np

N = 10000
E = 320000
STATIC_DIM = 128
DYN_DIM = 16
T = 24
GNN_H = 128
RNN_H = 64
RNN_DIM = 2 * RNN_H
FUSED = GNN_H + RNN_DIM
EPS = 1e-12


def _dense(key, out_d, in_d, bias=True):
    k1, _ = jax.random.split(key)
    W = jax.random.normal(k1, (out_d, in_d), dtype=jnp.float32) * 0.02
    if bias:
        return {"W": W, "b": jnp.zeros((out_d,), dtype=jnp.float32)}
    return {"W": W}


def _lstm_dir(key, in_d, h):
    k1, k2 = jax.random.split(key)
    return {"Wih": jax.random.normal(k1, (4 * h, in_d), dtype=jnp.float32) * 0.02,
            "Whh": jax.random.normal(k2, (4 * h, h), dtype=jnp.float32) * 0.02,
            "bih": jnp.zeros((4 * h,), dtype=jnp.float32),
            "bhh": jnp.zeros((4 * h,), dtype=jnp.float32)}


def make_params(key):
    ks = jax.random.split(key, 24)
    return {
        "sage1_l": _dense(ks[0], GNN_H, STATIC_DIM),
        "sage1_r": _dense(ks[1], GNN_H, STATIC_DIM),
        "sage2_l": _dense(ks[2], GNN_H, GNN_H),
        "sage2_r": _dense(ks[3], GNN_H, GNN_H),
        "lstm": [
            {"fwd": _lstm_dir(ks[4], DYN_DIM, RNN_H), "bwd": _lstm_dir(ks[5], DYN_DIM, RNN_H)},
            {"fwd": _lstm_dir(ks[6], RNN_DIM, RNN_H), "bwd": _lstm_dir(ks[7], RNN_DIM, RNN_H)},
        ],
        "q_gnn": _dense(ks[8], GNN_H, GNN_H),
        "k_rnn": _dense(ks[9], GNN_H, RNN_DIM),
        "q_rnn": _dense(ks[10], RNN_DIM, RNN_DIM),
        "k_gnn": _dense(ks[11], RNN_DIM, GNN_H),
        "v_gnn": _dense(ks[12], GNN_H, GNN_H),
        "v_rnn": _dense(ks[13], RNN_DIM, RNN_DIM),
        "proj_rnn_to_gnn": _dense(ks[14], GNN_H, RNN_DIM, bias=False),
        "proj_gnn_to_rnn": _dense(ks[15], RNN_DIM, GNN_H, bias=False),
        "mlp1": _dense(ks[16], 128, FUSED),
        "bn1": {"gamma": jnp.ones((128,), jnp.float32), "beta": jnp.zeros((128,), jnp.float32), "mean": jnp.zeros((128,), jnp.float32), "var": jnp.ones((128,), jnp.float32)},
        "mlp2": _dense(ks[17], 64, 128),
        "bn2": {"gamma": jnp.ones((64,), jnp.float32), "beta": jnp.zeros((64,), jnp.float32), "mean": jnp.zeros((64,), jnp.float32), "var": jnp.ones((64,), jnp.float32)},
        "mlp3": _dense(ks[18], 1, 64),
    }


def linear(p, x):
    y = x @ p["W"].T
    if "b" in p:
        y = y + p["b"]
    return y


def sage_conv(x, src, dst, pl, pr):
    msgs = jnp.take(x, src, axis=0)
    agg = jax.ops.segment_sum(msgs, dst, num_segments=N)
    deg = jax.ops.segment_sum(jnp.ones((src.shape[0],), dtype=x.dtype), dst, num_segments=N)
    mean = agg / jnp.clip(deg, 1.0)[:, None]
    out = linear(pl, mean) + linear(pr, x)
    norm = jnp.linalg.norm(out, axis=-1, keepdims=True)
    return out / jnp.maximum(norm, EPS)


def lstm_direction(x, p, reverse):
    B = x.shape[0]
    H = p["Whh"].shape[1]
    xs = jnp.swapaxes(x, 0, 1)
    if reverse:
        xs = xs[::-1]
    def step(carry, xt):
        h, c = carry
        g = xt @ p["Wih"].T + h @ p["Whh"].T + p["bih"] + p["bhh"]
        i, f, gg, o = jnp.split(g, 4, axis=-1)
        i = jax.nn.sigmoid(i)
        f = jax.nn.sigmoid(f)
        gg = jnp.tanh(gg)
        o = jax.nn.sigmoid(o)
        c = f * c + i * gg
        h = o * jnp.tanh(c)
        return (h, c), h
    init = (jnp.zeros((B, H), x.dtype), jnp.zeros((B, H), x.dtype))
    _, hs = jax.lax.scan(step, init, xs)
    if reverse:
        hs = hs[::-1]
    return jnp.swapaxes(hs, 0, 1)


def bilstm(x, layers):
    for lp in layers:
        hf = lstm_direction(x, lp["fwd"], False)
        hb = lstm_direction(x, lp["bwd"], True)
        x = jnp.concatenate([hf, hb], axis=-1)
    return x[:, -1, :]


def bn_eval(p, x):
    return (x - p["mean"]) / jnp.sqrt(p["var"] + 1e-5) * p["gamma"] + p["beta"]


def model_forward(params, x_static, x_dynamic, edge_index):
    src = edge_index[0]
    dst = edge_index[1]
    h = sage_conv(x_static, src, dst, params["sage1_l"], params["sage1_r"])
    h = jax.nn.relu(h)
    h_gnn = sage_conv(h, src, dst, params["sage2_l"], params["sage2_r"])
    h_rnn = bilstm(x_dynamic, params["lstm"])
    q_gnn = linear(params["q_gnn"], h_gnn)
    k_rnn = linear(params["k_rnn"], h_rnn)
    v_rnn = linear(params["v_rnn"], h_rnn)
    s_g = jnp.sum(q_gnn * k_rnn, axis=1, keepdims=True) / jnp.sqrt(float(GNN_H))
    a_g = jax.nn.sigmoid(s_g)
    h_gnn_att = h_gnn + a_g * linear(params["proj_rnn_to_gnn"], v_rnn)
    q_rnn = linear(params["q_rnn"], h_rnn)
    k_gnn = linear(params["k_gnn"], h_gnn)
    v_gnn = linear(params["v_gnn"], h_gnn)
    s_r = jnp.sum(q_rnn * k_gnn, axis=1, keepdims=True) / jnp.sqrt(float(RNN_DIM))
    a_r = jax.nn.sigmoid(s_r)
    h_rnn_att = h_rnn + a_r * linear(params["proj_gnn_to_rnn"], v_gnn)
    h_fused = jnp.concatenate([h_gnn_att, h_rnn_att], axis=1)
    attn = jax.nn.softmax(jnp.concatenate([a_g, a_r], axis=1), axis=1)
    z = jax.nn.relu(bn_eval(params["bn1"], linear(params["mlp1"], h_fused)))
    z = jax.nn.relu(bn_eval(params["bn2"], linear(params["mlp2"], z)))
    logits = linear(params["mlp3"], z)[:, 0]
    return logits, attn


def setup_inputs(seed: int = 0):
    key = jax.random.key(seed)
    k1, k2, k3, k4 = jax.random.split(key, 4)
    x_static = jax.random.normal(k1, (N, STATIC_DIM), dtype=jnp.float32)
    x_dynamic = jax.random.normal(k2, (N, T, DYN_DIM), dtype=jnp.float32)
    edge_index = jax.random.randint(k3, (2, E), 0, N, dtype=jnp.int32)
    params = make_params(k4)
    return {"x_static": x_static, "x_dynamic": x_dynamic, "edge_index": edge_index, "params": params}


def reference(x_static, x_dynamic, edge_index, params):
    return model_forward(params, x_static, x_dynamic, edge_index)

if __name__ == "__main__":
    import jax
    _d = setup_inputs()
    print(jax.jit(kernel)(*tuple(_d.values())))

</pallas_src>

<mosaic_0001>
#map = affine_map<(d0, d1) -> (0, 0, 0)>
module attributes {stable_mosaic.version = 14 : i64} {
  func.func @_segsum_body(%arg0: i32, %arg1: i32, %arg2: memref<2x10000x64xf32, #tpu.memory_space<hbm>>, %arg3: memref<16x250x80xi32, #tpu.memory_space<hbm>>, %arg4: memref<16x250x80xi32, #tpu.memory_space<hbm>>, %arg5: memref<2x10240x64xf32, #tpu.memory_space<hbm>>, %arg6: memref<250x80xi32, #tpu.memory_space<vmem>>, %arg7: memref<250x80xi32, #tpu.memory_space<vmem>>, %arg8: memref<80x64xf32, #tpu.memory_space<vmem>>, %arg9: memref<80x64xf32, #tpu.memory_space<vmem>>, %arg10: memref<80x64xf32, #tpu.memory_space<vmem>>, %arg11: memref<80x64xf32, #tpu.memory_space<vmem>>, %arg12: memref<80x64xf32, #tpu.memory_space<vmem>>, %arg13: memref<10240x64xf32, #tpu.memory_space<vmem_shared>>, %arg14: memref<!tpu.dma_semaphore, #tpu.memory_space<semaphore_mem>>, %arg15: memref<!tpu.dma_semaphore, #tpu.memory_space<semaphore_mem>>, %arg16: memref<!tpu.dma_semaphore, #tpu.memory_space<semaphore_mem>>, %arg17: memref<!tpu.dma_semaphore, #tpu.memory_space<semaphore_mem>>, %arg18: memref<!tpu.dma_semaphore, #tpu.memory_space<semaphore_mem>>, %arg19: memref<!tpu.dma_semaphore, #tpu.memory_space<semaphore_mem>>, %arg20: memref<!tpu.dma_semaphore, #tpu.memory_space<semaphore_mem>>, %arg21: memref<!tpu.dma_semaphore, #tpu.memory_space<semaphore_mem>>) attributes {dimension_semantics = [#tpu.dimension_semantics<core_parallel>, #tpu.dimension_semantics<subcore_parallel>], iteration_bounds = array<i64: 2, 16>, scalar_prefetch = 0 : i64, scratch_operands = 16 : i64, tpu.core_type = #tpu.core_type<sc_vector_subcore>, window_params = [{transform_indices = #map}, {transform_indices = #map}, {transform_indices = #map}, {transform_indices = #map}]} {
    %broadcast_in_dim3A = arith.constant 0.000000e+00 : f32
    %broadcast_in_dim3A_0 = vector.broadcast %broadcast_in_dim3A : f32 to vector<16xf32>
    %scan3A = arith.constant 0 : i32
    %scan3A_1 = arith.constant 0 : i32
    %scan3A_2 = arith.constant 320 : i32
    %scan3A_3 = arith.addi %scan3A_1, %scan3A_2 : i32
    %scan3A_4 = arith.constant 1 : i32
    %scan3A_5 = scf.for %scan3A_155 = %scan3A_1 to %scan3A_3 step %scan3A_4 iter_args(%scan3A_156 = %scan3A) -> (i32)  : i32 {
      %jit3A = arith.constant 4 : i32
      %div3A = arith.divsi %scan3A_155, %jit3A : i32
      %sign3A = arith.constant 0 : i32
      %sign3A_157 = arith.cmpi sgt, %scan3A_155, %sign3A : i32
      %sign3A_158 = arith.extui %sign3A_157 : i1 to i32
      %sign3A_159 = arith.constant 0 : i32
      %sign3A_160 = arith.cmpi slt, %scan3A_155, %sign3A_159 : i32
      %sign3A_161 = arith.extui %sign3A_160 : i1 to i32
      %sign3A_162 = arith.subi %sign3A_158, %sign3A_161 : i32
      %sign3A_163 = arith.constant 0 : i32
      %sign3A_164 = arith.cmpi sgt, %jit3A, %sign3A_163 : i32
      %sign3A_165 = arith.extui %sign3A_164 : i1 to i32
      %sign3A_166 = arith.constant 0 : i32
      %sign3A_167 = arith.cmpi slt, %jit3A, %sign3A_166 : i32
      %sign3A_168 = arith.extui %sign3A_167 : i1 to i32
      %sign3A_169 = arith.subi %sign3A_165, %sign3A_168 : i32
      %ne3A = arith.cmpi ne, %sign3A_162, %sign3A_169 : i32
      %rem3A = arith.remsi %scan3A_155, %jit3A : i32
      %ne3A_170 = arith.constant 0 : i32
      %ne3A_171 = arith.cmpi ne, %rem3A, %ne3A_170 : i32
      %and3A = arith.andi %ne3A, %ne3A_171 : i1
      %sub3A = arith.constant 1 : i32
      %sub3A_172 = arith.subi %div3A, %sub3A : i32
      %select_n3A = arith.select %and3A, %sub3A_172, %div3A : i32
      %jit3A_173 = arith.constant 4 : i32
      %eq3A = arith.constant 0 : i32
      %eq3A_174 = arith.cmpi eq, %jit3A_173, %eq3A : i32
      %jit3A_175 = arith.constant 1 : i32
      %select_n3A_176 = arith.select %eq3A_174, %jit3A_175, %jit3A_173 : i32
      %rem3A_177 = arith.remsi %scan3A_155, %select_n3A_176 : i32
      %ne3A_178 = arith.constant 0 : i32
      %ne3A_179 = arith.cmpi ne, %rem3A_177, %ne3A_178 : i32
      %lt3A = arith.constant 0 : i32
      %lt3A_180 = arith.cmpi slt, %rem3A_177, %lt3A : i32
      %lt3A_181 = arith.constant 0 : i32
      %lt3A_182 = arith.cmpi slt, %select_n3A_176, %lt3A_181 : i32
      %ne3A_183 = arith.xori %lt3A_180, %lt3A_182 : i1
      %and3A_184 = arith.andi %ne3A_183, %ne3A_179 : i1
      %add3A_185 = arith.addi %rem3A_177, %select_n3A_176 : i32
      %select_n3A_186 = arith.select %and3A_184, %add3A_185, %rem3A_177 : i32
      %mul3A_187 = arith.constant 16 : i32
      %mul3A_188 = arith.muli %select_n3A_186, %mul3A_187 : i32
      %swap3A = arith.index_cast %select_n3A : i32 to index
      %swap3A_189 = arith.index_cast %mul3A_188 : i32 to index
      %swap3A_190 = tpu.vector_load %arg12[%swap3A, %swap3A_189] {strides = array<i32>} : memref<80x64xf32, #tpu.memory_space<vmem>>, vector<1x16xf32>,
      %swap3A_191 = vector.shape_cast %swap3A_190 : vector<1x16xf32> to vector<16xf32>
      %swap3A_192 = vector.shape_cast %broadcast_in_dim3A_0 : vector<16xf32> to vector<1x16xf32>
      tpu.vector_store %arg12[%swap3A, %swap3A_189], %swap3A_192 {strides = array<i32>} : memref<80x64xf32, #tpu.memory_space<vmem>>, vector<1x16xf32>,
      %scan3A_193 = arith.constant 0 : i32
      scf.yield %scan3A_193 : i32
    }
    %scan3A_6 = arith.constant 320 : i32
    %mul3A = arith.constant 640 : i32
    %mul3A_7 = arith.muli %arg1, %mul3A : i32
    %add3A = arith.constant 0 : i32
    %add3A_8 = arith.addi %mul3A_7, %add3A : i32
    "tpu.region"() ({
      %run_scoped3A = tpu.sem_alloc : memref<!tpu.dma_semaphore, #tpu.memory_space<semaphore_mem>>
      %dma_start3A_155 = arith.constant 0 : i32
      %dma_start3A_156 = tpu.memref_slice %arg13[%add3A_8, %dma_start3A_155] : memref<10240x64xf32, #tpu.memory_space<vmem_shared>> -> memref<80x64xf32, #tpu.memory_space<vmem_shared>>
      %dma_start3A_157 = arith.constant 0 : i32
      %dma_start3A_158 = tpu.memref_slice %arg13[%add3A_8, %dma_start3A_157] : memref<10240x64xf32, #tpu.memory_space<vmem_shared>> -> memref<80x64xf32, #tpu.memory_space<vmem_shared>>
      tpu.enqueue_dma source(%arg12 : memref<80x64xf32, #tpu.memory_space<vmem>>) target(%dma_start3A_158 : memref<80x64xf32, #tpu.memory_space<vmem_shared>>) target_semaphore(%run_scoped3A : memref<!tpu.dma_semaphore, #tpu.memory_space<semaphore_mem>>)
      %dma_wait3A_159 = arith.constant 0 : i32
      %dma_wait3A_160 = tpu.memref_slice %arg13[%add3A_8, %dma_wait3A_159] : memref<10240x64xf32, #tpu.memory_space<vmem_shared>> -> memref<80x64xf32, #tpu.memory_space<vmem_shared>>
      %dma_wait3A_161 = arith.constant 0 : i32
      %dma_wait3A_162 = tpu.memref_slice %arg13[%add3A_8, %dma_wait3A_161] : memref<10240x64xf32, #tpu.memory_space<vmem_shared>> -> memref<80x64xf32, #tpu.memory_space<vmem_shared>>
      tpu.wait_dma2 semaphore(%run_scoped3A : memref<!tpu.dma_semaphore, #tpu.memory_space<semaphore_mem>>) src(%arg12 : memref<80x64xf32, #tpu.memory_space<vmem>>) dst(%dma_wait3A_162 : memref<80x64xf32, #tpu.memory_space<vmem_shared>>)
      tpu.yield
    }) : () -> ()
    %mul3A_9 = arith.constant 640 : i32
    %mul3A_10 = arith.muli %arg1, %mul3A_9 : i32
    %add3A_11 = arith.constant 80 : i32
    %add3A_12 = arith.addi %mul3A_10, %add3A_11 : i32
    "tpu.region"() ({
      %run_scoped3A = tpu.sem_alloc : memref<!tpu.dma_semaphore, #tpu.memory_space<semaphore_mem>>
      %dma_start3A_155 = arith.constant 0 : i32
      %dma_start3A_156 = tpu.memref_slice %arg13[%add3A_12, %dma_start3A_155] : memref<10240x64xf32, #tpu.memory_space<vmem_shared>> -> memref<80x64xf32, #tpu.memory_space<vmem_shared>>
      %dma_start3A_157 = arith.constant 0 : i32
      %dma_start3A_158 = tpu.memref_slice %arg13[%add3A_12, %dma_start3A_157] : memref<10240x64xf32, #tpu.memory_space<vmem_shared>> -> memref<80x64xf32, #tpu.memory_space<vmem_shared>>
      tpu.enqueue_dma source(%arg12 : memref<80x64xf32, #tpu.memory_space<vmem>>) target(%dma_start3A_158 : memref<80x64xf32, #tpu.memory_space<vmem_shared>>) target_semaphore(%run_scoped3A : memref<!tpu.dma_semaphore, #tpu.memory_space<semaphore_mem>>)
      %dma_wait3A_159 = arith.constant 0 : i32
      %dma_wait3A_160 = tpu.memref_slice %arg13[%add3A_12, %dma_wait3A_159] : memref<10240x64xf32, #tpu.memory_space<vmem_shared>> -> memref<80x64xf32, #tpu.memory_space<vmem_shared>>
      %dma_wait3A_161 = arith.constant 0 : i32
      %dma_wait3A_162 = tpu.memref_slice %arg13[%add3A_12, %dma_wait3A_161] : memref<10240x64xf32, #tpu.memory_space<vmem_shared>> -> memref<80x64xf32, #tpu.memory_space<vmem_shared>>
      tpu.wait_dma2 semaphore(%run_scoped3A : memref<!tpu.dma_semaphore, #tpu.memory_space<semaphore_mem>>) src(%arg12 : memref<80x64xf32, #tpu.memory_space<vmem>>) dst(%dma_wait3A_162 : memref<80x64xf32, #tpu.memory_space<vmem_shared>>)
      tpu.yield
    }) : () -> ()
    %mul3A_13 = arith.constant 640 : i32
    %mul3A_14 = arith.muli %arg1, %mul3A_13 : i32
    %add3A_15 = arith.constant 160 : i32
    %add3A_16 = arith.addi %mul3A_14, %add3A_15 : i32
    "tpu.region"() ({
      %run_scoped3A = tpu.sem_alloc : memref<!tpu.dma_semaphore, #tpu.memory_space<semaphore_mem>>
      %dma_start3A_155 = arith.constant 0 : i32
      %dma_start3A_156 = tpu.memref_slice %arg13[%add3A_16, %dma_start3A_155] : memref<10240x64xf32, #tpu.memory_space<vmem_shared>> -> memref<80x64xf32, #tpu.memory_space<vmem_shared>>
      %dma_start3A_157 = arith.constant 0 : i32
      %dma_start3A_158 = tpu.memref_slice %arg13[%add3A_16, %dma_start3A_157] : memref<10240x64xf32, #tpu.memory_space<vmem_shared>> -> memref<80x64xf32, #tpu.memory_space<vmem_shared>>
      tpu.enqueue_dma source(%arg12 : memref<80x64xf32, #tpu.memory_space<vmem>>) target(%dma_start3A_158 : memref<80x64xf32, #tpu.memory_space<vmem_shared>>) target_semaphore(%run_scoped3A : memref<!tpu.dma_semaphore, #tpu.memory_space<semaphore_mem>>)
      %dma_wait3A_159 = arith.constant 0 : i32
      %dma_wait3A_160 = tpu.memref_slice %arg13[%add3A_16, %dma_wait3A_159] : memref<10240x64xf32, #tpu.memory_space<vmem_shared>> -> memref<80x64xf32, #tpu.memory_space<vmem_shared>>
      %dma_wait3A_161 = arith.constant 0 : i32
      %dma_wait3A_162 = tpu.memref_slice %arg13[%add3A_16, %dma_wait3A_161] : memref<10240x64xf32, #tpu.memory_space<vmem_shared>> -> memref<80x64xf32, #tpu.memory_space<vmem_shared>>
      tpu.wait_dma2 semaphore(%run_scoped3A : memref<!tpu.dma_semaphore, #tpu.memory_space<semaphore_mem>>) src(%arg12 : memref<80x64xf32, #tpu.memory_space<vmem>>) dst(%dma_wait3A_162 : memref<80x64xf32, #tpu.memory_space<vmem_shared>>)
      tpu.yield
    }) : () -> ()
    %mul3A_17 = arith.constant 640 : i32
    %mul3A_18 = arith.muli %arg1, %mul3A_17 : i32
    %add3A_19 = arith.constant 240 : i32
    %add3A_20 = arith.addi %mul3A_18, %add3A_19 : i32
    "tpu.region"() ({
      %run_scoped3A = tpu.sem_alloc : memref<!tpu.dma_semaphore, #tpu.memory_space<semaphore_mem>>
      %dma_start3A_155 = arith.constant 0 : i32
      %dma_start3A_156 = tpu.memref_slice %arg13[%add3A_20, %dma_start3A_155] : memref<10240x64xf32, #tpu.memory_space<vmem_shared>> -> memref<80x64xf32, #tpu.memory_space<vmem_shared>>
      %dma_start3A_157 = arith.constant 0 : i32
      %dma_start3A_158 = tpu.memref_slice %arg13[%add3A_20, %dma_start3A_157] : memref<10240x64xf32, #tpu.memory_space<vmem_shared>> -> memref<80x64xf32, #tpu.memory_space<vmem_shared>>
      tpu.enqueue_dma source(%arg12 : memref<80x64xf32, #tpu.memory_space<vmem>>) target(%dma_start3A_158 : memref<80x64xf32, #tpu.memory_space<vmem_shared>>) target_semaphore(%run_scoped3A : memref<!tpu.dma_semaphore, #tpu.memory_space<semaphore_mem>>)
      %dma_wait3A_159 = arith.constant 0 : i32
      %dma_wait3A_160 = tpu.memref_slice %arg13[%add3A_20, %dma_wait3A_159] : memref<10240x64xf32, #tpu.memory_space<vmem_shared>> -> memref<80x64xf32, #tpu.memory_space<vmem_shared>>
      %dma_wait3A_161 = arith.constant 0 : i32
      %dma_wait3A_162 = tpu.memref_slice %arg13[%add3A_20, %dma_wait3A_161] : memref<10240x64xf32, #tpu.memory_space<vmem_shared>> -> memref<80x64xf32, #tpu.memory_space<vmem_shared>>
      tpu.wait_dma2 semaphore(%run_scoped3A : memref<!tpu.dma_semaphore, #tpu.memory_space<semaphore_mem>>) src(%arg12 : memref<80x64xf32, #tpu.memory_space<vmem>>) dst(%dma_wait3A_162 : memref<80x64xf32, #tpu.memory_space<vmem_shared>>)
      tpu.yield
    }) : () -> ()
    %mul3A_21 = arith.constant 640 : i32
    %mul3A_22 = arith.muli %arg1, %mul3A_21 : i32
    %add3A_23 = arith.constant 320 : i32
    %add3A_24 = arith.addi %mul3A_22, %add3A_23 : i32
    "tpu.region"() ({
      %run_scoped3A = tpu.sem_alloc : memref<!tpu.dma_semaphore, #tpu.memory_space<semaphore_mem>>
      %dma_start3A_155 = arith.constant 0 : i32
      %dma_start3A_156 = tpu.memref_slice %arg13[%add3A_24, %dma_start3A_155] : memref<10240x64xf32, #tpu.memory_space<vmem_shared>> -> memref<80x64xf32, #tpu.memory_space<vmem_shared>>
      %dma_start3A_157 = arith.constant 0 : i32
      %dma_start3A_158 = tpu.memref_slice %arg13[%add3A_24, %dma_start3A_157] : memref<10240x64xf32, #tpu.memory_space<vmem_shared>> -> memref<80x64xf32, #tpu.memory_space<vmem_shared>>
      tpu.enqueue_dma source(%arg12 : memref<80x64xf32, #tpu.memory_space<vmem>>) target(%dma_start3A_158 : memref<80x64xf32, #tpu.memory_space<vmem_shared>>) target_semaphore(%run_scoped3A : memref<!tpu.dma_semaphore, #tpu.memory_space<semaphore_mem>>)
      %dma_wait3A_159 = arith.constant 0 : i32
      %dma_wait3A_160 = tpu.memref_slice %arg13[%add3A_24, %dma_wait3A_159] : memref<10240x64xf32, #tpu.memory_space<vmem_shared>> -> memref<80x64xf32, #tpu.memory_space<vmem_shared>>
      %dma_wait3A_161 = arith.constant 0 : i32
      %dma_wait3A_162 = tpu.memref_slice %arg13[%add3A_24, %dma_wait3A_161] : memref<10240x64xf32, #tpu.memory_space<vmem_shared>> -> memref<80x64xf32, #tpu.memory_space<vmem_shared>>
      tpu.wait_dma2 semaphore(%run_scoped3A : memref<!tpu.dma_semaphore, #tpu.memory_space<semaphore_mem>>) src(%arg12 : memref<80x64xf32, #tpu.memory_space<vmem>>) dst(%dma_wait3A_162 : memref<80x64xf32, #tpu.memory_space<vmem_shared>>)
      tpu.yield
    }) : () -> ()
    %mul3A_25 = arith.constant 640 : i32
    %mul3A_26 = arith.muli %arg1, %mul3A_25 : i32
    %add3A_27 = arith.constant 400 : i32
    %add3A_28 = arith.addi %mul3A_26, %add3A_27 : i32
    "tpu.region"() ({
      %run_scoped3A = tpu.sem_alloc : memref<!tpu.dma_semaphore, #tpu.memory_space<semaphore_mem>>
      %dma_start3A_155 = arith.constant 0 : i32
      %dma_start3A_156 = tpu.memref_slice %arg13[%add3A_28, %dma_start3A_155] : memref<10240x64xf32, #tpu.memory_space<vmem_shared>> -> memref<80x64xf32, #tpu.memory_space<vmem_shared>>
      %dma_start3A_157 = arith.constant 0 : i32
      %dma_start3A_158 = tpu.memref_slice %arg13[%add3A_28, %dma_start3A_157] : memref<10240x64xf32, #tpu.memory_space<vmem_shared>> -> memref<80x64xf32, #tpu.memory_space<vmem_shared>>
      tpu.enqueue_dma source(%arg12 : memref<80x64xf32, #tpu.memory_space<vmem>>) target(%dma_start3A_158 : memref<80x64xf32, #tpu.memory_space<vmem_shared>>) target_semaphore(%run_scoped3A : memref<!tpu.dma_semaphore, #tpu.memory_space<semaphore_mem>>)
      %dma_wait3A_159 = arith.constant 0 : i32
      %dma_wait3A_160 = tpu.memref_slice %arg13[%add3A_28, %dma_wait3A_159] : memref<10240x64xf32, #tpu.memory_space<vmem_shared>> -> memref<80x64xf32, #tpu.memory_space<vmem_shared>>
      %dma_wait3A_161 = arith.constant 0 : i32
      %dma_wait3A_162 = tpu.memref_slice %arg13[%add3A_28, %dma_wait3A_161] : memref<10240x64xf32, #tpu.memory_space<vmem_shared>> -> memref<80x64xf32, #tpu.memory_space<vmem_shared>>
      tpu.wait_dma2 semaphore(%run_scoped3A : memref<!tpu.dma_semaphore, #tpu.memory_space<semaphore_mem>>) src(%arg12 : memref<80x64xf32, #tpu.memory_space<vmem>>) dst(%dma_wait3A_162 : memref<80x64xf32, #tpu.memory_space<vmem_shared>>)
      tpu.yield
    }) : () -> ()
    %mul3A_29 = arith.constant 640 : i32
    %mul3A_30 = arith.muli %arg1, %mul3A_29 : i32
    %add3A_31 = arith.constant 480 : i32
    %add3A_32 = arith.addi %mul3A_30, %add3A_31 : i32
    "tpu.region"() ({
      %run_scoped3A = tpu.sem_alloc : memref<!tpu.dma_semaphore, #tpu.memory_space<semaphore_mem>>
      %dma_start3A_155 = arith.constant 0 : i32
      %dma_start3A_156 = tpu.memref_slice %arg13[%add3A_32, %dma_start3A_155] : memref<10240x64xf32, #tpu.memory_space<vmem_shared>> -> memref<80x64xf32, #tpu.memory_space<vmem_shared>>
      %dma_start3A_157 = arith.constant 0 : i32
      %dma_start3A_158 = tpu.memref_slice %arg13[%add3A_32, %dma_start3A_157] : memref<10240x64xf32, #tpu.memory_space<vmem_shared>> -> memref<80x64xf32, #tpu.memory_space<vmem_shared>>
      tpu.enqueue_dma source(%arg12 : memref<80x64xf32, #tpu.memory_space<vmem>>) target(%dma_start3A_158 : memref<80x64xf32, #tpu.memory_space<vmem_shared>>) target_semaphore(%run_scoped3A : memref<!tpu.dma_semaphore, #tpu.memory_space<semaphore_mem>>)
      %dma_wait3A_159 = arith.constant 0 : i32
      %dma_wait3A_160 = tpu.memref_slice %arg13[%add3A_32, %dma_wait3A_159] : memref<10240x64xf32, #tpu.memory_space<vmem_shared>> -> memref<80x64xf32, #tpu.memory_space<vmem_shared>>
      %dma_wait3A_161 = arith.constant 0 : i32
      %dma_wait3A_162 = tpu.memref_slice %arg13[%add3A_32, %dma_wait3A_161] : memref<10240x64xf32, #tpu.memory_space<vmem_shared>> -> memref<80x64xf32, #tpu.memory_space<vmem_shared>>
      tpu.wait_dma2 semaphore(%run_scoped3A : memref<!tpu.dma_semaphore, #tpu.memory_space<semaphore_mem>>) src(%arg12 : memref<80x64xf32, #tpu.memory_space<vmem>>) dst(%dma_wait3A_162 : memref<80x64xf32, #tpu.memory_space<vmem_shared>>)
      tpu.yield
    }) : () -> ()
    %mul3A_33 = arith.constant 640 : i32
    %mul3A_34 = arith.muli %arg1, %mul3A_33 : i32
    %add3A_35 = arith.constant 560 : i32
    %add3A_36 = arith.addi %mul3A_34, %add3A_35 : i32
    "tpu.region"() ({
      %run_scoped3A = tpu.sem_alloc : memref<!tpu.dma_semaphore, #tpu.memory_space<semaphore_mem>>
      %dma_start3A_155 = arith.constant 0 : i32
      %dma_start3A_156 = tpu.memref_slice %arg13[%add3A_36, %dma_start3A_155] : memref<10240x64xf32, #tpu.memory_space<vmem_shared>> -> memref<80x64xf32, #tpu.memory_space<vmem_shared>>
      %dma_start3A_157 = arith.constant 0 : i32
      %dma_start3A_158 = tpu.memref_slice %arg13[%add3A_36, %dma_start3A_157] : memref<10240x64xf32, #tpu.memory_space<vmem_shared>> -> memref<80x64xf32, #tpu.memory_space<vmem_shared>>
      tpu.enqueue_dma source(%arg12 : memref<80x64xf32, #tpu.memory_space<vmem>>) target(%dma_start3A_158 : memref<80x64xf32, #tpu.memory_space<vmem_shared>>) target_semaphore(%run_scoped3A : memref<!tpu.dma_semaphore, #tpu.memory_space<semaphore_mem>>)
      %dma_wait3A_159 = arith.constant 0 : i32
      %dma_wait3A_160 = tpu.memref_slice %arg13[%add3A_36, %dma_wait3A_159] : memref<10240x64xf32, #tpu.memory_space<vmem_shared>> -> memref<80x64xf32, #tpu.memory_space<vmem_shared>>
      %dma_wait3A_161 = arith.constant 0 : i32
      %dma_wait3A_162 = tpu.memref_slice %arg13[%add3A_36, %dma_wait3A_161] : memref<10240x64xf32, #tpu.memory_space<vmem_shared>> -> memref<80x64xf32, #tpu.memory_space<vmem_shared>>
      tpu.wait_dma2 semaphore(%run_scoped3A : memref<!tpu.dma_semaphore, #tpu.memory_space<semaphore_mem>>) src(%arg12 : memref<80x64xf32, #tpu.memory_space<vmem>>) dst(%dma_wait3A_162 : memref<80x64xf32, #tpu.memory_space<vmem_shared>>)
      tpu.yield
    }) : () -> ()
    %barrier3A = arith.constant 0 : index
    tpu.barrier barrier_id(%barrier3A)
    "tpu.region"() ({
      %run_scoped3A = tpu.sem_alloc : memref<!tpu.dma_semaphore, #tpu.memory_space<semaphore_mem>>
      %dma_start3A_155 = arith.constant 0 : i32
      %dma_start3A_156 = arith.constant 0 : i32
      %dma_start3A_157 = tpu.memref_slice %arg3[%arg1, %dma_start3A_155, %dma_start3A_156] : memref<16x250x80xi32, #tpu.memory_space<hbm>> -> memref<1x250x80xi32, #tpu.memory_space<hbm>>
      %dma_start3A_158 = tpu.memref_squeeze %dma_start3A_157 : memref<1x250x80xi32, #tpu.memory_space<hbm>> -> memref<250x80xi32, #tpu.memory_space<hbm>>
      %dma_start3A_159 = arith.constant 0 : i32
      %dma_start3A_160 = arith.constant 0 : i32
      %dma_start3A_161 = tpu.memref_slice %arg3[%arg1, %dma_start3A_159, %dma_start3A_160] : memref<16x250x80xi32, #tpu.memory_space<hbm>> -> memref<1x250x80xi32, #tpu.memory_space<hbm>>
      %dma_start3A_162 = tpu.memref_squeeze %dma_start3A_161 : memref<1x250x80xi32, #tpu.memory_space<hbm>> -> memref<250x80xi32, #tpu.memory_space<hbm>>
      tpu.enqueue_dma source(%dma_start3A_162 : memref<250x80xi32, #tpu.memory_space<hbm>>) target(%arg6 : memref<250x80xi32, #tpu.memory_space<vmem>>) target_semaphore(%run_scoped3A : memref<!tpu.dma_semaphore, #tpu.memory_space<semaphore_mem>>)
      %dma_wait3A_163 = arith.constant 0 : i32
      %dma_wait3A_164 = arith.constant 0 : i32
      %dma_wait3A_165 = tpu.memref_slice %arg3[%arg1, %dma_wait3A_163, %dma_wait3A_164] : memref<16x250x80xi32, #tpu.memory_space<hbm>> -> memref<1x250x80xi32, #tpu.memory_space<hbm>>
      %dma_wait3A_166 = tpu.memref_squeeze %dma_wait3A_165 : memref<1x250x80xi32, #tpu.memory_space<hbm>> -> memref<250x80xi32, #tpu.memory_space<hbm>>
      %dma_wait3A_167 = arith.constant 0 : i32
      %dma_wait3A_168 = arith.constant 0 : i32
      %dma_wait3A_169 = tpu.memref_slice %arg3[%arg1, %dma_wait3A_167, %dma_wait3A_168] : memref<16x250x80xi32, #tpu.memory_space<hbm>> -> memref<1x250x80xi32, #tpu.memory_space<hbm>>
      %dma_wait3A_170 = tpu.memref_squeeze %dma_wait3A_169 : memref<1x250x80xi32, #tpu.memory_space<hbm>> -> memref<250x80xi32, #tpu.memory_space<hbm>>
      tpu.wait_dma2 semaphore(%run_scoped3A : memref<!tpu.dma_semaphore, #tpu.memory_space<semaphore_mem>>) src(%dma_wait3A_170 : memref<250x80xi32, #tpu.memory_space<hbm>>) dst(%arg6 : memref<250x80xi32, #tpu.memory_space<vmem>>)
      tpu.yield
    }) : () -> ()
    "tpu.region"() ({
      %run_scoped3A = tpu.sem_alloc : memref<!tpu.dma_semaphore, #tpu.memory_space<semaphore_mem>>
      %dma_start3A_155 = arith.constant 0 : i32
      %dma_start3A_156 = arith.constant 0 : i32
      %dma_start3A_157 = tpu.memref_slice %arg4[%arg1, %dma_start3A_155, %dma_start3A_156] : memref<16x250x80xi32, #tpu.memory_space<hbm>> -> memref<1x250x80xi32, #tpu.memory_space<hbm>>
      %dma_start3A_158 = tpu.memref_squeeze %dma_start3A_157 : memref<1x250x80xi32, #tpu.memory_space<hbm>> -> memref<250x80xi32, #tpu.memory_space<hbm>>
      %dma_start3A_159 = arith.constant 0 : i32
      %dma_start3A_160 = arith.constant 0 : i32
      %dma_start3A_161 = tpu.memref_slice %arg4[%arg1, %dma_start3A_159, %dma_start3A_160] : memref<16x250x80xi32, #tpu.memory_space<hbm>> -> memref<1x250x80xi32, #tpu.memory_space<hbm>>
      %dma_start3A_162 = tpu.memref_squeeze %dma_start3A_161 : memref<1x250x80xi32, #tpu.memory_space<hbm>> -> memref<250x80xi32, #tpu.memory_space<hbm>>
      tpu.enqueue_dma source(%dma_start3A_162 : memref<250x80xi32, #tpu.memory_space<hbm>>) target(%arg7 : memref<250x80xi32, #tpu.memory_space<vmem>>) target_semaphore(%run_scoped3A : memref<!tpu.dma_semaphore, #tpu.memory_space<semaphore_mem>>)
      %dma_wait3A_163 = arith.constant 0 : i32
      %dma_wait3A_164 = arith.constant 0 : i32
      %dma_wait3A_165 = tpu.memref_slice %arg4[%arg1, %dma_wait3A_163, %dma_wait3A_164] : memref<16x250x80xi32, #tpu.memory_space<hbm>> -> memref<1x250x80xi32, #tpu.memory_space<hbm>>
      %dma_wait3A_166 = tpu.memref_squeeze %dma_wait3A_165 : memref<1x250x80xi32, #tpu.memory_space<hbm>> -> memref<250x80xi32, #tpu.memory_space<hbm>>
      %dma_wait3A_167 = arith.constant 0 : i32
      %dma_wait3A_168 = arith.constant 0 : i32
      %dma_wait3A_169 = tpu.memref_slice %arg4[%arg1, %dma_wait3A_167, %dma_wait3A_168] : memref<16x250x80xi32, #tpu.memory_space<hbm>> -> memref<1x250x80xi32, #tpu.memory_space<hbm>>
      %dma_wait3A_170 = tpu.memref_squeeze %dma_wait3A_169 : memref<1x250x80xi32, #tpu.memory_space<hbm>> -> memref<250x80xi32, #tpu.memory_space<hbm>>
      tpu.wait_dma2 semaphore(%run_scoped3A : memref<!tpu.dma_semaphore, #tpu.memory_space<semaphore_mem>>) src(%dma_wait3A_170 : memref<250x80xi32, #tpu.memory_space<hbm>>) dst(%arg7 : memref<250x80xi32, #tpu.memory_space<vmem>>)
      tpu.yield
    }) : () -> ()
    %dma_start3A = arith.constant 0 : i32
    %dma_start3A_37 = arith.constant 0 : i32
    %dma_start3A_38 = tpu.memref_slice %arg6[%dma_start3A, %dma_start3A_37] : memref<250x80xi32, #tpu.memory_space<vmem>> -> memref<1x80xi32, #tpu.memory_space<vmem>>
    %dma_start3A_39 = tpu.memref_squeeze %dma_start3A_38 : memref<1x80xi32, #tpu.memory_space<vmem>> -> memref<80xi32, #tpu.memory_space<vmem>>
    %dma_start3A_40 = arith.constant 0 : i32
    %dma_start3A_41 = arith.constant 0 : i32
    %dma_start3A_42 = tpu.memref_slice %arg2[%arg0, %dma_start3A_40, %dma_start3A_41] : memref<2x10000x64xf32, #tpu.memory_space<hbm>> -> memref<1x10000x64xf32, #tpu.memory_space<hbm>>
    %dma_start3A_43 = tpu.memref_squeeze %dma_start3A_42 : memref<1x10000x64xf32, #tpu.memory_space<hbm>> -> memref<10000x64xf32, #tpu.memory_space<hbm>>
    %dma_start3A_44 = arith.constant 0 : i32
    %dma_start3A_45 = arith.constant 0 : i32
    %dma_start3A_46 = tpu.memref_slice %dma_start3A_43[%dma_start3A_44, %dma_start3A_45] : memref<10000x64xf32, #tpu.memory_space<hbm>> -> memref<10000x64xf32, #tpu.memory_space<hbm>>
    tpu.enqueue_indirect_dma source(%dma_start3A_46 : memref<10000x64xf32, #tpu.memory_space<hbm>>) target(%arg8 : memref<80x64xf32, #tpu.memory_space<vmem>>) offsets(%dma_start3A_39 : memref<80xi32, #tpu.memory_space<vmem>>) semaphore(%arg14 : memref<!tpu.dma_semaphore, #tpu.memory_space<semaphore_mem>>)
    %dma_start3A_47 = arith.constant 1 : i32
    %dma_start3A_48 = arith.constant 0 : i32
    %dma_start3A_49 = tpu.memref_slice %arg6[%dma_start3A_47, %dma_start3A_48] : memref<250x80xi32, #tpu.memory_space<vmem>> -> memref<1x80xi32, #tpu.memory_space<vmem>>
    %dma_start3A_50 = tpu.memref_squeeze %dma_start3A_49 : memref<1x80xi32, #tpu.memory_space<vmem>> -> memref<80xi32, #tpu.memory_space<vmem>>
    %dma_start3A_51 = arith.constant 0 : i32
    %dma_start3A_52 = arith.constant 0 : i32
    %dma_start3A_53 = tpu.memref_slice %arg2[%arg0, %dma_start3A_51, %dma_start3A_52] : memref<2x10000x64xf32, #tpu.memory_space<hbm>> -> memref<1x10000x64xf32, #tpu.memory_space<hbm>>
    %dma_start3A_54 = tpu.memref_squeeze %dma_start3A_53 : memref<1x10000x64xf32, #tpu.memory_space<hbm>> -> memref<10000x64xf32, #tpu.memory_space<hbm>>
    %dma_start3A_55 = arith.constant 0 : i32
    %dma_start3A_56 = arith.constant 0 : i32
    %dma_start3A_57 = tpu.memref_slice %dma_start3A_54[%dma_start3A_55, %dma_start3A_56] : memref<10000x64xf32, #tpu.memory_space<hbm>> -> memref<10000x64xf32, #tpu.memory_space<hbm>>
    tpu.enqueue_indirect_dma source(%dma_start3A_57 : memref<10000x64xf32, #tpu.memory_space<hbm>>) target(%arg9 : memref<80x64xf32, #tpu.memory_space<vmem>>) offsets(%dma_start3A_50 : memref<80xi32, #tpu.memory_space<vmem>>) semaphore(%arg15 : memref<!tpu.dma_semaphore, #tpu.memory_space<semaphore_mem>>)
    %dma_start3A_58 = arith.constant 2 : i32
    %dma_start3A_59 = arith.constant 0 : i32
    %dma_start3A_60 = tpu.memref_slice %arg6[%dma_start3A_58, %dma_start3A_59] : memref<250x80xi32, #tpu.memory_space<vmem>> -> memref<1x80xi32, #tpu.memory_space<vmem>>
    %dma_start3A_61 = tpu.memref_squeeze %dma_start3A_60 : memref<1x80xi32, #tpu.memory_space<vmem>> -> memref<80xi32, #tpu.memory_space<vmem>>
    %dma_start3A_62 = arith.constant 0 : i32
    %dma_start3A_63 = arith.constant 0 : i32
    %dma_start3A_64 = tpu.memref_slice %arg2[%arg0, %dma_start3A_62, %dma_start3A_63] : memref<2x10000x64xf32, #tpu.memory_space<hbm>> -> memref<1x10000x64xf32, #tpu.memory_space<hbm>>
    %dma_start3A_65 = tpu.memref_squeeze %dma_start3A_64 : memref<1x10000x64xf32, #tpu.memory_space<hbm>> -> memref<10000x64xf32, #tpu.memory_space<hbm>>
    %dma_start3A_66 = arith.constant 0 : i32
    %dma_start3A_67 = arith.constant 0 : i32
    %dma_start3A_68 = tpu.memref_slice %dma_start3A_65[%dma_start3A_66, %dma_start3A_67] : memref<10000x64xf32, #tpu.memory_space<hbm>> -> memref<10000x64xf32, #tpu.memory_space<hbm>>
    tpu.enqueue_indirect_dma source(%dma_start3A_68 : memref<10000x64xf32, #tpu.memory_space<hbm>>) target(%arg10 : memref<80x64xf32, #tpu.memory_space<vmem>>) offsets(%dma_start3A_61 : memref<80xi32, #tpu.memory_space<vmem>>) semaphore(%arg16 : memref<!tpu.dma_semaphore, #tpu.memory_space<semaphore_mem>>)
    %dma_start3A_69 = arith.constant 3 : i32
    %dma_start3A_70 = arith.constant 0 : i32
    %dma_start3A_71 = tpu.memref_slice %arg6[%dma_start3A_69, %dma_start3A_70] : memref<250x80xi32, #tpu.memory_space<vmem>> -> memref<1x80xi32, #tpu.memory_space<vmem>>
    %dma_start3A_72 = tpu.memref_squeeze %dma_start3A_71 : memref<1x80xi32, #tpu.memory_space<vmem>> -> memref<80xi32, #tpu.memory_space<vmem>>
    %dma_start3A_73 = arith.constant 0 : i32
    %dma_start3A_74 = arith.constant 0 : i32
    %dma_start3A_75 = tpu.memref_slice %arg2[%arg0, %dma_start3A_73, %dma_start3A_74] : memref<2x10000x64xf32, #tpu.memory_space<hbm>> -> memref<1x10000x64xf32, #tpu.memory_space<hbm>>
    %dma_start3A_76 = tpu.memref_squeeze %dma_start3A_75 : memref<1x10000x64xf32, #tpu.memory_space<hbm>> -> memref<10000x64xf32, #tpu.memory_space<hbm>>
    %dma_start3A_77 = arith.constant 0 : i32
    %dma_start3A_78 = arith.constant 0 : i32
    %dma_start3A_79 = tpu.memref_slice %dma_start3A_76[%dma_start3A_77, %dma_start3A_78] : memref<10000x64xf32, #tpu.memory_space<hbm>> -> memref<10000x64xf32, #tpu.memory_space<hbm>>
    tpu.enqueue_indirect_dma source(%dma_start3A_79 : memref<10000x64xf32, #tpu.memory_space<hbm>>) target(%arg11 : memref<80x64xf32, #tpu.memory_space<vmem>>) offsets(%dma_start3A_72 : memref<80xi32, #tpu.memory_space<vmem>>) semaphore(%arg17 : memref<!tpu.dma_semaphore, #tpu.memory_space<semaphore_mem>>)
    %scan3A_80 = arith.constant 0 : i32
    %scan3A_81 = arith.constant 0 : i32
    %scan3A_82 = arith.constant 62 : i32
    %scan3A_83 = arith.addi %scan3A_81, %scan3A_82 : i32
    %scan3A_84 = arith.constant 1 : i32
    %scan3A_85 = scf.for %scan3A_155 = %scan3A_81 to %scan3A_83 step %scan3A_84 iter_args(%scan3A_156 = %scan3A_80) -> (i32)  : i32 {
      %mul3A_157 = arith.constant 4 : i32
      %mul3A_158 = arith.muli %mul3A_157, %scan3A_155 : i32
      %add3A_159 = arith.constant 0 : i32
      %add3A_160 = arith.addi %mul3A_158, %add3A_159 : i32
      %add3A_161 = arith.constant 4 : i32
      %add3A_162 = arith.addi %add3A_160, %add3A_161 : i32
      %dma_wait3A_163 = arith.constant 0 : i32
      %dma_wait3A_164 = tpu.memref_slice %arg6[%add3A_160, %dma_wait3A_163] : memref<250x80xi32, #tpu.memory_space<vmem>> -> memref<1x80xi32, #tpu.memory_space<vmem>>
      %dma_wait3A_165 = tpu.memref_squeeze %dma_wait3A_164 : memref<1x80xi32, #tpu.memory_space<vmem>> -> memref<80xi32, #tpu.memory_space<vmem>>
      %dma_wait3A_166 = arith.constant 0 : i32
      %dma_wait3A_167 = arith.constant 0 : i32
      %dma_wait3A_168 = tpu.memref_slice %arg2[%arg0, %dma_wait3A_166, %dma_wait3A_167] : memref<2x10000x64xf32, #tpu.memory_space<hbm>> -> memref<1x10000x64xf32, #tpu.memory_space<hbm>>
      %dma_wait3A_169 = tpu.memref_squeeze %dma_wait3A_168 : memref<1x10000x64xf32, #tpu.memory_space<hbm>> -> memref<10000x64xf32, #tpu.memory_space<hbm>>
      %dma_wait3A_170 = arith.constant 0 : i32
      %dma_wait3A_171 = arith.constant 0 : i32
      %dma_wait3A_172 = tpu.memref_slice %dma_wait3A_169[%dma_wait3A_170, %dma_wait3A_171] : memref<10000x64xf32, #tpu.memory_space<hbm>> -> memref<10000x64xf32, #tpu.memory_space<hbm>>
      tpu.wait_indirect_dma semaphore(%arg14 : memref<!tpu.dma_semaphore, #tpu.memory_space<semaphore_mem>>) src(%dma_wait3A_172 : memref<10000x64xf32, #tpu.memory_space<hbm>>) dst(%arg8 : memref<80x64xf32, #tpu.memory_space<vmem>>)
      %dma_start3A_173 = arith.constant 0 : i32
      %dma_start3A_174 = tpu.memref_slice %arg7[%add3A_160, %dma_start3A_173] : memref<250x80xi32, #tpu.memory_space<vmem>> -> memref<1x80xi32, #tpu.memory_space<vmem>>
      %dma_start3A_175 = tpu.memref_squeeze %dma_start3A_174 : memref<1x80xi32, #tpu.memory_space<vmem>> -> memref<80xi32, #tpu.memory_space<vmem>>
      %dma_start3A_176 = arith.constant 0 : i32
      %dma_start3A_177 = arith.constant 0 : i32
      %dma_start3A_178 = tpu.memref_slice %arg13[%dma_start3A_176, %dma_start3A_177] : memref<10240x64xf32, #tpu.memory_space<vmem_shared>> -> memref<10240x64xf32, #tpu.memory_space<vmem_shared>>
      tpu.enqueue_indirect_dma source(%arg8 : memref<80x64xf32, #tpu.memory_space<vmem>>) target(%dma_start3A_178 : memref<10240x64xf32, #tpu.memory_space<vmem_shared>>) offsets(%dma_start3A_175 : memref<80xi32, #tpu.memory_space<vmem>>) semaphore(%arg18 : memref<!tpu.dma_semaphore, #tpu.memory_space<semaphore_mem>>) {add = true}
      %lt3A = arith.constant 250 : i32
      %lt3A_179 = arith.cmpi slt, %add3A_162, %lt3A : i32
      %convert_element_type3A = arith.extui %lt3A_179 : i1 to i32
      %cond3A = arith.constant 0 : i32
      %cond3A_180 = arith.cmpi ne, %convert_element_type3A, %cond3A : i32
      scf.if %cond3A_180 {
        %dma_wait3A_257 = arith.constant 0 : i32
        %dma_wait3A_258 = tpu.memref_slice %arg7[%add3A_160, %dma_wait3A_257] : memref<250x80xi32, #tpu.memory_space<vmem>> -> memref<1x80xi32, #tpu.memory_space<vmem>>
        %dma_wait3A_259 = tpu.memref_squeeze %dma_wait3A_258 : memref<1x80xi32, #tpu.memory_space<vmem>> -> memref<80xi32, #tpu.memory_space<vmem>>
        %dma_wait3A_260 = arith.constant 0 : i32
        %dma_wait3A_261 = arith.constant 0 : i32
        %dma_wait3A_262 = tpu.memref_slice %arg13[%dma_wait3A_260, %dma_wait3A_261] : memref<10240x64xf32, #tpu.memory_space<vmem_shared>> -> memref<10240x64xf32, #tpu.memory_space<vmem_shared>>
        tpu.wait_indirect_dma semaphore(%arg18 : memref<!tpu.dma_semaphore, #tpu.memory_space<semaphore_mem>>) src(%arg8 : memref<80x64xf32, #tpu.memory_space<vmem>>) dst(%dma_wait3A_262 : memref<10240x64xf32, #tpu.memory_space<vmem_shared>>)
        %dma_start3A_263 = arith.constant 0 : i32
        %dma_start3A_264 = tpu.memref_slice %arg6[%add3A_162, %dma_start3A_263] : memref<250x80xi32, #tpu.memory_space<vmem>> -> memref<1x80xi32, #tpu.memory_space<vmem>>
        %dma_start3A_265 = tpu.memref_squeeze %dma_start3A_264 : memref<1x80xi32, #tpu.memory_space<vmem>> -> memref<80xi32, #tpu.memory_space<vmem>>
        %dma_start3A_266 = arith.constant 0 : i32
        %dma_start3A_267 = arith.constant 0 : i32
        %dma_start3A_268 = tpu.memref_slice %arg2[%arg0, %dma_start3A_266, %dma_start3A_267] : memref<2x10000x64xf32, #tpu.memory_space<hbm>> -> memref<1x10000x64xf32, #tpu.memory_space<hbm>>
        %dma_start3A_269 = tpu.memref_squeeze %dma_start3A_268 : memref<1x10000x64xf32, #tpu.memory_space<hbm>> -> memref<10000x64xf32, #tpu.memory_space<hbm>>
        %dma_start3A_270 = arith.constant 0 : i32
        %dma_start3A_271 = arith.constant 0 : i32
        %dma_start3A_272 = tpu.memref_slice %dma_start3A_269[%dma_start3A_270, %dma_start3A_271] : memref<10000x64xf32, #tpu.memory_space<hbm>> -> memref<10000x64xf32, #tpu.memory_space<hbm>>
        tpu.enqueue_indirect_dma source(%dma_start3A_272 : memref<10000x64xf32, #tpu.memory_space<hbm>>) target(%arg8 : memref<80x64xf32, #tpu.memory_space<vmem>>) offsets(%dma_start3A_265 : memref<80xi32, #tpu.memory_space<vmem>>) semaphore(%arg14 : memref<!tpu.dma_semaphore, #tpu.memory_space<semaphore_mem>>)
      } else {
      }
      %add3A_181 = arith.constant 1 : i32
      %add3A_182 = arith.addi %mul3A_158, %add3A_181 : i32
      %add3A_183 = arith.constant 4 : i32
      %add3A_184 = arith.addi %add3A_182, %add3A_183 : i32
      %dma_wait3A_185 = arith.constant 0 : i32
      %dma_wait3A_186 = tpu.memref_slice %arg6[%add3A_182, %dma_wait3A_185] : memref<250x80xi32, #tpu.memory_space<vmem>> -> memref<1x80xi32, #tpu.memory_space<vmem>>
      %dma_wait3A_187 = tpu.memref_squeeze %dma_wait3A_186 : memref<1x80xi32, #tpu.memory_space<vmem>> -> memref<80xi32, #tpu.memory_space<vmem>>
      %dma_wait3A_188 = arith.constant 0 : i32
      %dma_wait3A_189 = arith.constant 0 : i32
      %dma_wait3A_190 = tpu.memref_slice %arg2[%arg0, %dma_wait3A_188, %dma_wait3A_189] : memref<2x10000x64xf32, #tpu.memory_space<hbm>> -> memref<1x10000x64xf32, #tpu.memory_space<hbm>>
      %dma_wait3A_191 = tpu.memref_squeeze %dma_wait3A_190 : memref<1x10000x64xf32, #tpu.memory_space<hbm>> -> memref<10000x64xf32, #tpu.memory_space<hbm>>
      %dma_wait3A_192 = arith.constant 0 : i32
      %dma_wait3A_193 = arith.constant 0 : i32
      %dma_wait3A_194 = tpu.memref_slice %dma_wait3A_191[%dma_wait3A_192, %dma_wait3A_193] : memref<10000x64xf32, #tpu.memory_space<hbm>> -> memref<10000x64xf32, #tpu.memory_space<hbm>>
      tpu.wait_indirect_dma semaphore(%arg15 : memref<!tpu.dma_semaphore, #tpu.memory_space<semaphore_mem>>) src(%dma_wait3A_194 : memref<10000x64xf32, #tpu.memory_space<hbm>>) dst(%arg9 : memref<80x64xf32, #tpu.memory_space<vmem>>)
      %dma_start3A_195 = arith.constant 0 : i32
      %dma_start3A_196 = tpu.memref_slice %arg7[%add3A_182, %dma_start3A_195] : memref<250x80xi32, #tpu.memory_space<vmem>> -> memref<1x80xi32, #tpu.memory_space<vmem>>
      %dma_start3A_197 = tpu.memref_squeeze %dma_start3A_196 : memref<1x80xi32, #tpu.memory_space<vmem>> -> memref<80xi32, #tpu.memory_space<vmem>>
      %dma_start3A_198 = arith.constant 0 : i32
      %dma_start3A_199 = arith.constant 0 : i32
      %dma_start3A_200 = tpu.memref_slice %arg13[%dma_start3A_198, %dma_start3A_199] : memref<10240x64xf32, #tpu.memory_space<vmem_shared>> -> memref<10240x64xf32, #tpu.memory_space<vmem_shared>>
      tpu.enqueue_indirect_dma source(%arg9 : memref<80x64xf32, #tpu.memory_space<vmem>>) target(%dma_start3A_200 : memref<10240x64xf32, #tpu.memory_space<vmem_shared>>) offsets(%dma_start3A_197 : memref<80xi32, #tpu.memory_space<vmem>>) semaphore(%arg19 : memref<!tpu.dma_semaphore, #tpu.memory_space<semaphore_mem>>) {add = true}
      %lt3A_201 = arith.constant 250 : i32
      %lt3A_202 = arith.cmpi slt, %add3A_184, %lt3A_201 : i32
      %convert_element_type3A_203 = arith.extui %lt3A_202 : i1 to i32
      %cond3A_204 = arith.constant 0 : i32
      %cond3A_205 = arith.cmpi ne, %convert_element_type3A_203, %cond3A_204 : i32
      scf.if %cond3A_205 {
        %dma_wait3A_257 = arith.constant 0 : i32
        %dma_wait3A_258 = tpu.memref_slice %arg7[%add3A_182, %dma_wait3A_257] : memref<250x80xi32, #tpu.memory_space<vmem>> -> memref<1x80xi32, #tpu.memory_space<vmem>>
        %dma_wait3A_259 = tpu.memref_squeeze %dma_wait3A_258 : memref<1x80xi32, #tpu.memory_space<vmem>> -> memref<80xi32, #tpu.memory_space<vmem>>
        %dma_wait3A_260 = arith.constant 0 : i32
        %dma_wait3A_261 = arith.constant 0 : i32
        %dma_wait3A_262 = tpu.memref_slice %arg13[%dma_wait3A_260, %dma_wait3A_261] : memref<10240x64xf32, #tpu.memory_space<vmem_shared>> -> memref<10240x64xf32, #tpu.memory_space<vmem_shared>>
        tpu.wait_indirect_dma semaphore(%arg19 : memref<!tpu.dma_semaphore, #tpu.memory_space<semaphore_mem>>) src(%arg9 : memref<80x64xf32, #tpu.memory_space<vmem>>) dst(%dma_wait3A_262 : memref<10240x64xf32, #tpu.memory_space<vmem_shared>>)
        %dma_start3A_263 = arith.constant 0 : i32
        %dma_start3A_264 = tpu.memref_slice %arg6[%add3A_184, %dma_start3A_263] : memref<250x80xi32, #tpu.memory_space<vmem>> -> memref<1x80xi32, #tpu.memory_space<vmem>>
        %dma_start3A_265 = tpu.memref_squeeze %dma_start3A_264 : memref<1x80xi32, #tpu.memory_space<vmem>> -> memref<80xi32, #tpu.memory_space<vmem>>
        %dma_start3A_266 = arith.constant 0 : i32
        %dma_start3A_267 = arith.constant 0 : i32
        %dma_start3A_268 = tpu.memref_slice %arg2[%arg0, %dma_start3A_266, %dma_start3A_267] : memref<2x10000x64xf32, #tpu.memory_space<hbm>> -> memref<1x10000x64xf32, #tpu.memory_space<hbm>>
        %dma_start3A_269 = tpu.memref_squeeze %dma_start3A_268 : memref<1x10000x64xf32, #tpu.memory_space<hbm>> -> memref<10000x64xf32, #tpu.memory_space<hbm>>
        %dma_start3A_270 = arith.constant 0 : i32
        %dma_start3A_271 = arith.constant 0 : i32
        %dma_start3A_272 = tpu.memref_slice %dma_start3A_269[%dma_start3A_270, %dma_start3A_271] : memref<10000x64xf32, #tpu.memory_space<hbm>> -> memref<10000x64xf32, #tpu.memory_space<hbm>>
        tpu.enqueue_indirect_dma source(%dma_start3A_272 : memref<10000x64xf32, #tpu.memory_space<hbm>>) target(%arg9 : memref<80x64xf32, #tpu.memory_space<vmem>>) offsets(%dma_start3A_265 : memref<80xi32, #tpu.memory_space<vmem>>) semaphore(%arg15 : memref<!tpu.dma_semaphore, #tpu.memory_space<semaphore_mem>>)
      } else {
      }
      %add3A_206 = arith.constant 2 : i32
      %add3A_207 = arith.addi %mul3A_158, %add3A_206 : i32
      %add3A_208 = arith.constant 4 : i32
      %add3A_209 = arith.addi %add3A_207, %add3A_208 : i32
      %dma_wait3A_210 = arith.constant 0 : i32
      %dma_wait3A_211 = tpu.memref_slice %arg6[%add3A_207, %dma_wait3A_210] : memref<250x80xi32, #tpu.memory_space<vmem>> -> memref<1x80xi32, #tpu.memory_space<vmem>>
      %dma_wait3A_212 = tpu.memref_squeeze %dma_wait3A_211 : memref<1x80xi32, #tpu.memory_space<vmem>> -> memref<80xi32, #tpu.memory_space<vmem>>
      %dma_wait3A_213 = arith.constant 0 : i32
      %dma_wait3A_214 = arith.constant 0 : i32
      %dma_wait3A_215 = tpu.memref_slice %arg2[%arg0, %dma_wait3A_213, %dma_wait3A_214] : memref<2x10000x64xf32, #tpu.memory_space<hbm>> -> memref<1x10000x64xf32, #tpu.memory_space<hbm>>
      %dma_wait3A_216 = tpu.memref_squeeze %dma_wait3A_215 : memref<1x10000x64xf32, #tpu.memory_space<hbm>> -> memref<10000x64xf32, #tpu.memory_space<hbm>>
      %dma_wait3A_217 = arith.constant 0 : i32
      %dma_wait3A_218 = arith.constant 0 : i32
      %dma_wait3A_219 = tpu.memref_slice %dma_wait3A_216[%dma_wait3A_217, %dma_wait3A_218] : memref<10000x64xf32, #tpu.memory_space<hbm>> -> memref<10000x64xf32, #tpu.memory_space<hbm>>
      tpu.wait_indirect_dma semaphore(%arg16 : memref<!tpu.dma_semaphore, #tpu.memory_space<semaphore_mem>>) src(%dma_wait3A_219 : memref<10000x64xf32, #tpu.memory_space<hbm>>) dst(%arg10 : memref<80x64xf32, #tpu.memory_space<vmem>>)
      %dma_start3A_220 = arith.constant 0 : i32
      %dma_start3A_221 = tpu.memref_slice %arg7[%add3A_207, %dma_start3A_220] : memref<250x80xi32, #tpu.memory_space<vmem>> -> memref<1x80xi32, #tpu.memory_space<vmem>>
      %dma_start3A_222 = tpu.memref_squeeze %dma_start3A_221 : memref<1x80xi32, #tpu.memory_space<vmem>> -> memref<80xi32, #tpu.memory_space<vmem>>
      %dma_start3A_223 = arith.constant 0 : i32
      %dma_start3A_224 = arith.constant 0 : i32
      %dma_start3A_225 = tpu.memref_slice %arg13[%dma_start3A_223, %dma_start3A_224] : memref<10240x64xf32, #tpu.memory_space<vmem_shared>> -> memref<10240x64xf32, #tpu.memory_space<vmem_shared>>
      tpu.enqueue_indirect_dma source(%arg10 : memref<80x64xf32, #tpu.memory_space<vmem>>) target(%dma_start3A_225 : memref<10240x64xf32, #tpu.memory_space<vmem_shared>>) offsets(%dma_start3A_222 : memref<80xi32, #tpu.memory_space<vmem>>) semaphore(%arg20 : memref<!tpu.dma_semaphore, #tpu.memory_space<semaphore_mem>>) {add = true}
      %lt3A_226 = arith.constant 250 : i32
      %lt3A_227 = arith.cmpi slt, %add3A_209, %lt3A_226 : i32
      %convert_element_type3A_228 = arith.extui %lt3A_227 : i1 to i32
      %cond3A_229 = arith.constant 0 : i32
      %cond3A_230 = arith.cmpi ne, %convert_element_type3A_228, %cond3A_229 : i32
      scf.if %cond3A_230 {
        %dma_wait3A_257 = arith.constant 0 : i32
        %dma_wait3A_258 = tpu.memref_slice %arg7[%add3A_207, %dma_wait3A_257] : memref<250x80xi32, #tpu.memory_space<vmem>> -> memref<1x80xi32, #tpu.memory_space<vmem>>
        %dma_wait3A_259 = tpu.memref_squeeze %dma_wait3A_258 : memref<1x80xi32, #tpu.memory_space<vmem>> -> memref<80xi32, #tpu.memory_space<vmem>>
        %dma_wait3A_260 = arith.constant 0 : i32
        %dma_wait3A_261 = arith.constant 0 : i32
        %dma_wait3A_262 = tpu.memref_slice %arg13[%dma_wait3A_260, %dma_wait3A_261] : memref<10240x64xf32, #tpu.memory_space<vmem_shared>> -> memref<10240x64xf32, #tpu.memory_space<vmem_shared>>
        tpu.wait_indirect_dma semaphore(%arg20 : memref<!tpu.dma_semaphore, #tpu.memory_space<semaphore_mem>>) src(%arg10 : memref<80x64xf32, #tpu.memory_space<vmem>>) dst(%dma_wait3A_262 : memref<10240x64xf32, #tpu.memory_space<vmem_shared>>)
        %dma_start3A_263 = arith.constant 0 : i32
        %dma_start3A_264 = tpu.memref_slice %arg6[%add3A_209, %dma_start3A_263] : memref<250x80xi32, #tpu.memory_space<vmem>> -> memref<1x80xi32, #tpu.memory_space<vmem>>
        %dma_start3A_265 = tpu.memref_squeeze %dma_start3A_264 : memref<1x80xi32, #tpu.memory_space<vmem>> -> memref<80xi32, #tpu.memory_space<vmem>>
        %dma_start3A_266 = arith.constant 0 : i32
        %dma_start3A_267 = arith.constant 0 : i32
        %dma_start3A_268 = tpu.memref_slice %arg2[%arg0, %dma_start3A_266, %dma_start3A_267] : memref<2x10000x64xf32, #tpu.memory_space<hbm>> -> memref<1x10000x64xf32, #tpu.memory_space<hbm>>
        %dma_start3A_269 = tpu.memref_squeeze %dma_start3A_268 : memref<1x10000x64xf32, #tpu.memory_space<hbm>> -> memref<10000x64xf32, #tpu.memory_space<hbm>>
        %dma_start3A_270 = arith.constant 0 : i32
        %dma_start3A_271 = arith.constant 0 : i32
        %dma_start3A_272 = tpu.memref_slice %dma_start3A_269[%dma_start3A_270, %dma_start3A_271] : memref<10000x64xf32, #tpu.memory_space<hbm>> -> memref<10000x64xf32, #tpu.memory_space<hbm>>
        tpu.enqueue_indirect_dma source(%dma_start3A_272 : memref<10000x64xf32, #tpu.memory_space<hbm>>) target(%arg10 : memref<80x64xf32, #tpu.memory_space<vmem>>) offsets(%dma_start3A_265 : memref<80xi32, #tpu.memory_space<vmem>>) semaphore(%arg16 : memref<!tpu.dma_semaphore, #tpu.memory_space<semaphore_mem>>)
      } else {
      }
      %add3A_231 = arith.constant 3 : i32
      %add3A_232 = arith.addi %mul3A_158, %add3A_231 : i32
      %add3A_233 = arith.constant 4 : i32
      %add3A_234 = arith.addi %add3A_232, %add3A_233 : i32
      %dma_wait3A_235 = arith.constant 0 : i32
      %dma_wait3A_236 = tpu.memref_slice %arg6[%add3A_232, %dma_wait3A_235] : memref<250x80xi32, #tpu.memory_space<vmem>> -> memref<1x80xi32, #tpu.memory_space<vmem>>
      %dma_wait3A_237 = tpu.memref_squeeze %dma_wait3A_236 : memref<1x80xi32, #tpu.memory_space<vmem>> -> memref<80xi32, #tpu.memory_space<vmem>>
      %dma_wait3A_238 = arith.constant 0 : i32
      %dma_wait3A_239 = arith.constant 0 : i32
      %dma_wait3A_240 = tpu.memref_slice %arg2[%arg0, %dma_wait3A_238, %dma_wait3A_239] : memref<2x10000x64xf32, #tpu.memory_space<hbm>> -> memref<1x10000x64xf32, #tpu.memory_space<hbm>>
      %dma_wait3A_241 = tpu.memref_squeeze %dma_wait3A_240 : memref<1x10000x64xf32, #tpu.memory_space<hbm>> -> memref<10000x64xf32, #tpu.memory_space<hbm>>
      %dma_wait3A_242 = arith.constant 0 : i32
      %dma_wait3A_243 = arith.constant 0 : i32
      %dma_wait3A_244 = tpu.memref_slice %dma_wait3A_241[%dma_wait3A_242, %dma_wait3A_243] : memref<10000x64xf32, #tpu.memory_space<hbm>> -> memref<10000x64xf32, #tpu.memory_space<hbm>>
      tpu.wait_indirect_dma semaphore(%arg17 : memref<!tpu.dma_semaphore, #tpu.memory_space<semaphore_mem>>) src(%dma_wait3A_244 : memref<10000x64xf32, #tpu.memory_space<hbm>>) dst(%arg11 : memref<80x64xf32, #tpu.memory_space<vmem>>)
      %dma_start3A_245 = arith.constant 0 : i32
      %dma_start3A_246 = tpu.memref_slice %arg7[%add3A_232, %dma_start3A_245] : memref<250x80xi32, #tpu.memory_space<vmem>> -> memref<1x80xi32, #tpu.memory_space<vmem>>
      %dma_start3A_247 = tpu.memref_squeeze %dma_start3A_246 : memref<1x80xi32, #tpu.memory_space<vmem>> -> memref<80xi32, #tpu.memory_space<vmem>>
      %dma_start3A_248 = arith.constant 0 : i32
      %dma_start3A_249 = arith.constant 0 : i32
      %dma_start3A_250 = tpu.memref_slice %arg13[%dma_start3A_248, %dma_start3A_249] : memref<10240x64xf32, #tpu.memory_space<vmem_shared>> -> memref<10240x64xf32, #tpu.memory_space<vmem_shared>>
      tpu.enqueue_indirect_dma source(%arg11 : memref<80x64xf32, #tpu.memory_space<vmem>>) target(%dma_start3A_250 : memref<10240x64xf32, #tpu.memory_space<vmem_shared>>) offsets(%dma_start3A_247 : memref<80xi32, #tpu.memory_space<vmem>>) semaphore(%arg21 : memref<!tpu.dma_semaphore, #tpu.memory_space<semaphore_mem>>) {add = true}
      %lt3A_251 = arith.constant 250 : i32
      %lt3A_252 = arith.cmpi slt, %add3A_234, %lt3A_251 : i32
      %convert_element_type3A_253 = arith.extui %lt3A_252 : i1 to i32
      %cond3A_254 = arith.constant 0 : i32
      %cond3A_255 = arith.cmpi ne, %convert_element_type3A_253, %cond3A_254 : i32
      scf.if %cond3A_255 {
        %dma_wait3A_257 = arith.constant 0 : i32
        %dma_wait3A_258 = tpu.memref_slice %arg7[%add3A_232, %dma_wait3A_257] : memref<250x80xi32, #tpu.memory_space<vmem>> -> memref<1x80xi32, #tpu.memory_space<vmem>>
        %dma_wait3A_259 = tpu.memref_squeeze %dma_wait3A_258 : memref<1x80xi32, #tpu.memory_space<vmem>> -> memref<80xi32, #tpu.memory_space<vmem>>
        %dma_wait3A_260 = arith.constant 0 : i32
        %dma_wait3A_261 = arith.constant 0 : i32
        %dma_wait3A_262 = tpu.memref_slice %arg13[%dma_wait3A_260, %dma_wait3A_261] : memref<10240x64xf32, #tpu.memory_space<vmem_shared>> -> memref<10240x64xf32, #tpu.memory_space<vmem_shared>>
        tpu.wait_indirect_dma semaphore(%arg21 : memref<!tpu.dma_semaphore, #tpu.memory_space<semaphore_mem>>) src(%arg11 : memref<80x64xf32, #tpu.memory_space<vmem>>) dst(%dma_wait3A_262 : memref<10240x64xf32, #tpu.memory_space<vmem_shared>>)
        %dma_start3A_263 = arith.constant 0 : i32
        %dma_start3A_264 = tpu.memref_slice %arg6[%add3A_234, %dma_start3A_263] : memref<250x80xi32, #tpu.memory_space<vmem>> -> memref<1x80xi32, #tpu.memory_space<vmem>>
        %dma_start3A_265 = tpu.memref_squeeze %dma_start3A_264 : memref<1x80xi32, #tpu.memory_space<vmem>> -> memref<80xi32, #tpu.memory_space<vmem>>
        %dma_start3A_266 = arith.constant 0 : i32
        %dma_start3A_267 = arith.constant 0 : i32
        %dma_start3A_268 = tpu.memref_slice %arg2[%arg0, %dma_start3A_266, %dma_start3A_267] : memref<2x10000x64xf32, #tpu.memory_space<hbm>> -> memref<1x10000x64xf32, #tpu.memory_space<hbm>>
        %dma_start3A_269 = tpu.memref_squeeze %dma_start3A_268 : memref<1x10000x64xf32, #tpu.memory_space<hbm>> -> memref<10000x64xf32, #tpu.memory_space<hbm>>
        %dma_start3A_270 = arith.constant 0 : i32
        %dma_start3A_271 = arith.constant 0 : i32
        %dma_start3A_272 = tpu.memref_slice %dma_start3A_269[%dma_start3A_270, %dma_start3A_271] : memref<10000x64xf32, #tpu.memory_space<hbm>> -> memref<10000x64xf32, #tpu.memory_space<hbm>>
        tpu.enqueue_indirect_dma source(%dma_start3A_272 : memref<10000x64xf32, #tpu.memory_space<hbm>>) target(%arg11 : memref<80x64xf32, #tpu.memory_space<vmem>>) offsets(%dma_start3A_265 : memref<80xi32, #tpu.memory_space<vmem>>) semaphore(%arg17 : memref<!tpu.dma_semaphore, #tpu.memory_space<semaphore_mem>>)
      } else {
      }
      %scan3A_256 = arith.constant 0 : i32
      scf.yield %scan3A_256 : i32
    }
    %scan3A_86 = arith.constant 62 : i32
    %dma_wait3A = arith.constant 248 : i32
    %dma_wait3A_87 = arith.constant 0 : i32
    %dma_wait3A_88 = tpu.memref_slice %arg6[%dma_wait3A, %dma_wait3A_87] : memref<250x80xi32, #tpu.memory_space<vmem>> -> memref<1x80xi32, #tpu.memory_space<vmem>>
    %dma_wait3A_89 = tpu.memref_squeeze %dma_wait3A_88 : memref<1x80xi32, #tpu.memory_space<vmem>> -> memref<80xi32, #tpu.memory_space<vmem>>
    %dma_wait3A_90 = arith.constant 0 : i32
    %dma_wait3A_91 = arith.constant 0 : i32
    %dma_wait3A_92 = tpu.memref_slice %arg2[%arg0, %dma_wait3A_90, %dma_wait3A_91] : memref<2x10000x64xf32, #tpu.memory_space<hbm>> -> memref<1x10000x64xf32, #tpu.memory_space<hbm>>
    %dma_wait3A_93 = tpu.memref_squeeze %dma_wait3A_92 : memref<1x10000x64xf32, #tpu.memory_space<hbm>> -> memref<10000x64xf32, #tpu.memory_space<hbm>>
    %dma_wait3A_94 = arith.constant 0 : i32
    %dma_wait3A_95 = arith.constant 0 : i32
    %dma_wait3A_96 = tpu.memref_slice %dma_wait3A_93[%dma_wait3A_94, %dma_wait3A_95] : memref<10000x64xf32, #tpu.memory_space<hbm>> -> memref<10000x64xf32, #tpu.memory_space<hbm>>
    tpu.wait_indirect_dma semaphore(%arg14 : memref<!tpu.dma_semaphore, #tpu.memory_space<semaphore_mem>>) src(%dma_wait3A_96 : memref<10000x64xf32, #tpu.memory_space<hbm>>) dst(%arg8 : memref<80x64xf32, #tpu.memory_space<vmem>>)
    %dma_start3A_97 = arith.constant 248 : i32
    %dma_start3A_98 = arith.constant 0 : i32
    %dma_start3A_99 = tpu.memref_slice %arg7[%dma_start3A_97, %dma_start3A_98] : memref<250x80xi32, #tpu.memory_space<vmem>> -> memref<1x80xi32, #tpu.memory_space<vmem>>
    %dma_start3A_100 = tpu.memref_squeeze %dma_start3A_99 : memref<1x80xi32, #tpu.memory_space<vmem>> -> memref<80xi32, #tpu.memory_space<vmem>>
    %dma_start3A_101 = arith.constant 0 : i32
    %dma_start3A_102 = arith.constant 0 : i32
    %dma_start3A_103 = tpu.memref_slice %arg13[%dma_start3A_101, %dma_start3A_102] : memref<10240x64xf32, #tpu.memory_space<vmem_shared>> -> memref<10240x64xf32, #tpu.memory_space<vmem_shared>>
    tpu.enqueue_indirect_dma source(%arg8 : memref<80x64xf32, #tpu.memory_space<vmem>>) target(%dma_start3A_103 : memref<10240x64xf32, #tpu.memory_space<vmem_shared>>) offsets(%dma_start3A_100 : memref<80xi32, #tpu.memory_space<vmem>>) semaphore(%arg18 : memref<!tpu.dma_semaphore, #tpu.memory_space<semaphore_mem>>) {add = true}
    %dma_wait3A_104 = arith.constant 249 : i32
    %dma_wait3A_105 = arith.constant 0 : i32
    %dma_wait3A_106 = tpu.memref_slice %arg6[%dma_wait3A_104, %dma_wait3A_105] : memref<250x80xi32, #tpu.memory_space<vmem>> -> memref<1x80xi32, #tpu.memory_space<vmem>>
    %dma_wait3A_107 = tpu.memref_squeeze %dma_wait3A_106 : memref<1x80xi32, #tpu.memory_space<vmem>> -> memref<80xi32, #tpu.memory_space<vmem>>
    %dma_wait3A_108 = arith.constant 0 : i32
    %dma_wait3A_109 = arith.constant 0 : i32
    %dma_wait3A_110 = tpu.memref_slice %arg2[%arg0, %dma_wait3A_108, %dma_wait3A_109] : memref<2x10000x64xf32, #tpu.memory_space<hbm>> -> memref<1x10000x64xf32, #tpu.memory_space<hbm>>
    %dma_wait3A_111 = tpu.memref_squeeze %dma_wait3A_110 : memref<1x10000x64xf32, #tpu.memory_space<hbm>> -> memref<10000x64xf32, #tpu.memory_space<hbm>>
    %dma_wait3A_112 = arith.constant 0 : i32
    %dma_wait3A_113 = arith.constant 0 : i32
    %dma_wait3A_114 = tpu.memref_slice %dma_wait3A_111[%dma_wait3A_112, %dma_wait3A_113] : memref<10000x64xf32, #tpu.memory_space<hbm>> -> memref<10000x64xf32, #tpu.memory_space<hbm>>
    tpu.wait_indirect_dma semaphore(%arg15 : memref<!tpu.dma_semaphore, #tpu.memory_space<semaphore_mem>>) src(%dma_wait3A_114 : memref<10000x64xf32, #tpu.memory_space<hbm>>) dst(%arg9 : memref<80x64xf32, #tpu.memory_space<vmem>>)
    %dma_start3A_115 = arith.constant 249 : i32
    %dma_start3A_116 = arith.constant 0 : i32
    %dma_start3A_117 = tpu.memref_slice %arg7[%dma_start3A_115, %dma_start3A_116] : memref<250x80xi32, #tpu.memory_space<vmem>> -> memref<1x80xi32, #tpu.memory_space<vmem>>
    %dma_start3A_118 = tpu.memref_squeeze %dma_start3A_117 : memref<1x80xi32, #tpu.memory_space<vmem>> -> memref<80xi32, #tpu.memory_space<vmem>>
    %dma_start3A_119 = arith.constant 0 : i32
    %dma_start3A_120 = arith.constant 0 : i32
    %dma_start3A_121 = tpu.memref_slice %arg13[%dma_start3A_119, %dma_start3A_120] : memref<10240x64xf32, #tpu.memory_space<vmem_shared>> -> memref<10240x64xf32, #tpu.memory_space<vmem_shared>>
    tpu.enqueue_indirect_dma source(%arg9 : memref<80x64xf32, #tpu.memory_space<vmem>>) target(%dma_start3A_121 : memref<10240x64xf32, #tpu.memory_space<vmem_shared>>) offsets(%dma_start3A_118 : memref<80xi32, #tpu.memory_space<vmem>>) semaphore(%arg19 : memref<!tpu.dma_semaphore, #tpu.memory_space<semaphore_mem>>) {add = true}
    %dma_wait3A_122 = arith.constant 248 : i32
    %dma_wait3A_123 = arith.constant 0 : i32
    %dma_wait3A_124 = tpu.memref_slice %arg7[%dma_wait3A_122, %dma_wait3A_123] : memref<250x80xi32, #tpu.memory_space<vmem>> -> memref<1x80xi32, #tpu.memory_space<vmem>>
    %dma_wait3A_125 = tpu.memref_squeeze %dma_wait3A_124 : memref<1x80xi32, #tpu.memory_space<vmem>> -> memref<80xi32, #tpu.memory_space<vmem>>
    %dma_wait3A_126 = arith.constant 0 : i32
    %dma_wait3A_127 = arith.constant 0 : i32
    %dma_wait3A_128 = tpu.memref_slice %arg13[%dma_wait3A_126, %dma_wait3A_127] : memref<10240x64xf32, #tpu.memory_space<vmem_shared>> -> memref<10240x64xf32, #tpu.memory_space<vmem_shared>>
    tpu.wait_indirect_dma semaphore(%arg18 : memref<!tpu.dma_semaphore, #tpu.memory_space<semaphore_mem>>) src(%arg8 : memref<80x64xf32, #tpu.memory_space<vmem>>) dst(%dma_wait3A_128 : memref<10240x64xf32, #tpu.memory_space<vmem_shared>>)
    %dma_wait3A_129 = arith.constant 249 : i32
    %dma_wait3A_130 = arith.constant 0 : i32
    %dma_wait3A_131 = tpu.memref_slice %arg7[%dma_wait3A_129, %dma_wait3A_130] : memref<250x80xi32, #tpu.memory_space<vmem>> -> memref<1x80xi32, #tpu.memory_space<vmem>>
    %dma_wait3A_132 = tpu.memref_squeeze %dma_wait3A_131 : memref<1x80xi32, #tpu.memory_space<vmem>> -> memref<80xi32, #tpu.memory_space<vmem>>
    %dma_wait3A_133 = arith.constant 0 : i32
    %dma_wait3A_134 = arith.constant 0 : i32
    %dma_wait3A_135 = tpu.memref_slice %arg13[%dma_wait3A_133, %dma_wait3A_134] : memref<10240x64xf32, #tpu.memory_space<vmem_shared>> -> memref<10240x64xf32, #tpu.memory_space<vmem_shared>>
    tpu.wait_indirect_dma semaphore(%arg19 : memref<!tpu.dma_semaphore, #tpu.memory_space<semaphore_mem>>) src(%arg9 : memref<80x64xf32, #tpu.memory_space<vmem>>) dst(%dma_wait3A_135 : memref<10240x64xf32, #tpu.memory_space<vmem_shared>>)
    %dma_wait3A_136 = arith.constant 246 : i32
    %dma_wait3A_137 = arith.constant 0 : i32
    %dma_wait3A_138 = tpu.memref_slice %arg7[%dma_wait3A_136, %dma_wait3A_137] : memref<250x80xi32, #tpu.memory_space<vmem>> -> memref<1x80xi32, #tpu.memory_space<vmem>>
    %dma_wait3A_139 = tpu.memref_squeeze %dma_wait3A_138 : memref<1x80xi32, #tpu.memory_space<vmem>> -> memref<80xi32, #tpu.memory_space<vmem>>
    %dma_wait3A_140 = arith.constant 0 : i32
    %dma_wait3A_141 = arith.constant 0 : i32
    %dma_wait3A_142 = tpu.memref_slice %arg13[%dma_wait3A_140, %dma_wait3A_141] : memref<10240x64xf32, #tpu.memory_space<vmem_shared>> -> memref<10240x64xf32, #tpu.memory_space<vmem_shared>>
    tpu.wait_indirect_dma semaphore(%arg20 : memref<!tpu.dma_semaphore, #tpu.memory_space<semaphore_mem>>) src(%arg10 : memref<80x64xf32, #tpu.memory_space<vmem>>) dst(%dma_wait3A_142 : memref<10240x64xf32, #tpu.memory_space<vmem_shared>>)
    %dma_wait3A_143 = arith.constant 247 : i32
    %dma_wait3A_144 = arith.constant 0 : i32
    %dma_wait3A_145 = tpu.memref_slice %arg7[%dma_wait3A_143, %dma_wait3A_144] : memref<250x80xi32, #tpu.memory_space<vmem>> -> memref<1x80xi32, #tpu.memory_space<vmem>>
    %dma_wait3A_146 = tpu.memref_squeeze %dma_wait3A_145 : memref<1x80xi32, #tpu.memory_space<vmem>> -> memref<80xi32, #tpu.memory_space<vmem>>
    %dma_wait3A_147 = arith.constant 0 : i32
    %dma_wait3A_148 = arith.constant 0 : i32
    %dma_wait3A_149 = tpu.memref_slice %arg13[%dma_wait3A_147, %dma_wait3A_148] : memref<10240x64xf32, #tpu.memory_space<vmem_shared>> -> memref<10240x64xf32, #tpu.memory_space<vmem_shared>>
    tpu.wait_indirect_dma semaphore(%arg21 : memref<!tpu.dma_semaphore, #tpu.memory_space<semaphore_mem>>) src(%arg11 : memref<80x64xf32, #tpu.memory_space<vmem>>) dst(%dma_wait3A_149 : memref<10240x64xf32, #tpu.memory_space<vmem_shared>>)
    %barrier3A_150 = arith.constant 0 : index
    tpu.barrier barrier_id(%barrier3A_150)
    %mul3A_151 = arith.constant 640 : i32
    %mul3A_152 = arith.muli %arg1, %mul3A_151 : i32
    %mul3A_153 = arith.constant 640 : i32
    %mul3A_154 = arith.muli %arg1, %mul3A_153 : i32
    "tpu.region"() ({
      %run_scoped3A = tpu.sem_alloc : memref<!tpu.dma_semaphore, #tpu.memory_space<semaphore_mem>>
      %dma_start3A_155 = arith.constant 0 : i32
      %dma_start3A_156 = tpu.memref_slice %arg5[%arg0, %mul3A_154, %dma_start3A_155] : memref<2x10240x64xf32, #tpu.memory_space<hbm>> -> memref<1x640x64xf32, #tpu.memory_space<hbm>>
      %dma_start3A_157 = tpu.memref_squeeze %dma_start3A_156 : memref<1x640x64xf32, #tpu.memory_space<hbm>> -> memref<640x64xf32, #tpu.memory_space<hbm>>
      %dma_start3A_158 = arith.constant 0 : i32
      %dma_start3A_159 = tpu.memref_slice %arg13[%mul3A_152, %dma_start3A_158] : memref<10240x64xf32, #tpu.memory_space<vmem_shared>> -> memref<640x64xf32, #tpu.memory_space<vmem_shared>>
      tpu.enqueue_dma source(%dma_start3A_159 : memref<640x64xf32, #tpu.memory_space<vmem_shared>>) target(%dma_start3A_157 : memref<640x64xf32, #tpu.memory_space<hbm>>) target_semaphore(%run_scoped3A : memref<!tpu.dma_semaphore, #tpu.memory_space<semaphore_mem>>)
      %dma_wait3A_160 = arith.constant 0 : i32
      %dma_wait3A_161 = tpu.memref_slice %arg5[%arg0, %mul3A_154, %dma_wait3A_160] : memref<2x10240x64xf32, #tpu.memory_space<hbm>> -> memref<1x640x64xf32, #tpu.memory_space<hbm>>
      %dma_wait3A_162 = tpu.memref_squeeze %dma_wait3A_161 : memref<1x640x64xf32, #tpu.memory_space<hbm>> -> memref<640x64xf32, #tpu.memory_space<hbm>>
      %dma_wait3A_163 = arith.constant 0 : i32
      %dma_wait3A_164 = tpu.memref_slice %arg13[%mul3A_152, %dma_wait3A_163] : memref<10240x64xf32, #tpu.memory_space<vmem_shared>> -> memref<640x64xf32, #tpu.memory_space<vmem_shared>>
      tpu.wait_dma2 semaphore(%run_scoped3A : memref<!tpu.dma_semaphore, #tpu.memory_space<semaphore_mem>>) src(%dma_wait3A_164 : memref<640x64xf32, #tpu.memory_space<vmem_shared>>) dst(%dma_wait3A_162 : memref<640x64xf32, #tpu.memory_space<hbm>>)
      tpu.yield
    }) : () -> ()
    return
  }
}

#map = affine_map<(d0, d1) -> (0, 0, 0)>
#map1 = affine_map<(d0, d1) -> (0, 0)>
module attributes {stable_mosaic.version = 14 : i64} {
  func.func @_deg_body(%arg0: i32, %arg1: i32, %arg2: memref<16x250x80xi32, #tpu.memory_space<hbm>>, %arg3: memref<2x10240xf32, #tpu.memory_space<hbm>>, %arg4: memref<125x80xi32, #tpu.memory_space<vmem>>, %arg5: memref<80xf32, #tpu.memory_space<vmem>>, %arg6: memref<640xf32, #tpu.memory_space<vmem>>, %arg7: memref<10240xf32, #tpu.memory_space<vmem_shared>>) attributes {dimension_semantics = [#tpu.dimension_semantics<core_parallel>, #tpu.dimension_semantics<subcore_parallel>], iteration_bounds = array<i64: 2, 16>, scalar_prefetch = 0 : i64, scratch_operands = 4 : i64, tpu.core_type = #tpu.core_type<sc_vector_subcore>, window_params = [{transform_indices = #map}, {transform_indices = #map1}]} {
    %broadcast_in_dim3A = arith.constant 0.000000e+00 : f32
    %broadcast_in_dim3A_0 = vector.broadcast %broadcast_in_dim3A : f32 to vector<16xf32>
    %scan3A = arith.constant 0 : i32
    %scan3A_1 = arith.constant 0 : i32
    %scan3A_2 = arith.constant 40 : i32
    %scan3A_3 = arith.addi %scan3A_1, %scan3A_2 : i32
    %scan3A_4 = arith.constant 1 : i32
    %scan3A_5 = scf.for %scan3A_29 = %scan3A_1 to %scan3A_3 step %scan3A_4 iter_args(%scan3A_30 = %scan3A) -> (i32)  : i32 {
      %mul3A_31 = arith.constant 16 : i32
      %mul3A_32 = arith.muli %scan3A_29, %mul3A_31 : i32
      %swap3A = arith.index_cast %mul3A_32 : i32 to index
      %swap3A_33 = tpu.vector_load %arg6[%swap3A] {strides = array<i32>} : memref<640xf32, #tpu.memory_space<vmem>>, vector<16xf32>,
      %swap3A_34 = vector.shape_cast %swap3A_33 : vector<16xf32> to vector<16xf32>
      %swap3A_35 = vector.shape_cast %broadcast_in_dim3A_0 : vector<16xf32> to vector<16xf32>
      tpu.vector_store %arg6[%swap3A], %swap3A_35 {strides = array<i32>} : memref<640xf32, #tpu.memory_space<vmem>>, vector<16xf32>,
      %scan3A_36 = arith.constant 0 : i32
      scf.yield %scan3A_36 : i32
    }
    %scan3A_6 = arith.constant 40 : i32
    %mul3A = arith.constant 640 : i32
    %mul3A_7 = arith.muli %arg1, %mul3A : i32
    "tpu.region"() ({
      %run_scoped3A = tpu.sem_alloc : memref<!tpu.dma_semaphore, #tpu.memory_space<semaphore_mem>>
      %dma_start3A = tpu.memref_slice %arg7[%mul3A_7] : memref<10240xf32, #tpu.memory_space<vmem_shared>> -> memref<640xf32, #tpu.memory_space<vmem_shared>>
      %dma_start3A_29 = tpu.memref_slice %arg7[%mul3A_7] : memref<10240xf32, #tpu.memory_space<vmem_shared>> -> memref<640xf32, #tpu.memory_space<vmem_shared>>
      tpu.enqueue_dma source(%arg6 : memref<640xf32, #tpu.memory_space<vmem>>) target(%dma_start3A_29 : memref<640xf32, #tpu.memory_space<vmem_shared>>) target_semaphore(%run_scoped3A : memref<!tpu.dma_semaphore, #tpu.memory_space<semaphore_mem>>)
      %dma_wait3A = tpu.memref_slice %arg7[%mul3A_7] : memref<10240xf32, #tpu.memory_space<vmem_shared>> -> memref<640xf32, #tpu.memory_space<vmem_shared>>
      %dma_wait3A_30 = tpu.memref_slice %arg7[%mul3A_7] : memref<10240xf32, #tpu.memory_space<vmem_shared>> -> memref<640xf32, #tpu.memory_space<vmem_shared>>
      tpu.wait_dma2 semaphore(%run_scoped3A : memref<!tpu.dma_semaphore, #tpu.memory_space<semaphore_mem>>) src(%arg6 : memref<640xf32, #tpu.memory_space<vmem>>) dst(%dma_wait3A_30 : memref<640xf32, #tpu.memory_space<vmem_shared>>)
      tpu.yield
    }) : () -> ()
    %scan3A_8 = arith.constant 0 : i32
    %scan3A_9 = arith.constant 0 : i32
    %scan3A_10 = arith.constant 5 : i32
    %scan3A_11 = arith.addi %scan3A_9, %scan3A_10 : i32
    %scan3A_12 = arith.constant 1 : i32
    %scan3A_13 = scf.for %scan3A_29 = %scan3A_9 to %scan3A_11 step %scan3A_12 iter_args(%scan3A_30 = %scan3A_8) -> (i32)  : i32 {
      %broadcast_in_dim3A_31 = arith.constant 1.000000e+00 : f32
      %broadcast_in_dim3A_32 = vector.broadcast %broadcast_in_dim3A_31 : f32 to vector<16xf32>
      %mul3A_33 = arith.constant 16 : i32
      %mul3A_34 = arith.muli %scan3A_29, %mul3A_33 : i32
      %swap3A = arith.index_cast %mul3A_34 : i32 to index
      %swap3A_35 = tpu.vector_load %arg5[%swap3A] {strides = array<i32>} : memref<80xf32, #tpu.memory_space<vmem>>, vector<16xf32>,
      %swap3A_36 = vector.shape_cast %swap3A_35 : vector<16xf32> to vector<16xf32>
      %swap3A_37 = vector.shape_cast %broadcast_in_dim3A_32 : vector<16xf32> to vector<16xf32>
      tpu.vector_store %arg5[%swap3A], %swap3A_37 {strides = array<i32>} : memref<80xf32, #tpu.memory_space<vmem>>, vector<16xf32>,
      %scan3A_38 = arith.constant 0 : i32
      scf.yield %scan3A_38 : i32
    }
    %scan3A_14 = arith.constant 5 : i32
    %barrier3A = arith.constant 0 : index
    tpu.barrier barrier_id(%barrier3A)
    %mul3A_15 = arith.constant 125 : i32
    %mul3A_16 = arith.muli %arg0, %mul3A_15 : i32
    "tpu.region"() ({
      %run_scoped3A = tpu.sem_alloc : memref<!tpu.dma_semaphore, #tpu.memory_space<semaphore_mem>>
      %dma_start3A = arith.constant 0 : i32
      %dma_start3A_29 = tpu.memref_slice %arg2[%arg1, %mul3A_16, %dma_start3A] : memref<16x250x80xi32, #tpu.memory_space<hbm>> -> memref<1x125x80xi32, #tpu.memory_space<hbm>>
      %dma_start3A_30 = tpu.memref_squeeze %dma_start3A_29 : memref<1x125x80xi32, #tpu.memory_space<hbm>> -> memref<125x80xi32, #tpu.memory_space<hbm>>
      %dma_start3A_31 = arith.constant 0 : i32
      %dma_start3A_32 = tpu.memref_slice %arg2[%arg1, %mul3A_16, %dma_start3A_31] : memref<16x250x80xi32, #tpu.memory_space<hbm>> -> memref<1x125x80xi32, #tpu.memory_space<hbm>>
      %dma_start3A_33 = tpu.memref_squeeze %dma_start3A_32 : memref<1x125x80xi32, #tpu.memory_space<hbm>> -> memref<125x80xi32, #tpu.memory_space<hbm>>
      tpu.enqueue_dma source(%dma_start3A_33 : memref<125x80xi32, #tpu.memory_space<hbm>>) target(%arg4 : memref<125x80xi32, #tpu.memory_space<vmem>>) target_semaphore(%run_scoped3A : memref<!tpu.dma_semaphore, #tpu.memory_space<semaphore_mem>>)
      %dma_wait3A = arith.constant 0 : i32
      %dma_wait3A_34 = tpu.memref_slice %arg2[%arg1, %mul3A_16, %dma_wait3A] : memref<16x250x80xi32, #tpu.memory_space<hbm>> -> memref<1x125x80xi32, #tpu.memory_space<hbm>>
      %dma_wait3A_35 = tpu.memref_squeeze %dma_wait3A_34 : memref<1x125x80xi32, #tpu.memory_space<hbm>> -> memref<125x80xi32, #tpu.memory_space<hbm>>
      %dma_wait3A_36 = arith.constant 0 : i32
      %dma_wait3A_37 = tpu.memref_slice %arg2[%arg1, %mul3A_16, %dma_wait3A_36] : memref<16x250x80xi32, #tpu.memory_space<hbm>> -> memref<1x125x80xi32, #tpu.memory_space<hbm>>
      %dma_wait3A_38 = tpu.memref_squeeze %dma_wait3A_37 : memref<1x125x80xi32, #tpu.memory_space<hbm>> -> memref<125x80xi32, #tpu.memory_space<hbm>>
      tpu.wait_dma2 semaphore(%run_scoped3A : memref<!tpu.dma_semaphore, #tpu.memory_space<semaphore_mem>>) src(%dma_wait3A_38 : memref<125x80xi32, #tpu.memory_space<hbm>>) dst(%arg4 : memref<125x80xi32, #tpu.memory_space<vmem>>)
      tpu.yield
    }) : () -> ()
    %scan3A_17 = arith.constant 0 : i32
    %scan3A_18 = arith.constant 0 : i32
    %scan3A_19 = arith.constant 125 : i32
    %scan3A_20 = arith.addi %scan3A_18, %scan3A_19 : i32
    %scan3A_21 = arith.constant 1 : i32
    %scan3A_22 = scf.for %scan3A_29 = %scan3A_18 to %scan3A_20 step %scan3A_21 iter_args(%scan3A_30 = %scan3A_17) -> (i32)  : i32 {
      "tpu.region"() ({
        %run_scoped3A = tpu.sem_alloc : memref<!tpu.dma_semaphore, #tpu.memory_space<semaphore_mem>>
        %dma_start3A = arith.constant 0 : i32
        %dma_start3A_32 = tpu.memref_slice %arg4[%scan3A_29, %dma_start3A] : memref<125x80xi32, #tpu.memory_space<vmem>> -> memref<1x80xi32, #tpu.memory_space<vmem>>
        %dma_start3A_33 = tpu.memref_squeeze %dma_start3A_32 : memref<1x80xi32, #tpu.memory_space<vmem>> -> memref<80xi32, #tpu.memory_space<vmem>>
        %dma_start3A_34 = arith.constant 0 : i32
        %dma_start3A_35 = tpu.memref_slice %arg7[%dma_start3A_34] : memref<10240xf32, #tpu.memory_space<vmem_shared>> -> memref<10240xf32, #tpu.memory_space<vmem_shared>>
        tpu.enqueue_indirect_dma source(%arg5 : memref<80xf32, #tpu.memory_space<vmem>>) target(%dma_start3A_35 : memref<10240xf32, #tpu.memory_space<vmem_shared>>) offsets(%dma_start3A_33 : memref<80xi32, #tpu.memory_space<vmem>>) semaphore(%run_scoped3A : memref<!tpu.dma_semaphore, #tpu.memory_space<semaphore_mem>>) {add = true}
        %dma_wait3A = arith.constant 0 : i32
        %dma_wait3A_36 = tpu.memref_slice %arg4[%scan3A_29, %dma_wait3A] : memref<125x80xi32, #tpu.memory_space<vmem>> -> memref<1x80xi32, #tpu.memory_space<vmem>>
        %dma_wait3A_37 = tpu.memref_squeeze %dma_wait3A_36 : memref<1x80xi32, #tpu.memory_space<vmem>> -> memref<80xi32, #tpu.memory_space<vmem>>
        %dma_wait3A_38 = arith.constant 0 : i32
        %dma_wait3A_39 = tpu.memref_slice %arg7[%dma_wait3A_38] : memref<10240xf32, #tpu.memory_space<vmem_shared>> -> memref<10240xf32, #tpu.memory_space<vmem_shared>>
        tpu.wait_indirect_dma semaphore(%run_scoped3A : memref<!tpu.dma_semaphore, #tpu.memory_space<semaphore_mem>>) src(%arg5 : memref<80xf32, #tpu.memory_space<vmem>>) dst(%dma_wait3A_39 : memref<10240xf32, #tpu.memory_space<vmem_shared>>)
        tpu.yield
      }) : () -> ()
      %scan3A_31 = arith.constant 0 : i32
      scf.yield %scan3A_31 : i32
    }
    %scan3A_23 = arith.constant 125 : i32
    %barrier3A_24 = arith.constant 0 : index
    tpu.barrier barrier_id(%barrier3A_24)
    %mul3A_25 = arith.constant 640 : i32
    %mul3A_26 = arith.muli %arg1, %mul3A_25 : i32
    %mul3A_27 = arith.constant 640 : i32
    %mul3A_28 = arith.muli %arg1, %mul3A_27 : i32
    "tpu.region"() ({
      %run_scoped3A = tpu.sem_alloc : memref<!tpu.dma_semaphore, #tpu.memory_space<semaphore_mem>>
      %dma_start3A = tpu.memref_slice %arg3[%arg0, %mul3A_28] : memref<2x10240xf32, #tpu.memory_space<hbm>> -> memref<1x640xf32, #tpu.memory_space<hbm>>
      %dma_start3A_29 = tpu.memref_squeeze %dma_start3A : memref<1x640xf32, #tpu.memory_space<hbm>> -> memref<640xf32, #tpu.memory_space<hbm>>
      %dma_start3A_30 = tpu.memref_slice %arg7[%mul3A_26] : memref<10240xf32, #tpu.memory_space<vmem_shared>> -> memref<640xf32, #tpu.memory_space<vmem_shared>>
      tpu.enqueue_dma source(%dma_start3A_30 : memref<640xf32, #tpu.memory_space<vmem_shared>>) target(%dma_start3A_29 : memref<640xf32, #tpu.memory_space<hbm>>) target_semaphore(%run_scoped3A : memref<!tpu.dma_semaphore, #tpu.memory_space<semaphore_mem>>)
      %dma_wait3A = tpu.memref_slice %arg3[%arg0, %mul3A_28] : memref<2x10240xf32, #tpu.memory_space<hbm>> -> memref<1x640xf32, #tpu.memory_space<hbm>>
      %dma_wait3A_31 = tpu.memref_squeeze %dma_wait3A : memref<1x640xf32, #tpu.memory_space<hbm>> -> memref<640xf32, #tpu.memory_space<hbm>>
      %dma_wait3A_32 = tpu.memref_slice %arg7[%mul3A_26] : memref<10240xf32, #tpu.memory_space<vmem_shared>> -> memref<640xf32, #tpu.memory_space<vmem_shared>>
      tpu.wait_dma2 semaphore(%run_scoped3A : memref<!tpu.dma_semaphore, #tpu.memory_space<semaphore_mem>>) src(%dma_wait3A_32 : memref<640xf32, #tpu.memory_space<vmem_shared>>) dst(%dma_wait3A_31 : memref<640xf32, #tpu.memory_space<hbm>>)
      tpu.yield
    }) : () -> ()
    return
  }
}

#map = affine_map<(d0, d1) -> (0, 0, 0)>
module attributes {stable_mosaic.version = 14 : i64} {
  func.func @_segsum_body(%arg0: i32, %arg1: i32, %arg2: memref<2x10000x64xf32, #tpu.memory_space<hbm>>, %arg3: memref<16x250x80xi32, #tpu.memory_space<hbm>>, %arg4: memref<16x250x80xi32, #tpu.memory_space<hbm>>, %arg5: memref<2x10240x64xf32, #tpu.memory_space<hbm>>, %arg6: memref<250x80xi32, #tpu.memory_space<vmem>>, %arg7: memref<250x80xi32, #tpu.memory_space<vmem>>, %arg8: memref<80x64xf32, #tpu.memory_space<vmem>>, %arg9: memref<80x64xf32, #tpu.memory_space<vmem>>, %arg10: memref<80x64xf32, #tpu.memory_space<vmem>>, %arg11: memref<80x64xf32, #tpu.memory_space<vmem>>, %arg12: memref<80x64xf32, #tpu.memory_space<vmem>>, %arg13: memref<10240x64xf32, #tpu.memory_space<vmem_shared>>, %arg14: memref<!tpu.dma_semaphore, #tpu.memory_space<semaphore_mem>>, %arg15: memref<!tpu.dma_semaphore, #tpu.memory_space<semaphore_mem>>, %arg16: memref<!tpu.dma_semaphore, #tpu.memory_space<semaphore_mem>>, %arg17: memref<!tpu.dma_semaphore, #tpu.memory_space<semaphore_mem>>, %arg18: memref<!tpu.dma_semaphore, #tpu.memory_space<semaphore_mem>>, %arg19: memref<!tpu.dma_semaphore, #tpu.memory_space<semaphore_mem>>, %arg20: memref<!tpu.dma_semaphore, #tpu.memory_space<semaphore_mem>>, %arg21: memref<!tpu.dma_semaphore, #tpu.memory_space<semaphore_mem>>) attributes {dimension_semantics = [#tpu.dimension_semantics<core_parallel>, #tpu.dimension_semantics<subcore_parallel>], iteration_bounds = array<i64: 2, 16>, scalar_prefetch = 0 : i64, scratch_operands = 16 : i64, tpu.core_type = #tpu.core_type<sc_vector_subcore>, window_params = [{transform_indices = #map}, {transform_indices = #map}, {transform_indices = #map}, {transform_indices = #map}]} {
    %broadcast_in_dim3A = arith.constant 0.000000e+00 : f32
    %broadcast_in_dim3A_0 = vector.broadcast %broadcast_in_dim3A : f32 to vector<16xf32>
    %scan3A = arith.constant 0 : i32
    %scan3A_1 = arith.constant 0 : i32
    %scan3A_2 = arith.constant 320 : i32
    %scan3A_3 = arith.addi %scan3A_1, %scan3A_2 : i32
    %scan3A_4 = arith.constant 1 : i32
    %scan3A_5 = scf.for %scan3A_155 = %scan3A_1 to %scan3A_3 step %scan3A_4 iter_args(%scan3A_156 = %scan3A) -> (i32)  : i32 {
      %jit3A = arith.constant 4 : i32
      %div3A = arith.divsi %scan3A_155, %jit3A : i32
      %sign3A = arith.constant 0 : i32
      %sign3A_157 = arith.cmpi sgt, %scan3A_155, %sign3A : i32
      %sign3A_158 = arith.extui %sign3A_157 : i1 to i32
      %sign3A_159 = arith.constant 0 : i32
      %sign3A_160 = arith.cmpi slt, %scan3A_155, %sign3A_159 : i32
      %sign3A_161 = arith.extui %sign3A_160 : i1 to i32
      %sign3A_162 = arith.subi %sign3A_158, %sign3A_161 : i32
      %sign3A_163 = arith.constant 0 : i32
      %sign3A_164 = arith.cmpi sgt, %jit3A, %sign3A_163 : i32
      %sign3A_165 = arith.extui %sign3A_164 : i1 to i32
      %sign3A_166 = arith.constant 0 : i32
      %sign3A_167 = arith.cmpi slt, %jit3A, %sign3A_166 : i32
      %sign3A_168 = arith.extui %sign3A_167 : i1 to i32
      %sign3A_169 = arith.subi %sign3A_165, %sign3A_168 : i32
      %ne3A = arith.cmpi ne, %sign3A_162, %sign3A_169 : i32
      %rem3A = arith.remsi %scan3A_155, %jit3A : i32
      %ne3A_170 = arith.constant 0 : i32
      %ne3A_171 = arith.cmpi ne, %rem3A, %ne3A_170 : i32
      %and3A = arith.andi %ne3A, %ne3A_171 : i1
      %sub3A = arith.constant 1 : i32
      %sub3A_172 = arith.subi %div3A, %sub3A : i32
      %select_n3A = arith.select %and3A, %sub3A_172, %div3A : i32
      %jit3A_173 = arith.constant 4 : i32
      %eq3A = arith.constant 0 : i32
      %eq3A_174 = arith.cmpi eq, %jit3A_173, %eq3A : i32
      %jit3A_175 = arith.constant 1 : i32
      %select_n3A_176 = arith.select %eq3A_174, %jit3A_175, %jit3A_173 : i32
      %rem3A_177 = arith.remsi %scan3A_155, %select_n3A_176 : i32
      %ne3A_178 = arith.constant 0 : i32
      %ne3A_179 = arith.cmpi ne, %rem3A_177, %ne3A_178 : i32
      %lt3A = arith.constant 0 : i32
      %lt3A_180 = arith.cmpi slt, %rem3A_177, %lt3A : i32
      %lt3A_181 = arith.constant 0 : i32
      %lt3A_182 = arith.cmpi slt, %select_n3A_176, %lt3A_181 : i32
      %ne3A_183 = arith.xori %lt3A_180, %lt3A_182 : i1
      %and3A_184 = arith.andi %ne3A_183, %ne3A_179 : i1
      %add3A_185 = arith.addi %rem3A_177, %select_n3A_176 : i32
      %select_n3A_186 = arith.select %and3A_184, %add3A_185, %rem3A_177 : i32
      %mul3A_187 = arith.constant 16 : i32
      %mul3A_188 = arith.muli %select_n3A_186, %mul3A_187 : i32
      %swap3A = arith.index_cast %select_n3A : i32 to index
      %swap3A_189 = arith.index_cast %mul3A_188 : i32 to index
      %swap3A_190 = tpu.vector_load %arg12[%swap3A, %swap3A_189] {strides = array<i32>} : memref<80x64xf32, #tpu.memory_space<vmem>>, vector<1x16xf32>,
      %swap3A_191 = vector.shape_cast %swap3A_190 : vector<1x16xf32> to vector<16xf32>
      %swap3A_192 = vector.shape_cast %broadcast_in_dim3A_0 : vector<16xf32> to vector<1x16xf32>
      tpu.vector_store %arg12[%swap3A, %swap3A_189], %swap3A_192 {strides = array<i32>} : memref<80x64xf32, #tpu.memory_space<vmem>>, vector<1x16xf32>,
      %scan3A_193 = arith.constant 0 : i32
      scf.yield %scan3A_193 : i32
    }
    %scan3A_6 = arith.constant 320 : i32
    %mul3A = arith.constant 640 : i32
    %mul3A_7 = arith.muli %arg1, %mul3A : i32
    %add3A = arith.constant 0 : i32
    %add3A_8 = arith.addi %mul3A_7, %add3A : i32
    "tpu.region"() ({
      %run_scoped3A = tpu.sem_alloc : memref<!tpu.dma_semaphore, #tpu.memory_space<semaphore_mem>>
      %dma_start3A_155 = arith.constant 0 : i32
      %dma_start3A_156 = tpu.memref_slice %arg13[%add3A_8, %dma_start3A_155] : memref<10240x64xf32, #tpu.memory_space<vmem_shared>> -> memref<80x64xf32, #tpu.memory_space<vmem_shared>>
      %dma_start3A_157 = arith.constant 0 : i32
      %dma_start3A_158 = tpu.memref_slice %arg13[%add3A_8, %dma_start3A_157] : memref<10240x64xf32, #tpu.memory_space<vmem_shared>> -> memref<80x64xf32, #tpu.memory_space<vmem_shared>>
      tpu.enqueue_dma source(%arg12 : memref<80x64xf32, #tpu.memory_space<vmem>>) target(%dma_start3A_158 : memref<80x64xf32, #tpu.memory_space<vmem_shared>>) target_semaphore(%run_scoped3A : memref<!tpu.dma_semaphore, #tpu.memory_space<semaphore_mem>>)
      %dma_wait3A_159 = arith.constant 0 : i32
      %dma_wait3A_160 = tpu.memref_slice %arg13[%add3A_8, %dma_wait3A_159] : memref<10240x64xf32, #tpu.memory_space<vmem_shared>> -> memref<80x64xf32, #tpu.memory_space<vmem_shared>>
      %dma_wait3A_161 = arith.constant 0 : i32
      %dma_wait3A_162 = tpu.memref_slice %arg13[%add3A_8, %dma_wait3A_161] : memref<10240x64xf32, #tpu.memory_space<vmem_shared>> -> memref<80x64xf32, #tpu.memory_space<vmem_shared>>
      tpu.wait_dma2 semaphore(%run_scoped3A : memref<!tpu.dma_semaphore, #tpu.memory_space<semaphore_mem>>) src(%arg12 : memref<80x64xf32, #tpu.memory_space<vmem>>) dst(%dma_wait3A_162 : memref<80x64xf32, #tpu.memory_space<vmem_shared>>)
      tpu.yield
    }) : () -> ()
    %mul3A_9 = arith.constant 640 : i32
    %mul3A_10 = arith.muli %arg1, %mul3A_9 : i32
    %add3A_11 = arith.constant 80 : i32
    %add3A_12 = arith.addi %mul3A_10, %add3A_11 : i32
    "tpu.region"() ({
      %run_scoped3A = tpu.sem_alloc : memref<!tpu.dma_semaphore, #tpu.memory_space<semaphore_mem>>
      %dma_start3A_155 = arith.constant 0 : i32
      %dma_start3A_156 = tpu.memref_slice %arg13[%add3A_12, %dma_start3A_155] : memref<10240x64xf32, #tpu.memory_space<vmem_shared>> -> memref<80x64xf32, #tpu.memory_space<vmem_shared>>
      %dma_start3A_157 = arith.constant 0 : i32
      %dma_start3A_158 = tpu.memref_slice %arg13[%add3A_12, %dma_start3A_157] : memref<10240x64xf32, #tpu.memory_space<vmem_shared>> -> memref<80x64xf32, #tpu.memory_space<vmem_shared>>
      tpu.enqueue_dma source(%arg12 : memref<80x64xf32, #tpu.memory_space<vmem>>) target(%dma_start3A_158 : memref<80x64xf32, #tpu.memory_space<vmem_shared>>) target_semaphore(%run_scoped3A : memref<!tpu.dma_semaphore, #tpu.memory_space<semaphore_mem>>)
      %dma_wait3A_159 = arith.constant 0 : i32
      %dma_wait3A_160 = tpu.memref_slice %arg13[%add3A_12, %dma_wait3A_159] : memref<10240x64xf32, #tpu.memory_space<vmem_shared>> -> memref<80x64xf32, #tpu.memory_space<vmem_shared>>
      %dma_wait3A_161 = arith.constant 0 : i32
      %dma_wait3A_162 = tpu.memref_slice %arg13[%add3A_12, %dma_wait3A_161] : memref<10240x64xf32, #tpu.memory_space<vmem_shared>> -> memref<80x64xf32, #tpu.memory_space<vmem_shared>>
      tpu.wait_dma2 semaphore(%run_scoped3A : memref<!tpu.dma_semaphore, #tpu.memory_space<semaphore_mem>>) src(%arg12 : memref<80x64xf32, #tpu.memory_space<vmem>>) dst(%dma_wait3A_162 : memref<80x64xf32, #tpu.memory_space<vmem_shared>>)
      tpu.yield
    }) : () -> ()
    %mul3A_13 = arith.constant 640 : i32
    %mul3A_14 = arith.muli %arg1, %mul3A_13 : i32
    %add3A_15 = arith.constant 160 : i32
    %add3A_16 = arith.addi %mul3A_14, %add3A_15 : i32
    "tpu.region"() ({
      %run_scoped3A = tpu.sem_alloc : memref<!tpu.dma_semaphore, #tpu.memory_space<semaphore_mem>>
      %dma_start3A_155 = arith.constant 0 : i32
      %dma_start3A_156 = tpu.memref_slice %arg13[%add3A_16, %dma_start3A_155] : memref<10240x64xf32, #tpu.memory_space<vmem_shared>> -> memref<80x64xf32, #tpu.memory_space<vmem_shared>>
      %dma_start3A_157 = arith.constant 0 : i32
      %dma_start3A_158 = tpu.memref_slice %arg13[%add3A_16, %dma_start3A_157] : memref<10240x64xf32, #tpu.memory_space<vmem_shared>> -> memref<80x64xf32, #tpu.memory_space<vmem_shared>>
      tpu.enqueue_dma source(%arg12 : memref<80x64xf32, #tpu.memory_space<vmem>>) target(%dma_start3A_158 : memref<80x64xf32, #tpu.memory_space<vmem_shared>>) target_semaphore(%run_scoped3A : memref<!tpu.dma_semaphore, #tpu.memory_space<semaphore_mem>>)
      %dma_wait3A_159 = arith.constant 0 : i32
      %dma_wait3A_160 = tpu.memref_slice %arg13[%add3A_16, %dma_wait3A_159] : memref<10240x64xf32, #tpu.memory_space<vmem_shared>> -> memref<80x64xf32, #tpu.memory_space<vmem_shared>>
      %dma_wait3A_161 = arith.constant 0 : i32
      %dma_wait3A_162 = tpu.memref_slice %arg13[%add3A_16, %dma_wait3A_161] : memref<10240x64xf32, #tpu.memory_space<vmem_shared>> -> memref<80x64xf32, #tpu.memory_space<vmem_shared>>
      tpu.wait_dma2 semaphore(%run_scoped3A : memref<!tpu.dma_semaphore, #tpu.memory_space<semaphore_mem>>) src(%arg12 : memref<80x64xf32, #tpu.memory_space<vmem>>) dst(%dma_wait3A_162 : memref<80x64xf32, #tpu.memory_space<vmem_shared>>)
      tpu.yield
    }) : () -> ()
    %mul3A_17 = arith.constant 640 : i32
    %mul3A_18 = arith.muli %arg1, %mul3A_17 : i32
    %add3A_19 = arith.constant 240 : i32
    %add3A_20 = arith.addi %mul3A_18, %add3A_19 : i32
    "tpu.region"() ({
      %run_scoped3A = tpu.sem_alloc : memref<!tpu.dma_semaphore, #tpu.memory_space<semaphore_mem>>
      %dma_start3A_155 = arith.constant 0 : i32
      %dma_start3A_156 = tpu.memref_slice %arg13[%add3A_20, %dma_start3A_155] : memref<10240x64xf32, #tpu.memory_space<vmem_shared>> -> memref<80x64xf32, #tpu.memory_space<vmem_shared>>
      %dma_start3A_157 = arith.constant 0 : i32
      %dma_start3A_158 = tpu.memref_slice %arg13[%add3A_20, %dma_start3A_157] : memref<10240x64xf32, #tpu.memory_space<vmem_shared>> -> memref<80x64xf32, #tpu.memory_space<vmem_shared>>
      tpu.enqueue_dma source(%arg12 : memref<80x64xf32, #tpu.memory_space<vmem>>) target(%dma_start3A_158 : memref<80x64xf32, #tpu.memory_space<vmem_shared>>) target_semaphore(%run_scoped3A : memref<!tpu.dma_semaphore, #tpu.memory_space<semaphore_mem>>)
      %dma_wait3A_159 = arith.constant 0 : i32
      %dma_wait3A_160 = tpu.memref_slice %arg13[%add3A_20, %dma_wait3A_159] : memref<10240x64xf32, #tpu.memory_space<vmem_shared>> -> memref<80x64xf32, #tpu.memory_space<vmem_shared>>
      %dma_wait3A_161 = arith.constant 0 : i32
      %dma_wait3A_162 = tpu.memref_slice %arg13[%add3A_20, %dma_wait3A_161] : memref<10240x64xf32, #tpu.memory_space<vmem_shared>> -> memref<80x64xf32, #tpu.memory_space<vmem_shared>>
      tpu.wait_dma2 semaphore(%run_scoped3A : memref<!tpu.dma_semaphore, #tpu.memory_space<semaphore_mem>>) src(%arg12 : memref<80x64xf32, #tpu.memory_space<vmem>>) dst(%dma_wait3A_162 : memref<80x64xf32, #tpu.memory_space<vmem_shared>>)
      tpu.yield
    }) : () -> ()
    %mul3A_21 = arith.constant 640 : i32
    %mul3A_22 = arith.muli %arg1, %mul3A_21 : i32
    %add3A_23 = arith.constant 320 : i32
    %add3A_24 = arith.addi %mul3A_22, %add3A_23 : i32
    "tpu.region"() ({
      %run_scoped3A = tpu.sem_alloc : memref<!tpu.dma_semaphore, #tpu.memory_space<semaphore_mem>>
      %dma_start3A_155 = arith.constant 0 : i32
      %dma_start3A_156 = tpu.memref_slice %arg13[%add3A_24, %dma_start3A_155] : memref<10240x64xf32, #tpu.memory_space<vmem_shared>> -> memref<80x64xf32, #tpu.memory_space<vmem_shared>>
      %dma_start3A_157 = arith.constant 0 : i32
      %dma_start3A_158 = tpu.memref_slice %arg13[%add3A_24, %dma_start3A_157] : memref<10240x64xf32, #tpu.memory_space<vmem_shared>> -> memref<80x64xf32, #tpu.memory_space<vmem_shared>>
      tpu.enqueue_dma source(%arg12 : memref<80x64xf32, #tpu.memory_space<vmem>>) target(%dma_start3A_158 : memref<80x64xf32, #tpu.memory_space<vmem_shared>>) target_semaphore(%run_scoped3A : memref<!tpu.dma_semaphore, #tpu.memory_space<semaphore_mem>>)
      %dma_wait3A_159 = arith.constant 0 : i32
      %dma_wait3A_160 = tpu.memref_slice %arg13[%add3A_24, %dma_wait3A_159] : memref<10240x64xf32, #tpu.memory_space<vmem_shared>> -> memref<80x64xf32, #tpu.memory_space<vmem_shared>>
      %dma_wait3A_161 = arith.constant 0 : i32
      %dma_wait3A_162 = tpu.memref_slice %arg13[%add3A_24, %dma_wait3A_161] : memref<10240x64xf32, #tpu.memory_space<vmem_shared>> -> memref<80x64xf32, #tpu.memory_space<vmem_shared>>
      tpu.wait_dma2 semaphore(%run_scoped3A : memref<!tpu.dma_semaphore, #tpu.memory_space<semaphore_mem>>) src(%arg12 : memref<80x64xf32, #tpu.memory_space<vmem>>) dst(%dma_wait3A_162 : memref<80x64xf32, #tpu.memory_space<vmem_shared>>)
      tpu.yield
    }) : () -> ()
    %mul3A_25 = arith.constant 640 : i32
    %mul3A_26 = arith.muli %arg1, %mul3A_25 : i32
    %add3A_27 = arith.constant 400 : i32
    %add3A_28 = arith.addi %mul3A_26, %add3A_27 : i32
    "tpu.region"() ({
      %run_scoped3A = tpu.sem_alloc : memref<!tpu.dma_semaphore, #tpu.memory_space<semaphore_mem>>
      %dma_start3A_155 = arith.constant 0 : i32
      %dma_start3A_156 = tpu.memref_slice %arg13[%add3A_28, %dma_start3A_155] : memref<10240x64xf32, #tpu.memory_space<vmem_shared>> -> memref<80x64xf32, #tpu.memory_space<vmem_shared>>
      %dma_start3A_157 = arith.constant 0 : i32
      %dma_start3A_158 = tpu.memref_slice %arg13[%add3A_28, %dma_start3A_157] : memref<10240x64xf32, #tpu.memory_space<vmem_shared>> -> memref<80x64xf32, #tpu.memory_space<vmem_shared>>
      tpu.enqueue_dma source(%arg12 : memref<80x64xf32, #tpu.memory_space<vmem>>) target(%dma_start3A_158 : memref<80x64xf32, #tpu.memory_space<vmem_shared>>) target_semaphore(%run_scoped3A : memref<!tpu.dma_semaphore, #tpu.memory_space<semaphore_mem>>)
      %dma_wait3A_159 = arith.constant 0 : i32
      %dma_wait3A_160 = tpu.memref_slice %arg13[%add3A_28, %dma_wait3A_159] : memref<10240x64xf32, #tpu.memory_space<vmem_shared>> -> memref<80x64xf32, #tpu.memory_space<vmem_shared>>
      %dma_wait3A_161 = arith.constant 0 : i32
      %dma_wait3A_162 = tpu.memref_slice %arg13[%add3A_28, %dma_wait3A_161] : memref<10240x64xf32, #tpu.memory_space<vmem_shared>> -> memref<80x64xf32, #tpu.memory_space<vmem_shared>>
      tpu.wait_dma2 semaphore(%run_scoped3A : memref<!tpu.dma_semaphore, #tpu.memory_space<semaphore_mem>>) src(%arg12 : memref<80x64xf32, #tpu.memory_space<vmem>>) dst(%dma_wait3A_162 : memref<80x64xf32, #tpu.memory_space<vmem_shared>>)
      tpu.yield
    }) : () -> ()
    %mul3A_29 = arith.constant 640 : i32
    %mul3A_30 = arith.muli %arg1, %mul3A_29 : i32
    %add3A_31 = arith.constant 480 : i32
    %add3A_32 = arith.addi %mul3A_30, %add3A_31 : i32
    "tpu.region"() ({
      %run_scoped3A = tpu.sem_alloc : memref<!tpu.dma_semaphore, #tpu.memory_space<semaphore_mem>>
      %dma_start3A_155 = arith.constant 0 : i32
      %dma_start3A_156 = tpu.memref_slice %arg13[%add3A_32, %dma_start3A_155] : memref<10240x64xf32, #tpu.memory_space<vmem_shared>> -> memref<80x64xf32, #tpu.memory_space<vmem_shared>>
      %dma_start3A_157 = arith.constant 0 : i32
      %dma_start3A_158 = tpu.memref_slice %arg13[%add3A_32, %dma_start3A_157] : memref<10240x64xf32, #tpu.memory_space<vmem_shared>> -> memref<80x64xf32, #tpu.memory_space<vmem_shared>>
      tpu.enqueue_dma source(%arg12 : memref<80x64xf32, #tpu.memory_space<vmem>>) target(%dma_start3A_158 : memref<80x64xf32, #tpu.memory_space<vmem_shared>>) target_semaphore(%run_scoped3A : memref<!tpu.dma_semaphore, #tpu.memory_space<semaphore_mem>>)
      %dma_wait3A_159 = arith.constant 0 : i32
      %dma_wait3A_160 = tpu.memref_slice %arg13[%add3A_32, %dma_wait3A_159] : memref<10240x64xf32, #tpu.memory_space<vmem_shared>> -> memref<80x64xf32, #tpu.memory_space<vmem_shared>>
      %dma_wait3A_161 = arith.constant 0 : i32
      %dma_wait3A_162 = tpu.memref_slice %arg13[%add3A_32, %dma_wait3A_161] : memref<10240x64xf32, #tpu.memory_space<vmem_shared>> -> memref<80x64xf32, #tpu.memory_space<vmem_shared>>
      tpu.wait_dma2 semaphore(%run_scoped3A : memref<!tpu.dma_semaphore, #tpu.memory_space<semaphore_mem>>) src(%arg12 : memref<80x64xf32, #tpu.memory_space<vmem>>) dst(%dma_wait3A_162 : memref<80x64xf32, #tpu.memory_space<vmem_shared>>)
      tpu.yield
    }) : () -> ()
    %mul3A_33 = arith.constant 640 : i32
    %mul3A_34 = arith.muli %arg1, %mul3A_33 : i32
    %add3A_35 = arith.constant 560 : i32
    %add3A_36 = arith.addi %mul3A_34, %add3A_35 : i32
    "tpu.region"() ({
      %run_scoped3A = tpu.sem_alloc : memref<!tpu.dma_semaphore, #tpu.memory_space<semaphore_mem>>
      %dma_start3A_155 = arith.constant 0 : i32
      %dma_start3A_156 = tpu.memref_slice %arg13[%add3A_36, %dma_start3A_155] : memref<10240x64xf32, #tpu.memory_space<vmem_shared>> -> memref<80x64xf32, #tpu.memory_space<vmem_shared>>
      %dma_start3A_157 = arith.constant 0 : i32
      %dma_start3A_158 = tpu.memref_slice %arg13[%add3A_36, %dma_start3A_157] : memref<10240x64xf32, #tpu.memory_space<vmem_shared>> -> memref<80x64xf32, #tpu.memory_space<vmem_shared>>
      tpu.enqueue_dma source(%arg12 : memref<80x64xf32, #tpu.memory_space<vmem>>) target(%dma_start3A_158 : memref<80x64xf32, #tpu.memory_space<vmem_shared>>) target_semaphore(%run_scoped3A : memref<!tpu.dma_semaphore, #tpu.memory_space<semaphore_mem>>)
      %dma_wait3A_159 = arith.constant 0 : i32
      %dma_wait3A_160 = tpu.memref_slice %arg13[%add3A_36, %dma_wait3A_159] : memref<10240x64xf32, #tpu.memory_space<vmem_shared>> -> memref<80x64xf32, #tpu.memory_space<vmem_shared>>
      %dma_wait3A_161 = arith.constant 0 : i32
      %dma_wait3A_162 = tpu.memref_slice %arg13[%add3A_36, %dma_wait3A_161] : memref<10240x64xf32, #tpu.memory_space<vmem_shared>> -> memref<80x64xf32, #tpu.memory_space<vmem_shared>>
      tpu.wait_dma2 semaphore(%run_scoped3A : memref<!tpu.dma_semaphore, #tpu.memory_space<semaphore_mem>>) src(%arg12 : memref<80x64xf32, #tpu.memory_space<vmem>>) dst(%dma_wait3A_162 : memref<80x64xf32, #tpu.memory_space<vmem_shared>>)
      tpu.yield
    }) : () -> ()
    %barrier3A = arith.constant 0 : index
    tpu.barrier barrier_id(%barrier3A)
    "tpu.region"() ({
      %run_scoped3A = tpu.sem_alloc : memref<!tpu.dma_semaphore, #tpu.memory_space<semaphore_mem>>
      %dma_start3A_155 = arith.constant 0 : i32
      %dma_start3A_156 = arith.constant 0 : i32
      %dma_start3A_157 = tpu.memref_slice %arg3[%arg1, %dma_start3A_155, %dma_start3A_156] : memref<16x250x80xi32, #tpu.memory_space<hbm>> -> memref<1x250x80xi32, #tpu.memory_space<hbm>>
      %dma_start3A_158 = tpu.memref_squeeze %dma_start3A_157 : memref<1x250x80xi32, #tpu.memory_space<hbm>> -> memref<250x80xi32, #tpu.memory_space<hbm>>
      %dma_start3A_159 = arith.constant 0 : i32
      %dma_start3A_160 = arith.constant 0 : i32
      %dma_start3A_161 = tpu.memref_slice %arg3[%arg1, %dma_start3A_159, %dma_start3A_160] : memref<16x250x80xi32, #tpu.memory_space<hbm>> -> memref<1x250x80xi32, #tpu.memory_space<hbm>>
      %dma_start3A_162 = tpu.memref_squeeze %dma_start3A_161 : memref<1x250x80xi32, #tpu.memory_space<hbm>> -> memref<250x80xi32, #tpu.memory_space<hbm>>
      tpu.enqueue_dma source(%dma_start3A_162 : memref<250x80xi32, #tpu.memory_space<hbm>>) target(%arg6 : memref<250x80xi32, #tpu.memory_space<vmem>>) target_semaphore(%run_scoped3A : memref<!tpu.dma_semaphore, #tpu.memory_space<semaphore_mem>>)
      %dma_wait3A_163 = arith.constant 0 : i32
      %dma_wait3A_164 = arith.constant 0 : i32
      %dma_wait3A_165 = tpu.memref_slice %arg3[%arg1, %dma_wait3A_163, %dma_wait3A_164] : memref<16x250x80xi32, #tpu.memory_space<hbm>> -> memref<1x250x80xi32, #tpu.memory_space<hbm>>
      %dma_wait3A_166 = tpu.memref_squeeze %dma_wait3A_165 : memref<1x250x80xi32, #tpu.memory_space<hbm>> -> memref<250x80xi32, #tpu.memory_space<hbm>>
      %dma_wait3A_167 = arith.constant 0 : i32
      %dma_wait3A_168 = arith.constant 0 : i32
      %dma_wait3A_169 = tpu.memref_slice %arg3[%arg1, %dma_wait3A_167, %dma_wait3A_168] : memref<16x250x80xi32, #tpu.memory_space<hbm>> -> memref<1x250x80xi32, #tpu.memory_space<hbm>>
      %dma_wait3A_170 = tpu.memref_squeeze %dma_wait3A_169 : memref<1x250x80xi32, #tpu.memory_space<hbm>> -> memref<250x80xi32, #tpu.memory_space<hbm>>
      tpu.wait_dma2 semaphore(%run_scoped3A : memref<!tpu.dma_semaphore, #tpu.memory_space<semaphore_mem>>) src(%dma_wait3A_170 : memref<250x80xi32, #tpu.memory_space<hbm>>) dst(%arg6 : memref<250x80xi32, #tpu.memory_space<vmem>>)
      tpu.yield
    }) : () -> ()
    "tpu.region"() ({
      %run_scoped3A = tpu.sem_alloc : memref<!tpu.dma_semaphore, #tpu.memory_space<semaphore_mem>>
      %dma_start3A_155 = arith.constant 0 : i32
      %dma_start3A_156 = arith.constant 0 : i32
      %dma_start3A_157 = tpu.memref_slice %arg4[%arg1, %dma_start3A_155, %dma_start3A_156] : memref<16x250x80xi32, #tpu.memory_space<hbm>> -> memref<1x250x80xi32, #tpu.memory_space<hbm>>
      %dma_start3A_158 = tpu.memref_squeeze %dma_start3A_157 : memref<1x250x80xi32, #tpu.memory_space<hbm>> -> memref<250x80xi32, #tpu.memory_space<hbm>>
      %dma_start3A_159 = arith.constant 0 : i32
      %dma_start3A_160 = arith.constant 0 : i32
      %dma_start3A_161 = tpu.memref_slice %arg4[%arg1, %dma_start3A_159, %dma_start3A_160] : memref<16x250x80xi32, #tpu.memory_space<hbm>> -> memref<1x250x80xi32, #tpu.memory_space<hbm>>
      %dma_start3A_162 = tpu.memref_squeeze %dma_start3A_161 : memref<1x250x80xi32, #tpu.memory_space<hbm>> -> memref<250x80xi32, #tpu.memory_space<hbm>>
      tpu.enqueue_dma source(%dma_start3A_162 : memref<250x80xi32, #tpu.memory_space<hbm>>) target(%arg7 : memref<250x80xi32, #tpu.memory_space<vmem>>) target_semaphore(%run_scoped3A : memref<!tpu.dma_semaphore, #tpu.memory_space<semaphore_mem>>)
      %dma_wait3A_163 = arith.constant 0 : i32
      %dma_wait3A_164 = arith.constant 0 : i32
      %dma_wait3A_165 = tpu.memref_slice %arg4[%arg1, %dma_wait3A_163, %dma_wait3A_164] : memref<16x250x80xi32, #tpu.memory_space<hbm>> -> memref<1x250x80xi32, #tpu.memory_space<hbm>>
      %dma_wait3A_166 = tpu.memref_squeeze %dma_wait3A_165 : memref<1x250x80xi32, #tpu.memory_space<hbm>> -> memref<250x80xi32, #tpu.memory_space<hbm>>
      %dma_wait3A_167 = arith.constant 0 : i32
      %dma_wait3A_168 = arith.constant 0 : i32
      %dma_wait3A_169 = tpu.memref_slice %arg4[%arg1, %dma_wait3A_167, %dma_wait3A_168] : memref<16x250x80xi32, #tpu.memory_space<hbm>> -> memref<1x250x80xi32, #tpu.memory_space<hbm>>
      %dma_wait3A_170 = tpu.memref_squeeze %dma_wait3A_169 : memref<1x250x80xi32, #tpu.memory_space<hbm>> -> memref<250x80xi32, #tpu.memory_space<hbm>>
      tpu.wait_dma2 semaphore(%run_scoped3A : memref<!tpu.dma_semaphore, #tpu.memory_space<semaphore_mem>>) src(%dma_wait3A_170 : memref<250x80xi32, #tpu.memory_space<hbm>>) dst(%arg7 : memref<250x80xi32, #tpu.memory_space<vmem>>)
      tpu.yield
    }) : () -> ()
    %dma_start3A = arith.constant 0 : i32
    %dma_start3A_37 = arith.constant 0 : i32
    %dma_start3A_38 = tpu.memref_slice %arg6[%dma_start3A, %dma_start3A_37] : memref<250x80xi32, #tpu.memory_space<vmem>> -> memref<1x80xi32, #tpu.memory_space<vmem>>
    %dma_start3A_39 = tpu.memref_squeeze %dma_start3A_38 : memref<1x80xi32, #tpu.memory_space<vmem>> -> memref<80xi32, #tpu.memory_space<vmem>>
    %dma_start3A_40 = arith.constant 0 : i32
    %dma_start3A_41 = arith.constant 0 : i32
    %dma_start3A_42 = tpu.memref_slice %arg2[%arg0, %dma_start3A_40, %dma_start3A_41] : memref<2x10000x64xf32, #tpu.memory_space<hbm>> -> memref<1x10000x64xf32, #tpu.memory_space<hbm>>
    %dma_start3A_43 = tpu.memref_squeeze %dma_start3A_42 : memref<1x10000x64xf32, #tpu.memory_space<hbm>> -> memref<10000x64xf32, #tpu.memory_space<hbm>>
    %dma_start3A_44 = arith.constant 0 : i32
    %dma_start3A_45 = arith.constant 0 : i32
    %dma_start3A_46 = tpu.memref_slice %dma_start3A_43[%dma_start3A_44, %dma_start3A_45] : memref<10000x64xf32, #tpu.memory_space<hbm>> -> memref<10000x64xf32, #tpu.memory_space<hbm>>
    tpu.enqueue_indirect_dma source(%dma_start3A_46 : memref<10000x64xf32, #tpu.memory_space<hbm>>) target(%arg8 : memref<80x64xf32, #tpu.memory_space<vmem>>) offsets(%dma_start3A_39 : memref<80xi32, #tpu.memory_space<vmem>>) semaphore(%arg14 : memref<!tpu.dma_semaphore, #tpu.memory_space<semaphore_mem>>)
    %dma_start3A_47 = arith.constant 1 : i32
    %dma_start3A_48 = arith.constant 0 : i32
    %dma_start3A_49 = tpu.memref_slice %arg6[%dma_start3A_47, %dma_start3A_48] : memref<250x80xi32, #tpu.memory_space<vmem>> -> memref<1x80xi32, #tpu.memory_space<vmem>>
    %dma_start3A_50 = tpu.memref_squeeze %dma_start3A_49 : memref<1x80xi32, #tpu.memory_space<vmem>> -> memref<80xi32, #tpu.memory_space<vmem>>
    %dma_start3A_51 = arith.constant 0 : i32
    %dma_start3A_52 = arith.constant 0 : i32
    %dma_start3A_53 = tpu.memref_slice %arg2[%arg0, %dma_start3A_51, %dma_start3A_52] : memref<2x10000x64xf32, #tpu.memory_space<hbm>> -> memref<1x10000x64xf32, #tpu.memory_space<hbm>>
    %dma_start3A_54 = tpu.memref_squeeze %dma_start3A_53 : memref<1x10000x64xf32, #tpu.memory_space<hbm>> -> memref<10000x64xf32, #tpu.memory_space<hbm>>
    %dma_start3A_55 = arith.constant 0 : i32
    %dma_start3A_56 = arith.constant 0 : i32
    %dma_start3A_57 = tpu.memref_slice %dma_start3A_54[%dma_start3A_55, %dma_start3A_56] : memref<10000x64xf32, #tpu.memory_space<hbm>> -> memref<10000x64xf32, #tpu.memory_space<hbm>>
    tpu.enqueue_indirect_dma source(%dma_start3A_57 : memref<10000x64xf32, #tpu.memory_space<hbm>>) target(%arg9 : memref<80x64xf32, #tpu.memory_space<vmem>>) offsets(%dma_start3A_50 : memref<80xi32, #tpu.memory_space<vmem>>) semaphore(%arg15 : memref<!tpu.dma_semaphore, #tpu.memory_space<semaphore_mem>>)
    %dma_start3A_58 = arith.constant 2 : i32
    %dma_start3A_59 = arith.constant 0 : i32
    %dma_start3A_60 = tpu.memref_slice %arg6[%dma_start3A_58, %dma_start3A_59] : memref<250x80xi32, #tpu.memory_space<vmem>> -> memref<1x80xi32, #tpu.memory_space<vmem>>
    %dma_start3A_61 = tpu.memref_squeeze %dma_start3A_60 : memref<1x80xi32, #tpu.memory_space<vmem>> -> memref<80xi32, #tpu.memory_space<vmem>>
    %dma_start3A_62 = arith.constant 0 : i32
    %dma_start3A_63 = arith.constant 0 : i32
    %dma_start3A_64 = tpu.memref_slice %arg2[%arg0, %dma_start3A_62, %dma_start3A_63] : memref<2x10000x64xf32, #tpu.memory_space<hbm>> -> memref<1x10000x64xf32, #tpu.memory_space<hbm>>
    %dma_start3A_65 = tpu.memref_squeeze %dma_start3A_64 : memref<1x10000x64xf32, #tpu.memory_space<hbm>> -> memref<10000x64xf32, #tpu.memory_space<hbm>>
    %dma_start3A_66 = arith.constant 0 : i32
    %dma_start3A_67 = arith.constant 0 : i32
    %dma_start3A_68 = tpu.memref_slice %dma_start3A_65[%dma_start3A_66, %dma_start3A_67] : memref<10000x64xf32, #tpu.memory_space<hbm>> -> memref<10000x64xf32, #tpu.memory_space<hbm>>
    tpu.enqueue_indirect_dma source(%dma_start3A_68 : memref<10000x64xf32, #tpu.memory_space<hbm>>) target(%arg10 : memref<80x64xf32, #tpu.memory_space<vmem>>) offsets(%dma_start3A_61 : memref<80xi32, #tpu.memory_space<vmem>>) semaphore(%arg16 : memref<!tpu.dma_semaphore, #tpu.memory_space<semaphore_mem>>)
    %dma_start3A_69 = arith.constant 3 : i32
    %dma_start3A_70 = arith.constant 0 : i32
    %dma_start3A_71 = tpu.memref_slice %arg6[%dma_start3A_69, %dma_start3A_70] : memref<250x80xi32, #tpu.memory_space<vmem>> -> memref<1x80xi32, #tpu.memory_space<vmem>>
    %dma_start3A_72 = tpu.memref_squeeze %dma_start3A_71 : memref<1x80xi32, #tpu.memory_space<vmem>> -> memref<80xi32, #tpu.memory_space<vmem>>
    %dma_start3A_73 = arith.constant 0 : i32
    %dma_start3A_74 = arith.constant 0 : i32
    %dma_start3A_75 = tpu.memref_slice %arg2[%arg0, %dma_start3A_73, %dma_start3A_74] : memref<2x10000x64xf32, #tpu.memory_space<hbm>> -> memref<1x10000x64xf32, #tpu.memory_space<hbm>>
    %dma_start3A_76 = tpu.memref_squeeze %dma_start3A_75 : memref<1x10000x64xf32, #tpu.memory_space<hbm>> -> memref<10000x64xf32, #tpu.memory_space<hbm>>
    %dma_start3A_77 = arith.constant 0 : i32
    %dma_start3A_78 = arith.constant 0 : i32
    %dma_start3A_79 = tpu.memref_slice %dma_start3A_76[%dma_start3A_77, %dma_start3A_78] : memref<10000x64xf32, #tpu.memory_space<hbm>> -> memref<10000x64xf32, #tpu.memory_space<hbm>>
    tpu.enqueue_indirect_dma source(%dma_start3A_79 : memref<10000x64xf32, #tpu.memory_space<hbm>>) target(%arg11 : memref<80x64xf32, #tpu.memory_space<vmem>>) offsets(%dma_start3A_72 : memref<80xi32, #tpu.memory_space<vmem>>) semaphore(%arg17 : memref<!tpu.dma_semaphore, #tpu.memory_space<semaphore_mem>>)
    %scan3A_80 = arith.constant 0 : i32
    %scan3A_81 = arith.constant 0 : i32
    %scan3A_82 = arith.constant 62 : i32
    %scan3A_83 = arith.addi %scan3A_81, %scan3A_82 : i32
    %scan3A_84 = arith.constant 1 : i32
    %scan3A_85 = scf.for %scan3A_155 = %scan3A_81 to %scan3A_83 step %scan3A_84 iter_args(%scan3A_156 = %scan3A_80) -> (i32)  : i32 {
      %mul3A_157 = arith.constant 4 : i32
      %mul3A_158 = arith.muli %mul3A_157, %scan3A_155 : i32
      %add3A_159 = arith.constant 0 : i32
      %add3A_160 = arith.addi %mul3A_158, %add3A_159 : i32
      %add3A_161 = arith.constant 4 : i32
      %add3A_162 = arith.addi %add3A_160, %add3A_161 : i32
      %dma_wait3A_163 = arith.constant 0 : i32
      %dma_wait3A_164 = tpu.memref_slice %arg6[%add3A_160, %dma_wait3A_163] : memref<250x80xi32, #tpu.memory_space<vmem>> -> memref<1x80xi32, #tpu.memory_space<vmem>>
      %dma_wait3A_165 = tpu.memref_squeeze %dma_wait3A_164 : memref<1x80xi32, #tpu.memory_space<vmem>> -> memref<80xi32, #tpu.memory_space<vmem>>
      %dma_wait3A_166 = arith.constant 0 : i32
      %dma_wait3A_167 = arith.constant 0 : i32
      %dma_wait3A_168 = tpu.memref_slice %arg2[%arg0, %dma_wait3A_166, %dma_wait3A_167] : memref<2x10000x64xf32, #tpu.memory_space<hbm>> -> memref<1x10000x64xf32, #tpu.memory_space<hbm>>
      %dma_wait3A_169 = tpu.memref_squeeze %dma_wait3A_168 : memref<1x10000x64xf32, #tpu.memory_space<hbm>> -> memref<10000x64xf32, #tpu.memory_space<hbm>>
      %dma_wait3A_170 = arith.constant 0 : i32
      %dma_wait3A_171 = arith.constant 0 : i32
      %dma_wait3A_172 = tpu.memref_slice %dma_wait3A_169[%dma_wait3A_170, %dma_wait3A_171] : memref<10000x64xf32, #tpu.memory_space<hbm>> -> memref<10000x64xf32, #tpu.memory_space<hbm>>
      tpu.wait_indirect_dma semaphore(%arg14 : memref<!tpu.dma_semaphore, #tpu.memory_space<semaphore_mem>>) src(%dma_wait3A_172 : memref<10000x64xf32, #tpu.memory_space<hbm>>) dst(%arg8 : memref<80x64xf32, #tpu.memory_space<vmem>>)
      %dma_start3A_173 = arith.constant 0 : i32
      %dma_start3A_174 = tpu.memref_slice %arg7[%add3A_160, %dma_start3A_173] : memref<250x80xi32, #tpu.memory_space<vmem>> -> memref<1x80xi32, #tpu.memory_space<vmem>>
      %dma_start3A_175 = tpu.memref_squeeze %dma_start3A_174 : memref<1x80xi32, #tpu.memory_space<vmem>> -> memref<80xi32, #tpu.memory_space<vmem>>
      %dma_start3A_176 = arith.constant 0 : i32
      %dma_start3A_177 = arith.constant 0 : i32
      %dma_start3A_178 = tpu.memref_slice %arg13[%dma_start3A_176, %dma_start3A_177] : memref<10240x64xf32, #tpu.memory_space<vmem_shared>> -> memref<10240x64xf32, #tpu.memory_space<vmem_shared>>
      tpu.enqueue_indirect_dma source(%arg8 : memref<80x64xf32, #tpu.memory_space<vmem>>) target(%dma_start3A_178 : memref<10240x64xf32, #tpu.memory_space<vmem_shared>>) offsets(%dma_start3A_175 : memref<80xi32, #tpu.memory_space<vmem>>) semaphore(%arg18 : memref<!tpu.dma_semaphore, #tpu.memory_space<semaphore_mem>>) {add = true}
      %lt3A = arith.constant 250 : i32
      %lt3A_179 = arith.cmpi slt, %add3A_162, %lt3A : i32
      %convert_element_type3A = arith.extui %lt3A_179 : i1 to i32
      %cond3A = arith.constant 0 : i32
      %cond3A_180 = arith.cmpi ne, %convert_element_type3A, %cond3A : i32
      scf.if %cond3A_180 {
        %dma_wait3A_257 = arith.constant 0 : i32
        %dma_wait3A_258 = tpu.memref_slice %arg7[%add3A_160, %dma_wait3A_257] : memref<250x80xi32, #tpu.memory_space<vmem>> -> memref<1x80xi32, #tpu.memory_space<vmem>>
        %dma_wait3A_259 = tpu.memref_squeeze %dma_wait3A_258 : memref<1x80xi32, #tpu.memory_space<vmem>> -> memref<80xi32, #tpu.memory_space<vmem>>
        %dma_wait3A_260 = arith.constant 0 : i32
        %dma_wait3A_261 = arith.constant 0 : i32
        %dma_wait3A_262 = tpu.memref_slice %arg13[%dma_wait3A_260, %dma_wait3A_261] : memref<10240x64xf32, #tpu.memory_space<vmem_shared>> -> memref<10240x64xf32, #tpu.memory_space<vmem_shared>>
        tpu.wait_indirect_dma semaphore(%arg18 : memref<!tpu.dma_semaphore, #tpu.memory_space<semaphore_mem>>) src(%arg8 : memref<80x64xf32, #tpu.memory_space<vmem>>) dst(%dma_wait3A_262 : memref<10240x64xf32, #tpu.memory_space<vmem_shared>>)
        %dma_start3A_263 = arith.constant 0 : i32
        %dma_start3A_264 = tpu.memref_slice %arg6[%add3A_162, %dma_start3A_263] : memref<250x80xi32, #tpu.memory_space<vmem>> -> memref<1x80xi32, #tpu.memory_space<vmem>>
        %dma_start3A_265 = tpu.memref_squeeze %dma_start3A_264 : memref<1x80xi32, #tpu.memory_space<vmem>> -> memref<80xi32, #tpu.memory_space<vmem>>
        %dma_start3A_266 = arith.constant 0 : i32
        %dma_start3A_267 = arith.constant 0 : i32
        %dma_start3A_268 = tpu.memref_slice %arg2[%arg0, %dma_start3A_266, %dma_start3A_267] : memref<2x10000x64xf32, #tpu.memory_space<hbm>> -> memref<1x10000x64xf32, #tpu.memory_space<hbm>>
        %dma_start3A_269 = tpu.memref_squeeze %dma_start3A_268 : memref<1x10000x64xf32, #tpu.memory_space<hbm>> -> memref<10000x64xf32, #tpu.memory_space<hbm>>
        %dma_start3A_270 = arith.constant 0 : i32
        %dma_start3A_271 = arith.constant 0 : i32
        %dma_start3A_272 = tpu.memref_slice %dma_start3A_269[%dma_start3A_270, %dma_start3A_271] : memref<10000x64xf32, #tpu.memory_space<hbm>> -> memref<10000x64xf32, #tpu.memory_space<hbm>>
        tpu.enqueue_indirect_dma source(%dma_start3A_272 : memref<10000x64xf32, #tpu.memory_space<hbm>>) target(%arg8 : memref<80x64xf32, #tpu.memory_space<vmem>>) offsets(%dma_start3A_265 : memref<80xi32, #tpu.memory_space<vmem>>) semaphore(%arg14 : memref<!tpu.dma_semaphore, #tpu.memory_space<semaphore_mem>>)
      } else {
      }
      %add3A_181 = arith.constant 1 : i32
      %add3A_182 = arith.addi %mul3A_158, %add3A_181 : i32
      %add3A_183 = arith.constant 4 : i32
      %add3A_184 = arith.addi %add3A_182, %add3A_183 : i32
      %dma_wait3A_185 = arith.constant 0 : i32
      %dma_wait3A_186 = tpu.memref_slice %arg6[%add3A_182, %dma_wait3A_185] : memref<250x80xi32, #tpu.memory_space<vmem>> -> memref<1x80xi32, #tpu.memory_space<vmem>>
      %dma_wait3A_187 = tpu.memref_squeeze %dma_wait3A_186 : memref<1x80xi32, #tpu.memory_space<vmem>> -> memref<80xi32, #tpu.memory_space<vmem>>
      %dma_wait3A_188 = arith.constant 0 : i32
      %dma_wait3A_189 = arith.constant 0 : i32
      %dma_wait3A_190 = tpu.memref_slice %arg2[%arg0, %dma_wait3A_188, %dma_wait3A_189] : memref<2x10000x64xf32, #tpu.memory_space<hbm>> -> memref<1x10000x64xf32, #tpu.memory_space<hbm>>
      %dma_wait3A_191 = tpu.memref_squeeze %dma_wait3A_190 : memref<1x10000x64xf32, #tpu.memory_space<hbm>> -> memref<10000x64xf32, #tpu.memory_space<hbm>>
      %dma_wait3A_192 = arith.constant 0 : i32
      %dma_wait3A_193 = arith.constant 0 : i32
      %dma_wait3A_194 = tpu.memref_slice %dma_wait3A_191[%dma_wait3A_192, %dma_wait3A_193] : memref<10000x64xf32, #tpu.memory_space<hbm>> -> memref<10000x64xf32, #tpu.memory_space<hbm>>
      tpu.wait_indirect_dma semaphore(%arg15 : memref<!tpu.dma_semaphore, #tpu.memory_space<semaphore_mem>>) src(%dma_wait3A_194 : memref<10000x64xf32, #tpu.memory_space<hbm>>) dst(%arg9 : memref<80x64xf32, #tpu.memory_space<vmem>>)
      %dma_start3A_195 = arith.constant 0 : i32
      %dma_start3A_196 = tpu.memref_slice %arg7[%add3A_182, %dma_start3A_195] : memref<250x80xi32, #tpu.memory_space<vmem>> -> memref<1x80xi32, #tpu.memory_space<vmem>>
      %dma_start3A_197 = tpu.memref_squeeze %dma_start3A_196 : memref<1x80xi32, #tpu.memory_space<vmem>> -> memref<80xi32, #tpu.memory_space<vmem>>
      %dma_start3A_198 = arith.constant 0 : i32
      %dma_start3A_199 = arith.constant 0 : i32
      %dma_start3A_200 = tpu.memref_slice %arg13[%dma_start3A_198, %dma_start3A_199] : memref<10240x64xf32, #tpu.memory_space<vmem_shared>> -> memref<10240x64xf32, #tpu.memory_space<vmem_shared>>
      tpu.enqueue_indirect_dma source(%arg9 : memref<80x64xf32, #tpu.memory_space<vmem>>) target(%dma_start3A_200 : memref<10240x64xf32, #tpu.memory_space<vmem_shared>>) offsets(%dma_start3A_197 : memref<80xi32, #tpu.memory_space<vmem>>) semaphore(%arg19 : memref<!tpu.dma_semaphore, #tpu.memory_space<semaphore_mem>>) {add = true}
      %lt3A_201 = arith.constant 250 : i32
      %lt3A_202 = arith.cmpi slt, %add3A_184, %lt3A_201 : i32
      %convert_element_type3A_203 = arith.extui %lt3A_202 : i1 to i32
      %cond3A_204 = arith.constant 0 : i32
      %cond3A_205 = arith.cmpi ne, %convert_element_type3A_203, %cond3A_204 : i32
      scf.if %cond3A_205 {
        %dma_wait3A_257 = arith.constant 0 : i32
        %dma_wait3A_258 = tpu.memref_slice %arg7[%add3A_182, %dma_wait3A_257] : memref<250x80xi32, #tpu.memory_space<vmem>> -> memref<1x80xi32, #tpu.memory_space<vmem>>
        %dma_wait3A_259 = tpu.memref_squeeze %dma_wait3A_258 : memref<1x80xi32, #tpu.memory_space<vmem>> -> memref<80xi32, #tpu.memory_space<vmem>>
        %dma_wait3A_260 = arith.constant 0 : i32
        %dma_wait3A_261 = arith.constant 0 : i32
        %dma_wait3A_262 = tpu.memref_slice %arg13[%dma_wait3A_260, %dma_wait3A_261] : memref<10240x64xf32, #tpu.memory_space<vmem_shared>> -> memref<10240x64xf32, #tpu.memory_space<vmem_shared>>
        tpu.wait_indirect_dma semaphore(%arg19 : memref<!tpu.dma_semaphore, #tpu.memory_space<semaphore_mem>>) src(%arg9 : memref<80x64xf32, #tpu.memory_space<vmem>>) dst(%dma_wait3A_262 : memref<10240x64xf32, #tpu.memory_space<vmem_shared>>)
        %dma_start3A_263 = arith.constant 0 : i32
        %dma_start3A_264 = tpu.memref_slice %arg6[%add3A_184, %dma_start3A_263] : memref<250x80xi32, #tpu.memory_space<vmem>> -> memref<1x80xi32, #tpu.memory_space<vmem>>
        %dma_start3A_265 = tpu.memref_squeeze %dma_start3A_264 : memref<1x80xi32, #tpu.memory_space<vmem>> -> memref<80xi32, #tpu.memory_space<vmem>>
        %dma_start3A_266 = arith.constant 0 : i32
        %dma_start3A_267 = arith.constant 0 : i32
        %dma_start3A_268 = tpu.memref_slice %arg2[%arg0, %dma_start3A_266, %dma_start3A_267] : memref<2x10000x64xf32, #tpu.memory_space<hbm>> -> memref<1x10000x64xf32, #tpu.memory_space<hbm>>
        %dma_start3A_269 = tpu.memref_squeeze %dma_start3A_268 : memref<1x10000x64xf32, #tpu.memory_space<hbm>> -> memref<10000x64xf32, #tpu.memory_space<hbm>>
        %dma_start3A_270 = arith.constant 0 : i32
        %dma_start3A_271 = arith.constant 0 : i32
        %dma_start3A_272 = tpu.memref_slice %dma_start3A_269[%dma_start3A_270, %dma_start3A_271] : memref<10000x64xf32, #tpu.memory_space<hbm>> -> memref<10000x64xf32, #tpu.memory_space<hbm>>
        tpu.enqueue_indirect_dma source(%dma_start3A_272 : memref<10000x64xf32, #tpu.memory_space<hbm>>) target(%arg9 : memref<80x64xf32, #tpu.memory_space<vmem>>) offsets(%dma_start3A_265 : memref<80xi32, #tpu.memory_space<vmem>>) semaphore(%arg15 : memref<!tpu.dma_semaphore, #tpu.memory_space<semaphore_mem>>)
      } else {
      }
      %add3A_206 = arith.constant 2 : i32
      %add3A_207 = arith.addi %mul3A_158, %add3A_206 : i32
      %add3A_208 = arith.constant 4 : i32
      %add3A_209 = arith.addi %add3A_207, %add3A_208 : i32
      %dma_wait3A_210 = arith.constant 0 : i32
      %dma_wait3A_211 = tpu.memref_slice %arg6[%add3A_207, %dma_wait3A_210] : memref<250x80xi32, #tpu.memory_space<vmem>> -> memref<1x80xi32, #tpu.memory_space<vmem>>
      %dma_wait3A_212 = tpu.memref_squeeze %dma_wait3A_211 : memref<1x80xi32, #tpu.memory_space<vmem>> -> memref<80xi32, #tpu.memory_space<vmem>>
      %dma_wait3A_213 = arith.constant 0 : i32
      %dma_wait3A_214 = arith.constant 0 : i32
      %dma_wait3A_215 = tpu.memref_slice %arg2[%arg0, %dma_wait3A_213, %dma_wait3A_214] : memref<2x10000x64xf32, #tpu.memory_space<hbm>> -> memref<1x10000x64xf32, #tpu.memory_space<hbm>>
      %dma_wait3A_216 = tpu.memref_squeeze %dma_wait3A_215 : memref<1x10000x64xf32, #tpu.memory_space<hbm>> -> memref<10000x64xf32, #tpu.memory_space<hbm>>
      %dma_wait3A_217 = arith.constant 0 : i32
      %dma_wait3A_218 = arith.constant 0 : i32
      %dma_wait3A_219 = tpu.memref_slice %dma_wait3A_216[%dma_wait3A_217, %dma_wait3A_218] : memref<10000x64xf32, #tpu.memory_space<hbm>> -> memref<10000x64xf32, #tpu.memory_space<hbm>>
      tpu.wait_indirect_dma semaphore(%arg16 : memref<!tpu.dma_semaphore, #tpu.memory_space<semaphore_mem>>) src(%dma_wait3A_219 : memref<10000x64xf32, #tpu.memory_space<hbm>>) dst(%arg10 : memref<80x64xf32, #tpu.memory_space<vmem>>)
      %dma_start3A_220 = arith.constant 0 : i32
      %dma_start3A_221 = tpu.memref_slice %arg7[%add3A_207, %dma_start3A_220] : memref<250x80xi32, #tpu.memory_space<vmem>> -> memref<1x80xi32, #tpu.memory_space<vmem>>
      %dma_start3A_222 = tpu.memref_squeeze %dma_start3A_221 : memref<1x80xi32, #tpu.memory_space<vmem>> -> memref<80xi32, #tpu.memory_space<vmem>>
      %dma_start3A_223 = arith.constant 0 : i32
      %dma_start3A_224 = arith.constant 0 : i32
      %dma_start3A_225 = tpu.memref_slice %arg13[%dma_start3A_223, %dma_start3A_224] : memref<10240x64xf32, #tpu.memory_space<vmem_shared>> -> memref<10240x64xf32, #tpu.memory_space<vmem_shared>>
      tpu.enqueue_indirect_dma source(%arg10 : memref<80x64xf32, #tpu.memory_space<vmem>>) target(%dma_start3A_225 : memref<10240x64xf32, #tpu.memory_space<vmem_shared>>) offsets(%dma_start3A_222 : memref<80xi32, #tpu.memory_space<vmem>>) semaphore(%arg20 : memref<!tpu.dma_semaphore, #tpu.memory_space<semaphore_mem>>) {add = true}
      %lt3A_226 = arith.constant 250 : i32
      %lt3A_227 = arith.cmpi slt, %add3A_209, %lt3A_226 : i32
      %convert_element_type3A_228 = arith.extui %lt3A_227 : i1 to i32
      %cond3A_229 = arith.constant 0 : i32
      %cond3A_230 = arith.cmpi ne, %convert_element_type3A_228, %cond3A_229 : i32
      scf.if %cond3A_230 {
        %dma_wait3A_257 = arith.constant 0 : i32
        %dma_wait3A_258 = tpu.memref_slice %arg7[%add3A_207, %dma_wait3A_257] : memref<250x80xi32, #tpu.memory_space<vmem>> -> memref<1x80xi32, #tpu.memory_space<vmem>>
        %dma_wait3A_259 = tpu.memref_squeeze %dma_wait3A_258 : memref<1x80xi32, #tpu.memory_space<vmem>> -> memref<80xi32, #tpu.memory_space<vmem>>
        %dma_wait3A_260 = arith.constant 0 : i32
        %dma_wait3A_261 = arith.constant 0 : i32
        %dma_wait3A_262 = tpu.memref_slice %arg13[%dma_wait3A_260, %dma_wait3A_261] : memref<10240x64xf32, #tpu.memory_space<vmem_shared>> -> memref<10240x64xf32, #tpu.memory_space<vmem_shared>>
        tpu.wait_indirect_dma semaphore(%arg20 : memref<!tpu.dma_semaphore, #tpu.memory_space<semaphore_mem>>) src(%arg10 : memref<80x64xf32, #tpu.memory_space<vmem>>) dst(%dma_wait3A_262 : memref<10240x64xf32, #tpu.memory_space<vmem_shared>>)
        %dma_start3A_263 = arith.constant 0 : i32
        %dma_start3A_264 = tpu.memref_slice %arg6[%add3A_209, %dma_start3A_263] : memref<250x80xi32, #tpu.memory_space<vmem>> -> memref<1x80xi32, #tpu.memory_space<vmem>>
        %dma_start3A_265 = tpu.memref_squeeze %dma_start3A_264 : memref<1x80xi32, #tpu.memory_space<vmem>> -> memref<80xi32, #tpu.memory_space<vmem>>
        %dma_start3A_266 = arith.constant 0 : i32
        %dma_start3A_267 = arith.constant 0 : i32
        %dma_start3A_268 = tpu.memref_slice %arg2[%arg0, %dma_start3A_266, %dma_start3A_267] : memref<2x10000x64xf32, #tpu.memory_space<hbm>> -> memref<1x10000x64xf32, #tpu.memory_space<hbm>>
        %dma_start3A_269 = tpu.memref_squeeze %dma_start3A_268 : memref<1x10000x64xf32, #tpu.memory_space<hbm>> -> memref<10000x64xf32, #tpu.memory_space<hbm>>
        %dma_start3A_270 = arith.constant 0 : i32
        %dma_start3A_271 = arith.constant 0 : i32
        %dma_start3A_272 = tpu.memref_slice %dma_start3A_269[%dma_start3A_270, %dma_start3A_271] : memref<10000x64xf32, #tpu.memory_space<hbm>> -> memref<10000x64xf32, #tpu.memory_space<hbm>>
        tpu.enqueue_indirect_dma source(%dma_start3A_272 : memref<10000x64xf32, #tpu.memory_space<hbm>>) target(%arg10 : memref<80x64xf32, #tpu.memory_space<vmem>>) offsets(%dma_start3A_265 : memref<80xi32, #tpu.memory_space<vmem>>) semaphore(%arg16 : memref<!tpu.dma_semaphore, #tpu.memory_space<semaphore_mem>>)
      } else {
      }
      %add3A_231 = arith.constant 3 : i32
      %add3A_232 = arith.addi %mul3A_158, %add3A_231 : i32
      %add3A_233 = arith.constant 4 : i32
      %add3A_234 = arith.addi %add3A_232, %add3A_233 : i32
      %dma_wait3A_235 = arith.constant 0 : i32
      %dma_wait3A_236 = tpu.memref_slice %arg6[%add3A_232, %dma_wait3A_235] : memref<250x80xi32, #tpu.memory_space<vmem>> -> memref<1x80xi32, #tpu.memory_space<vmem>>
      %dma_wait3A_237 = tpu.memref_squeeze %dma_wait3A_236 : memref<1x80xi32, #tpu.memory_space<vmem>> -> memref<80xi32, #tpu.memory_space<vmem>>
      %dma_wait3A_238 = arith.constant 0 : i32
      %dma_wait3A_239 = arith.constant 0 : i32
      %dma_wait3A_240 = tpu.memref_slice %arg2[%arg0, %dma_wait3A_238, %dma_wait3A_239] : memref<2x10000x64xf32, #tpu.memory_space<hbm>> -> memref<1x10000x64xf32, #tpu.memory_space<hbm>>
      %dma_wait3A_241 = tpu.memref_squeeze %dma_wait3A_240 : memref<1x10000x64xf32, #tpu.memory_space<hbm>> -> memref<10000x64xf32, #tpu.memory_space<hbm>>
      %dma_wait3A_242 = arith.constant 0 : i32
      %dma_wait3A_243 = arith.constant 0 : i32
      %dma_wait3A_244 = tpu.memref_slice %dma_wait3A_241[%dma_wait3A_242, %dma_wait3A_243] : memref<10000x64xf32, #tpu.memory_space<hbm>> -> memref<10000x64xf32, #tpu.memory_space<hbm>>
      tpu.wait_indirect_dma semaphore(%arg17 : memref<!tpu.dma_semaphore, #tpu.memory_space<semaphore_mem>>) src(%dma_wait3A_244 : memref<10000x64xf32, #tpu.memory_space<hbm>>) dst(%arg11 : memref<80x64xf32, #tpu.memory_space<vmem>>)
      %dma_start3A_245 = arith.constant 0 : i32
      %dma_start3A_246 = tpu.memref_slice %arg7[%add3A_232, %dma_start3A_245] : memref<250x80xi32, #tpu.memory_space<vmem>> -> memref<1x80xi32, #tpu.memory_space<vmem>>
      %dma_start3A_247 = tpu.memref_squeeze %dma_start3A_246 : memref<1x80xi32, #tpu.memory_space<vmem>> -> memref<80xi32, #tpu.memory_space<vmem>>
      %dma_start3A_248 = arith.constant 0 : i32
      %dma_start3A_249 = arith.constant 0 : i32
      %dma_start3A_250 = tpu.memref_slice %arg13[%dma_start3A_248, %dma_start3A_249] : memref<10240x64xf32, #tpu.memory_space<vmem_shared>> -> memref<10240x64xf32, #tpu.memory_space<vmem_shared>>
      tpu.enqueue_indirect_dma source(%arg11 : memref<80x64xf32, #tpu.memory_space<vmem>>) target(%dma_start3A_250 : memref<10240x64xf32, #tpu.memory_space<vmem_shared>>) offsets(%dma_start3A_247 : memref<80xi32, #tpu.memory_space<vmem>>) semaphore(%arg21 : memref<!tpu.dma_semaphore, #tpu.memory_space<semaphore_mem>>) {add = true}
      %lt3A_251 = arith.constant 250 : i32
      %lt3A_252 = arith.cmpi slt, %add3A_234, %lt3A_251 : i32
      %convert_element_type3A_253 = arith.extui %lt3A_252 : i1 to i32
      %cond3A_254 = arith.constant 0 : i32
      %cond3A_255 = arith.cmpi ne, %convert_element_type3A_253, %cond3A_254 : i32
      scf.if %cond3A_255 {
        %dma_wait3A_257 = arith.constant 0 : i32
        %dma_wait3A_258 = tpu.memref_slice %arg7[%add3A_232, %dma_wait3A_257] : memref<250x80xi32, #tpu.memory_space<vmem>> -> memref<1x80xi32, #tpu.memory_space<vmem>>
        %dma_wait3A_259 = tpu.memref_squeeze %dma_wait3A_258 : memref<1x80xi32, #tpu.memory_space<vmem>> -> memref<80xi32, #tpu.memory_space<vmem>>
        %dma_wait3A_260 = arith.constant 0 : i32
        %dma_wait3A_261 = arith.constant 0 : i32
        %dma_wait3A_262 = tpu.memref_slice %arg13[%dma_wait3A_260, %dma_wait3A_261] : memref<10240x64xf32, #tpu.memory_space<vmem_shared>> -> memref<10240x64xf32, #tpu.memory_space<vmem_shared>>
        tpu.wait_indirect_dma semaphore(%arg21 : memref<!tpu.dma_semaphore, #tpu.memory_space<semaphore_mem>>) src(%arg11 : memref<80x64xf32, #tpu.memory_space<vmem>>) dst(%dma_wait3A_262 : memref<10240x64xf32, #tpu.memory_space<vmem_shared>>)
        %dma_start3A_263 = arith.constant 0 : i32
        %dma_start3A_264 = tpu.memref_slice %arg6[%add3A_234, %dma_start3A_263] : memref<250x80xi32, #tpu.memory_space<vmem>> -> memref<1x80xi32, #tpu.memory_space<vmem>>
        %dma_start3A_265 = tpu.memref_squeeze %dma_start3A_264 : memref<1x80xi32, #tpu.memory_space<vmem>> -> memref<80xi32, #tpu.memory_space<vmem>>
        %dma_start3A_266 = arith.constant 0 : i32
        %dma_start3A_267 = arith.constant 0 : i32
        %dma_start3A_268 = tpu.memref_slice %arg2[%arg0, %dma_start3A_266, %dma_start3A_267] : memref<2x10000x64xf32, #tpu.memory_space<hbm>> -> memref<1x10000x64xf32, #tpu.memory_space<hbm>>
        %dma_start3A_269 = tpu.memref_squeeze %dma_start3A_268 : memref<1x10000x64xf32, #tpu.memory_space<hbm>> -> memref<10000x64xf32, #tpu.memory_space<hbm>>
        %dma_start3A_270 = arith.constant 0 : i32
        %dma_start3A_271 = arith.constant 0 : i32
        %dma_start3A_272 = tpu.memref_slice %dma_start3A_269[%dma_start3A_270, %dma_start3A_271] : memref<10000x64xf32, #tpu.memory_space<hbm>> -> memref<10000x64xf32, #tpu.memory_space<hbm>>
        tpu.enqueue_indirect_dma source(%dma_start3A_272 : memref<10000x64xf32, #tpu.memory_space<hbm>>) target(%arg11 : memref<80x64xf32, #tpu.memory_space<vmem>>) offsets(%dma_start3A_265 : memref<80xi32, #tpu.memory_space<vmem>>) semaphore(%arg17 : memref<!tpu.dma_semaphore, #tpu.memory_space<semaphore_mem>>)
      } else {
      }
      %scan3A_256 = arith.constant 0 : i32
      scf.yield %scan3A_256 : i32
    }
    %scan3A_86 = arith.constant 62 : i32
    %dma_wait3A = arith.constant 248 : i32
    %dma_wait3A_87 = arith.constant 0 : i32
    %dma_wait3A_88 = tpu.memref_slice %arg6[%dma_wait3A, %dma_wait3A_87] : memref<250x80xi32, #tpu.memory_space<vmem>> -> memref<1x80xi32, #tpu.memory_space<vmem>>
    %dma_wait3A_89 = tpu.memref_squeeze %dma_wait3A_88 : memref<1x80xi32, #tpu.memory_space<vmem>> -> memref<80xi32, #tpu.memory_space<vmem>>
    %dma_wait3A_90 = arith.constant 0 : i32
    %dma_wait3A_91 = arith.constant 0 : i32
    %dma_wait3A_92 = tpu.memref_slice %arg2[%arg0, %dma_wait3A_90, %dma_wait3A_91] : memref<2x10000x64xf32, #tpu.memory_space<hbm>> -> memref<1x10000x64xf32, #tpu.memory_space<hbm>>
    %dma_wait3A_93 = tpu.memref_squeeze %dma_wait3A_92 : memref<1x10000x64xf32, #tpu.memory_space<hbm>> -> memref<10000x64xf32, #tpu.memory_space<hbm>>
    %dma_wait3A_94 = arith.constant 0 : i32
    %dma_wait3A_95 = arith.constant 0 : i32
    %dma_wait3A_96 = tpu.memref_slice %dma_wait3A_93[%dma_wait3A_94, %dma_wait3A_95] : memref<10000x64xf32, #tpu.memory_space<hbm>> -> memref<10000x64xf32, #tpu.memory_space<hbm>>
    tpu.wait_indirect_dma semaphore(%arg14 : memref<!tpu.dma_semaphore, #tpu.memory_space<semaphore_mem>>) src(%dma_wait3A_96 : memref<10000x64xf32, #tpu.memory_space<hbm>>) dst(%arg8 : memref<80x64xf32, #tpu.memory_space<vmem>>)
    %dma_start3A_97 = arith.constant 248 : i32
    %dma_start3A_98 = arith.constant 0 : i32
    %dma_start3A_99 = tpu.memref_slice %arg7[%dma_start3A_97, %dma_start3A_98] : memref<250x80xi32, #tpu.memory_space<vmem>> -> memref<1x80xi32, #tpu.memory_space<vmem>>
    %dma_start3A_100 = tpu.memref_squeeze %dma_start3A_99 : memref<1x80xi32, #tpu.memory_space<vmem>> -> memref<80xi32, #tpu.memory_space<vmem>>
    %dma_start3A_101 = arith.constant 0 : i32
    %dma_start3A_102 = arith.constant 0 : i32
    %dma_start3A_103 = tpu.memref_slice %arg13[%dma_start3A_101, %dma_start3A_102] : memref<10240x64xf32, #tpu.memory_space<vmem_shared>> -> memref<10240x64xf32, #tpu.memory_space<vmem_shared>>
    tpu.enqueue_indirect_dma source(%arg8 : memref<80x64xf32, #tpu.memory_space<vmem>>) target(%dma_start3A_103 : memref<10240x64xf32, #tpu.memory_space<vmem_shared>>) offsets(%dma_start3A_100 : memref<80xi32, #tpu.memory_space<vmem>>) semaphore(%arg18 : memref<!tpu.dma_semaphore, #tpu.memory_space<semaphore_mem>>) {add = true}
    %dma_wait3A_104 = arith.constant 249 : i32
    %dma_wait3A_105 = arith.constant 0 : i32
    %dma_wait3A_106 = tpu.memref_slice %arg6[%dma_wait3A_104, %dma_wait3A_105] : memref<250x80xi32, #tpu.memory_space<vmem>> -> memref<1x80xi32, #tpu.memory_space<vmem>>
    %dma_wait3A_107 = tpu.memref_squeeze %dma_wait3A_106 : memref<1x80xi32, #tpu.memory_space<vmem>> -> memref<80xi32, #tpu.memory_space<vmem>>
    %dma_wait3A_108 = arith.constant 0 : i32
    %dma_wait3A_109 = arith.constant 0 : i32
    %dma_wait3A_110 = tpu.memref_slice %arg2[%arg0, %dma_wait3A_108, %dma_wait3A_109] : memref<2x10000x64xf32, #tpu.memory_space<hbm>> -> memref<1x10000x64xf32, #tpu.memory_space<hbm>>
    %dma_wait3A_111 = tpu.memref_squeeze %dma_wait3A_110 : memref<1x10000x64xf32, #tpu.memory_space<hbm>> -> memref<10000x64xf32, #tpu.memory_space<hbm>>
    %dma_wait3A_112 = arith.constant 0 : i32
    %dma_wait3A_113 = arith.constant 0 : i32
    %dma_wait3A_114 = tpu.memref_slice %dma_wait3A_111[%dma_wait3A_112, %dma_wait3A_113] : memref<10000x64xf32, #tpu.memory_space<hbm>> -> memref<10000x64xf32, #tpu.memory_space<hbm>>
    tpu.wait_indirect_dma semaphore(%arg15 : memref<!tpu.dma_semaphore, #tpu.memory_space<semaphore_mem>>) src(%dma_wait3A_114 : memref<10000x64xf32, #tpu.memory_space<hbm>>) dst(%arg9 : memref<80x64xf32, #tpu.memory_space<vmem>>)
    %dma_start3A_115 = arith.constant 249 : i32
    %dma_start3A_116 = arith.constant 0 : i32
    %dma_start3A_117 = tpu.memref_slice %arg7[%dma_start3A_115, %dma_start3A_116] : memref<250x80xi32, #tpu.memory_space<vmem>> -> memref<1x80xi32, #tpu.memory_space<vmem>>
    %dma_start3A_118 = tpu.memref_squeeze %dma_start3A_117 : memref<1x80xi32, #tpu.memory_space<vmem>> -> memref<80xi32, #tpu.memory_space<vmem>>
    %dma_start3A_119 = arith.constant 0 : i32
    %dma_start3A_120 = arith.constant 0 : i32
    %dma_start3A_121 = tpu.memref_slice %arg13[%dma_start3A_119, %dma_start3A_120] : memref<10240x64xf32, #tpu.memory_space<vmem_shared>> -> memref<10240x64xf32, #tpu.memory_space<vmem_shared>>
    tpu.enqueue_indirect_dma source(%arg9 : memref<80x64xf32, #tpu.memory_space<vmem>>) target(%dma_start3A_121 : memref<10240x64xf32, #tpu.memory_space<vmem_shared>>) offsets(%dma_start3A_118 : memref<80xi32, #tpu.memory_space<vmem>>) semaphore(%arg19 : memref<!tpu.dma_semaphore, #tpu.memory_space<semaphore_mem>>) {add = true}
    %dma_wait3A_122 = arith.constant 248 : i32
    %dma_wait3A_123 = arith.constant 0 : i32
    %dma_wait3A_124 = tpu.memref_slice %arg7[%dma_wait3A_122, %dma_wait3A_123] : memref<250x80xi32, #tpu.memory_space<vmem>> -> memref<1x80xi32, #tpu.memory_space<vmem>>
    %dma_wait3A_125 = tpu.memref_squeeze %dma_wait3A_124 : memref<1x80xi32, #tpu.memory_space<vmem>> -> memref<80xi32, #tpu.memory_space<vmem>>
    %dma_wait3A_126 = arith.constant 0 : i32
    %dma_wait3A_127 = arith.constant 0 : i32
    %dma_wait3A_128 = tpu.memref_slice %arg13[%dma_wait3A_126, %dma_wait3A_127] : memref<10240x64xf32, #tpu.memory_space<vmem_shared>> -> memref<10240x64xf32, #tpu.memory_space<vmem_shared>>
    tpu.wait_indirect_dma semaphore(%arg18 : memref<!tpu.dma_semaphore, #tpu.memory_space<semaphore_mem>>) src(%arg8 : memref<80x64xf32, #tpu.memory_space<vmem>>) dst(%dma_wait3A_128 : memref<10240x64xf32, #tpu.memory_space<vmem_shared>>)
    %dma_wait3A_129 = arith.constant 249 : i32
    %dma_wait3A_130 = arith.constant 0 : i32
    %dma_wait3A_131 = tpu.memref_slice %arg7[%dma_wait3A_129, %dma_wait3A_130] : memref<250x80xi32, #tpu.memory_space<vmem>> -> memref<1x80xi32, #tpu.memory_space<vmem>>
    %dma_wait3A_132 = tpu.memref_squeeze %dma_wait3A_131 : memref<1x80xi32, #tpu.memory_space<vmem>> -> memref<80xi32, #tpu.memory_space<vmem>>
    %dma_wait3A_133 = arith.constant 0 : i32
    %dma_wait3A_134 = arith.constant 0 : i32
    %dma_wait3A_135 = tpu.memref_slice %arg13[%dma_wait3A_133, %dma_wait3A_134] : memref<10240x64xf32, #tpu.memory_space<vmem_shared>> -> memref<10240x64xf32, #tpu.memory_space<vmem_shared>>
    tpu.wait_indirect_dma semaphore(%arg19 : memref<!tpu.dma_semaphore, #tpu.memory_space<semaphore_mem>>) src(%arg9 : memref<80x64xf32, #tpu.memory_space<vmem>>) dst(%dma_wait3A_135 : memref<10240x64xf32, #tpu.memory_space<vmem_shared>>)
    %dma_wait3A_136 = arith.constant 246 : i32
    %dma_wait3A_137 = arith.constant 0 : i32
    %dma_wait3A_138 = tpu.memref_slice %arg7[%dma_wait3A_136, %dma_wait3A_137] : memref<250x80xi32, #tpu.memory_space<vmem>> -> memref<1x80xi32, #tpu.memory_space<vmem>>
    %dma_wait3A_139 = tpu.memref_squeeze %dma_wait3A_138 : memref<1x80xi32, #tpu.memory_space<vmem>> -> memref<80xi32, #tpu.memory_space<vmem>>
    %dma_wait3A_140 = arith.constant 0 : i32
    %dma_wait3A_141 = arith.constant 0 : i32
    %dma_wait3A_142 = tpu.memref_slice %arg13[%dma_wait3A_140, %dma_wait3A_141] : memref<10240x64xf32, #tpu.memory_space<vmem_shared>> -> memref<10240x64xf32, #tpu.memory_space<vmem_shared>>
    tpu.wait_indirect_dma semaphore(%arg20 : memref<!tpu.dma_semaphore, #tpu.memory_space<semaphore_mem>>) src(%arg10 : memref<80x64xf32, #tpu.memory_space<vmem>>) dst(%dma_wait3A_142 : memref<10240x64xf32, #tpu.memory_space<vmem_shared>>)
    %dma_wait3A_143 = arith.constant 247 : i32
    %dma_wait3A_144 = arith.constant 0 : i32
    %dma_wait3A_145 = tpu.memref_slice %arg7[%dma_wait3A_143, %dma_wait3A_144] : memref<250x80xi32, #tpu.memory_space<vmem>> -> memref<1x80xi32, #tpu.memory_space<vmem>>
    %dma_wait3A_146 = tpu.memref_squeeze %dma_wait3A_145 : memref<1x80xi32, #tpu.memory_space<vmem>> -> memref<80xi32, #tpu.memory_space<vmem>>
    %dma_wait3A_147 = arith.constant 0 : i32
    %dma_wait3A_148 = arith.constant 0 : i32
    %dma_wait3A_149 = tpu.memref_slice %arg13[%dma_wait3A_147, %dma_wait3A_148] : memref<10240x64xf32, #tpu.memory_space<vmem_shared>> -> memref<10240x64xf32, #tpu.memory_space<vmem_shared>>
    tpu.wait_indirect_dma semaphore(%arg21 : memref<!tpu.dma_semaphore, #tpu.memory_space<semaphore_mem>>) src(%arg11 : memref<80x64xf32, #tpu.memory_space<vmem>>) dst(%dma_wait3A_149 : memref<10240x64xf32, #tpu.memory_space<vmem_shared>>)
    %barrier3A_150 = arith.constant 0 : index
    tpu.barrier barrier_id(%barrier3A_150)
    %mul3A_151 = arith.constant 640 : i32
    %mul3A_152 = arith.muli %arg1, %mul3A_151 : i32
    %mul3A_153 = arith.constant 640 : i32
    %mul3A_154 = arith.muli %arg1, %mul3A_153 : i32
    "tpu.region"() ({
      %run_scoped3A = tpu.sem_alloc : memref<!tpu.dma_semaphore, #tpu.memory_space<semaphore_mem>>
      %dma_start3A_155 = arith.constant 0 : i32
      %dma_start3A_156 = tpu.memref_slice %arg5[%arg0, %mul3A_154, %dma_start3A_155] : memref<2x10240x64xf32, #tpu.memory_space<hbm>> -> memref<1x640x64xf32, #tpu.memory_space<hbm>>
      %dma_start3A_157 = tpu.memref_squeeze %dma_start3A_156 : memref<1x640x64xf32, #tpu.memory_space<hbm>> -> memref<640x64xf32, #tpu.memory_space<hbm>>
      %dma_start3A_158 = arith.constant 0 : i32
      %dma_start3A_159 = tpu.memref_slice %arg13[%mul3A_152, %dma_start3A_158] : memref<10240x64xf32, #tpu.memory_space<vmem_shared>> -> memref<640x64xf32, #tpu.memory_space<vmem_shared>>
      tpu.enqueue_dma source(%dma_start3A_159 : memref<640x64xf32, #tpu.memory_space<vmem_shared>>) target(%dma_start3A_157 : memref<640x64xf32, #tpu.memory_space<hbm>>) target_semaphore(%run_scoped3A : memref<!tpu.dma_semaphore, #tpu.memory_space<semaphore_mem>>)
      %dma_wait3A_160 = arith.constant 0 : i32
      %dma_wait3A_161 = tpu.memref_slice %arg5[%arg0, %mul3A_154, %dma_wait3A_160] : memref<2x10240x64xf32, #tpu.memory_space<hbm>> -> memref<1x640x64xf32, #tpu.memory_space<hbm>>
      %dma_wait3A_162 = tpu.memref_squeeze %dma_wait3A_161 : memref<1x640x64xf32, #tpu.memory_space<hbm>> -> memref<640x64xf32, #tpu.memory_space<hbm>>
      %dma_wait3A_163 = arith.constant 0 : i32
      %dma_wait3A_164 = tpu.memref_slice %arg13[%mul3A_152, %dma_wait3A_163] : memref<10240x64xf32, #tpu.memory_space<vmem_shared>> -> memref<640x64xf32, #tpu.memory_space<vmem_shared>>
      tpu.wait_dma2 semaphore(%run_scoped3A : memref<!tpu.dma_semaphore, #tpu.memory_space<semaphore_mem>>) src(%dma_wait3A_164 : memref<640x64xf32, #tpu.memory_space<vmem_shared>>) dst(%dma_wait3A_162 : memref<640x64xf32, #tpu.memory_space<hbm>>)
      tpu.yield
    }) : () -> ()
    return
  }
}

module attributes {stable_mosaic.version = 14 : i64} {
  func.func @_sage1_tc_body(%arg0: i32, %arg1: memref<2x400x64xf32, #tpu.memory_space<vmem>>, %arg2: memref<400x2xf32, #tpu.memory_space<vmem>>, %arg3: memref<400x128xf32, #tpu.memory_space<vmem>>, %arg4: memref<128x128xf32, #tpu.memory_space<vmem>>, %arg5: memref<128x128xf32, #tpu.memory_space<vmem>>, %arg6: memref<1x128xf32, #tpu.memory_space<vmem>>, %arg7: memref<400x128xf32, #tpu.memory_space<vmem>>) attributes {dimension_semantics = [#tpu.dimension_semantics<arbitrary>], iteration_bounds = array<i64: 25>, scalar_prefetch = 0 : i64, scratch_operands = 0 : i64, tpu.core_type = #tpu.core_type<tc>, window_params = [{transform_indices = @transform_0, window_bounds = array<i64: 2, 400, 64>}, {transform_indices = @transform_1, window_bounds = array<i64: 400, 2>}, {transform_indices = @transform_2, window_bounds = array<i64: 400, 128>}, {pipeline_mode = #tpu.pipeline_mode<synchronous>, transform_indices = @transform_3, window_bounds = array<i64: 128, 128>}, {pipeline_mode = #tpu.pipeline_mode<synchronous>, transform_indices = @transform_4, window_bounds = array<i64: 128, 128>}, {pipeline_mode = #tpu.pipeline_mode<synchronous>, transform_indices = @transform_5, window_bounds = array<i64: 1, 128>}, {transform_indices = @transform_6, window_bounds = array<i64: 400, 128>}]} {
    %get3A = arith.constant 0 : index
    %get3A_0 = arith.constant 0 : index
    %get3A_1 = arith.constant 0 : index
    %get3A_2 = vector.load %arg1[%get3A, %get3A_0, %get3A_1] : memref<2x400x64xf32, #tpu.memory_space<vmem>>, vector<1x400x64xf32>
    %get3A_3 = vector.shape_cast %get3A_2 : vector<1x400x64xf32> to vector<400x64xf32>
    %get3A_4 = arith.constant 1 : index
    %get3A_5 = arith.constant 0 : index
    %get3A_6 = arith.constant 0 : index
    %get3A_7 = vector.load %arg1[%get3A_4, %get3A_5, %get3A_6] : memref<2x400x64xf32, #tpu.memory_space<vmem>>, vector<1x400x64xf32>
    %get3A_8 = vector.shape_cast %get3A_7 : vector<1x400x64xf32> to vector<400x64xf32>
    %concatenate3A = tpu.concatenate %get3A_3, %get3A_8 in 1 : vector<400x64xf32>, vector<400x64xf32> -> vector<400x128xf32>
    %get3A_9 = arith.constant 0 : index
    %get3A_10 = arith.constant 0 : index
    %get3A_11 = vector.load %arg2[%get3A_9, %get3A_10] : memref<400x2xf32, #tpu.memory_space<vmem>>, vector<400x1xf32>
    %get3A_12 = vector.shape_cast %get3A_11 : vector<400x1xf32> to vector<400xf32>
    %get3A_13 = arith.constant 0 : index
    %get3A_14 = arith.constant 1 : index
    %get3A_15 = vector.load %arg2[%get3A_13, %get3A_14] : memref<400x2xf32, #tpu.memory_space<vmem>>, vector<400x1xf32>
    %get3A_16 = vector.shape_cast %get3A_15 : vector<400x1xf32> to vector<400xf32>
    %add3A = arith.addf %get3A_12, %get3A_16 : vector<400xf32>
    %max3A = arith.constant 1.000000e+00 : f32
    %max3A_17 = vector.broadcast %max3A : f32 to vector<400xf32>
    %max3A_18 = arith.maximumf %add3A, %max3A_17 : vector<400xf32>
    %div3A = arith.constant 1.000000e+00 : f32
    %div3A_19 = vector.broadcast %div3A : f32 to vector<400xf32>
    %div3A_20 = arith.divf %div3A_19, %max3A_18 : vector<400xf32>
    %broadcast_in_dim3A = vector.shape_cast %div3A_20 : vector<400xf32> to vector<400x1xf32>
    %mul3A = vector.broadcast %broadcast_in_dim3A : vector<400x1xf32> to vector<400x128xf32>
    %mul3A_21 = arith.mulf %concatenate3A, %mul3A : vector<400x128xf32>
    %get3A_22 = arith.constant 0 : index
    %get3A_23 = arith.constant 0 : index
    %get3A_24 = vector.load %arg4[%get3A_22, %get3A_23] : memref<128x128xf32, #tpu.memory_space<vmem>>, vector<128x128xf32>
    %dot_general3A = arith.constant dense<0.000000e+00> : vector<400x128xf32>
    %dot_general3A_25 = tpu.matmul %mul3A_21, %get3A_24, %dot_general3A {dimension_numbers = #tpu.dot_dimension_numbers<[1], [0], [0], [1], [0, 0, 1, 1], [], []>, transpose_lhs_hint = false} : vector<400x128xf32>, vector<128x128xf32>, vector<400x128xf32> -> vector<400x128xf32>
    %get3A_26 = arith.constant 0 : index
    %get3A_27 = arith.constant 0 : index
    %get3A_28 = vector.load %arg3[%get3A_26, %get3A_27] : memref<400x128xf32, #tpu.memory_space<vmem>>, vector<400x128xf32>
    %get3A_29 = arith.constant 0 : index
    %get3A_30 = arith.constant 0 : index
    %get3A_31 = vector.load %arg5[%get3A_29, %get3A_30] : memref<128x128xf32, #tpu.memory_space<vmem>>, vector<128x128xf32>
    %dot_general3A_32 = arith.constant dense<0.000000e+00> : vector<400x128xf32>
    %dot_general3A_33 = tpu.matmul %get3A_28, %get3A_31, %dot_general3A_32 {dimension_numbers = #tpu.dot_dimension_numbers<[1], [0], [0], [1], [0, 0, 1, 1], [], []>, transpose_lhs_hint = false} : vector<400x128xf32>, vector<128x128xf32>, vector<400x128xf32> -> vector<400x128xf32>
    %add3A_34 = arith.addf %dot_general3A_25, %dot_general3A_33 : vector<400x128xf32>
    %get3A_35 = arith.constant 0 : index
    %get3A_36 = arith.constant 0 : index
    %get3A_37 = vector.load %arg6[%get3A_35, %get3A_36] : memref<1x128xf32, #tpu.memory_space<vmem>>, vector<1x128xf32>
    %add3A_38 = vector.broadcast %get3A_37 : vector<1x128xf32> to vector<400x128xf32>
    %add3A_39 = arith.addf %add3A_34, %add3A_38 : vector<400x128xf32>
    %mul3A_40 = arith.mulf %add3A_39, %add3A_39 : vector<400x128xf32>
    %reduce_sum3A = arith.constant dense<0.000000e+00> : vector<400xf32>
    %reduce_sum3A_41 = vector.multi_reduction <add>, %mul3A_40, %reduce_sum3A [1] : vector<400x128xf32> to vector<400xf32>
    %broadcast_in_dim3A_42 = vector.shape_cast %reduce_sum3A_41 : vector<400xf32> to vector<400x1xf32>
    %sqrt3A = math.sqrt %broadcast_in_dim3A_42 : vector<400x1xf32>
    %max3A_43 = arith.constant 9.99999996E-13 : f32
    %max3A_44 = vector.broadcast %max3A_43 : f32 to vector<400x1xf32>
    %max3A_45 = arith.maximumf %sqrt3A, %max3A_44 : vector<400x1xf32>
    %div3A_46 = vector.broadcast %max3A_45 : vector<400x1xf32> to vector<400x128xf32>
    %div3A_47 = arith.divf %add3A_39, %div3A_46 : vector<400x128xf32>
    %max3A_48 = arith.constant 0.000000e+00 : f32
    %max3A_49 = vector.broadcast %max3A_48 : f32 to vector<400x128xf32>
    %max3A_50 = arith.maximumf %div3A_47, %max3A_49 : vector<400x128xf32>
    %swap3A = arith.constant 0 : index
    %swap3A_51 = arith.constant 0 : index
    %swap3A_52 = vector.load %arg7[%swap3A, %swap3A_51] : memref<400x128xf32, #tpu.memory_space<vmem>>, vector<400x128xf32>
    tpu.vector_store %arg7[%swap3A, %swap3A_51], %max3A_50 {strides = array<i32>} : memref<400x128xf32, #tpu.memory_space<vmem>>, vector<400x128xf32>,
    return
  }
  func.func @transform_0(%arg0: i32) -> (i32, i32, i32) {
    %c0_i32 = arith.constant 0 : i32
    %c0_i32_0 = arith.constant 0 : i32
    %c0_i32_1 = arith.constant 0 : i32
    return %c0_i32, %arg0, %c0_i32_0 : i32, i32, i32
  }
  func.func @transform_1(%arg0: i32) -> (i32, i32) {
    %c0_i32 = arith.constant 0 : i32
    %c0_i32_0 = arith.constant 0 : i32
    return %arg0, %c0_i32 : i32, i32
  }
  func.func @transform_2(%arg0: i32) -> (i32, i32) {
    %c0_i32 = arith.constant 0 : i32
    %c0_i32_0 = arith.constant 0 : i32
    return %arg0, %c0_i32 : i32, i32
  }
  func.func @transform_3(%arg0: i32) -> (i32, i32) {
    %c0_i32 = arith.constant 0 : i32
    %c0_i32_0 = arith.constant 0 : i32
    %c0_i32_1 = arith.constant 0 : i32
    return %c0_i32, %c0_i32_0 : i32, i32
  }
  func.func @transform_4(%arg0: i32) -> (i32, i32) {
    %c0_i32 = arith.constant 0 : i32
    %c0_i32_0 = arith.constant 0 : i32
    %c0_i32_1 = arith.constant 0 : i32
    return %c0_i32, %c0_i32_0 : i32, i32
  }
  func.func @transform_5(%arg0: i32) -> (i32, i32) {
    %c0_i32 = arith.constant 0 : i32
    %c0_i32_0 = arith.constant 0 : i32
    %c0_i32_1 = arith.constant 0 : i32
    return %c0_i32, %c0_i32_0 : i32, i32
  }
  func.func @transform_6(%arg0: i32) -> (i32, i32) {
    %c0_i32 = arith.constant 0 : i32
    %c0_i32_0 = arith.constant 0 : i32
    return %arg0, %c0_i32 : i32, i32
  }
}

module attributes {stable_mosaic.version = 14 : i64} {
  func.func @_main_tc_body(%arg0: i32, %arg1: memref<2x400x64xf32, #tpu.memory_space<vmem>>, %arg2: memref<400x2xf32, #tpu.memory_space<vmem>>, %arg3: memref<400x128xf32, #tpu.memory_space<vmem>>, %arg4: memref<400x128xf32, #tpu.memory_space<vmem>>, %arg5: memref<128x128xf32, #tpu.memory_space<vmem>>, %arg6: memref<128x128xf32, #tpu.memory_space<vmem>>, %arg7: memref<1x128xf32, #tpu.memory_space<vmem>>, %arg8: memref<128x128xf32, #tpu.memory_space<vmem>>, %arg9: memref<1x128xf32, #tpu.memory_space<vmem>>, %arg10: memref<128x128xf32, #tpu.memory_space<vmem>>, %arg11: memref<1x128xf32, #tpu.memory_space<vmem>>, %arg12: memref<128x128xf32, #tpu.memory_space<vmem>>, %arg13: memref<1x128xf32, #tpu.memory_space<vmem>>, %arg14: memref<128x128xf32, #tpu.memory_space<vmem>>, %arg15: memref<128x128xf32, #tpu.memory_space<vmem>>, %arg16: memref<1x128xf32, #tpu.memory_space<vmem>>, %arg17: memref<128x128xf32, #tpu.memory_space<vmem>>, %arg18: memref<1x128xf32, #tpu.memory_space<vmem>>, %arg19: memref<128x128xf32, #tpu.memory_space<vmem>>, %arg20: memref<1x128xf32, #tpu.memory_space<vmem>>, %arg21: memref<128x128xf32, #tpu.memory_space<vmem>>, %arg22: memref<256x128xf32, #tpu.memory_space<vmem>>, %arg23: memref<1x128xf32, #tpu.memory_space<vmem>>, %arg24: memref<128x64xf32, #tpu.memory_space<vmem>>, %arg25: memref<1x64xf32, #tpu.memory_space<vmem>>, %arg26: memref<64x128xf32, #tpu.memory_space<vmem>>, %arg27: memref<1x128xf32, #tpu.memory_space<vmem>>, %arg28: memref<400x1xf32, #tpu.memory_space<vmem>>, %arg29: memref<400x1xf32, #tpu.memory_space<vmem>>, %arg30: memref<400x1xf32, #tpu.memory_space<vmem>>) attributes {dimension_semantics = [#tpu.dimension_semantics<arbitrary>], iteration_bounds = array<i64: 25>, scalar_prefetch = 0 : i64, scratch_operands = 0 : i64, tpu.core_type = #tpu.core_type<tc>, window_params = [{transform_indices = @transform_0, window_bounds = array<i64: 2, 400, 64>}, {transform_indices = @transform_1, window_bounds = array<i64: 400, 2>}, {transform_indices = @transform_2, window_bounds = array<i64: 400, 128>}, {transform_indices = @transform_3, window_bounds = array<i64: 400, 128>}, {pipeline_mode = #tpu.pipeline_mode<synchronous>, transform_indices = @transform_4, window_bounds = array<i64: 128, 128>}, {pipeline_mode = #tpu.pipeline_mode<synchronous>, transform_indices = @transform_5, window_bounds = array<i64: 128, 128>}, {pipeline_mode = #tpu.pipeline_mode<synchronous>, transform_indices = @transform_6, window_bounds = array<i64: 1, 128>}, {pipeline_mode = #tpu.pipeline_mode<synchronous>, transform_indices = @transform_7, window_bounds = array<i64: 128, 128>}, {pipeline_mode = #tpu.pipeline_mode<synchronous>, transform_indices = @transform_8, window_bounds = array<i64: 1, 128>}, {pipeline_mode = #tpu.pipeline_mode<synchronous>, transform_indices = @transform_9, window_bounds = array<i64: 128, 128>}, {pipeline_mode = #tpu.pipeline_mode<synchronous>, transform_indices = @transform_10, window_bounds = array<i64: 1, 128>}, {pipeline_mode = #tpu.pipeline_mode<synchronous>, transform_indices = @transform_11, window_bounds = array<i64: 128, 128>}, {pipeline_mode = #tpu.pipeline_mode<synchronous>, transform_indices = @transform_12, window_bounds = array<i64: 1, 128>}, {pipeline_mode = #tpu.pipeline_mode<synchronous>, transform_indices = @transform_13, window_bounds = array<i64: 128, 128>}, {pipeline_mode = #tpu.pipeline_mode<synchronous>, transform_indices = @transform_14, window_bounds = array<i64: 128, 128>}, {pipeline_mode = #tpu.pipeline_mode<synchronous>, transform_indices = @transform_15, window_bounds = array<i64: 1, 128>}, {pipeline_mode = #tpu.pipeline_mode<synchronous>, transform_indices = @transform_16, window_bounds = array<i64: 128, 128>}, {pipeline_mode = #tpu.pipeline_mode<synchronous>, transform_indices = @transform_17, window_bounds = array<i64: 1, 128>}, {pipeline_mode = #tpu.pipeline_mode<synchronous>, transform_indices = @transform_18, window_bounds = array<i64: 128, 128>}, {pipeline_mode = #tpu.pipeline_mode<synchronous>, transform_indices = @transform_19, window_bounds = array<i64: 1, 128>}, {pipeline_mode = #tpu.pipeline_mode<synchronous>, transform_indices = @transform_20, window_bounds = array<i64: 128, 128>}, {pipeline_mode = #tpu.pipeline_mode<synchronous>, transform_indices = @transform_21, window_bounds = array<i64: 256, 128>}, {pipeline_mode = #tpu.pipeline_mode<synchronous>, transform_indices = @transform_22, window_bounds = array<i64: 1, 128>}, {pipeline_mode = #tpu.pipeline_mode<synchronous>, transform_indices = @transform_23, window_bounds = array<i64: 128, 64>}, {pipeline_mode = #tpu.pipeline_mode<synchronous>, transform_indices = @transform_24, window_bounds = array<i64: 1, 64>}, {pipeline_mode = #tpu.pipeline_mode<synchronous>, transform_indices = @transform_25, window_bounds = array<i64: 64, 128>}, {pipeline_mode = #tpu.pipeline_mode<synchronous>, transform_indices = @transform_26, window_bounds = array<i64: 1, 128>}, {transform_indices = @transform_27, window_bounds = array<i64: 400, 1>}, {transform_indices = @transform_28, window_bounds = array<i64: 400, 1>}, {transform_indices = @transform_29, window_bounds = array<i64: 400, 1>}]} {
    %get3A = arith.constant 0 : index
    %get3A_0 = arith.constant 0 : index
    %get3A_1 = vector.load %arg3[%get3A, %get3A_0] : memref<400x128xf32, #tpu.memory_space<vmem>>, vector<400x128xf32>
    %get3A_2 = arith.constant 0 : index
    %get3A_3 = arith.constant 0 : index
    %get3A_4 = vector.load %arg4[%get3A_2, %get3A_3] : memref<400x128xf32, #tpu.memory_space<vmem>>, vector<400x128xf32>
    %get3A_5 = arith.constant 0 : index
    %get3A_6 = arith.constant 0 : index
    %get3A_7 = arith.constant 0 : index
    %get3A_8 = vector.load %arg1[%get3A_5, %get3A_6, %get3A_7] : memref<2x400x64xf32, #tpu.memory_space<vmem>>, vector<1x400x64xf32>
    %get3A_9 = vector.shape_cast %get3A_8 : vector<1x400x64xf32> to vector<400x64xf32>
    %get3A_10 = arith.constant 1 : index
    %get3A_11 = arith.constant 0 : index
    %get3A_12 = arith.constant 0 : index
    %get3A_13 = vector.load %arg1[%get3A_10, %get3A_11, %get3A_12] : memref<2x400x64xf32, #tpu.memory_space<vmem>>, vector<1x400x64xf32>
    %get3A_14 = vector.shape_cast %get3A_13 : vector<1x400x64xf32> to vector<400x64xf32>
    %concatenate3A = tpu.concatenate %get3A_9, %get3A_14 in 1 : vector<400x64xf32>, vector<400x64xf32> -> vector<400x128xf32>
    %get3A_15 = arith.constant 0 : index
    %get3A_16 = arith.constant 0 : index
    %get3A_17 = vector.load %arg2[%get3A_15, %get3A_16] : memref<400x2xf32, #tpu.memory_space<vmem>>, vector<400x1xf32>
    %get3A_18 = vector.shape_cast %get3A_17 : vector<400x1xf32> to vector<400xf32>
    %get3A_19 = arith.constant 0 : index
    %get3A_20 = arith.constant 1 : index
    %get3A_21 = vector.load %arg2[%get3A_19, %get3A_20] : memref<400x2xf32, #tpu.memory_space<vmem>>, vector<400x1xf32>
    %get3A_22 = vector.shape_cast %get3A_21 : vector<400x1xf32> to vector<400xf32>
    %add3A = arith.addf %get3A_18, %get3A_22 : vector<400xf32>
    %max3A = arith.constant 1.000000e+00 : f32
    %max3A_23 = vector.broadcast %max3A : f32 to vector<400xf32>
    %max3A_24 = arith.maximumf %add3A, %max3A_23 : vector<400xf32>
    %div3A = arith.constant 1.000000e+00 : f32
    %div3A_25 = vector.broadcast %div3A : f32 to vector<400xf32>
    %div3A_26 = arith.divf %div3A_25, %max3A_24 : vector<400xf32>
    %broadcast_in_dim3A = vector.shape_cast %div3A_26 : vector<400xf32> to vector<400x1xf32>
    %mul3A = vector.broadcast %broadcast_in_dim3A : vector<400x1xf32> to vector<400x128xf32>
    %mul3A_27 = arith.mulf %concatenate3A, %mul3A : vector<400x128xf32>
    %get3A_28 = arith.constant 0 : index
    %get3A_29 = arith.constant 0 : index
    %get3A_30 = vector.load %arg5[%get3A_28, %get3A_29] : memref<128x128xf32, #tpu.memory_space<vmem>>, vector<128x128xf32>
    %dot_general3A = arith.constant dense<0.000000e+00> : vector<400x128xf32>
    %dot_general3A_31 = tpu.matmul %mul3A_27, %get3A_30, %dot_general3A {dimension_numbers = #tpu.dot_dimension_numbers<[1], [0], [0], [1], [0, 0, 1, 1], [], []>, transpose_lhs_hint = false} : vector<400x128xf32>, vector<128x128xf32>, vector<400x128xf32> -> vector<400x128xf32>
    %get3A_32 = arith.constant 0 : index
    %get3A_33 = arith.constant 0 : index
    %get3A_34 = vector.load %arg6[%get3A_32, %get3A_33] : memref<128x128xf32, #tpu.memory_space<vmem>>, vector<128x128xf32>
    %dot_general3A_35 = arith.constant dense<0.000000e+00> : vector<400x128xf32>
    %dot_general3A_36 = tpu.matmul %get3A_1, %get3A_34, %dot_general3A_35 {dimension_numbers = #tpu.dot_dimension_numbers<[1], [0], [0], [1], [0, 0, 1, 1], [], []>, transpose_lhs_hint = false} : vector<400x128xf32>, vector<128x128xf32>, vector<400x128xf32> -> vector<400x128xf32>
    %add3A_37 = arith.addf %dot_general3A_31, %dot_general3A_36 : vector<400x128xf32>
    %get3A_38 = arith.constant 0 : index
    %get3A_39 = arith.constant 0 : index
    %get3A_40 = vector.load %arg7[%get3A_38, %get3A_39] : memref<1x128xf32, #tpu.memory_space<vmem>>, vector<1x128xf32>
    %add3A_41 = vector.broadcast %get3A_40 : vector<1x128xf32> to vector<400x128xf32>
    %add3A_42 = arith.addf %add3A_37, %add3A_41 : vector<400x128xf32>
    %mul3A_43 = arith.mulf %add3A_42, %add3A_42 : vector<400x128xf32>
    %reduce_sum3A = arith.constant dense<0.000000e+00> : vector<400xf32>
    %reduce_sum3A_44 = vector.multi_reduction <add>, %mul3A_43, %reduce_sum3A [1] : vector<400x128xf32> to vector<400xf32>
    %broadcast_in_dim3A_45 = vector.shape_cast %reduce_sum3A_44 : vector<400xf32> to vector<400x1xf32>
    %sqrt3A = math.sqrt %broadcast_in_dim3A_45 : vector<400x1xf32>
    %max3A_46 = arith.constant 9.99999996E-13 : f32
    %max3A_47 = vector.broadcast %max3A_46 : f32 to vector<400x1xf32>
    %max3A_48 = arith.maximumf %sqrt3A, %max3A_47 : vector<400x1xf32>
    %div3A_49 = vector.broadcast %max3A_48 : vector<400x1xf32> to vector<400x128xf32>
    %div3A_50 = arith.divf %add3A_42, %div3A_49 : vector<400x128xf32>
    %get3A_51 = arith.constant 0 : index
    %get3A_52 = arith.constant 0 : index
    %get3A_53 = vector.load %arg8[%get3A_51, %get3A_52] : memref<128x128xf32, #tpu.memory_space<vmem>>, vector<128x128xf32>
    %dot_general3A_54 = arith.constant dense<0.000000e+00> : vector<400x128xf32>
    %dot_general3A_55 = tpu.matmul %div3A_50, %get3A_53, %dot_general3A_54 {dimension_numbers = #tpu.dot_dimension_numbers<[1], [0], [0], [1], [0, 0, 1, 1], [], []>, transpose_lhs_hint = false} : vector<400x128xf32>, vector<128x128xf32>, vector<400x128xf32> -> vector<400x128xf32>
    %get3A_56 = arith.constant 0 : index
    %get3A_57 = arith.constant 0 : index
    %get3A_58 = vector.load %arg9[%get3A_56, %get3A_57] : memref<1x128xf32, #tpu.memory_space<vmem>>, vector<1x128xf32>
    %add3A_59 = vector.broadcast %get3A_58 : vector<1x128xf32> to vector<400x128xf32>
    %add3A_60 = arith.addf %dot_general3A_55, %add3A_59 : vector<400x128xf32>
    %get3A_61 = arith.constant 0 : index
    %get3A_62 = arith.constant 0 : index
    %get3A_63 = vector.load %arg10[%get3A_61, %get3A_62] : memref<128x128xf32, #tpu.memory_space<vmem>>, vector<128x128xf32>
    %dot_general3A_64 = arith.constant dense<0.000000e+00> : vector<400x128xf32>
    %dot_general3A_65 = tpu.matmul %get3A_4, %get3A_63, %dot_general3A_64 {dimension_numbers = #tpu.dot_dimension_numbers<[1], [0], [0], [1], [0, 0, 1, 1], [], []>, transpose_lhs_hint = false} : vector<400x128xf32>, vector<128x128xf32>, vector<400x128xf32> -> vector<400x128xf32>
    %get3A_66 = arith.constant 0 : index
    %get3A_67 = arith.constant 0 : index
    %get3A_68 = vector.load %arg11[%get3A_66, %get3A_67] : memref<1x128xf32, #tpu.memory_space<vmem>>, vector<1x128xf32>
    %add3A_69 = vector.broadcast %get3A_68 : vector<1x128xf32> to vector<400x128xf32>
    %add3A_70 = arith.addf %dot_general3A_65, %add3A_69 : vector<400x128xf32>
    %get3A_71 = arith.constant 0 : index
    %get3A_72 = arith.constant 0 : index
    %get3A_73 = vector.load %arg12[%get3A_71, %get3A_72] : memref<128x128xf32, #tpu.memory_space<vmem>>, vector<128x128xf32>
    %dot_general3A_74 = arith.constant dense<0.000000e+00> : vector<400x128xf32>
    %dot_general3A_75 = tpu.matmul %get3A_4, %get3A_73, %dot_general3A_74 {dimension_numbers = #tpu.dot_dimension_numbers<[1], [0], [0], [1], [0, 0, 1, 1], [], []>, transpose_lhs_hint = false} : vector<400x128xf32>, vector<128x128xf32>, vector<400x128xf32> -> vector<400x128xf32>
    %get3A_76 = arith.constant 0 : index
    %get3A_77 = arith.constant 0 : index
    %get3A_78 = vector.load %arg13[%get3A_76, %get3A_77] : memref<1x128xf32, #tpu.memory_space<vmem>>, vector<1x128xf32>
    %add3A_79 = vector.broadcast %get3A_78 : vector<1x128xf32> to vector<400x128xf32>
    %add3A_80 = arith.addf %dot_general3A_75, %add3A_79 : vector<400x128xf32>
    %mul3A_81 = arith.mulf %add3A_60, %add3A_70 : vector<400x128xf32>
    %reduce_sum3A_82 = arith.constant dense<0.000000e+00> : vector<400xf32>
    %reduce_sum3A_83 = vector.multi_reduction <add>, %mul3A_81, %reduce_sum3A_82 [1] : vector<400x128xf32> to vector<400xf32>
    %broadcast_in_dim3A_84 = vector.shape_cast %reduce_sum3A_83 : vector<400xf32> to vector<400x1xf32>
    %logistic3A = arith.negf %broadcast_in_dim3A_84 : vector<400x1xf32>
    %logistic3A_85 = math.exp %logistic3A : vector<400x1xf32>
    %logistic3A_86 = arith.constant 1.000000e+00 : f32
    %logistic3A_87 = vector.broadcast %logistic3A_86 : f32 to vector<400x1xf32>
    %logistic3A_88 = arith.addf %logistic3A_87, %logistic3A_85 : vector<400x1xf32>
    %logistic3A_89 = arith.divf %logistic3A_87, %logistic3A_88 : vector<400x1xf32>
    %get3A_90 = arith.constant 0 : index
    %get3A_91 = arith.constant 0 : index
    %get3A_92 = vector.load %arg14[%get3A_90, %get3A_91] : memref<128x128xf32, #tpu.memory_space<vmem>>, vector<128x128xf32>
    %dot_general3A_93 = arith.constant dense<0.000000e+00> : vector<400x128xf32>
    %dot_general3A_94 = tpu.matmul %add3A_80, %get3A_92, %dot_general3A_93 {dimension_numbers = #tpu.dot_dimension_numbers<[1], [0], [0], [1], [0, 0, 1, 1], [], []>, transpose_lhs_hint = false} : vector<400x128xf32>, vector<128x128xf32>, vector<400x128xf32> -> vector<400x128xf32>
    %mul3A_95 = vector.broadcast %logistic3A_89 : vector<400x1xf32> to vector<400x128xf32>
    %mul3A_96 = arith.mulf %mul3A_95, %dot_general3A_94 : vector<400x128xf32>
    %add3A_97 = arith.addf %div3A_50, %mul3A_96 : vector<400x128xf32>
    %get3A_98 = arith.constant 0 : index
    %get3A_99 = arith.constant 0 : index
    %get3A_100 = vector.load %arg15[%get3A_98, %get3A_99] : memref<128x128xf32, #tpu.memory_space<vmem>>, vector<128x128xf32>
    %dot_general3A_101 = arith.constant dense<0.000000e+00> : vector<400x128xf32>
    %dot_general3A_102 = tpu.matmul %get3A_4, %get3A_100, %dot_general3A_101 {dimension_numbers = #tpu.dot_dimension_numbers<[1], [0], [0], [1], [0, 0, 1, 1], [], []>, transpose_lhs_hint = false} : vector<400x128xf32>, vector<128x128xf32>, vector<400x128xf32> -> vector<400x128xf32>
    %get3A_103 = arith.constant 0 : index
    %get3A_104 = arith.constant 0 : index
    %get3A_105 = vector.load %arg16[%get3A_103, %get3A_104] : memref<1x128xf32, #tpu.memory_space<vmem>>, vector<1x128xf32>
    %add3A_106 = vector.broadcast %get3A_105 : vector<1x128xf32> to vector<400x128xf32>
    %add3A_107 = arith.addf %dot_general3A_102, %add3A_106 : vector<400x128xf32>
    %get3A_108 = arith.constant 0 : index
    %get3A_109 = arith.constant 0 : index
    %get3A_110 = vector.load %arg17[%get3A_108, %get3A_109] : memref<128x128xf32, #tpu.memory_space<vmem>>, vector<128x128xf32>
    %dot_general3A_111 = arith.constant dense<0.000000e+00> : vector<400x128xf32>
    %dot_general3A_112 = tpu.matmul %div3A_50, %get3A_110, %dot_general3A_111 {dimension_numbers = #tpu.dot_dimension_numbers<[1], [0], [0], [1], [0, 0, 1, 1], [], []>, transpose_lhs_hint = false} : vector<400x128xf32>, vector<128x128xf32>, vector<400x128xf32> -> vector<400x128xf32>
    %get3A_113 = arith.constant 0 : index
    %get3A_114 = arith.constant 0 : index
    %get3A_115 = vector.load %arg18[%get3A_113, %get3A_114] : memref<1x128xf32, #tpu.memory_space<vmem>>, vector<1x128xf32>
    %add3A_116 = vector.broadcast %get3A_115 : vector<1x128xf32> to vector<400x128xf32>
    %add3A_117 = arith.addf %dot_general3A_112, %add3A_116 : vector<400x128xf32>
    %get3A_118 = arith.constant 0 : index
    %get3A_119 = arith.constant 0 : index
    %get3A_120 = vector.load %arg19[%get3A_118, %get3A_119] : memref<128x128xf32, #tpu.memory_space<vmem>>, vector<128x128xf32>
    %dot_general3A_121 = arith.constant dense<0.000000e+00> : vector<400x128xf32>
    %dot_general3A_122 = tpu.matmul %div3A_50, %get3A_120, %dot_general3A_121 {dimension_numbers = #tpu.dot_dimension_numbers<[1], [0], [0], [1], [0, 0, 1, 1], [], []>, transpose_lhs_hint = false} : vector<400x128xf32>, vector<128x128xf32>, vector<400x128xf32> -> vector<400x128xf32>
    %get3A_123 = arith.constant 0 : index
    %get3A_124 = arith.constant 0 : index
    %get3A_125 = vector.load %arg20[%get3A_123, %get3A_124] : memref<1x128xf32, #tpu.memory_space<vmem>>, vector<1x128xf32>
    %add3A_126 = vector.broadcast %get3A_125 : vector<1x128xf32> to vector<400x128xf32>
    %add3A_127 = arith.addf %dot_general3A_122, %add3A_126 : vector<400x128xf32>
    %mul3A_128 = arith.mulf %add3A_107, %add3A_117 : vector<400x128xf32>
    %reduce_sum3A_129 = arith.constant dense<0.000000e+00> : vector<400xf32>
    %reduce_sum3A_130 = vector.multi_reduction <add>, %mul3A_128, %reduce_sum3A_129 [1] : vector<400x128xf32> to vector<400xf32>
    %broadcast_in_dim3A_131 = vector.shape_cast %reduce_sum3A_130 : vector<400xf32> to vector<400x1xf32>
    %logistic3A_132 = arith.negf %broadcast_in_dim3A_131 : vector<400x1xf32>
    %logistic3A_133 = math.exp %logistic3A_132 : vector<400x1xf32>
    %logistic3A_134 = arith.constant 1.000000e+00 : f32
    %logistic3A_135 = vector.broadcast %logistic3A_134 : f32 to vector<400x1xf32>
    %logistic3A_136 = arith.addf %logistic3A_135, %logistic3A_133 : vector<400x1xf32>
    %logistic3A_137 = arith.divf %logistic3A_135, %logistic3A_136 : vector<400x1xf32>
    %get3A_138 = arith.constant 0 : index
    %get3A_139 = arith.constant 0 : index
    %get3A_140 = vector.load %arg21[%get3A_138, %get3A_139] : memref<128x128xf32, #tpu.memory_space<vmem>>, vector<128x128xf32>
    %dot_general3A_141 = arith.constant dense<0.000000e+00> : vector<400x128xf32>
    %dot_general3A_142 = tpu.matmul %add3A_127, %get3A_140, %dot_general3A_141 {dimension_numbers = #tpu.dot_dimension_numbers<[1], [0], [0], [1], [0, 0, 1, 1], [], []>, transpose_lhs_hint = false} : vector<400x128xf32>, vector<128x128xf32>, vector<400x128xf32> -> vector<400x128xf32>
    %mul3A_143 = vector.broadcast %logistic3A_137 : vector<400x1xf32> to vector<400x128xf32>
    %mul3A_144 = arith.mulf %mul3A_143, %dot_general3A_142 : vector<400x128xf32>
    %add3A_145 = arith.addf %get3A_4, %mul3A_144 : vector<400x128xf32>
    %sub3A = arith.subf %logistic3A_89, %logistic3A_137 : vector<400x1xf32>
    %logistic3A_146 = arith.negf %sub3A : vector<400x1xf32>
    %logistic3A_147 = math.exp %logistic3A_146 : vector<400x1xf32>
    %logistic3A_148 = arith.constant 1.000000e+00 : f32
    %logistic3A_149 = vector.broadcast %logistic3A_148 : f32 to vector<400x1xf32>
    %logistic3A_150 = arith.addf %logistic3A_149, %logistic3A_147 : vector<400x1xf32>
    %logistic3A_151 = arith.divf %logistic3A_149, %logistic3A_150 : vector<400x1xf32>
    %swap3A = arith.constant 0 : index
    %swap3A_152 = arith.constant 0 : index
    %swap3A_153 = vector.load %arg29[%swap3A, %swap3A_152] : memref<400x1xf32, #tpu.memory_space<vmem>>, vector<400x1xf32>
    tpu.vector_store %arg29[%swap3A, %swap3A_152], %logistic3A_151 {strides = array<i32>} : memref<400x1xf32, #tpu.memory_space<vmem>>, vector<400x1xf32>,
    %sub3A_154 = arith.constant 1.000000e+00 : f32
    %sub3A_155 = vector.broadcast %sub3A_154 : f32 to vector<400x1xf32>
    %sub3A_156 = arith.subf %sub3A_155, %logistic3A_151 : vector<400x1xf32>
    %swap3A_157 = arith.constant 0 : index
    %swap3A_158 = arith.constant 0 : index
    %swap3A_159 = vector.load %arg30[%swap3A_157, %swap3A_158] : memref<400x1xf32, #tpu.memory_space<vmem>>, vector<400x1xf32>
    tpu.vector_store %arg30[%swap3A_157, %swap3A_158], %sub3A_156 {strides = array<i32>} : memref<400x1xf32, #tpu.memory_space<vmem>>, vector<400x1xf32>,
    %concatenate3A_160 = tpu.concatenate %add3A_97, %add3A_145 in 1 : vector<400x128xf32>, vector<400x128xf32> -> vector<400x256xf32>
    %get3A_161 = arith.constant 0 : index
    %get3A_162 = arith.constant 0 : index
    %get3A_163 = vector.load %arg22[%get3A_161, %get3A_162] : memref<256x128xf32, #tpu.memory_space<vmem>>, vector<256x128xf32>
    %dot_general3A_164 = arith.constant dense<0.000000e+00> : vector<400x128xf32>
    %dot_general3A_165 = tpu.matmul %concatenate3A_160, %get3A_163, %dot_general3A_164 {dimension_numbers = #tpu.dot_dimension_numbers<[1], [0], [0], [1], [0, 0, 1, 1], [], []>, transpose_lhs_hint = false} : vector<400x256xf32>, vector<256x128xf32>, vector<400x128xf32> -> vector<400x128xf32>
    %get3A_166 = arith.constant 0 : index
    %get3A_167 = arith.constant 0 : index
    %get3A_168 = vector.load %arg23[%get3A_166, %get3A_167] : memref<1x128xf32, #tpu.memory_space<vmem>>, vector<1x128xf32>
    %add3A_169 = vector.broadcast %get3A_168 : vector<1x128xf32> to vector<400x128xf32>
    %add3A_170 = arith.addf %dot_general3A_165, %add3A_169 : vector<400x128xf32>
    %max3A_171 = arith.constant 0.000000e+00 : f32
    %max3A_172 = vector.broadcast %max3A_171 : f32 to vector<400x128xf32>
    %max3A_173 = arith.maximumf %add3A_170, %max3A_172 : vector<400x128xf32>
    %get3A_174 = arith.constant 0 : index
    %get3A_175 = arith.constant 0 : index
    %get3A_176 = vector.load %arg24[%get3A_174, %get3A_175] : memref<128x64xf32, #tpu.memory_space<vmem>>, vector<128x64xf32>
    %dot_general3A_177 = arith.constant dense<0.000000e+00> : vector<400x64xf32>
    %dot_general3A_178 = tpu.matmul %max3A_173, %get3A_176, %dot_general3A_177 {dimension_numbers = #tpu.dot_dimension_numbers<[1], [0], [0], [1], [0, 0, 1, 1], [], []>, transpose_lhs_hint = false} : vector<400x128xf32>, vector<128x64xf32>, vector<400x64xf32> -> vector<400x64xf32>
    %get3A_179 = arith.constant 0 : index
    %get3A_180 = arith.constant 0 : index
    %get3A_181 = vector.load %arg25[%get3A_179, %get3A_180] : memref<1x64xf32, #tpu.memory_space<vmem>>, vector<1x64xf32>
    %add3A_182 = vector.broadcast %get3A_181 : vector<1x64xf32> to vector<400x64xf32>
    %add3A_183 = arith.addf %dot_general3A_178, %add3A_182 : vector<400x64xf32>
    %max3A_184 = arith.constant 0.000000e+00 : f32
    %max3A_185 = vector.broadcast %max3A_184 : f32 to vector<400x64xf32>
    %max3A_186 = arith.maximumf %add3A_183, %max3A_185 : vector<400x64xf32>
    %get3A_187 = arith.constant 0 : index
    %get3A_188 = arith.constant 0 : index
    %get3A_189 = vector.load %arg26[%get3A_187, %get3A_188] : memref<64x128xf32, #tpu.memory_space<vmem>>, vector<64x128xf32>
    %dot_general3A_190 = arith.constant dense<0.000000e+00> : vector<400x128xf32>
    %dot_general3A_191 = tpu.matmul %max3A_186, %get3A_189, %dot_general3A_190 {dimension_numbers = #tpu.dot_dimension_numbers<[1], [0], [0], [1], [0, 0, 1, 1], [], []>, transpose_lhs_hint = false} : vector<400x64xf32>, vector<64x128xf32>, vector<400x128xf32> -> vector<400x128xf32>
    %get3A_192 = arith.constant 0 : index
    %get3A_193 = arith.constant 0 : index
    %get3A_194 = vector.load %arg27[%get3A_192, %get3A_193] : memref<1x128xf32, #tpu.memory_space<vmem>>, vector<1x128xf32>
    %add3A_195 = vector.broadcast %get3A_194 : vector<1x128xf32> to vector<400x128xf32>
    %add3A_196 = arith.addf %dot_general3A_191, %add3A_195 : vector<400x128xf32>
    %slice3A = vector.extract_strided_slice %add3A_196 {offsets = [0, 0], sizes = [400, 1], strides = [1, 1]} : vector<400x128xf32> to vector<400x1xf32>
    %swap3A_197 = arith.constant 0 : index
    %swap3A_198 = arith.constant 0 : index
    %swap3A_199 = vector.load %arg28[%swap3A_197, %swap3A_198] : memref<400x1xf32, #tpu.memory_space<vmem>>, vector<400x1xf32>
    tpu.vector_store %arg28[%swap3A_197, %swap3A_198], %slice3A {strides = array<i32>} : memref<400x1xf32, #tpu.memory_space<vmem>>, vector<400x1xf32>,
    return
  }
  func.func @transform_0(%arg0: i32) -> (i32, i32, i32) {
    %c0_i32 = arith.constant 0 : i32
    %c0_i32_0 = arith.constant 0 : i32
    %c0_i32_1 = arith.constant 0 : i32
    return %c0_i32, %arg0, %c0_i32_0 : i32, i32, i32
  }
  func.func @transform_1(%arg0: i32) -> (i32, i32) {
    %c0_i32 = arith.constant 0 : i32
    %c0_i32_0 = arith.constant 0 : i32
    return %arg0, %c0_i32 : i32, i32
  }
  func.func @transform_2(%arg0: i32) -> (i32, i32) {
    %c0_i32 = arith.constant 0 : i32
    %c0_i32_0 = arith.constant 0 : i32
    return %arg0, %c0_i32 : i32, i32
  }
  func.func @transform_3(%arg0: i32) -> (i32, i32) {
    %c0_i32 = arith.constant 0 : i32
    %c0_i32_0 = arith.constant 0 : i32
    return %arg0, %c0_i32 : i32, i32
  }
  func.func @transform_4(%arg0: i32) -> (i32, i32) {
    %c0_i32 = arith.constant 0 : i32
    %c0_i32_0 = arith.constant 0 : i32
    %c0_i32_1 = arith.constant 0 : i32
    return %c0_i32, %c0_i32_0 : i32, i32
  }
  func.func @transform_5(%arg0: i32) -> (i32, i32) {
    %c0_i32 = arith.constant 0 : i32
    %c0_i32_0 = arith.constant 0 : i32
    %c0_i32_1 = arith.constant 0 : i32
    return %c0_i32, %c0_i32_0 : i32, i32
  }
  func.func @transform_6(%arg0: i32) -> (i32, i32) {
    %c0_i32 = arith.constant 0 : i32
    %c0_i32_0 = arith.constant 0 : i32
    %c0_i32_1 = arith.constant 0 : i32
    return %c0_i32, %c0_i32_0 : i32, i32
  }
  func.func @transform_7(%arg0: i32) -> (i32, i32) {
    %c0_i32 = arith.constant 0 : i32
    %c0_i32_0 = arith.constant 0 : i32
    %c0_i32_1 = arith.constant 0 : i32
    return %c0_i32, %c0_i32_0 : i32, i32
  }
  func.func @transform_8(%arg0: i32) -> (i32, i32) {
    %c0_i32 = arith.constant 0 : i32
    %c0_i32_0 = arith.constant 0 : i32
    %c0_i32_1 = arith.constant 0 : i32
    return %c0_i32, %c0_i32_0 : i32, i32
  }
  func.func @transform_9(%arg0: i32) -> (i32, i32) {
    %c0_i32 = arith.constant 0 : i32
    %c0_i32_0 = arith.constant 0 : i32
    %c0_i32_1 = arith.constant 0 : i32
    return %c0_i32, %c0_i32_0 : i32, i32
  }
  func.func @transform_10(%arg0: i32) -> (i32, i32) {
    %c0_i32 = arith.constant 0 : i32
    %c0_i32_0 = arith.constant 0 : i32
    %c0_i32_1 = arith.constant 0 : i32
    return %c0_i32, %c0_i32_0 : i32, i32
  }
  func.func @transform_11(%arg0: i32) -> (i32, i32) {
    %c0_i32 = arith.constant 0 : i32
    %c0_i32_0 = arith.constant 0 : i32
    %c0_i32_1 = arith.constant 0 : i32
    return %c0_i32, %c0_i32_0 : i32, i32
  }
  func.func @transform_12(%arg0: i32) -> (i32, i32) {
    %c0_i32 = arith.constant 0 : i32
    %c0_i32_0 = arith.constant 0 : i32
    %c0_i32_1 = arith.constant 0 : i32
    return %c0_i32, %c0_i32_0 : i32, i32
  }
  func.func @transform_13(%arg0: i32) -> (i32, i32) {
    %c0_i32 = arith.constant 0 : i32
    %c0_i32_0 = arith.constant 0 : i32
    %c0_i32_1 = arith.constant 0 : i32
    return %c0_i32, %c0_i32_0 : i32, i32
  }
  func.func @transform_14(%arg0: i32) -> (i32, i32) {
    %c0_i32 = arith.constant 0 : i32
    %c0_i32_0 = arith.constant 0 : i32
    %c0_i32_1 = arith.constant 0 : i32
    return %c0_i32, %c0_i32_0 : i32, i32
  }
  func.func @transform_15(%arg0: i32) -> (i32, i32) {
    %c0_i32 = arith.constant 0 : i32
    %c0_i32_0 = arith.constant 0 : i32
    %c0_i32_1 = arith.constant 0 : i32
    return %c0_i32, %c0_i32_0 : i32, i32
  }
  func.func @transform_16(%arg0: i32) -> (i32, i32) {
    %c0_i32 = arith.constant 0 : i32
    %c0_i32_0 = arith.constant 0 : i32
    %c0_i32_1 = arith.constant 0 : i32
    return %c0_i32, %c0_i32_0 : i32, i32
  }
  func.func @transform_17(%arg0: i32) -> (i32, i32) {
    %c0_i32 = arith.constant 0 : i32
    %c0_i32_0 = arith.constant 0 : i32
    %c0_i32_1 = arith.constant 0 : i32
    return %c0_i32, %c0_i32_0 : i32, i32
  }
  func.func @transform_18(%arg0: i32) -> (i32, i32) {
    %c0_i32 = arith.constant 0 : i32
    %c0_i32_0 = arith.constant 0 : i32
    %c0_i32_1 = arith.constant 0 : i32
    return %c0_i32, %c0_i32_0 : i32, i32
  }
  func.func @transform_19(%arg0: i32) -> (i32, i32) {
    %c0_i32 = arith.constant 0 : i32
    %c0_i32_0 = arith.constant 0 : i32
    %c0_i32_1 = arith.constant 0 : i32
    return %c0_i32, %c0_i32_0 : i32, i32
  }
  func.func @transform_20(%arg0: i32) -> (i32, i32) {
    %c0_i32 = arith.constant 0 : i32
    %c0_i32_0 = arith.constant 0 : i32
    %c0_i32_1 = arith.constant 0 : i32
    return %c0_i32, %c0_i32_0 : i32, i32
  }
  func.func @transform_21(%arg0: i32) -> (i32, i32) {
    %c0_i32 = arith.constant 0 : i32
    %c0_i32_0 = arith.constant 0 : i32
    %c0_i32_1 = arith.constant 0 : i32
    return %c0_i32, %c0_i32_0 : i32, i32
  }
  func.func @transform_22(%arg0: i32) -> (i32, i32) {
    %c0_i32 = arith.constant 0 : i32
    %c0_i32_0 = arith.constant 0 : i32
    %c0_i32_1 = arith.constant 0 : i32
    return %c0_i32, %c0_i32_0 : i32, i32
  }
  func.func @transform_23(%arg0: i32) -> (i32, i32) {
    %c0_i32 = arith.constant 0 : i32
    %c0_i32_0 = arith.constant 0 : i32
    %c0_i32_1 = arith.constant 0 : i32
    return %c0_i32, %c0_i32_0 : i32, i32
  }
  func.func @transform_24(%arg0: i32) -> (i32, i32) {
    %c0_i32 = arith.constant 0 : i32
    %c0_i32_0 = arith.constant 0 : i32
    %c0_i32_1 = arith.constant 0 : i32
    return %c0_i32, %c0_i32_0 : i32, i32
  }
  func.func @transform_25(%arg0: i32) -> (i32, i32) {
    %c0_i32 = arith.constant 0 : i32
    %c0_i32_0 = arith.constant 0 : i32
    %c0_i32_1 = arith.constant 0 : i32
    return %c0_i32, %c0_i32_0 : i32, i32
  }
  func.func @transform_26(%arg0: i32) -> (i32, i32) {
    %c0_i32 = arith.constant 0 : i32
    %c0_i32_0 = arith.constant 0 : i32
    %c0_i32_1 = arith.constant 0 : i32
    return %c0_i32, %c0_i32_0 : i32, i32
  }
  func.func @transform_27(%arg0: i32) -> (i32, i32) {
    %c0_i32 = arith.constant 0 : i32
    %c0_i32_0 = arith.constant 0 : i32
    return %arg0, %c0_i32 : i32, i32
  }
  func.func @transform_28(%arg0: i32) -> (i32, i32) {
    %c0_i32 = arith.constant 0 : i32
    %c0_i32_0 = arith.constant 0 : i32
    return %arg0, %c0_i32 : i32, i32
  }
  func.func @transform_29(%arg0: i32) -> (i32, i32) {
    %c0_i32 = arith.constant 0 : i32
    %c0_i32_0 = arith.constant 0 : i32
    return %arg0, %c0_i32 : i32, i32
  }
}

module attributes {stable_mosaic.version = 14 : i64} {
  func.func @_bilstm_tc_body(%arg0: i32, %arg1: memref<1000x384xf32, #tpu.memory_space<vmem>>, %arg2: memref<80x256xbf16, #tpu.memory_space<vmem>>, %arg3: memref<1x256xf32, #tpu.memory_space<vmem>>, %arg4: memref<80x256xbf16, #tpu.memory_space<vmem>>, %arg5: memref<1x256xf32, #tpu.memory_space<vmem>>, %arg6: memref<192x256xbf16, #tpu.memory_space<vmem>>, %arg7: memref<1x256xf32, #tpu.memory_space<vmem>>, %arg8: memref<128x256xbf16, #tpu.memory_space<vmem>>, %arg9: memref<1x256xf32, #tpu.memory_space<vmem>>, %arg10: memref<1000x128xf32, #tpu.memory_space<vmem>>) attributes {dimension_semantics = [#tpu.dimension_semantics<arbitrary>], iteration_bounds = array<i64: 10>, scalar_prefetch = 0 : i64, scratch_operands = 0 : i64, tpu.core_type = #tpu.core_type<tc>, window_params = [{transform_indices = @transform_0, window_bounds = array<i64: 1000, 384>}, {pipeline_mode = #tpu.pipeline_mode<synchronous>, transform_indices = @transform_1, window_bounds = array<i64: 80, 256>}, {pipeline_mode = #tpu.pipeline_mode<synchronous>, transform_indices = @transform_2, window_bounds = array<i64: 1, 256>}, {pipeline_mode = #tpu.pipeline_mode<synchronous>, transform_indices = @transform_3, window_bounds = array<i64: 80, 256>}, {pipeline_mode = #tpu.pipeline_mode<synchronous>, transform_indices = @transform_4, window_bounds = array<i64: 1, 256>}, {pipeline_mode = #tpu.pipeline_mode<synchronous>, transform_indices = @transform_5, window_bounds = array<i64: 192, 256>}, {pipeline_mode = #tpu.pipeline_mode<synchronous>, transform_indices = @transform_6, window_bounds = array<i64: 1, 256>}, {pipeline_mode = #tpu.pipeline_mode<synchronous>, transform_indices = @transform_7, window_bounds = array<i64: 128, 256>}, {pipeline_mode = #tpu.pipeline_mode<synchronous>, transform_indices = @transform_8, window_bounds = array<i64: 1, 256>}, {transform_indices = @transform_9, window_bounds = array<i64: 1000, 128>}]} {
    %get3A = arith.constant 0 : index
    %get3A_0 = arith.constant 0 : index
    %get3A_1 = vector.load %arg1[%get3A, %get3A_0] : memref<1000x384xf32, #tpu.memory_space<vmem>>, vector<1000x384xf32>
    %convert_element_type3A = arith.truncf %get3A_1 : vector<1000x384xf32> to vector<1000x384xbf16>
    %slice3A = vector.extract_strided_slice %convert_element_type3A {offsets = [0, 0], sizes = [1000, 16], strides = [1, 1]} : vector<1000x384xbf16> to vector<1000x16xbf16>
    %slice3A_2 = vector.extract_strided_slice %convert_element_type3A {offsets = [0, 16], sizes = [1000, 16], strides = [1, 1]} : vector<1000x384xbf16> to vector<1000x16xbf16>
    %slice3A_3 = vector.extract_strided_slice %convert_element_type3A {offsets = [0, 32], sizes = [1000, 16], strides = [1, 1]} : vector<1000x384xbf16> to vector<1000x16xbf16>
    %slice3A_4 = vector.extract_strided_slice %convert_element_type3A {offsets = [0, 48], sizes = [1000, 16], strides = [1, 1]} : vector<1000x384xbf16> to vector<1000x16xbf16>
    %slice3A_5 = vector.extract_strided_slice %convert_element_type3A {offsets = [0, 64], sizes = [1000, 16], strides = [1, 1]} : vector<1000x384xbf16> to vector<1000x16xbf16>
    %slice3A_6 = vector.extract_strided_slice %convert_element_type3A {offsets = [0, 80], sizes = [1000, 16], strides = [1, 1]} : vector<1000x384xbf16> to vector<1000x16xbf16>
    %slice3A_7 = vector.extract_strided_slice %convert_element_type3A {offsets = [0, 96], sizes = [1000, 16], strides = [1, 1]} : vector<1000x384xbf16> to vector<1000x16xbf16>
    %slice3A_8 = vector.extract_strided_slice %convert_element_type3A {offsets = [0, 112], sizes = [1000, 16], strides = [1, 1]} : vector<1000x384xbf16> to vector<1000x16xbf16>
    %slice3A_9 = vector.extract_strided_slice %convert_element_type3A {offsets = [0, 128], sizes = [1000, 16], strides = [1, 1]} : vector<1000x384xbf16> to vector<1000x16xbf16>
    %slice3A_10 = vector.extract_strided_slice %convert_element_type3A {offsets = [0, 144], sizes = [1000, 16], strides = [1, 1]} : vector<1000x384xbf16> to vector<1000x16xbf16>
    %slice3A_11 = vector.extract_strided_slice %convert_element_type3A {offsets = [0, 160], sizes = [1000, 16], strides = [1, 1]} : vector<1000x384xbf16> to vector<1000x16xbf16>
    %slice3A_12 = vector.extract_strided_slice %convert_element_type3A {offsets = [0, 176], sizes = [1000, 16], strides = [1, 1]} : vector<1000x384xbf16> to vector<1000x16xbf16>
    %slice3A_13 = vector.extract_strided_slice %convert_element_type3A {offsets = [0, 192], sizes = [1000, 16], strides = [1, 1]} : vector<1000x384xbf16> to vector<1000x16xbf16>
    %slice3A_14 = vector.extract_strided_slice %convert_element_type3A {offsets = [0, 208], sizes = [1000, 16], strides = [1, 1]} : vector<1000x384xbf16> to vector<1000x16xbf16>
    %slice3A_15 = vector.extract_strided_slice %convert_element_type3A {offsets = [0, 224], sizes = [1000, 16], strides = [1, 1]} : vector<1000x384xbf16> to vector<1000x16xbf16>
    %slice3A_16 = vector.extract_strided_slice %convert_element_type3A {offsets = [0, 240], sizes = [1000, 16], strides = [1, 1]} : vector<1000x384xbf16> to vector<1000x16xbf16>
    %slice3A_17 = vector.extract_strided_slice %convert_element_type3A {offsets = [0, 256], sizes = [1000, 16], strides = [1, 1]} : vector<1000x384xbf16> to vector<1000x16xbf16>
    %slice3A_18 = vector.extract_strided_slice %convert_element_type3A {offsets = [0, 272], sizes = [1000, 16], strides = [1, 1]} : vector<1000x384xbf16> to vector<1000x16xbf16>
    %slice3A_19 = vector.extract_strided_slice %convert_element_type3A {offsets = [0, 288], sizes = [1000, 16], strides = [1, 1]} : vector<1000x384xbf16> to vector<1000x16xbf16>
    %slice3A_20 = vector.extract_strided_slice %convert_element_type3A {offsets = [0, 304], sizes = [1000, 16], strides = [1, 1]} : vector<1000x384xbf16> to vector<1000x16xbf16>
    %slice3A_21 = vector.extract_strided_slice %convert_element_type3A {offsets = [0, 320], sizes = [1000, 16], strides = [1, 1]} : vector<1000x384xbf16> to vector<1000x16xbf16>
    %slice3A_22 = vector.extract_strided_slice %convert_element_type3A {offsets = [0, 336], sizes = [1000, 16], strides = [1, 1]} : vector<1000x384xbf16> to vector<1000x16xbf16>
    %slice3A_23 = vector.extract_strided_slice %convert_element_type3A {offsets = [0, 352], sizes = [1000, 16], strides = [1, 1]} : vector<1000x384xbf16> to vector<1000x16xbf16>
    %slice3A_24 = vector.extract_strided_slice %convert_element_type3A {offsets = [0, 368], sizes = [1000, 16], strides = [1, 1]} : vector<1000x384xbf16> to vector<1000x16xbf16>
    %broadcast_in_dim3A = arith.constant 0.000000e+00 : f32
    %broadcast_in_dim3A_25 = vector.broadcast %broadcast_in_dim3A : f32 to vector<1000x64xf32>
    %get3A_26 = arith.constant 0 : index
    %get3A_27 = arith.constant 0 : index
    %get3A_28 = vector.load %arg2[%get3A_26, %get3A_27] : memref<80x256xbf16, #tpu.memory_space<vmem>>, vector<80x256xbf16>
    %get3A_29 = arith.constant 0 : index
    %get3A_30 = arith.constant 0 : index
    %get3A_31 = vector.load %arg4[%get3A_29, %get3A_30] : memref<80x256xbf16, #tpu.memory_space<vmem>>, vector<80x256xbf16>
    %get3A_32 = arith.constant 0 : index
    %get3A_33 = arith.constant 0 : index
    %get3A_34 = vector.load %arg3[%get3A_32, %get3A_33] : memref<1x256xf32, #tpu.memory_space<vmem>>, vector<1x256xf32>
    %get3A_35 = arith.constant 0 : index
    %get3A_36 = arith.constant 0 : index
    %get3A_37 = vector.load %arg5[%get3A_35, %get3A_36] : memref<1x256xf32, #tpu.memory_space<vmem>>, vector<1x256xf32>
    %convert_element_type3A_38 = arith.truncf %broadcast_in_dim3A_25 : vector<1000x64xf32> to vector<1000x64xbf16>
    %concatenate3A = tpu.concatenate %slice3A, %convert_element_type3A_38 in 1 : vector<1000x16xbf16>, vector<1000x64xbf16> -> vector<1000x80xbf16>
    %convert_element_type3A_39 = arith.truncf %broadcast_in_dim3A_25 : vector<1000x64xf32> to vector<1000x64xbf16>
    %concatenate3A_40 = tpu.concatenate %slice3A_24, %convert_element_type3A_39 in 1 : vector<1000x16xbf16>, vector<1000x64xbf16> -> vector<1000x80xbf16>
    %dot_general3A = arith.constant dense<0.000000e+00> : vector<1000x256xf32>
    %dot_general3A_41 = tpu.matmul %concatenate3A, %get3A_28, %dot_general3A {dimension_numbers = #tpu.dot_dimension_numbers<[1], [0], [0], [1], [0, 0, 1, 1], [], []>, transpose_lhs_hint = false} : vector<1000x80xbf16>, vector<80x256xbf16>, vector<1000x256xf32> -> vector<1000x256xf32>
    %add3A = vector.broadcast %get3A_34 : vector<1x256xf32> to vector<1000x256xf32>
    %add3A_42 = arith.addf %dot_general3A_41, %add3A : vector<1000x256xf32>
    %dot_general3A_43 = arith.constant dense<0.000000e+00> : vector<1000x256xf32>
    %dot_general3A_44 = tpu.matmul %concatenate3A_40, %get3A_31, %dot_general3A_43 {dimension_numbers = #tpu.dot_dimension_numbers<[1], [0], [0], [1], [0, 0, 1, 1], [], []>, transpose_lhs_hint = false} : vector<1000x80xbf16>, vector<80x256xbf16>, vector<1000x256xf32> -> vector<1000x256xf32>
    %add3A_45 = vector.broadcast %get3A_37 : vector<1x256xf32> to vector<1000x256xf32>
    %add3A_46 = arith.addf %dot_general3A_44, %add3A_45 : vector<1000x256xf32>
    %slice3A_47 = vector.extract_strided_slice %add3A_42 {offsets = [0, 0], sizes = [1000, 64], strides = [1, 1]} : vector<1000x256xf32> to vector<1000x64xf32>
    %tanh3A = math.tanh %slice3A_47 : vector<1000x64xf32>
    %mul3A = arith.constant 5.000000e-01 : f32
    %mul3A_48 = vector.broadcast %mul3A : f32 to vector<1000x64xf32>
    %mul3A_49 = arith.mulf %mul3A_48, %tanh3A : vector<1000x64xf32>
    %add3A_50 = arith.constant 5.000000e-01 : f32
    %add3A_51 = vector.broadcast %add3A_50 : f32 to vector<1000x64xf32>
    %add3A_52 = arith.addf %mul3A_49, %add3A_51 : vector<1000x64xf32>
    %slice3A_53 = vector.extract_strided_slice %add3A_42 {offsets = [0, 64], sizes = [1000, 64], strides = [1, 1]} : vector<1000x256xf32> to vector<1000x64xf32>
    %tanh3A_54 = math.tanh %slice3A_53 : vector<1000x64xf32>
    %mul3A_55 = arith.constant 5.000000e-01 : f32
    %mul3A_56 = vector.broadcast %mul3A_55 : f32 to vector<1000x64xf32>
    %mul3A_57 = arith.mulf %mul3A_56, %tanh3A_54 : vector<1000x64xf32>
    %add3A_58 = arith.constant 5.000000e-01 : f32
    %add3A_59 = vector.broadcast %add3A_58 : f32 to vector<1000x64xf32>
    %add3A_60 = arith.addf %mul3A_57, %add3A_59 : vector<1000x64xf32>
    %slice3A_61 = vector.extract_strided_slice %add3A_42 {offsets = [0, 128], sizes = [1000, 64], strides = [1, 1]} : vector<1000x256xf32> to vector<1000x64xf32>
    %tanh3A_62 = math.tanh %slice3A_61 : vector<1000x64xf32>
    %slice3A_63 = vector.extract_strided_slice %add3A_42 {offsets = [0, 192], sizes = [1000, 64], strides = [1, 1]} : vector<1000x256xf32> to vector<1000x64xf32>
    %tanh3A_64 = math.tanh %slice3A_63 : vector<1000x64xf32>
    %mul3A_65 = arith.constant 5.000000e-01 : f32
    %mul3A_66 = vector.broadcast %mul3A_65 : f32 to vector<1000x64xf32>
    %mul3A_67 = arith.mulf %mul3A_66, %tanh3A_64 : vector<1000x64xf32>
    %add3A_68 = arith.constant 5.000000e-01 : f32
    %add3A_69 = vector.broadcast %add3A_68 : f32 to vector<1000x64xf32>
    %add3A_70 = arith.addf %mul3A_67, %add3A_69 : vector<1000x64xf32>
    %mul3A_71 = arith.mulf %add3A_60, %broadcast_in_dim3A_25 : vector<1000x64xf32>
    %mul3A_72 = arith.mulf %add3A_52, %tanh3A_62 : vector<1000x64xf32>
    %add3A_73 = arith.addf %mul3A_71, %mul3A_72 : vector<1000x64xf32>
    %tanh3A_74 = math.tanh %add3A_73 : vector<1000x64xf32>
    %mul3A_75 = arith.mulf %add3A_70, %tanh3A_74 : vector<1000x64xf32>
    %slice3A_76 = vector.extract_strided_slice %add3A_46 {offsets = [0, 0], sizes = [1000, 64], strides = [1, 1]} : vector<1000x256xf32> to vector<1000x64xf32>
    %tanh3A_77 = math.tanh %slice3A_76 : vector<1000x64xf32>
    %mul3A_78 = arith.constant 5.000000e-01 : f32
    %mul3A_79 = vector.broadcast %mul3A_78 : f32 to vector<1000x64xf32>
    %mul3A_80 = arith.mulf %mul3A_79, %tanh3A_77 : vector<1000x64xf32>
    %add3A_81 = arith.constant 5.000000e-01 : f32
    %add3A_82 = vector.broadcast %add3A_81 : f32 to vector<1000x64xf32>
    %add3A_83 = arith.addf %mul3A_80, %add3A_82 : vector<1000x64xf32>
    %slice3A_84 = vector.extract_strided_slice %add3A_46 {offsets = [0, 64], sizes = [1000, 64], strides = [1, 1]} : vector<1000x256xf32> to vector<1000x64xf32>
    %tanh3A_85 = math.tanh %slice3A_84 : vector<1000x64xf32>
    %mul3A_86 = arith.constant 5.000000e-01 : f32
    %mul3A_87 = vector.broadcast %mul3A_86 : f32 to vector<1000x64xf32>
    %mul3A_88 = arith.mulf %mul3A_87, %tanh3A_85 : vector<1000x64xf32>
    %add3A_89 = arith.constant 5.000000e-01 : f32
    %add3A_90 = vector.broadcast %add3A_89 : f32 to vector<1000x64xf32>
    %add3A_91 = arith.addf %mul3A_88, %add3A_90 : vector<1000x64xf32>
    %slice3A_92 = vector.extract_strided_slice %add3A_46 {offsets = [0, 128], sizes = [1000, 64], strides = [1, 1]} : vector<1000x256xf32> to vector<1000x64xf32>
    %tanh3A_93 = math.tanh %slice3A_92 : vector<1000x64xf32>
    %slice3A_94 = vector.extract_strided_slice %add3A_46 {offsets = [0, 192], sizes = [1000, 64], strides = [1, 1]} : vector<1000x256xf32> to vector<1000x64xf32>
    %tanh3A_95 = math.tanh %slice3A_94 : vector<1000x64xf32>
    %mul3A_96 = arith.constant 5.000000e-01 : f32
    %mul3A_97 = vector.broadcast %mul3A_96 : f32 to vector<1000x64xf32>
    %mul3A_98 = arith.mulf %mul3A_97, %tanh3A_95 : vector<1000x64xf32>
    %add3A_99 = arith.constant 5.000000e-01 : f32
    %add3A_100 = vector.broadcast %add3A_99 : f32 to vector<1000x64xf32>
    %add3A_101 = arith.addf %mul3A_98, %add3A_100 : vector<1000x64xf32>
    %mul3A_102 = arith.mulf %add3A_91, %broadcast_in_dim3A_25 : vector<1000x64xf32>
    %mul3A_103 = arith.mulf %add3A_83, %tanh3A_93 : vector<1000x64xf32>
    %add3A_104 = arith.addf %mul3A_102, %mul3A_103 : vector<1000x64xf32>
    %tanh3A_105 = math.tanh %add3A_104 : vector<1000x64xf32>
    %mul3A_106 = arith.mulf %add3A_101, %tanh3A_105 : vector<1000x64xf32>
    %convert_element_type3A_107 = arith.truncf %mul3A_75 : vector<1000x64xf32> to vector<1000x64xbf16>
    %concatenate3A_108 = tpu.concatenate %slice3A_2, %convert_element_type3A_107 in 1 : vector<1000x16xbf16>, vector<1000x64xbf16> -> vector<1000x80xbf16>
    %convert_element_type3A_109 = arith.truncf %mul3A_106 : vector<1000x64xf32> to vector<1000x64xbf16>
    %concatenate3A_110 = tpu.concatenate %slice3A_23, %convert_element_type3A_109 in 1 : vector<1000x16xbf16>, vector<1000x64xbf16> -> vector<1000x80xbf16>
    %dot_general3A_111 = arith.constant dense<0.000000e+00> : vector<1000x256xf32>
    %dot_general3A_112 = tpu.matmul %concatenate3A_108, %get3A_28, %dot_general3A_111 {dimension_numbers = #tpu.dot_dimension_numbers<[1], [0], [0], [1], [0, 0, 1, 1], [], []>, transpose_lhs_hint = false} : vector<1000x80xbf16>, vector<80x256xbf16>, vector<1000x256xf32> -> vector<1000x256xf32>
    %add3A_113 = vector.broadcast %get3A_34 : vector<1x256xf32> to vector<1000x256xf32>
    %add3A_114 = arith.addf %dot_general3A_112, %add3A_113 : vector<1000x256xf32>
    %dot_general3A_115 = arith.constant dense<0.000000e+00> : vector<1000x256xf32>
    %dot_general3A_116 = tpu.matmul %concatenate3A_110, %get3A_31, %dot_general3A_115 {dimension_numbers = #tpu.dot_dimension_numbers<[1], [0], [0], [1], [0, 0, 1, 1], [], []>, transpose_lhs_hint = false} : vector<1000x80xbf16>, vector<80x256xbf16>, vector<1000x256xf32> -> vector<1000x256xf32>
    %add3A_117 = vector.broadcast %get3A_37 : vector<1x256xf32> to vector<1000x256xf32>
    %add3A_118 = arith.addf %dot_general3A_116, %add3A_117 : vector<1000x256xf32>
    %slice3A_119 = vector.extract_strided_slice %add3A_114 {offsets = [0, 0], sizes = [1000, 64], strides = [1, 1]} : vector<1000x256xf32> to vector<1000x64xf32>
    %tanh3A_120 = math.tanh %slice3A_119 : vector<1000x64xf32>
    %mul3A_121 = arith.constant 5.000000e-01 : f32
    %mul3A_122 = vector.broadcast %mul3A_121 : f32 to vector<1000x64xf32>
    %mul3A_123 = arith.mulf %mul3A_122, %tanh3A_120 : vector<1000x64xf32>
    %add3A_124 = arith.constant 5.000000e-01 : f32
    %add3A_125 = vector.broadcast %add3A_124 : f32 to vector<1000x64xf32>
    %add3A_126 = arith.addf %mul3A_123, %add3A_125 : vector<1000x64xf32>
    %slice3A_127 = vector.extract_strided_slice %add3A_114 {offsets = [0, 64], sizes = [1000, 64], strides = [1, 1]} : vector<1000x256xf32> to vector<1000x64xf32>
    %tanh3A_128 = math.tanh %slice3A_127 : vector<1000x64xf32>
    %mul3A_129 = arith.constant 5.000000e-01 : f32
    %mul3A_130 = vector.broadcast %mul3A_129 : f32 to vector<1000x64xf32>
    %mul3A_131 = arith.mulf %mul3A_130, %tanh3A_128 : vector<1000x64xf32>
    %add3A_132 = arith.constant 5.000000e-01 : f32
    %add3A_133 = vector.broadcast %add3A_132 : f32 to vector<1000x64xf32>
    %add3A_134 = arith.addf %mul3A_131, %add3A_133 : vector<1000x64xf32>
    %slice3A_135 = vector.extract_strided_slice %add3A_114 {offsets = [0, 128], sizes = [1000, 64], strides = [1, 1]} : vector<1000x256xf32> to vector<1000x64xf32>
    %tanh3A_136 = math.tanh %slice3A_135 : vector<1000x64xf32>
    %slice3A_137 = vector.extract_strided_slice %add3A_114 {offsets = [0, 192], sizes = [1000, 64], strides = [1, 1]} : vector<1000x256xf32> to vector<1000x64xf32>
    %tanh3A_138 = math.tanh %slice3A_137 : vector<1000x64xf32>
    %mul3A_139 = arith.constant 5.000000e-01 : f32
    %mul3A_140 = vector.broadcast %mul3A_139 : f32 to vector<1000x64xf32>
    %mul3A_141 = arith.mulf %mul3A_140, %tanh3A_138 : vector<1000x64xf32>
    %add3A_142 = arith.constant 5.000000e-01 : f32
    %add3A_143 = vector.broadcast %add3A_142 : f32 to vector<1000x64xf32>
    %add3A_144 = arith.addf %mul3A_141, %add3A_143 : vector<1000x64xf32>
    %mul3A_145 = arith.mulf %add3A_134, %add3A_73 : vector<1000x64xf32>
    %mul3A_146 = arith.mulf %add3A_126, %tanh3A_136 : vector<1000x64xf32>
    %add3A_147 = arith.addf %mul3A_145, %mul3A_146 : vector<1000x64xf32>
    %tanh3A_148 = math.tanh %add3A_147 : vector<1000x64xf32>
    %mul3A_149 = arith.mulf %add3A_144, %tanh3A_148 : vector<1000x64xf32>
    %slice3A_150 = vector.extract_strided_slice %add3A_118 {offsets = [0, 0], sizes = [1000, 64], strides = [1, 1]} : vector<1000x256xf32> to vector<1000x64xf32>
    %tanh3A_151 = math.tanh %slice3A_150 : vector<1000x64xf32>
    %mul3A_152 = arith.constant 5.000000e-01 : f32
    %mul3A_153 = vector.broadcast %mul3A_152 : f32 to vector<1000x64xf32>
    %mul3A_154 = arith.mulf %mul3A_153, %tanh3A_151 : vector<1000x64xf32>
    %add3A_155 = arith.constant 5.000000e-01 : f32
    %add3A_156 = vector.broadcast %add3A_155 : f32 to vector<1000x64xf32>
    %add3A_157 = arith.addf %mul3A_154, %add3A_156 : vector<1000x64xf32>
    %slice3A_158 = vector.extract_strided_slice %add3A_118 {offsets = [0, 64], sizes = [1000, 64], strides = [1, 1]} : vector<1000x256xf32> to vector<1000x64xf32>
    %tanh3A_159 = math.tanh %slice3A_158 : vector<1000x64xf32>
    %mul3A_160 = arith.constant 5.000000e-01 : f32
    %mul3A_161 = vector.broadcast %mul3A_160 : f32 to vector<1000x64xf32>
    %mul3A_162 = arith.mulf %mul3A_161, %tanh3A_159 : vector<1000x64xf32>
    %add3A_163 = arith.constant 5.000000e-01 : f32
    %add3A_164 = vector.broadcast %add3A_163 : f32 to vector<1000x64xf32>
    %add3A_165 = arith.addf %mul3A_162, %add3A_164 : vector<1000x64xf32>
    %slice3A_166 = vector.extract_strided_slice %add3A_118 {offsets = [0, 128], sizes = [1000, 64], strides = [1, 1]} : vector<1000x256xf32> to vector<1000x64xf32>
    %tanh3A_167 = math.tanh %slice3A_166 : vector<1000x64xf32>
    %slice3A_168 = vector.extract_strided_slice %add3A_118 {offsets = [0, 192], sizes = [1000, 64], strides = [1, 1]} : vector<1000x256xf32> to vector<1000x64xf32>
    %tanh3A_169 = math.tanh %slice3A_168 : vector<1000x64xf32>
    %mul3A_170 = arith.constant 5.000000e-01 : f32
    %mul3A_171 = vector.broadcast %mul3A_170 : f32 to vector<1000x64xf32>
    %mul3A_172 = arith.mulf %mul3A_171, %tanh3A_169 : vector<1000x64xf32>
    %add3A_173 = arith.constant 5.000000e-01 : f32
    %add3A_174 = vector.broadcast %add3A_173 : f32 to vector<1000x64xf32>
    %add3A_175 = arith.addf %mul3A_172, %add3A_174 : vector<1000x64xf32>
    %mul3A_176 = arith.mulf %add3A_165, %add3A_104 : vector<1000x64xf32>
    %mul3A_177 = arith.mulf %add3A_157, %tanh3A_167 : vector<1000x64xf32>
    %add3A_178 = arith.addf %mul3A_176, %mul3A_177 : vector<1000x64xf32>
    %tanh3A_179 = math.tanh %add3A_178 : vector<1000x64xf32>
    %mul3A_180 = arith.mulf %add3A_175, %tanh3A_179 : vector<1000x64xf32>
    %convert_element_type3A_181 = arith.truncf %mul3A_149 : vector<1000x64xf32> to vector<1000x64xbf16>
    %concatenate3A_182 = tpu.concatenate %slice3A_3, %convert_element_type3A_181 in 1 : vector<1000x16xbf16>, vector<1000x64xbf16> -> vector<1000x80xbf16>
    %convert_element_type3A_183 = arith.truncf %mul3A_180 : vector<1000x64xf32> to vector<1000x64xbf16>
    %concatenate3A_184 = tpu.concatenate %slice3A_22, %convert_element_type3A_183 in 1 : vector<1000x16xbf16>, vector<1000x64xbf16> -> vector<1000x80xbf16>
    %dot_general3A_185 = arith.constant dense<0.000000e+00> : vector<1000x256xf32>
    %dot_general3A_186 = tpu.matmul %concatenate3A_182, %get3A_28, %dot_general3A_185 {dimension_numbers = #tpu.dot_dimension_numbers<[1], [0], [0], [1], [0, 0, 1, 1], [], []>, transpose_lhs_hint = false} : vector<1000x80xbf16>, vector<80x256xbf16>, vector<1000x256xf32> -> vector<1000x256xf32>
    %add3A_187 = vector.broadcast %get3A_34 : vector<1x256xf32> to vector<1000x256xf32>
    %add3A_188 = arith.addf %dot_general3A_186, %add3A_187 : vector<1000x256xf32>
    %dot_general3A_189 = arith.constant dense<0.000000e+00> : vector<1000x256xf32>
    %dot_general3A_190 = tpu.matmul %concatenate3A_184, %get3A_31, %dot_general3A_189 {dimension_numbers = #tpu.dot_dimension_numbers<[1], [0], [0], [1], [0, 0, 1, 1], [], []>, transpose_lhs_hint = false} : vector<1000x80xbf16>, vector<80x256xbf16>, vector<1000x256xf32> -> vector<1000x256xf32>
    %add3A_191 = vector.broadcast %get3A_37 : vector<1x256xf32> to vector<1000x256xf32>
    %add3A_192 = arith.addf %dot_general3A_190, %add3A_191 : vector<1000x256xf32>
    %slice3A_193 = vector.extract_strided_slice %add3A_188 {offsets = [0, 0], sizes = [1000, 64], strides = [1, 1]} : vector<1000x256xf32> to vector<1000x64xf32>
    %tanh3A_194 = math.tanh %slice3A_193 : vector<1000x64xf32>
    %mul3A_195 = arith.constant 5.000000e-01 : f32
    %mul3A_196 = vector.broadcast %mul3A_195 : f32 to vector<1000x64xf32>
    %mul3A_197 = arith.mulf %mul3A_196, %tanh3A_194 : vector<1000x64xf32>
    %add3A_198 = arith.constant 5.000000e-01 : f32
    %add3A_199 = vector.broadcast %add3A_198 : f32 to vector<1000x64xf32>
    %add3A_200 = arith.addf %mul3A_197, %add3A_199 : vector<1000x64xf32>
    %slice3A_201 = vector.extract_strided_slice %add3A_188 {offsets = [0, 64], sizes = [1000, 64], strides = [1, 1]} : vector<1000x256xf32> to vector<1000x64xf32>
    %tanh3A_202 = math.tanh %slice3A_201 : vector<1000x64xf32>
    %mul3A_203 = arith.constant 5.000000e-01 : f32
    %mul3A_204 = vector.broadcast %mul3A_203 : f32 to vector<1000x64xf32>
    %mul3A_205 = arith.mulf %mul3A_204, %tanh3A_202 : vector<1000x64xf32>
    %add3A_206 = arith.constant 5.000000e-01 : f32
    %add3A_207 = vector.broadcast %add3A_206 : f32 to vector<1000x64xf32>
    %add3A_208 = arith.addf %mul3A_205, %add3A_207 : vector<1000x64xf32>
    %slice3A_209 = vector.extract_strided_slice %add3A_188 {offsets = [0, 128], sizes = [1000, 64], strides = [1, 1]} : vector<1000x256xf32> to vector<1000x64xf32>
    %tanh3A_210 = math.tanh %slice3A_209 : vector<1000x64xf32>
    %slice3A_211 = vector.extract_strided_slice %add3A_188 {offsets = [0, 192], sizes = [1000, 64], strides = [1, 1]} : vector<1000x256xf32> to vector<1000x64xf32>
    %tanh3A_212 = math.tanh %slice3A_211 : vector<1000x64xf32>
    %mul3A_213 = arith.constant 5.000000e-01 : f32
    %mul3A_214 = vector.broadcast %mul3A_213 : f32 to vector<1000x64xf32>
    %mul3A_215 = arith.mulf %mul3A_214, %tanh3A_212 : vector<1000x64xf32>
    %add3A_216 = arith.constant 5.000000e-01 : f32
    %add3A_217 = vector.broadcast %add3A_216 : f32 to vector<1000x64xf32>
    %add3A_218 = arith.addf %mul3A_215, %add3A_217 : vector<1000x64xf32>
    %mul3A_219 = arith.mulf %add3A_208, %add3A_147 : vector<1000x64xf32>
    %mul3A_220 = arith.mulf %add3A_200, %tanh3A_210 : vector<1000x64xf32>
    %add3A_221 = arith.addf %mul3A_219, %mul3A_220 : vector<1000x64xf32>
    %tanh3A_222 = math.tanh %add3A_221 : vector<1000x64xf32>
    %mul3A_223 = arith.mulf %add3A_218, %tanh3A_222 : vector<1000x64xf32>
    %slice3A_224 = vector.extract_strided_slice %add3A_192 {offsets = [0, 0], sizes = [1000, 64], strides = [1, 1]} : vector<1000x256xf32> to vector<1000x64xf32>
    %tanh3A_225 = math.tanh %slice3A_224 : vector<1000x64xf32>
    %mul3A_226 = arith.constant 5.000000e-01 : f32
    %mul3A_227 = vector.broadcast %mul3A_226 : f32 to vector<1000x64xf32>
    %mul3A_228 = arith.mulf %mul3A_227, %tanh3A_225 : vector<1000x64xf32>
    %add3A_229 = arith.constant 5.000000e-01 : f32
    %add3A_230 = vector.broadcast %add3A_229 : f32 to vector<1000x64xf32>
    %add3A_231 = arith.addf %mul3A_228, %add3A_230 : vector<1000x64xf32>
    %slice3A_232 = vector.extract_strided_slice %add3A_192 {offsets = [0, 64], sizes = [1000, 64], strides = [1, 1]} : vector<1000x256xf32> to vector<1000x64xf32>
    %tanh3A_233 = math.tanh %slice3A_232 : vector<1000x64xf32>
    %mul3A_234 = arith.constant 5.000000e-01 : f32
    %mul3A_235 = vector.broadcast %mul3A_234 : f32 to vector<1000x64xf32>
    %mul3A_236 = arith.mulf %mul3A_235, %tanh3A_233 : vector<1000x64xf32>
    %add3A_237 = arith.constant 5.000000e-01 : f32
    %add3A_238 = vector.broadcast %add3A_237 : f32 to vector<1000x64xf32>
    %add3A_239 = arith.addf %mul3A_236, %add3A_238 : vector<1000x64xf32>
    %slice3A_240 = vector.extract_strided_slice %add3A_192 {offsets = [0, 128], sizes = [1000, 64], strides = [1, 1]} : vector<1000x256xf32> to vector<1000x64xf32>
    %tanh3A_241 = math.tanh %slice3A_240 : vector<1000x64xf32>
    %slice3A_242 = vector.extract_strided_slice %add3A_192 {offsets = [0, 192], sizes = [1000, 64], strides = [1, 1]} : vector<1000x256xf32> to vector<1000x64xf32>
    %tanh3A_243 = math.tanh %slice3A_242 : vector<1000x64xf32>
    %mul3A_244 = arith.constant 5.000000e-01 : f32
    %mul3A_245 = vector.broadcast %mul3A_244 : f32 to vector<1000x64xf32>
    %mul3A_246 = arith.mulf %mul3A_245, %tanh3A_243 : vector<1000x64xf32>
    %add3A_247 = arith.constant 5.000000e-01 : f32
    %add3A_248 = vector.broadcast %add3A_247 : f32 to vector<1000x64xf32>
    %add3A_249 = arith.addf %mul3A_246, %add3A_248 : vector<1000x64xf32>
    %mul3A_250 = arith.mulf %add3A_239, %add3A_178 : vector<1000x64xf32>
    %mul3A_251 = arith.mulf %add3A_231, %tanh3A_241 : vector<1000x64xf32>
    %add3A_252 = arith.addf %mul3A_250, %mul3A_251 : vector<1000x64xf32>
    %tanh3A_253 = math.tanh %add3A_252 : vector<1000x64xf32>
    %mul3A_254 = arith.mulf %add3A_249, %tanh3A_253 : vector<1000x64xf32>
    %convert_element_type3A_255 = arith.truncf %mul3A_223 : vector<1000x64xf32> to vector<1000x64xbf16>
    %concatenate3A_256 = tpu.concatenate %slice3A_4, %convert_element_type3A_255 in 1 : vector<1000x16xbf16>, vector<1000x64xbf16> -> vector<1000x80xbf16>
    %convert_element_type3A_257 = arith.truncf %mul3A_254 : vector<1000x64xf32> to vector<1000x64xbf16>
    %concatenate3A_258 = tpu.concatenate %slice3A_21, %convert_element_type3A_257 in 1 : vector<1000x16xbf16>, vector<1000x64xbf16> -> vector<1000x80xbf16>
    %dot_general3A_259 = arith.constant dense<0.000000e+00> : vector<1000x256xf32>
    %dot_general3A_260 = tpu.matmul %concatenate3A_256, %get3A_28, %dot_general3A_259 {dimension_numbers = #tpu.dot_dimension_numbers<[1], [0], [0], [1], [0, 0, 1, 1], [], []>, transpose_lhs_hint = false} : vector<1000x80xbf16>, vector<80x256xbf16>, vector<1000x256xf32> -> vector<1000x256xf32>
    %add3A_261 = vector.broadcast %get3A_34 : vector<1x256xf32> to vector<1000x256xf32>
    %add3A_262 = arith.addf %dot_general3A_260, %add3A_261 : vector<1000x256xf32>
    %dot_general3A_263 = arith.constant dense<0.000000e+00> : vector<1000x256xf32>
    %dot_general3A_264 = tpu.matmul %concatenate3A_258, %get3A_31, %dot_general3A_263 {dimension_numbers = #tpu.dot_dimension_numbers<[1], [0], [0], [1], [0, 0, 1, 1], [], []>, transpose_lhs_hint = false} : vector<1000x80xbf16>, vector<80x256xbf16>, vector<1000x256xf32> -> vector<1000x256xf32>
    %add3A_265 = vector.broadcast %get3A_37 : vector<1x256xf32> to vector<1000x256xf32>
    %add3A_266 = arith.addf %dot_general3A_264, %add3A_265 : vector<1000x256xf32>
    %slice3A_267 = vector.extract_strided_slice %add3A_262 {offsets = [0, 0], sizes = [1000, 64], strides = [1, 1]} : vector<1000x256xf32> to vector<1000x64xf32>
    %tanh3A_268 = math.tanh %slice3A_267 : vector<1000x64xf32>
    %mul3A_269 = arith.constant 5.000000e-01 : f32
    %mul3A_270 = vector.broadcast %mul3A_269 : f32 to vector<1000x64xf32>
    %mul3A_271 = arith.mulf %mul3A_270, %tanh3A_268 : vector<1000x64xf32>
    %add3A_272 = arith.constant 5.000000e-01 : f32
    %add3A_273 = vector.broadcast %add3A_272 : f32 to vector<1000x64xf32>
    %add3A_274 = arith.addf %mul3A_271, %add3A_273 : vector<1000x64xf32>
    %slice3A_275 = vector.extract_strided_slice %add3A_262 {offsets = [0, 64], sizes = [1000, 64], strides = [1, 1]} : vector<1000x256xf32> to vector<1000x64xf32>
    %tanh3A_276 = math.tanh %slice3A_275 : vector<1000x64xf32>
    %mul3A_277 = arith.constant 5.000000e-01 : f32
    %mul3A_278 = vector.broadcast %mul3A_277 : f32 to vector<1000x64xf32>
    %mul3A_279 = arith.mulf %mul3A_278, %tanh3A_276 : vector<1000x64xf32>
    %add3A_280 = arith.constant 5.000000e-01 : f32
    %add3A_281 = vector.broadcast %add3A_280 : f32 to vector<1000x64xf32>
    %add3A_282 = arith.addf %mul3A_279, %add3A_281 : vector<1000x64xf32>
    %slice3A_283 = vector.extract_strided_slice %add3A_262 {offsets = [0, 128], sizes = [1000, 64], strides = [1, 1]} : vector<1000x256xf32> to vector<1000x64xf32>
    %tanh3A_284 = math.tanh %slice3A_283 : vector<1000x64xf32>
    %slice3A_285 = vector.extract_strided_slice %add3A_262 {offsets = [0, 192], sizes = [1000, 64], strides = [1, 1]} : vector<1000x256xf32> to vector<1000x64xf32>
    %tanh3A_286 = math.tanh %slice3A_285 : vector<1000x64xf32>
    %mul3A_287 = arith.constant 5.000000e-01 : f32
    %mul3A_288 = vector.broadcast %mul3A_287 : f32 to vector<1000x64xf32>
    %mul3A_289 = arith.mulf %mul3A_288, %tanh3A_286 : vector<1000x64xf32>
    %add3A_290 = arith.constant 5.000000e-01 : f32
    %add3A_291 = vector.broadcast %add3A_290 : f32 to vector<1000x64xf32>
    %add3A_292 = arith.addf %mul3A_289, %add3A_291 : vector<1000x64xf32>
    %mul3A_293 = arith.mulf %add3A_282, %add3A_221 : vector<1000x64xf32>
    %mul3A_294 = arith.mulf %add3A_274, %tanh3A_284 : vector<1000x64xf32>
    %add3A_295 = arith.addf %mul3A_293, %mul3A_294 : vector<1000x64xf32>
    %tanh3A_296 = math.tanh %add3A_295 : vector<1000x64xf32>
    %mul3A_297 = arith.mulf %add3A_292, %tanh3A_296 : vector<1000x64xf32>
    %slice3A_298 = vector.extract_strided_slice %add3A_266 {offsets = [0, 0], sizes = [1000, 64], strides = [1, 1]} : vector<1000x256xf32> to vector<1000x64xf32>
    %tanh3A_299 = math.tanh %slice3A_298 : vector<1000x64xf32>
    %mul3A_300 = arith.constant 5.000000e-01 : f32
    %mul3A_301 = vector.broadcast %mul3A_300 : f32 to vector<1000x64xf32>
    %mul3A_302 = arith.mulf %mul3A_301, %tanh3A_299 : vector<1000x64xf32>
    %add3A_303 = arith.constant 5.000000e-01 : f32
    %add3A_304 = vector.broadcast %add3A_303 : f32 to vector<1000x64xf32>
    %add3A_305 = arith.addf %mul3A_302, %add3A_304 : vector<1000x64xf32>
    %slice3A_306 = vector.extract_strided_slice %add3A_266 {offsets = [0, 64], sizes = [1000, 64], strides = [1, 1]} : vector<1000x256xf32> to vector<1000x64xf32>
    %tanh3A_307 = math.tanh %slice3A_306 : vector<1000x64xf32>
    %mul3A_308 = arith.constant 5.000000e-01 : f32
    %mul3A_309 = vector.broadcast %mul3A_308 : f32 to vector<1000x64xf32>
    %mul3A_310 = arith.mulf %mul3A_309, %tanh3A_307 : vector<1000x64xf32>
    %add3A_311 = arith.constant 5.000000e-01 : f32
    %add3A_312 = vector.broadcast %add3A_311 : f32 to vector<1000x64xf32>
    %add3A_313 = arith.addf %mul3A_310, %add3A_312 : vector<1000x64xf32>
    %slice3A_314 = vector.extract_strided_slice %add3A_266 {offsets = [0, 128], sizes = [1000, 64], strides = [1, 1]} : vector<1000x256xf32> to vector<1000x64xf32>
    %tanh3A_315 = math.tanh %slice3A_314 : vector<1000x64xf32>
    %slice3A_316 = vector.extract_strided_slice %add3A_266 {offsets = [0, 192], sizes = [1000, 64], strides = [1, 1]} : vector<1000x256xf32> to vector<1000x64xf32>
    %tanh3A_317 = math.tanh %slice3A_316 : vector<1000x64xf32>
    %mul3A_318 = arith.constant 5.000000e-01 : f32
    %mul3A_319 = vector.broadcast %mul3A_318 : f32 to vector<1000x64xf32>
    %mul3A_320 = arith.mulf %mul3A_319, %tanh3A_317 : vector<1000x64xf32>
    %add3A_321 = arith.constant 5.000000e-01 : f32
    %add3A_322 = vector.broadcast %add3A_321 : f32 to vector<1000x64xf32>
    %add3A_323 = arith.addf %mul3A_320, %add3A_322 : vector<1000x64xf32>
    %mul3A_324 = arith.mulf %add3A_313, %add3A_252 : vector<1000x64xf32>
    %mul3A_325 = arith.mulf %add3A_305, %tanh3A_315 : vector<1000x64xf32>
    %add3A_326 = arith.addf %mul3A_324, %mul3A_325 : vector<1000x64xf32>
    %tanh3A_327 = math.tanh %add3A_326 : vector<1000x64xf32>
    %mul3A_328 = arith.mulf %add3A_323, %tanh3A_327 : vector<1000x64xf32>
    %convert_element_type3A_329 = arith.truncf %mul3A_297 : vector<1000x64xf32> to vector<1000x64xbf16>
    %concatenate3A_330 = tpu.concatenate %slice3A_5, %convert_element_type3A_329 in 1 : vector<1000x16xbf16>, vector<1000x64xbf16> -> vector<1000x80xbf16>
    %convert_element_type3A_331 = arith.truncf %mul3A_328 : vector<1000x64xf32> to vector<1000x64xbf16>
    %concatenate3A_332 = tpu.concatenate %slice3A_20, %convert_element_type3A_331 in 1 : vector<1000x16xbf16>, vector<1000x64xbf16> -> vector<1000x80xbf16>
    %dot_general3A_333 = arith.constant dense<0.000000e+00> : vector<1000x256xf32>
    %dot_general3A_334 = tpu.matmul %concatenate3A_330, %get3A_28, %dot_general3A_333 {dimension_numbers = #tpu.dot_dimension_numbers<[1], [0], [0], [1], [0, 0, 1, 1], [], []>, transpose_lhs_hint = false} : vector<1000x80xbf16>, vector<80x256xbf16>, vector<1000x256xf32> -> vector<1000x256xf32>
    %add3A_335 = vector.broadcast %get3A_34 : vector<1x256xf32> to vector<1000x256xf32>
    %add3A_336 = arith.addf %dot_general3A_334, %add3A_335 : vector<1000x256xf32>
    %dot_general3A_337 = arith.constant dense<0.000000e+00> : vector<1000x256xf32>
    %dot_general3A_338 = tpu.matmul %concatenate3A_332, %get3A_31, %dot_general3A_337 {dimension_numbers = #tpu.dot_dimension_numbers<[1], [0], [0], [1], [0, 0, 1, 1], [], []>, transpose_lhs_hint = false} : vector<1000x80xbf16>, vector<80x256xbf16>, vector<1000x256xf32> -> vector<1000x256xf32>
    %add3A_339 = vector.broadcast %get3A_37 : vector<1x256xf32> to vector<1000x256xf32>
    %add3A_340 = arith.addf %dot_general3A_338, %add3A_339 : vector<1000x256xf32>
    %slice3A_341 = vector.extract_strided_slice %add3A_336 {offsets = [0, 0], sizes = [1000, 64], strides = [1, 1]} : vector<1000x256xf32> to vector<1000x64xf32>
    %tanh3A_342 = math.tanh %slice3A_341 : vector<1000x64xf32>
    %mul3A_343 = arith.constant 5.000000e-01 : f32
    %mul3A_344 = vector.broadcast %mul3A_343 : f32 to vector<1000x64xf32>
    %mul3A_345 = arith.mulf %mul3A_344, %tanh3A_342 : vector<1000x64xf32>
    %add3A_346 = arith.constant 5.000000e-01 : f32
    %add3A_347 = vector.broadcast %add3A_346 : f32 to vector<1000x64xf32>
    %add3A_348 = arith.addf %mul3A_345, %add3A_347 : vector<1000x64xf32>
    %slice3A_349 = vector.extract_strided_slice %add3A_336 {offsets = [0, 64], sizes = [1000, 64], strides = [1, 1]} : vector<1000x256xf32> to vector<1000x64xf32>
    %tanh3A_350 = math.tanh %slice3A_349 : vector<1000x64xf32>
    %mul3A_351 = arith.constant 5.000000e-01 : f32
    %mul3A_352 = vector.broadcast %mul3A_351 : f32 to vector<1000x64xf32>
    %mul3A_353 = arith.mulf %mul3A_352, %tanh3A_350 : vector<1000x64xf32>
    %add3A_354 = arith.constant 5.000000e-01 : f32
    %add3A_355 = vector.broadcast %add3A_354 : f32 to vector<1000x64xf32>
    %add3A_356 = arith.addf %mul3A_353, %add3A_355 : vector<1000x64xf32>
    %slice3A_357 = vector.extract_strided_slice %add3A_336 {offsets = [0, 128], sizes = [1000, 64], strides = [1, 1]} : vector<1000x256xf32> to vector<1000x64xf32>
    %tanh3A_358 = math.tanh %slice3A_357 : vector<1000x64xf32>
    %slice3A_359 = vector.extract_strided_slice %add3A_336 {offsets = [0, 192], sizes = [1000, 64], strides = [1, 1]} : vector<1000x256xf32> to vector<1000x64xf32>
    %tanh3A_360 = math.tanh %slice3A_359 : vector<1000x64xf32>
    %mul3A_361 = arith.constant 5.000000e-01 : f32
    %mul3A_362 = vector.broadcast %mul3A_361 : f32 to vector<1000x64xf32>
    %mul3A_363 = arith.mulf %mul3A_362, %tanh3A_360 : vector<1000x64xf32>
    %add3A_364 = arith.constant 5.000000e-01 : f32
    %add3A_365 = vector.broadcast %add3A_364 : f32 to vector<1000x64xf32>
    %add3A_366 = arith.addf %mul3A_363, %add3A_365 : vector<1000x64xf32>
    %mul3A_367 = arith.mulf %add3A_356, %add3A_295 : vector<1000x64xf32>
    %mul3A_368 = arith.mulf %add3A_348, %tanh3A_358 : vector<1000x64xf32>
    %add3A_369 = arith.addf %mul3A_367, %mul3A_368 : vector<1000x64xf32>
    %tanh3A_370 = math.tanh %add3A_369 : vector<1000x64xf32>
    %mul3A_371 = arith.mulf %add3A_366, %tanh3A_370 : vector<1000x64xf32>
    %slice3A_372 = vector.extract_strided_slice %add3A_340 {offsets = [0, 0], sizes = [1000, 64], strides = [1, 1]} : vector<1000x256xf32> to vector<1000x64xf32>
    %tanh3A_373 = math.tanh %slice3A_372 : vector<1000x64xf32>
    %mul3A_374 = arith.constant 5.000000e-01 : f32
    %mul3A_375 = vector.broadcast %mul3A_374 : f32 to vector<1000x64xf32>
    %mul3A_376 = arith.mulf %mul3A_375, %tanh3A_373 : vector<1000x64xf32>
    %add3A_377 = arith.constant 5.000000e-01 : f32
    %add3A_378 = vector.broadcast %add3A_377 : f32 to vector<1000x64xf32>
    %add3A_379 = arith.addf %mul3A_376, %add3A_378 : vector<1000x64xf32>
    %slice3A_380 = vector.extract_strided_slice %add3A_340 {offsets = [0, 64], sizes = [1000, 64], strides = [1, 1]} : vector<1000x256xf32> to vector<1000x64xf32>
    %tanh3A_381 = math.tanh %slice3A_380 : vector<1000x64xf32>
    %mul3A_382 = arith.constant 5.000000e-01 : f32
    %mul3A_383 = vector.broadcast %mul3A_382 : f32 to vector<1000x64xf32>
    %mul3A_384 = arith.mulf %mul3A_383, %tanh3A_381 : vector<1000x64xf32>
    %add3A_385 = arith.constant 5.000000e-01 : f32
    %add3A_386 = vector.broadcast %add3A_385 : f32 to vector<1000x64xf32>
    %add3A_387 = arith.addf %mul3A_384, %add3A_386 : vector<1000x64xf32>
    %slice3A_388 = vector.extract_strided_slice %add3A_340 {offsets = [0, 128], sizes = [1000, 64], strides = [1, 1]} : vector<1000x256xf32> to vector<1000x64xf32>
    %tanh3A_389 = math.tanh %slice3A_388 : vector<1000x64xf32>
    %slice3A_390 = vector.extract_strided_slice %add3A_340 {offsets = [0, 192], sizes = [1000, 64], strides = [1, 1]} : vector<1000x256xf32> to vector<1000x64xf32>
    %tanh3A_391 = math.tanh %slice3A_390 : vector<1000x64xf32>
    %mul3A_392 = arith.constant 5.000000e-01 : f32
    %mul3A_393 = vector.broadcast %mul3A_392 : f32 to vector<1000x64xf32>
    %mul3A_394 = arith.mulf %mul3A_393, %tanh3A_391 : vector<1000x64xf32>
    %add3A_395 = arith.constant 5.000000e-01 : f32
    %add3A_396 = vector.broadcast %add3A_395 : f32 to vector<1000x64xf32>
    %add3A_397 = arith.addf %mul3A_394, %add3A_396 : vector<1000x64xf32>
    %mul3A_398 = arith.mulf %add3A_387, %add3A_326 : vector<1000x64xf32>
    %mul3A_399 = arith.mulf %add3A_379, %tanh3A_389 : vector<1000x64xf32>
    %add3A_400 = arith.addf %mul3A_398, %mul3A_399 : vector<1000x64xf32>
    %tanh3A_401 = math.tanh %add3A_400 : vector<1000x64xf32>
    %mul3A_402 = arith.mulf %add3A_397, %tanh3A_401 : vector<1000x64xf32>
    %convert_element_type3A_403 = arith.truncf %mul3A_371 : vector<1000x64xf32> to vector<1000x64xbf16>
    %concatenate3A_404 = tpu.concatenate %slice3A_6, %convert_element_type3A_403 in 1 : vector<1000x16xbf16>, vector<1000x64xbf16> -> vector<1000x80xbf16>
    %convert_element_type3A_405 = arith.truncf %mul3A_402 : vector<1000x64xf32> to vector<1000x64xbf16>
    %concatenate3A_406 = tpu.concatenate %slice3A_19, %convert_element_type3A_405 in 1 : vector<1000x16xbf16>, vector<1000x64xbf16> -> vector<1000x80xbf16>
    %dot_general3A_407 = arith.constant dense<0.000000e+00> : vector<1000x256xf32>
    %dot_general3A_408 = tpu.matmul %concatenate3A_404, %get3A_28, %dot_general3A_407 {dimension_numbers = #tpu.dot_dimension_numbers<[1], [0], [0], [1], [0, 0, 1, 1], [], []>, transpose_lhs_hint = false} : vector<1000x80xbf16>, vector<80x256xbf16>, vector<1000x256xf32> -> vector<1000x256xf32>
    %add3A_409 = vector.broadcast %get3A_34 : vector<1x256xf32> to vector<1000x256xf32>
    %add3A_410 = arith.addf %dot_general3A_408, %add3A_409 : vector<1000x256xf32>
    %dot_general3A_411 = arith.constant dense<0.000000e+00> : vector<1000x256xf32>
    %dot_general3A_412 = tpu.matmul %concatenate3A_406, %get3A_31, %dot_general3A_411 {dimension_numbers = #tpu.dot_dimension_numbers<[1], [0], [0], [1], [0, 0, 1, 1], [], []>, transpose_lhs_hint = false} : vector<1000x80xbf16>, vector<80x256xbf16>, vector<1000x256xf32> -> vector<1000x256xf32>
    %add3A_413 = vector.broadcast %get3A_37 : vector<1x256xf32> to vector<1000x256xf32>
    %add3A_414 = arith.addf %dot_general3A_412, %add3A_413 : vector<1000x256xf32>
    %slice3A_415 = vector.extract_strided_slice %add3A_410 {offsets = [0, 0], sizes = [1000, 64], strides = [1, 1]} : vector<1000x256xf32> to vector<1000x64xf32>
    %tanh3A_416 = math.tanh %slice3A_415 : vector<1000x64xf32>
    %mul3A_417 = arith.constant 5.000000e-01 : f32
    %mul3A_418 = vector.broadcast %mul3A_417 : f32 to vector<1000x64xf32>
    %mul3A_419 = arith.mulf %mul3A_418, %tanh3A_416 : vector<1000x64xf32>
    %add3A_420 = arith.constant 5.000000e-01 : f32
    %add3A_421 = vector.broadcast %add3A_420 : f32 to vector<1000x64xf32>
    %add3A_422 = arith.addf %mul3A_419, %add3A_421 : vector<1000x64xf32>
    %slice3A_423 = vector.extract_strided_slice %add3A_410 {offsets = [0, 64], sizes = [1000, 64], strides = [1, 1]} : vector<1000x256xf32> to vector<1000x64xf32>
    %tanh3A_424 = math.tanh %slice3A_423 : vector<1000x64xf32>
    %mul3A_425 = arith.constant 5.000000e-01 : f32
    %mul3A_426 = vector.broadcast %mul3A_425 : f32 to vector<1000x64xf32>
    %mul3A_427 = arith.mulf %mul3A_426, %tanh3A_424 : vector<1000x64xf32>
    %add3A_428 = arith.constant 5.000000e-01 : f32
    %add3A_429 = vector.broadcast %add3A_428 : f32 to vector<1000x64xf32>
    %add3A_430 = arith.addf %mul3A_427, %add3A_429 : vector<1000x64xf32>
    %slice3A_431 = vector.extract_strided_slice %add3A_410 {offsets = [0, 128], sizes = [1000, 64], strides = [1, 1]} : vector<1000x256xf32> to vector<1000x64xf32>
    %tanh3A_432 = math.tanh %slice3A_431 : vector<1000x64xf32>
    %slice3A_433 = vector.extract_strided_slice %add3A_410 {offsets = [0, 192], sizes = [1000, 64], strides = [1, 1]} : vector<1000x256xf32> to vector<1000x64xf32>
    %tanh3A_434 = math.tanh %slice3A_433 : vector<1000x64xf32>
    %mul3A_435 = arith.constant 5.000000e-01 : f32
    %mul3A_436 = vector.broadcast %mul3A_435 : f32 to vector<1000x64xf32>
    %mul3A_437 = arith.mulf %mul3A_436, %tanh3A_434 : vector<1000x64xf32>
    %add3A_438 = arith.constant 5.000000e-01 : f32
    %add3A_439 = vector.broadcast %add3A_438 : f32 to vector<1000x64xf32>
    %add3A_440 = arith.addf %mul3A_437, %add3A_439 : vector<1000x64xf32>
    %mul3A_441 = arith.mulf %add3A_430, %add3A_369 : vector<1000x64xf32>
    %mul3A_442 = arith.mulf %add3A_422, %tanh3A_432 : vector<1000x64xf32>
    %add3A_443 = arith.addf %mul3A_441, %mul3A_442 : vector<1000x64xf32>
    %tanh3A_444 = math.tanh %add3A_443 : vector<1000x64xf32>
    %mul3A_445 = arith.mulf %add3A_440, %tanh3A_444 : vector<1000x64xf32>
    %slice3A_446 = vector.extract_strided_slice %add3A_414 {offsets = [0, 0], sizes = [1000, 64], strides = [1, 1]} : vector<1000x256xf32> to vector<1000x64xf32>
    %tanh3A_447 = math.tanh %slice3A_446 : vector<1000x64xf32>
    %mul3A_448 = arith.constant 5.000000e-01 : f32
    %mul3A_449 = vector.broadcast %mul3A_448 : f32 to vector<1000x64xf32>
    %mul3A_450 = arith.mulf %mul3A_449, %tanh3A_447 : vector<1000x64xf32>
    %add3A_451 = arith.constant 5.000000e-01 : f32
    %add3A_452 = vector.broadcast %add3A_451 : f32 to vector<1000x64xf32>
    %add3A_453 = arith.addf %mul3A_450, %add3A_452 : vector<1000x64xf32>
    %slice3A_454 = vector.extract_strided_slice %add3A_414 {offsets = [0, 64], sizes = [1000, 64], strides = [1, 1]} : vector<1000x256xf32> to vector<1000x64xf32>
    %tanh3A_455 = math.tanh %slice3A_454 : vector<1000x64xf32>
    %mul3A_456 = arith.constant 5.000000e-01 : f32
    %mul3A_457 = vector.broadcast %mul3A_456 : f32 to vector<1000x64xf32>
    %mul3A_458 = arith.mulf %mul3A_457, %tanh3A_455 : vector<1000x64xf32>
    %add3A_459 = arith.constant 5.000000e-01 : f32
    %add3A_460 = vector.broadcast %add3A_459 : f32 to vector<1000x64xf32>
    %add3A_461 = arith.addf %mul3A_458, %add3A_460 : vector<1000x64xf32>
    %slice3A_462 = vector.extract_strided_slice %add3A_414 {offsets = [0, 128], sizes = [1000, 64], strides = [1, 1]} : vector<1000x256xf32> to vector<1000x64xf32>
    %tanh3A_463 = math.tanh %slice3A_462 : vector<1000x64xf32>
    %slice3A_464 = vector.extract_strided_slice %add3A_414 {offsets = [0, 192], sizes = [1000, 64], strides = [1, 1]} : vector<1000x256xf32> to vector<1000x64xf32>
    %tanh3A_465 = math.tanh %slice3A_464 : vector<1000x64xf32>
    %mul3A_466 = arith.constant 5.000000e-01 : f32
    %mul3A_467 = vector.broadcast %mul3A_466 : f32 to vector<1000x64xf32>
    %mul3A_468 = arith.mulf %mul3A_467, %tanh3A_465 : vector<1000x64xf32>
    %add3A_469 = arith.constant 5.000000e-01 : f32
    %add3A_470 = vector.broadcast %add3A_469 : f32 to vector<1000x64xf32>
    %add3A_471 = arith.addf %mul3A_468, %add3A_470 : vector<1000x64xf32>
    %mul3A_472 = arith.mulf %add3A_461, %add3A_400 : vector<1000x64xf32>
    %mul3A_473 = arith.mulf %add3A_453, %tanh3A_463 : vector<1000x64xf32>
    %add3A_474 = arith.addf %mul3A_472, %mul3A_473 : vector<1000x64xf32>
    %tanh3A_475 = math.tanh %add3A_474 : vector<1000x64xf32>
    %mul3A_476 = arith.mulf %add3A_471, %tanh3A_475 : vector<1000x64xf32>
    %convert_element_type3A_477 = arith.truncf %mul3A_445 : vector<1000x64xf32> to vector<1000x64xbf16>
    %concatenate3A_478 = tpu.concatenate %slice3A_7, %convert_element_type3A_477 in 1 : vector<1000x16xbf16>, vector<1000x64xbf16> -> vector<1000x80xbf16>
    %convert_element_type3A_479 = arith.truncf %mul3A_476 : vector<1000x64xf32> to vector<1000x64xbf16>
    %concatenate3A_480 = tpu.concatenate %slice3A_18, %convert_element_type3A_479 in 1 : vector<1000x16xbf16>, vector<1000x64xbf16> -> vector<1000x80xbf16>
    %dot_general3A_481 = arith.constant dense<0.000000e+00> : vector<1000x256xf32>
    %dot_general3A_482 = tpu.matmul %concatenate3A_478, %get3A_28, %dot_general3A_481 {dimension_numbers = #tpu.dot_dimension_numbers<[1], [0], [0], [1], [0, 0, 1, 1], [], []>, transpose_lhs_hint = false} : vector<1000x80xbf16>, vector<80x256xbf16>, vector<1000x256xf32> -> vector<1000x256xf32>
    %add3A_483 = vector.broadcast %get3A_34 : vector<1x256xf32> to vector<1000x256xf32>
    %add3A_484 = arith.addf %dot_general3A_482, %add3A_483 : vector<1000x256xf32>
    %dot_general3A_485 = arith.constant dense<0.000000e+00> : vector<1000x256xf32>
    %dot_general3A_486 = tpu.matmul %concatenate3A_480, %get3A_31, %dot_general3A_485 {dimension_numbers = #tpu.dot_dimension_numbers<[1], [0], [0], [1], [0, 0, 1, 1], [], []>, transpose_lhs_hint = false} : vector<1000x80xbf16>, vector<80x256xbf16>, vector<1000x256xf32> -> vector<1000x256xf32>
    %add3A_487 = vector.broadcast %get3A_37 : vector<1x256xf32> to vector<1000x256xf32>
    %add3A_488 = arith.addf %dot_general3A_486, %add3A_487 : vector<1000x256xf32>
    %slice3A_489 = vector.extract_strided_slice %add3A_484 {offsets = [0, 0], sizes = [1000, 64], strides = [1, 1]} : vector<1000x256xf32> to vector<1000x64xf32>
    %tanh3A_490 = math.tanh %slice3A_489 : vector<1000x64xf32>
    %mul3A_491 = arith.constant 5.000000e-01 : f32
    %mul3A_492 = vector.broadcast %mul3A_491 : f32 to vector<1000x64xf32>
    %mul3A_493 = arith.mulf %mul3A_492, %tanh3A_490 : vector<1000x64xf32>
    %add3A_494 = arith.constant 5.000000e-01 : f32
    %add3A_495 = vector.broadcast %add3A_494 : f32 to vector<1000x64xf32>
    %add3A_496 = arith.addf %mul3A_493, %add3A_495 : vector<1000x64xf32>
    %slice3A_497 = vector.extract_strided_slice %add3A_484 {offsets = [0, 64], sizes = [1000, 64], strides = [1, 1]} : vector<1000x256xf32> to vector<1000x64xf32>
    %tanh3A_498 = math.tanh %slice3A_497 : vector<1000x64xf32>
    %mul3A_499 = arith.constant 5.000000e-01 : f32
    %mul3A_500 = vector.broadcast %mul3A_499 : f32 to vector<1000x64xf32>
    %mul3A_501 = arith.mulf %mul3A_500, %tanh3A_498 : vector<1000x64xf32>
    %add3A_502 = arith.constant 5.000000e-01 : f32
    %add3A_503 = vector.broadcast %add3A_502 : f32 to vector<1000x64xf32>
    %add3A_504 = arith.addf %mul3A_501, %add3A_503 : vector<1000x64xf32>
    %slice3A_505 = vector.extract_strided_slice %add3A_484 {offsets = [0, 128], sizes = [1000, 64], strides = [1, 1]} : vector<1000x256xf32> to vector<1000x64xf32>
    %tanh3A_506 = math.tanh %slice3A_505 : vector<1000x64xf32>
    %slice3A_507 = vector.extract_strided_slice %add3A_484 {offsets = [0, 192], sizes = [1000, 64], strides = [1, 1]} : vector<1000x256xf32> to vector<1000x64xf32>
    %tanh3A_508 = math.tanh %slice3A_507 : vector<1000x64xf32>
    %mul3A_509 = arith.constant 5.000000e-01 : f32
    %mul3A_510 = vector.broadcast %mul3A_509 : f32 to vector<1000x64xf32>
    %mul3A_511 = arith.mulf %mul3A_510, %tanh3A_508 : vector<1000x64xf32>
    %add3A_512 = arith.constant 5.000000e-01 : f32
    %add3A_513 = vector.broadcast %add3A_512 : f32 to vector<1000x64xf32>
    %add3A_514 = arith.addf %mul3A_511, %add3A_513 : vector<1000x64xf32>
    %mul3A_515 = arith.mulf %add3A_504, %add3A_443 : vector<1000x64xf32>
    %mul3A_516 = arith.mulf %add3A_496, %tanh3A_506 : vector<1000x64xf32>
    %add3A_517 = arith.addf %mul3A_515, %mul3A_516 : vector<1000x64xf32>
    %tanh3A_518 = math.tanh %add3A_517 : vector<1000x64xf32>
    %mul3A_519 = arith.mulf %add3A_514, %tanh3A_518 : vector<1000x64xf32>
    %slice3A_520 = vector.extract_strided_slice %add3A_488 {offsets = [0, 0], sizes = [1000, 64], strides = [1, 1]} : vector<1000x256xf32> to vector<1000x64xf32>
    %tanh3A_521 = math.tanh %slice3A_520 : vector<1000x64xf32>
    %mul3A_522 = arith.constant 5.000000e-01 : f32
    %mul3A_523 = vector.broadcast %mul3A_522 : f32 to vector<1000x64xf32>
    %mul3A_524 = arith.mulf %mul3A_523, %tanh3A_521 : vector<1000x64xf32>
    %add3A_525 = arith.constant 5.000000e-01 : f32
    %add3A_526 = vector.broadcast %add3A_525 : f32 to vector<1000x64xf32>
    %add3A_527 = arith.addf %mul3A_524, %add3A_526 : vector<1000x64xf32>
    %slice3A_528 = vector.extract_strided_slice %add3A_488 {offsets = [0, 64], sizes = [1000, 64], strides = [1, 1]} : vector<1000x256xf32> to vector<1000x64xf32>
    %tanh3A_529 = math.tanh %slice3A_528 : vector<1000x64xf32>
    %mul3A_530 = arith.constant 5.000000e-01 : f32
    %mul3A_531 = vector.broadcast %mul3A_530 : f32 to vector<1000x64xf32>
    %mul3A_532 = arith.mulf %mul3A_531, %tanh3A_529 : vector<1000x64xf32>
    %add3A_533 = arith.constant 5.000000e-01 : f32
    %add3A_534 = vector.broadcast %add3A_533 : f32 to vector<1000x64xf32>
    %add3A_535 = arith.addf %mul3A_532, %add3A_534 : vector<1000x64xf32>
    %slice3A_536 = vector.extract_strided_slice %add3A_488 {offsets = [0, 128], sizes = [1000, 64], strides = [1, 1]} : vector<1000x256xf32> to vector<1000x64xf32>
    %tanh3A_537 = math.tanh %slice3A_536 : vector<1000x64xf32>
    %slice3A_538 = vector.extract_strided_slice %add3A_488 {offsets = [0, 192], sizes = [1000, 64], strides = [1, 1]} : vector<1000x256xf32> to vector<1000x64xf32>
    %tanh3A_539 = math.tanh %slice3A_538 : vector<1000x64xf32>
    %mul3A_540 = arith.constant 5.000000e-01 : f32
    %mul3A_541 = vector.broadcast %mul3A_540 : f32 to vector<1000x64xf32>
    %mul3A_542 = arith.mulf %mul3A_541, %tanh3A_539 : vector<1000x64xf32>
    %add3A_543 = arith.constant 5.000000e-01 : f32
    %add3A_544 = vector.broadcast %add3A_543 : f32 to vector<1000x64xf32>
    %add3A_545 = arith.addf %mul3A_542, %add3A_544 : vector<1000x64xf32>
    %mul3A_546 = arith.mulf %add3A_535, %add3A_474 : vector<1000x64xf32>
    %mul3A_547 = arith.mulf %add3A_527, %tanh3A_537 : vector<1000x64xf32>
    %add3A_548 = arith.addf %mul3A_546, %mul3A_547 : vector<1000x64xf32>
    %tanh3A_549 = math.tanh %add3A_548 : vector<1000x64xf32>
    %mul3A_550 = arith.mulf %add3A_545, %tanh3A_549 : vector<1000x64xf32>
    %convert_element_type3A_551 = arith.truncf %mul3A_519 : vector<1000x64xf32> to vector<1000x64xbf16>
    %concatenate3A_552 = tpu.concatenate %slice3A_8, %convert_element_type3A_551 in 1 : vector<1000x16xbf16>, vector<1000x64xbf16> -> vector<1000x80xbf16>
    %convert_element_type3A_553 = arith.truncf %mul3A_550 : vector<1000x64xf32> to vector<1000x64xbf16>
    %concatenate3A_554 = tpu.concatenate %slice3A_17, %convert_element_type3A_553 in 1 : vector<1000x16xbf16>, vector<1000x64xbf16> -> vector<1000x80xbf16>
    %dot_general3A_555 = arith.constant dense<0.000000e+00> : vector<1000x256xf32>
    %dot_general3A_556 = tpu.matmul %concatenate3A_552, %get3A_28, %dot_general3A_555 {dimension_numbers = #tpu.dot_dimension_numbers<[1], [0], [0], [1], [0, 0, 1, 1], [], []>, transpose_lhs_hint = false} : vector<1000x80xbf16>, vector<80x256xbf16>, vector<1000x256xf32> -> vector<1000x256xf32>
    %add3A_557 = vector.broadcast %get3A_34 : vector<1x256xf32> to vector<1000x256xf32>
    %add3A_558 = arith.addf %dot_general3A_556, %add3A_557 : vector<1000x256xf32>
    %dot_general3A_559 = arith.constant dense<0.000000e+00> : vector<1000x256xf32>
    %dot_general3A_560 = tpu.matmul %concatenate3A_554, %get3A_31, %dot_general3A_559 {dimension_numbers = #tpu.dot_dimension_numbers<[1], [0], [0], [1], [0, 0, 1, 1], [], []>, transpose_lhs_hint = false} : vector<1000x80xbf16>, vector<80x256xbf16>, vector<1000x256xf32> -> vector<1000x256xf32>
    %add3A_561 = vector.broadcast %get3A_37 : vector<1x256xf32> to vector<1000x256xf32>
    %add3A_562 = arith.addf %dot_general3A_560, %add3A_561 : vector<1000x256xf32>
    %slice3A_563 = vector.extract_strided_slice %add3A_558 {offsets = [0, 0], sizes = [1000, 64], strides = [1, 1]} : vector<1000x256xf32> to vector<1000x64xf32>
    %tanh3A_564 = math.tanh %slice3A_563 : vector<1000x64xf32>
    %mul3A_565 = arith.constant 5.000000e-01 : f32
    %mul3A_566 = vector.broadcast %mul3A_565 : f32 to vector<1000x64xf32>
    %mul3A_567 = arith.mulf %mul3A_566, %tanh3A_564 : vector<1000x64xf32>
    %add3A_568 = arith.constant 5.000000e-01 : f32
    %add3A_569 = vector.broadcast %add3A_568 : f32 to vector<1000x64xf32>
    %add3A_570 = arith.addf %mul3A_567, %add3A_569 : vector<1000x64xf32>
    %slice3A_571 = vector.extract_strided_slice %add3A_558 {offsets = [0, 64], sizes = [1000, 64], strides = [1, 1]} : vector<1000x256xf32> to vector<1000x64xf32>
    %tanh3A_572 = math.tanh %slice3A_571 : vector<1000x64xf32>
    %mul3A_573 = arith.constant 5.000000e-01 : f32
    %mul3A_574 = vector.broadcast %mul3A_573 : f32 to vector<1000x64xf32>
    %mul3A_575 = arith.mulf %mul3A_574, %tanh3A_572 : vector<1000x64xf32>
    %add3A_576 = arith.constant 5.000000e-01 : f32
    %add3A_577 = vector.broadcast %add3A_576 : f32 to vector<1000x64xf32>
    %add3A_578 = arith.addf %mul3A_575, %add3A_577 : vector<1000x64xf32>
    %slice3A_579 = vector.extract_strided_slice %add3A_558 {offsets = [0, 128], sizes = [1000, 64], strides = [1, 1]} : vector<1000x256xf32> to vector<1000x64xf32>
    %tanh3A_580 = math.tanh %slice3A_579 : vector<1000x64xf32>
    %slice3A_581 = vector.extract_strided_slice %add3A_558 {offsets = [0, 192], sizes = [1000, 64], strides = [1, 1]} : vector<1000x256xf32> to vector<1000x64xf32>
    %tanh3A_582 = math.tanh %slice3A_581 : vector<1000x64xf32>
    %mul3A_583 = arith.constant 5.000000e-01 : f32
    %mul3A_584 = vector.broadcast %mul3A_583 : f32 to vector<1000x64xf32>
    %mul3A_585 = arith.mulf %mul3A_584, %tanh3A_582 : vector<1000x64xf32>
    %add3A_586 = arith.constant 5.000000e-01 : f32
    %add3A_587 = vector.broadcast %add3A_586 : f32 to vector<1000x64xf32>
    %add3A_588 = arith.addf %mul3A_585, %add3A_587 : vector<1000x64xf32>
    %mul3A_589 = arith.mulf %add3A_578, %add3A_517 : vector<1000x64xf32>
    %mul3A_590 = arith.mulf %add3A_570, %tanh3A_580 : vector<1000x64xf32>
    %add3A_591 = arith.addf %mul3A_589, %mul3A_590 : vector<1000x64xf32>
    %tanh3A_592 = math.tanh %add3A_591 : vector<1000x64xf32>
    %mul3A_593 = arith.mulf %add3A_588, %tanh3A_592 : vector<1000x64xf32>
    %slice3A_594 = vector.extract_strided_slice %add3A_562 {offsets = [0, 0], sizes = [1000, 64], strides = [1, 1]} : vector<1000x256xf32> to vector<1000x64xf32>
    %tanh3A_595 = math.tanh %slice3A_594 : vector<1000x64xf32>
    %mul3A_596 = arith.constant 5.000000e-01 : f32
    %mul3A_597 = vector.broadcast %mul3A_596 : f32 to vector<1000x64xf32>
    %mul3A_598 = arith.mulf %mul3A_597, %tanh3A_595 : vector<1000x64xf32>
    %add3A_599 = arith.constant 5.000000e-01 : f32
    %add3A_600 = vector.broadcast %add3A_599 : f32 to vector<1000x64xf32>
    %add3A_601 = arith.addf %mul3A_598, %add3A_600 : vector<1000x64xf32>
    %slice3A_602 = vector.extract_strided_slice %add3A_562 {offsets = [0, 64], sizes = [1000, 64], strides = [1, 1]} : vector<1000x256xf32> to vector<1000x64xf32>
    %tanh3A_603 = math.tanh %slice3A_602 : vector<1000x64xf32>
    %mul3A_604 = arith.constant 5.000000e-01 : f32
    %mul3A_605 = vector.broadcast %mul3A_604 : f32 to vector<1000x64xf32>
    %mul3A_606 = arith.mulf %mul3A_605, %tanh3A_603 : vector<1000x64xf32>
    %add3A_607 = arith.constant 5.000000e-01 : f32
    %add3A_608 = vector.broadcast %add3A_607 : f32 to vector<1000x64xf32>
    %add3A_609 = arith.addf %mul3A_606, %add3A_608 : vector<1000x64xf32>
    %slice3A_610 = vector.extract_strided_slice %add3A_562 {offsets = [0, 128], sizes = [1000, 64], strides = [1, 1]} : vector<1000x256xf32> to vector<1000x64xf32>
    %tanh3A_611 = math.tanh %slice3A_610 : vector<1000x64xf32>
    %slice3A_612 = vector.extract_strided_slice %add3A_562 {offsets = [0, 192], sizes = [1000, 64], strides = [1, 1]} : vector<1000x256xf32> to vector<1000x64xf32>
    %tanh3A_613 = math.tanh %slice3A_612 : vector<1000x64xf32>
    %mul3A_614 = arith.constant 5.000000e-01 : f32
    %mul3A_615 = vector.broadcast %mul3A_614 : f32 to vector<1000x64xf32>
    %mul3A_616 = arith.mulf %mul3A_615, %tanh3A_613 : vector<1000x64xf32>
    %add3A_617 = arith.constant 5.000000e-01 : f32
    %add3A_618 = vector.broadcast %add3A_617 : f32 to vector<1000x64xf32>
    %add3A_619 = arith.addf %mul3A_616, %add3A_618 : vector<1000x64xf32>
    %mul3A_620 = arith.mulf %add3A_609, %add3A_548 : vector<1000x64xf32>
    %mul3A_621 = arith.mulf %add3A_601, %tanh3A_611 : vector<1000x64xf32>
    %add3A_622 = arith.addf %mul3A_620, %mul3A_621 : vector<1000x64xf32>
    %tanh3A_623 = math.tanh %add3A_622 : vector<1000x64xf32>
    %mul3A_624 = arith.mulf %add3A_619, %tanh3A_623 : vector<1000x64xf32>
    %convert_element_type3A_625 = arith.truncf %mul3A_593 : vector<1000x64xf32> to vector<1000x64xbf16>
    %concatenate3A_626 = tpu.concatenate %slice3A_9, %convert_element_type3A_625 in 1 : vector<1000x16xbf16>, vector<1000x64xbf16> -> vector<1000x80xbf16>
    %convert_element_type3A_627 = arith.truncf %mul3A_624 : vector<1000x64xf32> to vector<1000x64xbf16>
    %concatenate3A_628 = tpu.concatenate %slice3A_16, %convert_element_type3A_627 in 1 : vector<1000x16xbf16>, vector<1000x64xbf16> -> vector<1000x80xbf16>
    %dot_general3A_629 = arith.constant dense<0.000000e+00> : vector<1000x256xf32>
    %dot_general3A_630 = tpu.matmul %concatenate3A_626, %get3A_28, %dot_general3A_629 {dimension_numbers = #tpu.dot_dimension_numbers<[1], [0], [0], [1], [0, 0, 1, 1], [], []>, transpose_lhs_hint = false} : vector<1000x80xbf16>, vector<80x256xbf16>, vector<1000x256xf32> -> vector<1000x256xf32>
    %add3A_631 = vector.broadcast %get3A_34 : vector<1x256xf32> to vector<1000x256xf32>
    %add3A_632 = arith.addf %dot_general3A_630, %add3A_631 : vector<1000x256xf32>
    %dot_general3A_633 = arith.constant dense<0.000000e+00> : vector<1000x256xf32>
    %dot_general3A_634 = tpu.matmul %concatenate3A_628, %get3A_31, %dot_general3A_633 {dimension_numbers = #tpu.dot_dimension_numbers<[1], [0], [0], [1], [0, 0, 1, 1], [], []>, transpose_lhs_hint = false} : vector<1000x80xbf16>, vector<80x256xbf16>, vector<1000x256xf32> -> vector<1000x256xf32>
    %add3A_635 = vector.broadcast %get3A_37 : vector<1x256xf32> to vector<1000x256xf32>
    %add3A_636 = arith.addf %dot_general3A_634, %add3A_635 : vector<1000x256xf32>
    %slice3A_637 = vector.extract_strided_slice %add3A_632 {offsets = [0, 0], sizes = [1000, 64], strides = [1, 1]} : vector<1000x256xf32> to vector<1000x64xf32>
    %tanh3A_638 = math.tanh %slice3A_637 : vector<1000x64xf32>
    %mul3A_639 = arith.constant 5.000000e-01 : f32
    %mul3A_640 = vector.broadcast %mul3A_639 : f32 to vector<1000x64xf32>
    %mul3A_641 = arith.mulf %mul3A_640, %tanh3A_638 : vector<1000x64xf32>
    %add3A_642 = arith.constant 5.000000e-01 : f32
    %add3A_643 = vector.broadcast %add3A_642 : f32 to vector<1000x64xf32>
    %add3A_644 = arith.addf %mul3A_641, %add3A_643 : vector<1000x64xf32>
    %slice3A_645 = vector.extract_strided_slice %add3A_632 {offsets = [0, 64], sizes = [1000, 64], strides = [1, 1]} : vector<1000x256xf32> to vector<1000x64xf32>
    %tanh3A_646 = math.tanh %slice3A_645 : vector<1000x64xf32>
    %mul3A_647 = arith.constant 5.000000e-01 : f32
    %mul3A_648 = vector.broadcast %mul3A_647 : f32 to vector<1000x64xf32>
    %mul3A_649 = arith.mulf %mul3A_648, %tanh3A_646 : vector<1000x64xf32>
    %add3A_650 = arith.constant 5.000000e-01 : f32
    %add3A_651 = vector.broadcast %add3A_650 : f32 to vector<1000x64xf32>
    %add3A_652 = arith.addf %mul3A_649, %add3A_651 : vector<1000x64xf32>
    %slice3A_653 = vector.extract_strided_slice %add3A_632 {offsets = [0, 128], sizes = [1000, 64], strides = [1, 1]} : vector<1000x256xf32> to vector<1000x64xf32>
    %tanh3A_654 = math.tanh %slice3A_653 : vector<1000x64xf32>
    %slice3A_655 = vector.extract_strided_slice %add3A_632 {offsets = [0, 192], sizes = [1000, 64], strides = [1, 1]} : vector<1000x256xf32> to vector<1000x64xf32>
    %tanh3A_656 = math.tanh %slice3A_655 : vector<1000x64xf32>
    %mul3A_657 = arith.constant 5.000000e-01 : f32
    %mul3A_658 = vector.broadcast %mul3A_657 : f32 to vector<1000x64xf32>
    %mul3A_659 = arith.mulf %mul3A_658, %tanh3A_656 : vector<1000x64xf32>
    %add3A_660 = arith.constant 5.000000e-01 : f32
    %add3A_661 = vector.broadcast %add3A_660 : f32 to vector<1000x64xf32>
    %add3A_662 = arith.addf %mul3A_659, %add3A_661 : vector<1000x64xf32>
    %mul3A_663 = arith.mulf %add3A_652, %add3A_591 : vector<1000x64xf32>
    %mul3A_664 = arith.mulf %add3A_644, %tanh3A_654 : vector<1000x64xf32>
    %add3A_665 = arith.addf %mul3A_663, %mul3A_664 : vector<1000x64xf32>
    %tanh3A_666 = math.tanh %add3A_665 : vector<1000x64xf32>
    %mul3A_667 = arith.mulf %add3A_662, %tanh3A_666 : vector<1000x64xf32>
    %slice3A_668 = vector.extract_strided_slice %add3A_636 {offsets = [0, 0], sizes = [1000, 64], strides = [1, 1]} : vector<1000x256xf32> to vector<1000x64xf32>
    %tanh3A_669 = math.tanh %slice3A_668 : vector<1000x64xf32>
    %mul3A_670 = arith.constant 5.000000e-01 : f32
    %mul3A_671 = vector.broadcast %mul3A_670 : f32 to vector<1000x64xf32>
    %mul3A_672 = arith.mulf %mul3A_671, %tanh3A_669 : vector<1000x64xf32>
    %add3A_673 = arith.constant 5.000000e-01 : f32
    %add3A_674 = vector.broadcast %add3A_673 : f32 to vector<1000x64xf32>
    %add3A_675 = arith.addf %mul3A_672, %add3A_674 : vector<1000x64xf32>
    %slice3A_676 = vector.extract_strided_slice %add3A_636 {offsets = [0, 64], sizes = [1000, 64], strides = [1, 1]} : vector<1000x256xf32> to vector<1000x64xf32>
    %tanh3A_677 = math.tanh %slice3A_676 : vector<1000x64xf32>
    %mul3A_678 = arith.constant 5.000000e-01 : f32
    %mul3A_679 = vector.broadcast %mul3A_678 : f32 to vector<1000x64xf32>
    %mul3A_680 = arith.mulf %mul3A_679, %tanh3A_677 : vector<1000x64xf32>
    %add3A_681 = arith.constant 5.000000e-01 : f32
    %add3A_682 = vector.broadcast %add3A_681 : f32 to vector<1000x64xf32>
    %add3A_683 = arith.addf %mul3A_680, %add3A_682 : vector<1000x64xf32>
    %slice3A_684 = vector.extract_strided_slice %add3A_636 {offsets = [0, 128], sizes = [1000, 64], strides = [1, 1]} : vector<1000x256xf32> to vector<1000x64xf32>
    %tanh3A_685 = math.tanh %slice3A_684 : vector<1000x64xf32>
    %slice3A_686 = vector.extract_strided_slice %add3A_636 {offsets = [0, 192], sizes = [1000, 64], strides = [1, 1]} : vector<1000x256xf32> to vector<1000x64xf32>
    %tanh3A_687 = math.tanh %slice3A_686 : vector<1000x64xf32>
    %mul3A_688 = arith.constant 5.000000e-01 : f32
    %mul3A_689 = vector.broadcast %mul3A_688 : f32 to vector<1000x64xf32>
    %mul3A_690 = arith.mulf %mul3A_689, %tanh3A_687 : vector<1000x64xf32>
    %add3A_691 = arith.constant 5.000000e-01 : f32
    %add3A_692 = vector.broadcast %add3A_691 : f32 to vector<1000x64xf32>
    %add3A_693 = arith.addf %mul3A_690, %add3A_692 : vector<1000x64xf32>
    %mul3A_694 = arith.mulf %add3A_683, %add3A_622 : vector<1000x64xf32>
    %mul3A_695 = arith.mulf %add3A_675, %tanh3A_685 : vector<1000x64xf32>
    %add3A_696 = arith.addf %mul3A_694, %mul3A_695 : vector<1000x64xf32>
    %tanh3A_697 = math.tanh %add3A_696 : vector<1000x64xf32>
    %mul3A_698 = arith.mulf %add3A_693, %tanh3A_697 : vector<1000x64xf32>
    %convert_element_type3A_699 = arith.truncf %mul3A_667 : vector<1000x64xf32> to vector<1000x64xbf16>
    %concatenate3A_700 = tpu.concatenate %slice3A_10, %convert_element_type3A_699 in 1 : vector<1000x16xbf16>, vector<1000x64xbf16> -> vector<1000x80xbf16>
    %convert_element_type3A_701 = arith.truncf %mul3A_698 : vector<1000x64xf32> to vector<1000x64xbf16>
    %concatenate3A_702 = tpu.concatenate %slice3A_15, %convert_element_type3A_701 in 1 : vector<1000x16xbf16>, vector<1000x64xbf16> -> vector<1000x80xbf16>
    %dot_general3A_703 = arith.constant dense<0.000000e+00> : vector<1000x256xf32>
    %dot_general3A_704 = tpu.matmul %concatenate3A_700, %get3A_28, %dot_general3A_703 {dimension_numbers = #tpu.dot_dimension_numbers<[1], [0], [0], [1], [0, 0, 1, 1], [], []>, transpose_lhs_hint = false} : vector<1000x80xbf16>, vector<80x256xbf16>, vector<1000x256xf32> -> vector<1000x256xf32>
    %add3A_705 = vector.broadcast %get3A_34 : vector<1x256xf32> to vector<1000x256xf32>
    %add3A_706 = arith.addf %dot_general3A_704, %add3A_705 : vector<1000x256xf32>
    %dot_general3A_707 = arith.constant dense<0.000000e+00> : vector<1000x256xf32>
    %dot_general3A_708 = tpu.matmul %concatenate3A_702, %get3A_31, %dot_general3A_707 {dimension_numbers = #tpu.dot_dimension_numbers<[1], [0], [0], [1], [0, 0, 1, 1], [], []>, transpose_lhs_hint = false} : vector<1000x80xbf16>, vector<80x256xbf16>, vector<1000x256xf32> -> vector<1000x256xf32>
    %add3A_709 = vector.broadcast %get3A_37 : vector<1x256xf32> to vector<1000x256xf32>
    %add3A_710 = arith.addf %dot_general3A_708, %add3A_709 : vector<1000x256xf32>
    %slice3A_711 = vector.extract_strided_slice %add3A_706 {offsets = [0, 0], sizes = [1000, 64], strides = [1, 1]} : vector<1000x256xf32> to vector<1000x64xf32>
    %tanh3A_712 = math.tanh %slice3A_711 : vector<1000x64xf32>
    %mul3A_713 = arith.constant 5.000000e-01 : f32
    %mul3A_714 = vector.broadcast %mul3A_713 : f32 to vector<1000x64xf32>
    %mul3A_715 = arith.mulf %mul3A_714, %tanh3A_712 : vector<1000x64xf32>
    %add3A_716 = arith.constant 5.000000e-01 : f32
    %add3A_717 = vector.broadcast %add3A_716 : f32 to vector<1000x64xf32>
    %add3A_718 = arith.addf %mul3A_715, %add3A_717 : vector<1000x64xf32>
    %slice3A_719 = vector.extract_strided_slice %add3A_706 {offsets = [0, 64], sizes = [1000, 64], strides = [1, 1]} : vector<1000x256xf32> to vector<1000x64xf32>
    %tanh3A_720 = math.tanh %slice3A_719 : vector<1000x64xf32>
    %mul3A_721 = arith.constant 5.000000e-01 : f32
    %mul3A_722 = vector.broadcast %mul3A_721 : f32 to vector<1000x64xf32>
    %mul3A_723 = arith.mulf %mul3A_722, %tanh3A_720 : vector<1000x64xf32>
    %add3A_724 = arith.constant 5.000000e-01 : f32
    %add3A_725 = vector.broadcast %add3A_724 : f32 to vector<1000x64xf32>
    %add3A_726 = arith.addf %mul3A_723, %add3A_725 : vector<1000x64xf32>
    %slice3A_727 = vector.extract_strided_slice %add3A_706 {offsets = [0, 128], sizes = [1000, 64], strides = [1, 1]} : vector<1000x256xf32> to vector<1000x64xf32>
    %tanh3A_728 = math.tanh %slice3A_727 : vector<1000x64xf32>
    %slice3A_729 = vector.extract_strided_slice %add3A_706 {offsets = [0, 192], sizes = [1000, 64], strides = [1, 1]} : vector<1000x256xf32> to vector<1000x64xf32>
    %tanh3A_730 = math.tanh %slice3A_729 : vector<1000x64xf32>
    %mul3A_731 = arith.constant 5.000000e-01 : f32
    %mul3A_732 = vector.broadcast %mul3A_731 : f32 to vector<1000x64xf32>
    %mul3A_733 = arith.mulf %mul3A_732, %tanh3A_730 : vector<1000x64xf32>
    %add3A_734 = arith.constant 5.000000e-01 : f32
    %add3A_735 = vector.broadcast %add3A_734 : f32 to vector<1000x64xf32>
    %add3A_736 = arith.addf %mul3A_733, %add3A_735 : vector<1000x64xf32>
    %mul3A_737 = arith.mulf %add3A_726, %add3A_665 : vector<1000x64xf32>
    %mul3A_738 = arith.mulf %add3A_718, %tanh3A_728 : vector<1000x64xf32>
    %add3A_739 = arith.addf %mul3A_737, %mul3A_738 : vector<1000x64xf32>
    %tanh3A_740 = math.tanh %add3A_739 : vector<1000x64xf32>
    %mul3A_741 = arith.mulf %add3A_736, %tanh3A_740 : vector<1000x64xf32>
    %slice3A_742 = vector.extract_strided_slice %add3A_710 {offsets = [0, 0], sizes = [1000, 64], strides = [1, 1]} : vector<1000x256xf32> to vector<1000x64xf32>
    %tanh3A_743 = math.tanh %slice3A_742 : vector<1000x64xf32>
    %mul3A_744 = arith.constant 5.000000e-01 : f32
    %mul3A_745 = vector.broadcast %mul3A_744 : f32 to vector<1000x64xf32>
    %mul3A_746 = arith.mulf %mul3A_745, %tanh3A_743 : vector<1000x64xf32>
    %add3A_747 = arith.constant 5.000000e-01 : f32
    %add3A_748 = vector.broadcast %add3A_747 : f32 to vector<1000x64xf32>
    %add3A_749 = arith.addf %mul3A_746, %add3A_748 : vector<1000x64xf32>
    %slice3A_750 = vector.extract_strided_slice %add3A_710 {offsets = [0, 64], sizes = [1000, 64], strides = [1, 1]} : vector<1000x256xf32> to vector<1000x64xf32>
    %tanh3A_751 = math.tanh %slice3A_750 : vector<1000x64xf32>
    %mul3A_752 = arith.constant 5.000000e-01 : f32
    %mul3A_753 = vector.broadcast %mul3A_752 : f32 to vector<1000x64xf32>
    %mul3A_754 = arith.mulf %mul3A_753, %tanh3A_751 : vector<1000x64xf32>
    %add3A_755 = arith.constant 5.000000e-01 : f32
    %add3A_756 = vector.broadcast %add3A_755 : f32 to vector<1000x64xf32>
    %add3A_757 = arith.addf %mul3A_754, %add3A_756 : vector<1000x64xf32>
    %slice3A_758 = vector.extract_strided_slice %add3A_710 {offsets = [0, 128], sizes = [1000, 64], strides = [1, 1]} : vector<1000x256xf32> to vector<1000x64xf32>
    %tanh3A_759 = math.tanh %slice3A_758 : vector<1000x64xf32>
    %slice3A_760 = vector.extract_strided_slice %add3A_710 {offsets = [0, 192], sizes = [1000, 64], strides = [1, 1]} : vector<1000x256xf32> to vector<1000x64xf32>
    %tanh3A_761 = math.tanh %slice3A_760 : vector<1000x64xf32>
    %mul3A_762 = arith.constant 5.000000e-01 : f32
    %mul3A_763 = vector.broadcast %mul3A_762 : f32 to vector<1000x64xf32>
    %mul3A_764 = arith.mulf %mul3A_763, %tanh3A_761 : vector<1000x64xf32>
    %add3A_765 = arith.constant 5.000000e-01 : f32
    %add3A_766 = vector.broadcast %add3A_765 : f32 to vector<1000x64xf32>
    %add3A_767 = arith.addf %mul3A_764, %add3A_766 : vector<1000x64xf32>
    %mul3A_768 = arith.mulf %add3A_757, %add3A_696 : vector<1000x64xf32>
    %mul3A_769 = arith.mulf %add3A_749, %tanh3A_759 : vector<1000x64xf32>
    %add3A_770 = arith.addf %mul3A_768, %mul3A_769 : vector<1000x64xf32>
    %tanh3A_771 = math.tanh %add3A_770 : vector<1000x64xf32>
    %mul3A_772 = arith.mulf %add3A_767, %tanh3A_771 : vector<1000x64xf32>
    %convert_element_type3A_773 = arith.truncf %mul3A_741 : vector<1000x64xf32> to vector<1000x64xbf16>
    %concatenate3A_774 = tpu.concatenate %slice3A_11, %convert_element_type3A_773 in 1 : vector<1000x16xbf16>, vector<1000x64xbf16> -> vector<1000x80xbf16>
    %convert_element_type3A_775 = arith.truncf %mul3A_772 : vector<1000x64xf32> to vector<1000x64xbf16>
    %concatenate3A_776 = tpu.concatenate %slice3A_14, %convert_element_type3A_775 in 1 : vector<1000x16xbf16>, vector<1000x64xbf16> -> vector<1000x80xbf16>
    %dot_general3A_777 = arith.constant dense<0.000000e+00> : vector<1000x256xf32>
    %dot_general3A_778 = tpu.matmul %concatenate3A_774, %get3A_28, %dot_general3A_777 {dimension_numbers = #tpu.dot_dimension_numbers<[1], [0], [0], [1], [0, 0, 1, 1], [], []>, transpose_lhs_hint = false} : vector<1000x80xbf16>, vector<80x256xbf16>, vector<1000x256xf32> -> vector<1000x256xf32>
    %add3A_779 = vector.broadcast %get3A_34 : vector<1x256xf32> to vector<1000x256xf32>
    %add3A_780 = arith.addf %dot_general3A_778, %add3A_779 : vector<1000x256xf32>
    %dot_general3A_781 = arith.constant dense<0.000000e+00> : vector<1000x256xf32>
    %dot_general3A_782 = tpu.matmul %concatenate3A_776, %get3A_31, %dot_general3A_781 {dimension_numbers = #tpu.dot_dimension_numbers<[1], [0], [0], [1], [0, 0, 1, 1], [], []>, transpose_lhs_hint = false} : vector<1000x80xbf16>, vector<80x256xbf16>, vector<1000x256xf32> -> vector<1000x256xf32>
    %add3A_783 = vector.broadcast %get3A_37 : vector<1x256xf32> to vector<1000x256xf32>
    %add3A_784 = arith.addf %dot_general3A_782, %add3A_783 : vector<1000x256xf32>
    %slice3A_785 = vector.extract_strided_slice %add3A_780 {offsets = [0, 0], sizes = [1000, 64], strides = [1, 1]} : vector<1000x256xf32> to vector<1000x64xf32>
    %tanh3A_786 = math.tanh %slice3A_785 : vector<1000x64xf32>
    %mul3A_787 = arith.constant 5.000000e-01 : f32
    %mul3A_788 = vector.broadcast %mul3A_787 : f32 to vector<1000x64xf32>
    %mul3A_789 = arith.mulf %mul3A_788, %tanh3A_786 : vector<1000x64xf32>
    %add3A_790 = arith.constant 5.000000e-01 : f32
    %add3A_791 = vector.broadcast %add3A_790 : f32 to vector<1000x64xf32>
    %add3A_792 = arith.addf %mul3A_789, %add3A_791 : vector<1000x64xf32>
    %slice3A_793 = vector.extract_strided_slice %add3A_780 {offsets = [0, 64], sizes = [1000, 64], strides = [1, 1]} : vector<1000x256xf32> to vector<1000x64xf32>
    %tanh3A_794 = math.tanh %slice3A_793 : vector<1000x64xf32>
    %mul3A_795 = arith.constant 5.000000e-01 : f32
    %mul3A_796 = vector.broadcast %mul3A_795 : f32 to vector<1000x64xf32>
    %mul3A_797 = arith.mulf %mul3A_796, %tanh3A_794 : vector<1000x64xf32>
    %add3A_798 = arith.constant 5.000000e-01 : f32
    %add3A_799 = vector.broadcast %add3A_798 : f32 to vector<1000x64xf32>
    %add3A_800 = arith.addf %mul3A_797, %add3A_799 : vector<1000x64xf32>
    %slice3A_801 = vector.extract_strided_slice %add3A_780 {offsets = [0, 128], sizes = [1000, 64], strides = [1, 1]} : vector<1000x256xf32> to vector<1000x64xf32>
    %tanh3A_802 = math.tanh %slice3A_801 : vector<1000x64xf32>
    %slice3A_803 = vector.extract_strided_slice %add3A_780 {offsets = [0, 192], sizes = [1000, 64], strides = [1, 1]} : vector<1000x256xf32> to vector<1000x64xf32>
    %tanh3A_804 = math.tanh %slice3A_803 : vector<1000x64xf32>
    %mul3A_805 = arith.constant 5.000000e-01 : f32
    %mul3A_806 = vector.broadcast %mul3A_805 : f32 to vector<1000x64xf32>
    %mul3A_807 = arith.mulf %mul3A_806, %tanh3A_804 : vector<1000x64xf32>
    %add3A_808 = arith.constant 5.000000e-01 : f32
    %add3A_809 = vector.broadcast %add3A_808 : f32 to vector<1000x64xf32>
    %add3A_810 = arith.addf %mul3A_807, %add3A_809 : vector<1000x64xf32>
    %mul3A_811 = arith.mulf %add3A_800, %add3A_739 : vector<1000x64xf32>
    %mul3A_812 = arith.mulf %add3A_792, %tanh3A_802 : vector<1000x64xf32>
    %add3A_813 = arith.addf %mul3A_811, %mul3A_812 : vector<1000x64xf32>
    %tanh3A_814 = math.tanh %add3A_813 : vector<1000x64xf32>
    %mul3A_815 = arith.mulf %add3A_810, %tanh3A_814 : vector<1000x64xf32>
    %slice3A_816 = vector.extract_strided_slice %add3A_784 {offsets = [0, 0], sizes = [1000, 64], strides = [1, 1]} : vector<1000x256xf32> to vector<1000x64xf32>
    %tanh3A_817 = math.tanh %slice3A_816 : vector<1000x64xf32>
    %mul3A_818 = arith.constant 5.000000e-01 : f32
    %mul3A_819 = vector.broadcast %mul3A_818 : f32 to vector<1000x64xf32>
    %mul3A_820 = arith.mulf %mul3A_819, %tanh3A_817 : vector<1000x64xf32>
    %add3A_821 = arith.constant 5.000000e-01 : f32
    %add3A_822 = vector.broadcast %add3A_821 : f32 to vector<1000x64xf32>
    %add3A_823 = arith.addf %mul3A_820, %add3A_822 : vector<1000x64xf32>
    %slice3A_824 = vector.extract_strided_slice %add3A_784 {offsets = [0, 64], sizes = [1000, 64], strides = [1, 1]} : vector<1000x256xf32> to vector<1000x64xf32>
    %tanh3A_825 = math.tanh %slice3A_824 : vector<1000x64xf32>
    %mul3A_826 = arith.constant 5.000000e-01 : f32
    %mul3A_827 = vector.broadcast %mul3A_826 : f32 to vector<1000x64xf32>
    %mul3A_828 = arith.mulf %mul3A_827, %tanh3A_825 : vector<1000x64xf32>
    %add3A_829 = arith.constant 5.000000e-01 : f32
    %add3A_830 = vector.broadcast %add3A_829 : f32 to vector<1000x64xf32>
    %add3A_831 = arith.addf %mul3A_828, %add3A_830 : vector<1000x64xf32>
    %slice3A_832 = vector.extract_strided_slice %add3A_784 {offsets = [0, 128], sizes = [1000, 64], strides = [1, 1]} : vector<1000x256xf32> to vector<1000x64xf32>
    %tanh3A_833 = math.tanh %slice3A_832 : vector<1000x64xf32>
    %slice3A_834 = vector.extract_strided_slice %add3A_784 {offsets = [0, 192], sizes = [1000, 64], strides = [1, 1]} : vector<1000x256xf32> to vector<1000x64xf32>
    %tanh3A_835 = math.tanh %slice3A_834 : vector<1000x64xf32>
    %mul3A_836 = arith.constant 5.000000e-01 : f32
    %mul3A_837 = vector.broadcast %mul3A_836 : f32 to vector<1000x64xf32>
    %mul3A_838 = arith.mulf %mul3A_837, %tanh3A_835 : vector<1000x64xf32>
    %add3A_839 = arith.constant 5.000000e-01 : f32
    %add3A_840 = vector.broadcast %add3A_839 : f32 to vector<1000x64xf32>
    %add3A_841 = arith.addf %mul3A_838, %add3A_840 : vector<1000x64xf32>
    %mul3A_842 = arith.mulf %add3A_831, %add3A_770 : vector<1000x64xf32>
    %mul3A_843 = arith.mulf %add3A_823, %tanh3A_833 : vector<1000x64xf32>
    %add3A_844 = arith.addf %mul3A_842, %mul3A_843 : vector<1000x64xf32>
    %tanh3A_845 = math.tanh %add3A_844 : vector<1000x64xf32>
    %mul3A_846 = arith.mulf %add3A_841, %tanh3A_845 : vector<1000x64xf32>
    %convert_element_type3A_847 = arith.truncf %mul3A_815 : vector<1000x64xf32> to vector<1000x64xbf16>
    %concatenate3A_848 = tpu.concatenate %slice3A_12, %convert_element_type3A_847 in 1 : vector<1000x16xbf16>, vector<1000x64xbf16> -> vector<1000x80xbf16>
    %convert_element_type3A_849 = arith.truncf %mul3A_846 : vector<1000x64xf32> to vector<1000x64xbf16>
    %concatenate3A_850 = tpu.concatenate %slice3A_13, %convert_element_type3A_849 in 1 : vector<1000x16xbf16>, vector<1000x64xbf16> -> vector<1000x80xbf16>
    %dot_general3A_851 = arith.constant dense<0.000000e+00> : vector<1000x256xf32>
    %dot_general3A_852 = tpu.matmul %concatenate3A_848, %get3A_28, %dot_general3A_851 {dimension_numbers = #tpu.dot_dimension_numbers<[1], [0], [0], [1], [0, 0, 1, 1], [], []>, transpose_lhs_hint = false} : vector<1000x80xbf16>, vector<80x256xbf16>, vector<1000x256xf32> -> vector<1000x256xf32>
    %add3A_853 = vector.broadcast %get3A_34 : vector<1x256xf32> to vector<1000x256xf32>
    %add3A_854 = arith.addf %dot_general3A_852, %add3A_853 : vector<1000x256xf32>
    %dot_general3A_855 = arith.constant dense<0.000000e+00> : vector<1000x256xf32>
    %dot_general3A_856 = tpu.matmul %concatenate3A_850, %get3A_31, %dot_general3A_855 {dimension_numbers = #tpu.dot_dimension_numbers<[1], [0], [0], [1], [0, 0, 1, 1], [], []>, transpose_lhs_hint = false} : vector<1000x80xbf16>, vector<80x256xbf16>, vector<1000x256xf32> -> vector<1000x256xf32>
    %add3A_857 = vector.broadcast %get3A_37 : vector<1x256xf32> to vector<1000x256xf32>
    %add3A_858 = arith.addf %dot_general3A_856, %add3A_857 : vector<1000x256xf32>
    %slice3A_859 = vector.extract_strided_slice %add3A_854 {offsets = [0, 0], sizes = [1000, 64], strides = [1, 1]} : vector<1000x256xf32> to vector<1000x64xf32>
    %tanh3A_860 = math.tanh %slice3A_859 : vector<1000x64xf32>
    %mul3A_861 = arith.constant 5.000000e-01 : f32
    %mul3A_862 = vector.broadcast %mul3A_861 : f32 to vector<1000x64xf32>
    %mul3A_863 = arith.mulf %mul3A_862, %tanh3A_860 : vector<1000x64xf32>
    %add3A_864 = arith.constant 5.000000e-01 : f32
    %add3A_865 = vector.broadcast %add3A_864 : f32 to vector<1000x64xf32>
    %add3A_866 = arith.addf %mul3A_863, %add3A_865 : vector<1000x64xf32>
    %slice3A_867 = vector.extract_strided_slice %add3A_854 {offsets = [0, 64], sizes = [1000, 64], strides = [1, 1]} : vector<1000x256xf32> to vector<1000x64xf32>
    %tanh3A_868 = math.tanh %slice3A_867 : vector<1000x64xf32>
    %mul3A_869 = arith.constant 5.000000e-01 : f32
    %mul3A_870 = vector.broadcast %mul3A_869 : f32 to vector<1000x64xf32>
    %mul3A_871 = arith.mulf %mul3A_870, %tanh3A_868 : vector<1000x64xf32>
    %add3A_872 = arith.constant 5.000000e-01 : f32
    %add3A_873 = vector.broadcast %add3A_872 : f32 to vector<1000x64xf32>
    %add3A_874 = arith.addf %mul3A_871, %add3A_873 : vector<1000x64xf32>
    %slice3A_875 = vector.extract_strided_slice %add3A_854 {offsets = [0, 128], sizes = [1000, 64], strides = [1, 1]} : vector<1000x256xf32> to vector<1000x64xf32>
    %tanh3A_876 = math.tanh %slice3A_875 : vector<1000x64xf32>
    %slice3A_877 = vector.extract_strided_slice %add3A_854 {offsets = [0, 192], sizes = [1000, 64], strides = [1, 1]} : vector<1000x256xf32> to vector<1000x64xf32>
    %tanh3A_878 = math.tanh %slice3A_877 : vector<1000x64xf32>
    %mul3A_879 = arith.constant 5.000000e-01 : f32
    %mul3A_880 = vector.broadcast %mul3A_879 : f32 to vector<1000x64xf32>
    %mul3A_881 = arith.mulf %mul3A_880, %tanh3A_878 : vector<1000x64xf32>
    %add3A_882 = arith.constant 5.000000e-01 : f32
    %add3A_883 = vector.broadcast %add3A_882 : f32 to vector<1000x64xf32>
    %add3A_884 = arith.addf %mul3A_881, %add3A_883 : vector<1000x64xf32>
    %mul3A_885 = arith.mulf %add3A_874, %add3A_813 : vector<1000x64xf32>
    %mul3A_886 = arith.mulf %add3A_866, %tanh3A_876 : vector<1000x64xf32>
    %add3A_887 = arith.addf %mul3A_885, %mul3A_886 : vector<1000x64xf32>
    %tanh3A_888 = math.tanh %add3A_887 : vector<1000x64xf32>
    %mul3A_889 = arith.mulf %add3A_884, %tanh3A_888 : vector<1000x64xf32>
    %slice3A_890 = vector.extract_strided_slice %add3A_858 {offsets = [0, 0], sizes = [1000, 64], strides = [1, 1]} : vector<1000x256xf32> to vector<1000x64xf32>
    %tanh3A_891 = math.tanh %slice3A_890 : vector<1000x64xf32>
    %mul3A_892 = arith.constant 5.000000e-01 : f32
    %mul3A_893 = vector.broadcast %mul3A_892 : f32 to vector<1000x64xf32>
    %mul3A_894 = arith.mulf %mul3A_893, %tanh3A_891 : vector<1000x64xf32>
    %add3A_895 = arith.constant 5.000000e-01 : f32
    %add3A_896 = vector.broadcast %add3A_895 : f32 to vector<1000x64xf32>
    %add3A_897 = arith.addf %mul3A_894, %add3A_896 : vector<1000x64xf32>
    %slice3A_898 = vector.extract_strided_slice %add3A_858 {offsets = [0, 64], sizes = [1000, 64], strides = [1, 1]} : vector<1000x256xf32> to vector<1000x64xf32>
    %tanh3A_899 = math.tanh %slice3A_898 : vector<1000x64xf32>
    %mul3A_900 = arith.constant 5.000000e-01 : f32
    %mul3A_901 = vector.broadcast %mul3A_900 : f32 to vector<1000x64xf32>
    %mul3A_902 = arith.mulf %mul3A_901, %tanh3A_899 : vector<1000x64xf32>
    %add3A_903 = arith.constant 5.000000e-01 : f32
    %add3A_904 = vector.broadcast %add3A_903 : f32 to vector<1000x64xf32>
    %add3A_905 = arith.addf %mul3A_902, %add3A_904 : vector<1000x64xf32>
    %slice3A_906 = vector.extract_strided_slice %add3A_858 {offsets = [0, 128], sizes = [1000, 64], strides = [1, 1]} : vector<1000x256xf32> to vector<1000x64xf32>
    %tanh3A_907 = math.tanh %slice3A_906 : vector<1000x64xf32>
    %slice3A_908 = vector.extract_strided_slice %add3A_858 {offsets = [0, 192], sizes = [1000, 64], strides = [1, 1]} : vector<1000x256xf32> to vector<1000x64xf32>
    %tanh3A_909 = math.tanh %slice3A_908 : vector<1000x64xf32>
    %mul3A_910 = arith.constant 5.000000e-01 : f32
    %mul3A_911 = vector.broadcast %mul3A_910 : f32 to vector<1000x64xf32>
    %mul3A_912 = arith.mulf %mul3A_911, %tanh3A_909 : vector<1000x64xf32>
    %add3A_913 = arith.constant 5.000000e-01 : f32
    %add3A_914 = vector.broadcast %add3A_913 : f32 to vector<1000x64xf32>
    %add3A_915 = arith.addf %mul3A_912, %add3A_914 : vector<1000x64xf32>
    %mul3A_916 = arith.mulf %add3A_905, %add3A_844 : vector<1000x64xf32>
    %mul3A_917 = arith.mulf %add3A_897, %tanh3A_907 : vector<1000x64xf32>
    %add3A_918 = arith.addf %mul3A_916, %mul3A_917 : vector<1000x64xf32>
    %tanh3A_919 = math.tanh %add3A_918 : vector<1000x64xf32>
    %mul3A_920 = arith.mulf %add3A_915, %tanh3A_919 : vector<1000x64xf32>
    %convert_element_type3A_921 = arith.truncf %mul3A_889 : vector<1000x64xf32> to vector<1000x64xbf16>
    %concatenate3A_922 = tpu.concatenate %slice3A_13, %convert_element_type3A_921 in 1 : vector<1000x16xbf16>, vector<1000x64xbf16> -> vector<1000x80xbf16>
    %convert_element_type3A_923 = arith.truncf %mul3A_920 : vector<1000x64xf32> to vector<1000x64xbf16>
    %concatenate3A_924 = tpu.concatenate %slice3A_12, %convert_element_type3A_923 in 1 : vector<1000x16xbf16>, vector<1000x64xbf16> -> vector<1000x80xbf16>
    %dot_general3A_925 = arith.constant dense<0.000000e+00> : vector<1000x256xf32>
    %dot_general3A_926 = tpu.matmul %concatenate3A_922, %get3A_28, %dot_general3A_925 {dimension_numbers = #tpu.dot_dimension_numbers<[1], [0], [0], [1], [0, 0, 1, 1], [], []>, transpose_lhs_hint = false} : vector<1000x80xbf16>, vector<80x256xbf16>, vector<1000x256xf32> -> vector<1000x256xf32>
    %add3A_927 = vector.broadcast %get3A_34 : vector<1x256xf32> to vector<1000x256xf32>
    %add3A_928 = arith.addf %dot_general3A_926, %add3A_927 : vector<1000x256xf32>
    %dot_general3A_929 = arith.constant dense<0.000000e+00> : vector<1000x256xf32>
    %dot_general3A_930 = tpu.matmul %concatenate3A_924, %get3A_31, %dot_general3A_929 {dimension_numbers = #tpu.dot_dimension_numbers<[1], [0], [0], [1], [0, 0, 1, 1], [], []>, transpose_lhs_hint = false} : vector<1000x80xbf16>, vector<80x256xbf16>, vector<1000x256xf32> -> vector<1000x256xf32>
    %add3A_931 = vector.broadcast %get3A_37 : vector<1x256xf32> to vector<1000x256xf32>
    %add3A_932 = arith.addf %dot_general3A_930, %add3A_931 : vector<1000x256xf32>
    %slice3A_933 = vector.extract_strided_slice %add3A_928 {offsets = [0, 0], sizes = [1000, 64], strides = [1, 1]} : vector<1000x256xf32> to vector<1000x64xf32>
    %tanh3A_934 = math.tanh %slice3A_933 : vector<1000x64xf32>
    %mul3A_935 = arith.constant 5.000000e-01 : f32
    %mul3A_936 = vector.broadcast %mul3A_935 : f32 to vector<1000x64xf32>
    %mul3A_937 = arith.mulf %mul3A_936, %tanh3A_934 : vector<1000x64xf32>
    %add3A_938 = arith.constant 5.000000e-01 : f32
    %add3A_939 = vector.broadcast %add3A_938 : f32 to vector<1000x64xf32>
    %add3A_940 = arith.addf %mul3A_937, %add3A_939 : vector<1000x64xf32>
    %slice3A_941 = vector.extract_strided_slice %add3A_928 {offsets = [0, 64], sizes = [1000, 64], strides = [1, 1]} : vector<1000x256xf32> to vector<1000x64xf32>
    %tanh3A_942 = math.tanh %slice3A_941 : vector<1000x64xf32>
    %mul3A_943 = arith.constant 5.000000e-01 : f32
    %mul3A_944 = vector.broadcast %mul3A_943 : f32 to vector<1000x64xf32>
    %mul3A_945 = arith.mulf %mul3A_944, %tanh3A_942 : vector<1000x64xf32>
    %add3A_946 = arith.constant 5.000000e-01 : f32
    %add3A_947 = vector.broadcast %add3A_946 : f32 to vector<1000x64xf32>
    %add3A_948 = arith.addf %mul3A_945, %add3A_947 : vector<1000x64xf32>
    %slice3A_949 = vector.extract_strided_slice %add3A_928 {offsets = [0, 128], sizes = [1000, 64], strides = [1, 1]} : vector<1000x256xf32> to vector<1000x64xf32>
    %tanh3A_950 = math.tanh %slice3A_949 : vector<1000x64xf32>
    %slice3A_951 = vector.extract_strided_slice %add3A_928 {offsets = [0, 192], sizes = [1000, 64], strides = [1, 1]} : vector<1000x256xf32> to vector<1000x64xf32>
    %tanh3A_952 = math.tanh %slice3A_951 : vector<1000x64xf32>
    %mul3A_953 = arith.constant 5.000000e-01 : f32
    %mul3A_954 = vector.broadcast %mul3A_953 : f32 to vector<1000x64xf32>
    %mul3A_955 = arith.mulf %mul3A_954, %tanh3A_952 : vector<1000x64xf32>
    %add3A_956 = arith.constant 5.000000e-01 : f32
    %add3A_957 = vector.broadcast %add3A_956 : f32 to vector<1000x64xf32>
    %add3A_958 = arith.addf %mul3A_955, %add3A_957 : vector<1000x64xf32>
    %mul3A_959 = arith.mulf %add3A_948, %add3A_887 : vector<1000x64xf32>
    %mul3A_960 = arith.mulf %add3A_940, %tanh3A_950 : vector<1000x64xf32>
    %add3A_961 = arith.addf %mul3A_959, %mul3A_960 : vector<1000x64xf32>
    %tanh3A_962 = math.tanh %add3A_961 : vector<1000x64xf32>
    %mul3A_963 = arith.mulf %add3A_958, %tanh3A_962 : vector<1000x64xf32>
    %slice3A_964 = vector.extract_strided_slice %add3A_932 {offsets = [0, 0], sizes = [1000, 64], strides = [1, 1]} : vector<1000x256xf32> to vector<1000x64xf32>
    %tanh3A_965 = math.tanh %slice3A_964 : vector<1000x64xf32>
    %mul3A_966 = arith.constant 5.000000e-01 : f32
    %mul3A_967 = vector.broadcast %mul3A_966 : f32 to vector<1000x64xf32>
    %mul3A_968 = arith.mulf %mul3A_967, %tanh3A_965 : vector<1000x64xf32>
    %add3A_969 = arith.constant 5.000000e-01 : f32
    %add3A_970 = vector.broadcast %add3A_969 : f32 to vector<1000x64xf32>
    %add3A_971 = arith.addf %mul3A_968, %add3A_970 : vector<1000x64xf32>
    %slice3A_972 = vector.extract_strided_slice %add3A_932 {offsets = [0, 64], sizes = [1000, 64], strides = [1, 1]} : vector<1000x256xf32> to vector<1000x64xf32>
    %tanh3A_973 = math.tanh %slice3A_972 : vector<1000x64xf32>
    %mul3A_974 = arith.constant 5.000000e-01 : f32
    %mul3A_975 = vector.broadcast %mul3A_974 : f32 to vector<1000x64xf32>
    %mul3A_976 = arith.mulf %mul3A_975, %tanh3A_973 : vector<1000x64xf32>
    %add3A_977 = arith.constant 5.000000e-01 : f32
    %add3A_978 = vector.broadcast %add3A_977 : f32 to vector<1000x64xf32>
    %add3A_979 = arith.addf %mul3A_976, %add3A_978 : vector<1000x64xf32>
    %slice3A_980 = vector.extract_strided_slice %add3A_932 {offsets = [0, 128], sizes = [1000, 64], strides = [1, 1]} : vector<1000x256xf32> to vector<1000x64xf32>
    %tanh3A_981 = math.tanh %slice3A_980 : vector<1000x64xf32>
    %slice3A_982 = vector.extract_strided_slice %add3A_932 {offsets = [0, 192], sizes = [1000, 64], strides = [1, 1]} : vector<1000x256xf32> to vector<1000x64xf32>
    %tanh3A_983 = math.tanh %slice3A_982 : vector<1000x64xf32>
    %mul3A_984 = arith.constant 5.000000e-01 : f32
    %mul3A_985 = vector.broadcast %mul3A_984 : f32 to vector<1000x64xf32>
    %mul3A_986 = arith.mulf %mul3A_985, %tanh3A_983 : vector<1000x64xf32>
    %add3A_987 = arith.constant 5.000000e-01 : f32
    %add3A_988 = vector.broadcast %add3A_987 : f32 to vector<1000x64xf32>
    %add3A_989 = arith.addf %mul3A_986, %add3A_988 : vector<1000x64xf32>
    %mul3A_990 = arith.mulf %add3A_979, %add3A_918 : vector<1000x64xf32>
    %mul3A_991 = arith.mulf %add3A_971, %tanh3A_981 : vector<1000x64xf32>
    %add3A_992 = arith.addf %mul3A_990, %mul3A_991 : vector<1000x64xf32>
    %tanh3A_993 = math.tanh %add3A_992 : vector<1000x64xf32>
    %mul3A_994 = arith.mulf %add3A_989, %tanh3A_993 : vector<1000x64xf32>
    %convert_element_type3A_995 = arith.truncf %mul3A_963 : vector<1000x64xf32> to vector<1000x64xbf16>
    %concatenate3A_996 = tpu.concatenate %slice3A_14, %convert_element_type3A_995 in 1 : vector<1000x16xbf16>, vector<1000x64xbf16> -> vector<1000x80xbf16>
    %convert_element_type3A_997 = arith.truncf %mul3A_994 : vector<1000x64xf32> to vector<1000x64xbf16>
    %concatenate3A_998 = tpu.concatenate %slice3A_11, %convert_element_type3A_997 in 1 : vector<1000x16xbf16>, vector<1000x64xbf16> -> vector<1000x80xbf16>
    %dot_general3A_999 = arith.constant dense<0.000000e+00> : vector<1000x256xf32>
    %dot_general3A_1000 = tpu.matmul %concatenate3A_996, %get3A_28, %dot_general3A_999 {dimension_numbers = #tpu.dot_dimension_numbers<[1], [0], [0], [1], [0, 0, 1, 1], [], []>, transpose_lhs_hint = false} : vector<1000x80xbf16>, vector<80x256xbf16>, vector<1000x256xf32> -> vector<1000x256xf32>
    %add3A_1001 = vector.broadcast %get3A_34 : vector<1x256xf32> to vector<1000x256xf32>
    %add3A_1002 = arith.addf %dot_general3A_1000, %add3A_1001 : vector<1000x256xf32>
    %dot_general3A_1003 = arith.constant dense<0.000000e+00> : vector<1000x256xf32>
    %dot_general3A_1004 = tpu.matmul %concatenate3A_998, %get3A_31, %dot_general3A_1003 {dimension_numbers = #tpu.dot_dimension_numbers<[1], [0], [0], [1], [0, 0, 1, 1], [], []>, transpose_lhs_hint = false} : vector<1000x80xbf16>, vector<80x256xbf16>, vector<1000x256xf32> -> vector<1000x256xf32>
    %add3A_1005 = vector.broadcast %get3A_37 : vector<1x256xf32> to vector<1000x256xf32>
    %add3A_1006 = arith.addf %dot_general3A_1004, %add3A_1005 : vector<1000x256xf32>
    %slice3A_1007 = vector.extract_strided_slice %add3A_1002 {offsets = [0, 0], sizes = [1000, 64], strides = [1, 1]} : vector<1000x256xf32> to vector<1000x64xf32>
    %tanh3A_1008 = math.tanh %slice3A_1007 : vector<1000x64xf32>
    %mul3A_1009 = arith.constant 5.000000e-01 : f32
    %mul3A_1010 = vector.broadcast %mul3A_1009 : f32 to vector<1000x64xf32>
    %mul3A_1011 = arith.mulf %mul3A_1010, %tanh3A_1008 : vector<1000x64xf32>
    %add3A_1012 = arith.constant 5.000000e-01 : f32
    %add3A_1013 = vector.broadcast %add3A_1012 : f32 to vector<1000x64xf32>
    %add3A_1014 = arith.addf %mul3A_1011, %add3A_1013 : vector<1000x64xf32>
    %slice3A_1015 = vector.extract_strided_slice %add3A_1002 {offsets = [0, 64], sizes = [1000, 64], strides = [1, 1]} : vector<1000x256xf32> to vector<1000x64xf32>
    %tanh3A_1016 = math.tanh %slice3A_1015 : vector<1000x64xf32>
    %mul3A_1017 = arith.constant 5.000000e-01 : f32
    %mul3A_1018 = vector.broadcast %mul3A_1017 : f32 to vector<1000x64xf32>
    %mul3A_1019 = arith.mulf %mul3A_1018, %tanh3A_1016 : vector<1000x64xf32>
    %add3A_1020 = arith.constant 5.000000e-01 : f32
    %add3A_1021 = vector.broadcast %add3A_1020 : f32 to vector<1000x64xf32>
    %add3A_1022 = arith.addf %mul3A_1019, %add3A_1021 : vector<1000x64xf32>
    %slice3A_1023 = vector.extract_strided_slice %add3A_1002 {offsets = [0, 128], sizes = [1000, 64], strides = [1, 1]} : vector<1000x256xf32> to vector<1000x64xf32>
    %tanh3A_1024 = math.tanh %slice3A_1023 : vector<1000x64xf32>
    %slice3A_1025 = vector.extract_strided_slice %add3A_1002 {offsets = [0, 192], sizes = [1000, 64], strides = [1, 1]} : vector<1000x256xf32> to vector<1000x64xf32>
    %tanh3A_1026 = math.tanh %slice3A_1025 : vector<1000x64xf32>
    %mul3A_1027 = arith.constant 5.000000e-01 : f32
    %mul3A_1028 = vector.broadcast %mul3A_1027 : f32 to vector<1000x64xf32>
    %mul3A_1029 = arith.mulf %mul3A_1028, %tanh3A_1026 : vector<1000x64xf32>
    %add3A_1030 = arith.constant 5.000000e-01 : f32
    %add3A_1031 = vector.broadcast %add3A_1030 : f32 to vector<1000x64xf32>
    %add3A_1032 = arith.addf %mul3A_1029, %add3A_1031 : vector<1000x64xf32>
    %mul3A_1033 = arith.mulf %add3A_1022, %add3A_961 : vector<1000x64xf32>
    %mul3A_1034 = arith.mulf %add3A_1014, %tanh3A_1024 : vector<1000x64xf32>
    %add3A_1035 = arith.addf %mul3A_1033, %mul3A_1034 : vector<1000x64xf32>
    %tanh3A_1036 = math.tanh %add3A_1035 : vector<1000x64xf32>
    %mul3A_1037 = arith.mulf %add3A_1032, %tanh3A_1036 : vector<1000x64xf32>
    %slice3A_1038 = vector.extract_strided_slice %add3A_1006 {offsets = [0, 0], sizes = [1000, 64], strides = [1, 1]} : vector<1000x256xf32> to vector<1000x64xf32>
    %tanh3A_1039 = math.tanh %slice3A_1038 : vector<1000x64xf32>
    %mul3A_1040 = arith.constant 5.000000e-01 : f32
    %mul3A_1041 = vector.broadcast %mul3A_1040 : f32 to vector<1000x64xf32>
    %mul3A_1042 = arith.mulf %mul3A_1041, %tanh3A_1039 : vector<1000x64xf32>
    %add3A_1043 = arith.constant 5.000000e-01 : f32
    %add3A_1044 = vector.broadcast %add3A_1043 : f32 to vector<1000x64xf32>
    %add3A_1045 = arith.addf %mul3A_1042, %add3A_1044 : vector<1000x64xf32>
    %slice3A_1046 = vector.extract_strided_slice %add3A_1006 {offsets = [0, 64], sizes = [1000, 64], strides = [1, 1]} : vector<1000x256xf32> to vector<1000x64xf32>
    %tanh3A_1047 = math.tanh %slice3A_1046 : vector<1000x64xf32>
    %mul3A_1048 = arith.constant 5.000000e-01 : f32
    %mul3A_1049 = vector.broadcast %mul3A_1048 : f32 to vector<1000x64xf32>
    %mul3A_1050 = arith.mulf %mul3A_1049, %tanh3A_1047 : vector<1000x64xf32>
    %add3A_1051 = arith.constant 5.000000e-01 : f32
    %add3A_1052 = vector.broadcast %add3A_1051 : f32 to vector<1000x64xf32>
    %add3A_1053 = arith.addf %mul3A_1050, %add3A_1052 : vector<1000x64xf32>
    %slice3A_1054 = vector.extract_strided_slice %add3A_1006 {offsets = [0, 128], sizes = [1000, 64], strides = [1, 1]} : vector<1000x256xf32> to vector<1000x64xf32>
    %tanh3A_1055 = math.tanh %slice3A_1054 : vector<1000x64xf32>
    %slice3A_1056 = vector.extract_strided_slice %add3A_1006 {offsets = [0, 192], sizes = [1000, 64], strides = [1, 1]} : vector<1000x256xf32> to vector<1000x64xf32>
    %tanh3A_1057 = math.tanh %slice3A_1056 : vector<1000x64xf32>
    %mul3A_1058 = arith.constant 5.000000e-01 : f32
    %mul3A_1059 = vector.broadcast %mul3A_1058 : f32 to vector<1000x64xf32>
    %mul3A_1060 = arith.mulf %mul3A_1059, %tanh3A_1057 : vector<1000x64xf32>
    %add3A_1061 = arith.constant 5.000000e-01 : f32
    %add3A_1062 = vector.broadcast %add3A_1061 : f32 to vector<1000x64xf32>
    %add3A_1063 = arith.addf %mul3A_1060, %add3A_1062 : vector<1000x64xf32>
    %mul3A_1064 = arith.mulf %add3A_1053, %add3A_992 : vector<1000x64xf32>
    %mul3A_1065 = arith.mulf %add3A_1045, %tanh3A_1055 : vector<1000x64xf32>
    %add3A_1066 = arith.addf %mul3A_1064, %mul3A_1065 : vector<1000x64xf32>
    %tanh3A_1067 = math.tanh %add3A_1066 : vector<1000x64xf32>
    %mul3A_1068 = arith.mulf %add3A_1063, %tanh3A_1067 : vector<1000x64xf32>
    %convert_element_type3A_1069 = arith.truncf %mul3A_1037 : vector<1000x64xf32> to vector<1000x64xbf16>
    %concatenate3A_1070 = tpu.concatenate %slice3A_15, %convert_element_type3A_1069 in 1 : vector<1000x16xbf16>, vector<1000x64xbf16> -> vector<1000x80xbf16>
    %convert_element_type3A_1071 = arith.truncf %mul3A_1068 : vector<1000x64xf32> to vector<1000x64xbf16>
    %concatenate3A_1072 = tpu.concatenate %slice3A_10, %convert_element_type3A_1071 in 1 : vector<1000x16xbf16>, vector<1000x64xbf16> -> vector<1000x80xbf16>
    %dot_general3A_1073 = arith.constant dense<0.000000e+00> : vector<1000x256xf32>
    %dot_general3A_1074 = tpu.matmul %concatenate3A_1070, %get3A_28, %dot_general3A_1073 {dimension_numbers = #tpu.dot_dimension_numbers<[1], [0], [0], [1], [0, 0, 1, 1], [], []>, transpose_lhs_hint = false} : vector<1000x80xbf16>, vector<80x256xbf16>, vector<1000x256xf32> -> vector<1000x256xf32>
    %add3A_1075 = vector.broadcast %get3A_34 : vector<1x256xf32> to vector<1000x256xf32>
    %add3A_1076 = arith.addf %dot_general3A_1074, %add3A_1075 : vector<1000x256xf32>
    %dot_general3A_1077 = arith.constant dense<0.000000e+00> : vector<1000x256xf32>
    %dot_general3A_1078 = tpu.matmul %concatenate3A_1072, %get3A_31, %dot_general3A_1077 {dimension_numbers = #tpu.dot_dimension_numbers<[1], [0], [0], [1], [0, 0, 1, 1], [], []>, transpose_lhs_hint = false} : vector<1000x80xbf16>, vector<80x256xbf16>, vector<1000x256xf32> -> vector<1000x256xf32>
    %add3A_1079 = vector.broadcast %get3A_37 : vector<1x256xf32> to vector<1000x256xf32>
    %add3A_1080 = arith.addf %dot_general3A_1078, %add3A_1079 : vector<1000x256xf32>
    %slice3A_1081 = vector.extract_strided_slice %add3A_1076 {offsets = [0, 0], sizes = [1000, 64], strides = [1, 1]} : vector<1000x256xf32> to vector<1000x64xf32>
    %tanh3A_1082 = math.tanh %slice3A_1081 : vector<1000x64xf32>
    %mul3A_1083 = arith.constant 5.000000e-01 : f32
    %mul3A_1084 = vector.broadcast %mul3A_1083 : f32 to vector<1000x64xf32>
    %mul3A_1085 = arith.mulf %mul3A_1084, %tanh3A_1082 : vector<1000x64xf32>
    %add3A_1086 = arith.constant 5.000000e-01 : f32
    %add3A_1087 = vector.broadcast %add3A_1086 : f32 to vector<1000x64xf32>
    %add3A_1088 = arith.addf %mul3A_1085, %add3A_1087 : vector<1000x64xf32>
    %slice3A_1089 = vector.extract_strided_slice %add3A_1076 {offsets = [0, 64], sizes = [1000, 64], strides = [1, 1]} : vector<1000x256xf32> to vector<1000x64xf32>
    %tanh3A_1090 = math.tanh %slice3A_1089 : vector<1000x64xf32>
    %mul3A_1091 = arith.constant 5.000000e-01 : f32
    %mul3A_1092 = vector.broadcast %mul3A_1091 : f32 to vector<1000x64xf32>
    %mul3A_1093 = arith.mulf %mul3A_1092, %tanh3A_1090 : vector<1000x64xf32>
    %add3A_1094 = arith.constant 5.000000e-01 : f32
    %add3A_1095 = vector.broadcast %add3A_1094 : f32 to vector<1000x64xf32>
    %add3A_1096 = arith.addf %mul3A_1093, %add3A_1095 : vector<1000x64xf32>
    %slice3A_1097 = vector.extract_strided_slice %add3A_1076 {offsets = [0, 128], sizes = [1000, 64], strides = [1, 1]} : vector<1000x256xf32> to vector<1000x64xf32>
    %tanh3A_1098 = math.tanh %slice3A_1097 : vector<1000x64xf32>
    %slice3A_1099 = vector.extract_strided_slice %add3A_1076 {offsets = [0, 192], sizes = [1000, 64], strides = [1, 1]} : vector<1000x256xf32> to vector<1000x64xf32>
    %tanh3A_1100 = math.tanh %slice3A_1099 : vector<1000x64xf32>
    %mul3A_1101 = arith.constant 5.000000e-01 : f32
    %mul3A_1102 = vector.broadcast %mul3A_1101 : f32 to vector<1000x64xf32>
    %mul3A_1103 = arith.mulf %mul3A_1102, %tanh3A_1100 : vector<1000x64xf32>
    %add3A_1104 = arith.constant 5.000000e-01 : f32
    %add3A_1105 = vector.broadcast %add3A_1104 : f32 to vector<1000x64xf32>
    %add3A_1106 = arith.addf %mul3A_1103, %add3A_1105 : vector<1000x64xf32>
    %mul3A_1107 = arith.mulf %add3A_1096, %add3A_1035 : vector<1000x64xf32>
    %mul3A_1108 = arith.mulf %add3A_1088, %tanh3A_1098 : vector<1000x64xf32>
    %add3A_1109 = arith.addf %mul3A_1107, %mul3A_1108 : vector<1000x64xf32>
    %tanh3A_1110 = math.tanh %add3A_1109 : vector<1000x64xf32>
    %mul3A_1111 = arith.mulf %add3A_1106, %tanh3A_1110 : vector<1000x64xf32>
    %slice3A_1112 = vector.extract_strided_slice %add3A_1080 {offsets = [0, 0], sizes = [1000, 64], strides = [1, 1]} : vector<1000x256xf32> to vector<1000x64xf32>
    %tanh3A_1113 = math.tanh %slice3A_1112 : vector<1000x64xf32>
    %mul3A_1114 = arith.constant 5.000000e-01 : f32
    %mul3A_1115 = vector.broadcast %mul3A_1114 : f32 to vector<1000x64xf32>
    %mul3A_1116 = arith.mulf %mul3A_1115, %tanh3A_1113 : vector<1000x64xf32>
    %add3A_1117 = arith.constant 5.000000e-01 : f32
    %add3A_1118 = vector.broadcast %add3A_1117 : f32 to vector<1000x64xf32>
    %add3A_1119 = arith.addf %mul3A_1116, %add3A_1118 : vector<1000x64xf32>
    %slice3A_1120 = vector.extract_strided_slice %add3A_1080 {offsets = [0, 64], sizes = [1000, 64], strides = [1, 1]} : vector<1000x256xf32> to vector<1000x64xf32>
    %tanh3A_1121 = math.tanh %slice3A_1120 : vector<1000x64xf32>
    %mul3A_1122 = arith.constant 5.000000e-01 : f32
    %mul3A_1123 = vector.broadcast %mul3A_1122 : f32 to vector<1000x64xf32>
    %mul3A_1124 = arith.mulf %mul3A_1123, %tanh3A_1121 : vector<1000x64xf32>
    %add3A_1125 = arith.constant 5.000000e-01 : f32
    %add3A_1126 = vector.broadcast %add3A_1125 : f32 to vector<1000x64xf32>
    %add3A_1127 = arith.addf %mul3A_1124, %add3A_1126 : vector<1000x64xf32>
    %slice3A_1128 = vector.extract_strided_slice %add3A_1080 {offsets = [0, 128], sizes = [1000, 64], strides = [1, 1]} : vector<1000x256xf32> to vector<1000x64xf32>
    %tanh3A_1129 = math.tanh %slice3A_1128 : vector<1000x64xf32>
    %slice3A_1130 = vector.extract_strided_slice %add3A_1080 {offsets = [0, 192], sizes = [1000, 64], strides = [1, 1]} : vector<1000x256xf32> to vector<1000x64xf32>
    %tanh3A_1131 = math.tanh %slice3A_1130 : vector<1000x64xf32>
    %mul3A_1132 = arith.constant 5.000000e-01 : f32
    %mul3A_1133 = vector.broadcast %mul3A_1132 : f32 to vector<1000x64xf32>
    %mul3A_1134 = arith.mulf %mul3A_1133, %tanh3A_1131 : vector<1000x64xf32>
    %add3A_1135 = arith.constant 5.000000e-01 : f32
    %add3A_1136 = vector.broadcast %add3A_1135 : f32 to vector<1000x64xf32>
    %add3A_1137 = arith.addf %mul3A_1134, %add3A_1136 : vector<1000x64xf32>
    %mul3A_1138 = arith.mulf %add3A_1127, %add3A_1066 : vector<1000x64xf32>
    %mul3A_1139 = arith.mulf %add3A_1119, %tanh3A_1129 : vector<1000x64xf32>
    %add3A_1140 = arith.addf %mul3A_1138, %mul3A_1139 : vector<1000x64xf32>
    %tanh3A_1141 = math.tanh %add3A_1140 : vector<1000x64xf32>
    %mul3A_1142 = arith.mulf %add3A_1137, %tanh3A_1141 : vector<1000x64xf32>
    %convert_element_type3A_1143 = arith.truncf %mul3A_1111 : vector<1000x64xf32> to vector<1000x64xbf16>
    %concatenate3A_1144 = tpu.concatenate %slice3A_16, %convert_element_type3A_1143 in 1 : vector<1000x16xbf16>, vector<1000x64xbf16> -> vector<1000x80xbf16>
    %convert_element_type3A_1145 = arith.truncf %mul3A_1142 : vector<1000x64xf32> to vector<1000x64xbf16>
    %concatenate3A_1146 = tpu.concatenate %slice3A_9, %convert_element_type3A_1145 in 1 : vector<1000x16xbf16>, vector<1000x64xbf16> -> vector<1000x80xbf16>
    %dot_general3A_1147 = arith.constant dense<0.000000e+00> : vector<1000x256xf32>
    %dot_general3A_1148 = tpu.matmul %concatenate3A_1144, %get3A_28, %dot_general3A_1147 {dimension_numbers = #tpu.dot_dimension_numbers<[1], [0], [0], [1], [0, 0, 1, 1], [], []>, transpose_lhs_hint = false} : vector<1000x80xbf16>, vector<80x256xbf16>, vector<1000x256xf32> -> vector<1000x256xf32>
    %add3A_1149 = vector.broadcast %get3A_34 : vector<1x256xf32> to vector<1000x256xf32>
    %add3A_1150 = arith.addf %dot_general3A_1148, %add3A_1149 : vector<1000x256xf32>
    %dot_general3A_1151 = arith.constant dense<0.000000e+00> : vector<1000x256xf32>
    %dot_general3A_1152 = tpu.matmul %concatenate3A_1146, %get3A_31, %dot_general3A_1151 {dimension_numbers = #tpu.dot_dimension_numbers<[1], [0], [0], [1], [0, 0, 1, 1], [], []>, transpose_lhs_hint = false} : vector<1000x80xbf16>, vector<80x256xbf16>, vector<1000x256xf32> -> vector<1000x256xf32>
    %add3A_1153 = vector.broadcast %get3A_37 : vector<1x256xf32> to vector<1000x256xf32>
    %add3A_1154 = arith.addf %dot_general3A_1152, %add3A_1153 : vector<1000x256xf32>
    %slice3A_1155 = vector.extract_strided_slice %add3A_1150 {offsets = [0, 0], sizes = [1000, 64], strides = [1, 1]} : vector<1000x256xf32> to vector<1000x64xf32>
    %tanh3A_1156 = math.tanh %slice3A_1155 : vector<1000x64xf32>
    %mul3A_1157 = arith.constant 5.000000e-01 : f32
    %mul3A_1158 = vector.broadcast %mul3A_1157 : f32 to vector<1000x64xf32>
    %mul3A_1159 = arith.mulf %mul3A_1158, %tanh3A_1156 : vector<1000x64xf32>
    %add3A_1160 = arith.constant 5.000000e-01 : f32
    %add3A_1161 = vector.broadcast %add3A_1160 : f32 to vector<1000x64xf32>
    %add3A_1162 = arith.addf %mul3A_1159, %add3A_1161 : vector<1000x64xf32>
    %slice3A_1163 = vector.extract_strided_slice %add3A_1150 {offsets = [0, 64], sizes = [1000, 64], strides = [1, 1]} : vector<1000x256xf32> to vector<1000x64xf32>
    %tanh3A_1164 = math.tanh %slice3A_1163 : vector<1000x64xf32>
    %mul3A_1165 = arith.constant 5.000000e-01 : f32
    %mul3A_1166 = vector.broadcast %mul3A_1165 : f32 to vector<1000x64xf32>
    %mul3A_1167 = arith.mulf %mul3A_1166, %tanh3A_1164 : vector<1000x64xf32>
    %add3A_1168 = arith.constant 5.000000e-01 : f32
    %add3A_1169 = vector.broadcast %add3A_1168 : f32 to vector<1000x64xf32>
    %add3A_1170 = arith.addf %mul3A_1167, %add3A_1169 : vector<1000x64xf32>
    %slice3A_1171 = vector.extract_strided_slice %add3A_1150 {offsets = [0, 128], sizes = [1000, 64], strides = [1, 1]} : vector<1000x256xf32> to vector<1000x64xf32>
    %tanh3A_1172 = math.tanh %slice3A_1171 : vector<1000x64xf32>
    %slice3A_1173 = vector.extract_strided_slice %add3A_1150 {offsets = [0, 192], sizes = [1000, 64], strides = [1, 1]} : vector<1000x256xf32> to vector<1000x64xf32>
    %tanh3A_1174 = math.tanh %slice3A_1173 : vector<1000x64xf32>
    %mul3A_1175 = arith.constant 5.000000e-01 : f32
    %mul3A_1176 = vector.broadcast %mul3A_1175 : f32 to vector<1000x64xf32>
    %mul3A_1177 = arith.mulf %mul3A_1176, %tanh3A_1174 : vector<1000x64xf32>
    %add3A_1178 = arith.constant 5.000000e-01 : f32
    %add3A_1179 = vector.broadcast %add3A_1178 : f32 to vector<1000x64xf32>
    %add3A_1180 = arith.addf %mul3A_1177, %add3A_1179 : vector<1000x64xf32>
    %mul3A_1181 = arith.mulf %add3A_1170, %add3A_1109 : vector<1000x64xf32>
    %mul3A_1182 = arith.mulf %add3A_1162, %tanh3A_1172 : vector<1000x64xf32>
    %add3A_1183 = arith.addf %mul3A_1181, %mul3A_1182 : vector<1000x64xf32>
    %tanh3A_1184 = math.tanh %add3A_1183 : vector<1000x64xf32>
    %mul3A_1185 = arith.mulf %add3A_1180, %tanh3A_1184 : vector<1000x64xf32>
    %slice3A_1186 = vector.extract_strided_slice %add3A_1154 {offsets = [0, 0], sizes = [1000, 64], strides = [1, 1]} : vector<1000x256xf32> to vector<1000x64xf32>
    %tanh3A_1187 = math.tanh %slice3A_1186 : vector<1000x64xf32>
    %mul3A_1188 = arith.constant 5.000000e-01 : f32
    %mul3A_1189 = vector.broadcast %mul3A_1188 : f32 to vector<1000x64xf32>
    %mul3A_1190 = arith.mulf %mul3A_1189, %tanh3A_1187 : vector<1000x64xf32>
    %add3A_1191 = arith.constant 5.000000e-01 : f32
    %add3A_1192 = vector.broadcast %add3A_1191 : f32 to vector<1000x64xf32>
    %add3A_1193 = arith.addf %mul3A_1190, %add3A_1192 : vector<1000x64xf32>
    %slice3A_1194 = vector.extract_strided_slice %add3A_1154 {offsets = [0, 64], sizes = [1000, 64], strides = [1, 1]} : vector<1000x256xf32> to vector<1000x64xf32>
    %tanh3A_1195 = math.tanh %slice3A_1194 : vector<1000x64xf32>
    %mul3A_1196 = arith.constant 5.000000e-01 : f32
    %mul3A_1197 = vector.broadcast %mul3A_1196 : f32 to vector<1000x64xf32>
    %mul3A_1198 = arith.mulf %mul3A_1197, %tanh3A_1195 : vector<1000x64xf32>
    %add3A_1199 = arith.constant 5.000000e-01 : f32
    %add3A_1200 = vector.broadcast %add3A_1199 : f32 to vector<1000x64xf32>
    %add3A_1201 = arith.addf %mul3A_1198, %add3A_1200 : vector<1000x64xf32>
    %slice3A_1202 = vector.extract_strided_slice %add3A_1154 {offsets = [0, 128], sizes = [1000, 64], strides = [1, 1]} : vector<1000x256xf32> to vector<1000x64xf32>
    %tanh3A_1203 = math.tanh %slice3A_1202 : vector<1000x64xf32>
    %slice3A_1204 = vector.extract_strided_slice %add3A_1154 {offsets = [0, 192], sizes = [1000, 64], strides = [1, 1]} : vector<1000x256xf32> to vector<1000x64xf32>
    %tanh3A_1205 = math.tanh %slice3A_1204 : vector<1000x64xf32>
    %mul3A_1206 = arith.constant 5.000000e-01 : f32
    %mul3A_1207 = vector.broadcast %mul3A_1206 : f32 to vector<1000x64xf32>
    %mul3A_1208 = arith.mulf %mul3A_1207, %tanh3A_1205 : vector<1000x64xf32>
    %add3A_1209 = arith.constant 5.000000e-01 : f32
    %add3A_1210 = vector.broadcast %add3A_1209 : f32 to vector<1000x64xf32>
    %add3A_1211 = arith.addf %mul3A_1208, %add3A_1210 : vector<1000x64xf32>
    %mul3A_1212 = arith.mulf %add3A_1201, %add3A_1140 : vector<1000x64xf32>
    %mul3A_1213 = arith.mulf %add3A_1193, %tanh3A_1203 : vector<1000x64xf32>
    %add3A_1214 = arith.addf %mul3A_1212, %mul3A_1213 : vector<1000x64xf32>
    %tanh3A_1215 = math.tanh %add3A_1214 : vector<1000x64xf32>
    %mul3A_1216 = arith.mulf %add3A_1211, %tanh3A_1215 : vector<1000x64xf32>
    %convert_element_type3A_1217 = arith.truncf %mul3A_1185 : vector<1000x64xf32> to vector<1000x64xbf16>
    %concatenate3A_1218 = tpu.concatenate %slice3A_17, %convert_element_type3A_1217 in 1 : vector<1000x16xbf16>, vector<1000x64xbf16> -> vector<1000x80xbf16>
    %convert_element_type3A_1219 = arith.truncf %mul3A_1216 : vector<1000x64xf32> to vector<1000x64xbf16>
    %concatenate3A_1220 = tpu.concatenate %slice3A_8, %convert_element_type3A_1219 in 1 : vector<1000x16xbf16>, vector<1000x64xbf16> -> vector<1000x80xbf16>
    %dot_general3A_1221 = arith.constant dense<0.000000e+00> : vector<1000x256xf32>
    %dot_general3A_1222 = tpu.matmul %concatenate3A_1218, %get3A_28, %dot_general3A_1221 {dimension_numbers = #tpu.dot_dimension_numbers<[1], [0], [0], [1], [0, 0, 1, 1], [], []>, transpose_lhs_hint = false} : vector<1000x80xbf16>, vector<80x256xbf16>, vector<1000x256xf32> -> vector<1000x256xf32>
    %add3A_1223 = vector.broadcast %get3A_34 : vector<1x256xf32> to vector<1000x256xf32>
    %add3A_1224 = arith.addf %dot_general3A_1222, %add3A_1223 : vector<1000x256xf32>
    %dot_general3A_1225 = arith.constant dense<0.000000e+00> : vector<1000x256xf32>
    %dot_general3A_1226 = tpu.matmul %concatenate3A_1220, %get3A_31, %dot_general3A_1225 {dimension_numbers = #tpu.dot_dimension_numbers<[1], [0], [0], [1], [0, 0, 1, 1], [], []>, transpose_lhs_hint = false} : vector<1000x80xbf16>, vector<80x256xbf16>, vector<1000x256xf32> -> vector<1000x256xf32>
    %add3A_1227 = vector.broadcast %get3A_37 : vector<1x256xf32> to vector<1000x256xf32>
    %add3A_1228 = arith.addf %dot_general3A_1226, %add3A_1227 : vector<1000x256xf32>
    %slice3A_1229 = vector.extract_strided_slice %add3A_1224 {offsets = [0, 0], sizes = [1000, 64], strides = [1, 1]} : vector<1000x256xf32> to vector<1000x64xf32>
    %tanh3A_1230 = math.tanh %slice3A_1229 : vector<1000x64xf32>
    %mul3A_1231 = arith.constant 5.000000e-01 : f32
    %mul3A_1232 = vector.broadcast %mul3A_1231 : f32 to vector<1000x64xf32>
    %mul3A_1233 = arith.mulf %mul3A_1232, %tanh3A_1230 : vector<1000x64xf32>
    %add3A_1234 = arith.constant 5.000000e-01 : f32
    %add3A_1235 = vector.broadcast %add3A_1234 : f32 to vector<1000x64xf32>
    %add3A_1236 = arith.addf %mul3A_1233, %add3A_1235 : vector<1000x64xf32>
    %slice3A_1237 = vector.extract_strided_slice %add3A_1224 {offsets = [0, 64], sizes = [1000, 64], strides = [1, 1]} : vector<1000x256xf32> to vector<1000x64xf32>
    %tanh3A_1238 = math.tanh %slice3A_1237 : vector<1000x64xf32>
    %mul3A_1239 = arith.constant 5.000000e-01 : f32
    %mul3A_1240 = vector.broadcast %mul3A_1239 : f32 to vector<1000x64xf32>
    %mul3A_1241 = arith.mulf %mul3A_1240, %tanh3A_1238 : vector<1000x64xf32>
    %add3A_1242 = arith.constant 5.000000e-01 : f32
    %add3A_1243 = vector.broadcast %add3A_1242 : f32 to vector<1000x64xf32>
    %add3A_1244 = arith.addf %mul3A_1241, %add3A_1243 : vector<1000x64xf32>
    %slice3A_1245 = vector.extract_strided_slice %add3A_1224 {offsets = [0, 128], sizes = [1000, 64], strides = [1, 1]} : vector<1000x256xf32> to vector<1000x64xf32>
    %tanh3A_1246 = math.tanh %slice3A_1245 : vector<1000x64xf32>
    %slice3A_1247 = vector.extract_strided_slice %add3A_1224 {offsets = [0, 192], sizes = [1000, 64], strides = [1, 1]} : vector<1000x256xf32> to vector<1000x64xf32>
    %tanh3A_1248 = math.tanh %slice3A_1247 : vector<1000x64xf32>
    %mul3A_1249 = arith.constant 5.000000e-01 : f32
    %mul3A_1250 = vector.broadcast %mul3A_1249 : f32 to vector<1000x64xf32>
    %mul3A_1251 = arith.mulf %mul3A_1250, %tanh3A_1248 : vector<1000x64xf32>
    %add3A_1252 = arith.constant 5.000000e-01 : f32
    %add3A_1253 = vector.broadcast %add3A_1252 : f32 to vector<1000x64xf32>
    %add3A_1254 = arith.addf %mul3A_1251, %add3A_1253 : vector<1000x64xf32>
    %mul3A_1255 = arith.mulf %add3A_1244, %add3A_1183 : vector<1000x64xf32>
    %mul3A_1256 = arith.mulf %add3A_1236, %tanh3A_1246 : vector<1000x64xf32>
    %add3A_1257 = arith.addf %mul3A_1255, %mul3A_1256 : vector<1000x64xf32>
    %tanh3A_1258 = math.tanh %add3A_1257 : vector<1000x64xf32>
    %mul3A_1259 = arith.mulf %add3A_1254, %tanh3A_1258 : vector<1000x64xf32>
    %slice3A_1260 = vector.extract_strided_slice %add3A_1228 {offsets = [0, 0], sizes = [1000, 64], strides = [1, 1]} : vector<1000x256xf32> to vector<1000x64xf32>
    %tanh3A_1261 = math.tanh %slice3A_1260 : vector<1000x64xf32>
    %mul3A_1262 = arith.constant 5.000000e-01 : f32
    %mul3A_1263 = vector.broadcast %mul3A_1262 : f32 to vector<1000x64xf32>
    %mul3A_1264 = arith.mulf %mul3A_1263, %tanh3A_1261 : vector<1000x64xf32>
    %add3A_1265 = arith.constant 5.000000e-01 : f32
    %add3A_1266 = vector.broadcast %add3A_1265 : f32 to vector<1000x64xf32>
    %add3A_1267 = arith.addf %mul3A_1264, %add3A_1266 : vector<1000x64xf32>
    %slice3A_1268 = vector.extract_strided_slice %add3A_1228 {offsets = [0, 64], sizes = [1000, 64], strides = [1, 1]} : vector<1000x256xf32> to vector<1000x64xf32>
    %tanh3A_1269 = math.tanh %slice3A_1268 : vector<1000x64xf32>
    %mul3A_1270 = arith.constant 5.000000e-01 : f32
    %mul3A_1271 = vector.broadcast %mul3A_1270 : f32 to vector<1000x64xf32>
    %mul3A_1272 = arith.mulf %mul3A_1271, %tanh3A_1269 : vector<1000x64xf32>
    %add3A_1273 = arith.constant 5.000000e-01 : f32
    %add3A_1274 = vector.broadcast %add3A_1273 : f32 to vector<1000x64xf32>
    %add3A_1275 = arith.addf %mul3A_1272, %add3A_1274 : vector<1000x64xf32>
    %slice3A_1276 = vector.extract_strided_slice %add3A_1228 {offsets = [0, 128], sizes = [1000, 64], strides = [1, 1]} : vector<1000x256xf32> to vector<1000x64xf32>
    %tanh3A_1277 = math.tanh %slice3A_1276 : vector<1000x64xf32>
    %slice3A_1278 = vector.extract_strided_slice %add3A_1228 {offsets = [0, 192], sizes = [1000, 64], strides = [1, 1]} : vector<1000x256xf32> to vector<1000x64xf32>
    %tanh3A_1279 = math.tanh %slice3A_1278 : vector<1000x64xf32>
    %mul3A_1280 = arith.constant 5.000000e-01 : f32
    %mul3A_1281 = vector.broadcast %mul3A_1280 : f32 to vector<1000x64xf32>
    %mul3A_1282 = arith.mulf %mul3A_1281, %tanh3A_1279 : vector<1000x64xf32>
    %add3A_1283 = arith.constant 5.000000e-01 : f32
    %add3A_1284 = vector.broadcast %add3A_1283 : f32 to vector<1000x64xf32>
    %add3A_1285 = arith.addf %mul3A_1282, %add3A_1284 : vector<1000x64xf32>
    %mul3A_1286 = arith.mulf %add3A_1275, %add3A_1214 : vector<1000x64xf32>
    %mul3A_1287 = arith.mulf %add3A_1267, %tanh3A_1277 : vector<1000x64xf32>
    %add3A_1288 = arith.addf %mul3A_1286, %mul3A_1287 : vector<1000x64xf32>
    %tanh3A_1289 = math.tanh %add3A_1288 : vector<1000x64xf32>
    %mul3A_1290 = arith.mulf %add3A_1285, %tanh3A_1289 : vector<1000x64xf32>
    %convert_element_type3A_1291 = arith.truncf %mul3A_1259 : vector<1000x64xf32> to vector<1000x64xbf16>
    %concatenate3A_1292 = tpu.concatenate %slice3A_18, %convert_element_type3A_1291 in 1 : vector<1000x16xbf16>, vector<1000x64xbf16> -> vector<1000x80xbf16>
    %convert_element_type3A_1293 = arith.truncf %mul3A_1290 : vector<1000x64xf32> to vector<1000x64xbf16>
    %concatenate3A_1294 = tpu.concatenate %slice3A_7, %convert_element_type3A_1293 in 1 : vector<1000x16xbf16>, vector<1000x64xbf16> -> vector<1000x80xbf16>
    %dot_general3A_1295 = arith.constant dense<0.000000e+00> : vector<1000x256xf32>
    %dot_general3A_1296 = tpu.matmul %concatenate3A_1292, %get3A_28, %dot_general3A_1295 {dimension_numbers = #tpu.dot_dimension_numbers<[1], [0], [0], [1], [0, 0, 1, 1], [], []>, transpose_lhs_hint = false} : vector<1000x80xbf16>, vector<80x256xbf16>, vector<1000x256xf32> -> vector<1000x256xf32>
    %add3A_1297 = vector.broadcast %get3A_34 : vector<1x256xf32> to vector<1000x256xf32>
    %add3A_1298 = arith.addf %dot_general3A_1296, %add3A_1297 : vector<1000x256xf32>
    %dot_general3A_1299 = arith.constant dense<0.000000e+00> : vector<1000x256xf32>
    %dot_general3A_1300 = tpu.matmul %concatenate3A_1294, %get3A_31, %dot_general3A_1299 {dimension_numbers = #tpu.dot_dimension_numbers<[1], [0], [0], [1], [0, 0, 1, 1], [], []>, transpose_lhs_hint = false} : vector<1000x80xbf16>, vector<80x256xbf16>, vector<1000x256xf32> -> vector<1000x256xf32>
    %add3A_1301 = vector.broadcast %get3A_37 : vector<1x256xf32> to vector<1000x256xf32>
    %add3A_1302 = arith.addf %dot_general3A_1300, %add3A_1301 : vector<1000x256xf32>
    %slice3A_1303 = vector.extract_strided_slice %add3A_1298 {offsets = [0, 0], sizes = [1000, 64], strides = [1, 1]} : vector<1000x256xf32> to vector<1000x64xf32>
    %tanh3A_1304 = math.tanh %slice3A_1303 : vector<1000x64xf32>
    %mul3A_1305 = arith.constant 5.000000e-01 : f32
    %mul3A_1306 = vector.broadcast %mul3A_1305 : f32 to vector<1000x64xf32>
    %mul3A_1307 = arith.mulf %mul3A_1306, %tanh3A_1304 : vector<1000x64xf32>
    %add3A_1308 = arith.constant 5.000000e-01 : f32
    %add3A_1309 = vector.broadcast %add3A_1308 : f32 to vector<1000x64xf32>
    %add3A_1310 = arith.addf %mul3A_1307, %add3A_1309 : vector<1000x64xf32>
    %slice3A_1311 = vector.extract_strided_slice %add3A_1298 {offsets = [0, 64], sizes = [1000, 64], strides = [1, 1]} : vector<1000x256xf32> to vector<1000x64xf32>
    %tanh3A_1312 = math.tanh %slice3A_1311 : vector<1000x64xf32>
    %mul3A_1313 = arith.constant 5.000000e-01 : f32
    %mul3A_1314 = vector.broadcast %mul3A_1313 : f32 to vector<1000x64xf32>
    %mul3A_1315 = arith.mulf %mul3A_1314, %tanh3A_1312 : vector<1000x64xf32>
    %add3A_1316 = arith.constant 5.000000e-01 : f32
    %add3A_1317 = vector.broadcast %add3A_1316 : f32 to vector<1000x64xf32>
    %add3A_1318 = arith.addf %mul3A_1315, %add3A_1317 : vector<1000x64xf32>
    %slice3A_1319 = vector.extract_strided_slice %add3A_1298 {offsets = [0, 128], sizes = [1000, 64], strides = [1, 1]} : vector<1000x256xf32> to vector<1000x64xf32>
    %tanh3A_1320 = math.tanh %slice3A_1319 : vector<1000x64xf32>
    %slice3A_1321 = vector.extract_strided_slice %add3A_1298 {offsets = [0, 192], sizes = [1000, 64], strides = [1, 1]} : vector<1000x256xf32> to vector<1000x64xf32>
    %tanh3A_1322 = math.tanh %slice3A_1321 : vector<1000x64xf32>
    %mul3A_1323 = arith.constant 5.000000e-01 : f32
    %mul3A_1324 = vector.broadcast %mul3A_1323 : f32 to vector<1000x64xf32>
    %mul3A_1325 = arith.mulf %mul3A_1324, %tanh3A_1322 : vector<1000x64xf32>
    %add3A_1326 = arith.constant 5.000000e-01 : f32
    %add3A_1327 = vector.broadcast %add3A_1326 : f32 to vector<1000x64xf32>
    %add3A_1328 = arith.addf %mul3A_1325, %add3A_1327 : vector<1000x64xf32>
    %mul3A_1329 = arith.mulf %add3A_1318, %add3A_1257 : vector<1000x64xf32>
    %mul3A_1330 = arith.mulf %add3A_1310, %tanh3A_1320 : vector<1000x64xf32>
    %add3A_1331 = arith.addf %mul3A_1329, %mul3A_1330 : vector<1000x64xf32>
    %tanh3A_1332 = math.tanh %add3A_1331 : vector<1000x64xf32>
    %mul3A_1333 = arith.mulf %add3A_1328, %tanh3A_1332 : vector<1000x64xf32>
    %slice3A_1334 = vector.extract_strided_slice %add3A_1302 {offsets = [0, 0], sizes = [1000, 64], strides = [1, 1]} : vector<1000x256xf32> to vector<1000x64xf32>
    %tanh3A_1335 = math.tanh %slice3A_1334 : vector<1000x64xf32>
    %mul3A_1336 = arith.constant 5.000000e-01 : f32
    %mul3A_1337 = vector.broadcast %mul3A_1336 : f32 to vector<1000x64xf32>
    %mul3A_1338 = arith.mulf %mul3A_1337, %tanh3A_1335 : vector<1000x64xf32>
    %add3A_1339 = arith.constant 5.000000e-01 : f32
    %add3A_1340 = vector.broadcast %add3A_1339 : f32 to vector<1000x64xf32>
    %add3A_1341 = arith.addf %mul3A_1338, %add3A_1340 : vector<1000x64xf32>
    %slice3A_1342 = vector.extract_strided_slice %add3A_1302 {offsets = [0, 64], sizes = [1000, 64], strides = [1, 1]} : vector<1000x256xf32> to vector<1000x64xf32>
    %tanh3A_1343 = math.tanh %slice3A_1342 : vector<1000x64xf32>
    %mul3A_1344 = arith.constant 5.000000e-01 : f32
    %mul3A_1345 = vector.broadcast %mul3A_1344 : f32 to vector<1000x64xf32>
    %mul3A_1346 = arith.mulf %mul3A_1345, %tanh3A_1343 : vector<1000x64xf32>
    %add3A_1347 = arith.constant 5.000000e-01 : f32
    %add3A_1348 = vector.broadcast %add3A_1347 : f32 to vector<1000x64xf32>
    %add3A_1349 = arith.addf %mul3A_1346, %add3A_1348 : vector<1000x64xf32>
    %slice3A_1350 = vector.extract_strided_slice %add3A_1302 {offsets = [0, 128], sizes = [1000, 64], strides = [1, 1]} : vector<1000x256xf32> to vector<1000x64xf32>
    %tanh3A_1351 = math.tanh %slice3A_1350 : vector<1000x64xf32>
    %slice3A_1352 = vector.extract_strided_slice %add3A_1302 {offsets = [0, 192], sizes = [1000, 64], strides = [1, 1]} : vector<1000x256xf32> to vector<1000x64xf32>
    %tanh3A_1353 = math.tanh %slice3A_1352 : vector<1000x64xf32>
    %mul3A_1354 = arith.constant 5.000000e-01 : f32
    %mul3A_1355 = vector.broadcast %mul3A_1354 : f32 to vector<1000x64xf32>
    %mul3A_1356 = arith.mulf %mul3A_1355, %tanh3A_1353 : vector<1000x64xf32>
    %add3A_1357 = arith.constant 5.000000e-01 : f32
    %add3A_1358 = vector.broadcast %add3A_1357 : f32 to vector<1000x64xf32>
    %add3A_1359 = arith.addf %mul3A_1356, %add3A_1358 : vector<1000x64xf32>
    %mul3A_1360 = arith.mulf %add3A_1349, %add3A_1288 : vector<1000x64xf32>
    %mul3A_1361 = arith.mulf %add3A_1341, %tanh3A_1351 : vector<1000x64xf32>
    %add3A_1362 = arith.addf %mul3A_1360, %mul3A_1361 : vector<1000x64xf32>
    %tanh3A_1363 = math.tanh %add3A_1362 : vector<1000x64xf32>
    %mul3A_1364 = arith.mulf %add3A_1359, %tanh3A_1363 : vector<1000x64xf32>
    %convert_element_type3A_1365 = arith.truncf %mul3A_1333 : vector<1000x64xf32> to vector<1000x64xbf16>
    %concatenate3A_1366 = tpu.concatenate %slice3A_19, %convert_element_type3A_1365 in 1 : vector<1000x16xbf16>, vector<1000x64xbf16> -> vector<1000x80xbf16>
    %convert_element_type3A_1367 = arith.truncf %mul3A_1364 : vector<1000x64xf32> to vector<1000x64xbf16>
    %concatenate3A_1368 = tpu.concatenate %slice3A_6, %convert_element_type3A_1367 in 1 : vector<1000x16xbf16>, vector<1000x64xbf16> -> vector<1000x80xbf16>
    %dot_general3A_1369 = arith.constant dense<0.000000e+00> : vector<1000x256xf32>
    %dot_general3A_1370 = tpu.matmul %concatenate3A_1366, %get3A_28, %dot_general3A_1369 {dimension_numbers = #tpu.dot_dimension_numbers<[1], [0], [0], [1], [0, 0, 1, 1], [], []>, transpose_lhs_hint = false} : vector<1000x80xbf16>, vector<80x256xbf16>, vector<1000x256xf32> -> vector<1000x256xf32>
    %add3A_1371 = vector.broadcast %get3A_34 : vector<1x256xf32> to vector<1000x256xf32>
    %add3A_1372 = arith.addf %dot_general3A_1370, %add3A_1371 : vector<1000x256xf32>
    %dot_general3A_1373 = arith.constant dense<0.000000e+00> : vector<1000x256xf32>
    %dot_general3A_1374 = tpu.matmul %concatenate3A_1368, %get3A_31, %dot_general3A_1373 {dimension_numbers = #tpu.dot_dimension_numbers<[1], [0], [0], [1], [0, 0, 1, 1], [], []>, transpose_lhs_hint = false} : vector<1000x80xbf16>, vector<80x256xbf16>, vector<1000x256xf32> -> vector<1000x256xf32>
    %add3A_1375 = vector.broadcast %get3A_37 : vector<1x256xf32> to vector<1000x256xf32>
    %add3A_1376 = arith.addf %dot_general3A_1374, %add3A_1375 : vector<1000x256xf32>
    %slice3A_1377 = vector.extract_strided_slice %add3A_1372 {offsets = [0, 0], sizes = [1000, 64], strides = [1, 1]} : vector<1000x256xf32> to vector<1000x64xf32>
    %tanh3A_1378 = math.tanh %slice3A_1377 : vector<1000x64xf32>
    %mul3A_1379 = arith.constant 5.000000e-01 : f32
    %mul3A_1380 = vector.broadcast %mul3A_1379 : f32 to vector<1000x64xf32>
    %mul3A_1381 = arith.mulf %mul3A_1380, %tanh3A_1378 : vector<1000x64xf32>
    %add3A_1382 = arith.constant 5.000000e-01 : f32
    %add3A_1383 = vector.broadcast %add3A_1382 : f32 to vector<1000x64xf32>
    %add3A_1384 = arith.addf %mul3A_1381, %add3A_1383 : vector<1000x64xf32>
    %slice3A_1385 = vector.extract_strided_slice %add3A_1372 {offsets = [0, 64], sizes = [1000, 64], strides = [1, 1]} : vector<1000x256xf32> to vector<1000x64xf32>
    %tanh3A_1386 = math.tanh %slice3A_1385 : vector<1000x64xf32>
    %mul3A_1387 = arith.constant 5.000000e-01 : f32
    %mul3A_1388 = vector.broadcast %mul3A_1387 : f32 to vector<1000x64xf32>
    %mul3A_1389 = arith.mulf %mul3A_1388, %tanh3A_1386 : vector<1000x64xf32>
    %add3A_1390 = arith.constant 5.000000e-01 : f32
    %add3A_1391 = vector.broadcast %add3A_1390 : f32 to vector<1000x64xf32>
    %add3A_1392 = arith.addf %mul3A_1389, %add3A_1391 : vector<1000x64xf32>
    %slice3A_1393 = vector.extract_strided_slice %add3A_1372 {offsets = [0, 128], sizes = [1000, 64], strides = [1, 1]} : vector<1000x256xf32> to vector<1000x64xf32>
    %tanh3A_1394 = math.tanh %slice3A_1393 : vector<1000x64xf32>
    %slice3A_1395 = vector.extract_strided_slice %add3A_1372 {offsets = [0, 192], sizes = [1000, 64], strides = [1, 1]} : vector<1000x256xf32> to vector<1000x64xf32>
    %tanh3A_1396 = math.tanh %slice3A_1395 : vector<1000x64xf32>
    %mul3A_1397 = arith.constant 5.000000e-01 : f32
    %mul3A_1398 = vector.broadcast %mul3A_1397 : f32 to vector<1000x64xf32>
    %mul3A_1399 = arith.mulf %mul3A_1398, %tanh3A_1396 : vector<1000x64xf32>
    %add3A_1400 = arith.constant 5.000000e-01 : f32
    %add3A_1401 = vector.broadcast %add3A_1400 : f32 to vector<1000x64xf32>
    %add3A_1402 = arith.addf %mul3A_1399, %add3A_1401 : vector<1000x64xf32>
    %mul3A_1403 = arith.mulf %add3A_1392, %add3A_1331 : vector<1000x64xf32>
    %mul3A_1404 = arith.mulf %add3A_1384, %tanh3A_1394 : vector<1000x64xf32>
    %add3A_1405 = arith.addf %mul3A_1403, %mul3A_1404 : vector<1000x64xf32>
    %tanh3A_1406 = math.tanh %add3A_1405 : vector<1000x64xf32>
    %mul3A_1407 = arith.mulf %add3A_1402, %tanh3A_1406 : vector<1000x64xf32>
    %slice3A_1408 = vector.extract_strided_slice %add3A_1376 {offsets = [0, 0], sizes = [1000, 64], strides = [1, 1]} : vector<1000x256xf32> to vector<1000x64xf32>
    %tanh3A_1409 = math.tanh %slice3A_1408 : vector<1000x64xf32>
    %mul3A_1410 = arith.constant 5.000000e-01 : f32
    %mul3A_1411 = vector.broadcast %mul3A_1410 : f32 to vector<1000x64xf32>
    %mul3A_1412 = arith.mulf %mul3A_1411, %tanh3A_1409 : vector<1000x64xf32>
    %add3A_1413 = arith.constant 5.000000e-01 : f32
    %add3A_1414 = vector.broadcast %add3A_1413 : f32 to vector<1000x64xf32>
    %add3A_1415 = arith.addf %mul3A_1412, %add3A_1414 : vector<1000x64xf32>
    %slice3A_1416 = vector.extract_strided_slice %add3A_1376 {offsets = [0, 64], sizes = [1000, 64], strides = [1, 1]} : vector<1000x256xf32> to vector<1000x64xf32>
    %tanh3A_1417 = math.tanh %slice3A_1416 : vector<1000x64xf32>
    %mul3A_1418 = arith.constant 5.000000e-01 : f32
    %mul3A_1419 = vector.broadcast %mul3A_1418 : f32 to vector<1000x64xf32>
    %mul3A_1420 = arith.mulf %mul3A_1419, %tanh3A_1417 : vector<1000x64xf32>
    %add3A_1421 = arith.constant 5.000000e-01 : f32
    %add3A_1422 = vector.broadcast %add3A_1421 : f32 to vector<1000x64xf32>
    %add3A_1423 = arith.addf %mul3A_1420, %add3A_1422 : vector<1000x64xf32>
    %slice3A_1424 = vector.extract_strided_slice %add3A_1376 {offsets = [0, 128], sizes = [1000, 64], strides = [1, 1]} : vector<1000x256xf32> to vector<1000x64xf32>
    %tanh3A_1425 = math.tanh %slice3A_1424 : vector<1000x64xf32>
    %slice3A_1426 = vector.extract_strided_slice %add3A_1376 {offsets = [0, 192], sizes = [1000, 64], strides = [1, 1]} : vector<1000x256xf32> to vector<1000x64xf32>
    %tanh3A_1427 = math.tanh %slice3A_1426 : vector<1000x64xf32>
    %mul3A_1428 = arith.constant 5.000000e-01 : f32
    %mul3A_1429 = vector.broadcast %mul3A_1428 : f32 to vector<1000x64xf32>
    %mul3A_1430 = arith.mulf %mul3A_1429, %tanh3A_1427 : vector<1000x64xf32>
    %add3A_1431 = arith.constant 5.000000e-01 : f32
    %add3A_1432 = vector.broadcast %add3A_1431 : f32 to vector<1000x64xf32>
    %add3A_1433 = arith.addf %mul3A_1430, %add3A_1432 : vector<1000x64xf32>
    %mul3A_1434 = arith.mulf %add3A_1423, %add3A_1362 : vector<1000x64xf32>
    %mul3A_1435 = arith.mulf %add3A_1415, %tanh3A_1425 : vector<1000x64xf32>
    %add3A_1436 = arith.addf %mul3A_1434, %mul3A_1435 : vector<1000x64xf32>
    %tanh3A_1437 = math.tanh %add3A_1436 : vector<1000x64xf32>
    %mul3A_1438 = arith.mulf %add3A_1433, %tanh3A_1437 : vector<1000x64xf32>
    %convert_element_type3A_1439 = arith.truncf %mul3A_1407 : vector<1000x64xf32> to vector<1000x64xbf16>
    %concatenate3A_1440 = tpu.concatenate %slice3A_20, %convert_element_type3A_1439 in 1 : vector<1000x16xbf16>, vector<1000x64xbf16> -> vector<1000x80xbf16>
    %convert_element_type3A_1441 = arith.truncf %mul3A_1438 : vector<1000x64xf32> to vector<1000x64xbf16>
    %concatenate3A_1442 = tpu.concatenate %slice3A_5, %convert_element_type3A_1441 in 1 : vector<1000x16xbf16>, vector<1000x64xbf16> -> vector<1000x80xbf16>
    %dot_general3A_1443 = arith.constant dense<0.000000e+00> : vector<1000x256xf32>
    %dot_general3A_1444 = tpu.matmul %concatenate3A_1440, %get3A_28, %dot_general3A_1443 {dimension_numbers = #tpu.dot_dimension_numbers<[1], [0], [0], [1], [0, 0, 1, 1], [], []>, transpose_lhs_hint = false} : vector<1000x80xbf16>, vector<80x256xbf16>, vector<1000x256xf32> -> vector<1000x256xf32>
    %add3A_1445 = vector.broadcast %get3A_34 : vector<1x256xf32> to vector<1000x256xf32>
    %add3A_1446 = arith.addf %dot_general3A_1444, %add3A_1445 : vector<1000x256xf32>
    %dot_general3A_1447 = arith.constant dense<0.000000e+00> : vector<1000x256xf32>
    %dot_general3A_1448 = tpu.matmul %concatenate3A_1442, %get3A_31, %dot_general3A_1447 {dimension_numbers = #tpu.dot_dimension_numbers<[1], [0], [0], [1], [0, 0, 1, 1], [], []>, transpose_lhs_hint = false} : vector<1000x80xbf16>, vector<80x256xbf16>, vector<1000x256xf32> -> vector<1000x256xf32>
    %add3A_1449 = vector.broadcast %get3A_37 : vector<1x256xf32> to vector<1000x256xf32>
    %add3A_1450 = arith.addf %dot_general3A_1448, %add3A_1449 : vector<1000x256xf32>
    %slice3A_1451 = vector.extract_strided_slice %add3A_1446 {offsets = [0, 0], sizes = [1000, 64], strides = [1, 1]} : vector<1000x256xf32> to vector<1000x64xf32>
    %tanh3A_1452 = math.tanh %slice3A_1451 : vector<1000x64xf32>
    %mul3A_1453 = arith.constant 5.000000e-01 : f32
    %mul3A_1454 = vector.broadcast %mul3A_1453 : f32 to vector<1000x64xf32>
    %mul3A_1455 = arith.mulf %mul3A_1454, %tanh3A_1452 : vector<1000x64xf32>
    %add3A_1456 = arith.constant 5.000000e-01 : f32
    %add3A_1457 = vector.broadcast %add3A_1456 : f32 to vector<1000x64xf32>
    %add3A_1458 = arith.addf %mul3A_1455, %add3A_1457 : vector<1000x64xf32>
    %slice3A_1459 = vector.extract_strided_slice %add3A_1446 {offsets = [0, 64], sizes = [1000, 64], strides = [1, 1]} : vector<1000x256xf32> to vector<1000x64xf32>
    %tanh3A_1460 = math.tanh %slice3A_1459 : vector<1000x64xf32>
    %mul3A_1461 = arith.constant 5.000000e-01 : f32
    %mul3A_1462 = vector.broadcast %mul3A_1461 : f32 to vector<1000x64xf32>
    %mul3A_1463 = arith.mulf %mul3A_1462, %tanh3A_1460 : vector<1000x64xf32>
    %add3A_1464 = arith.constant 5.000000e-01 : f32
    %add3A_1465 = vector.broadcast %add3A_1464 : f32 to vector<1000x64xf32>
    %add3A_1466 = arith.addf %mul3A_1463, %add3A_1465 : vector<1000x64xf32>
    %slice3A_1467 = vector.extract_strided_slice %add3A_1446 {offsets = [0, 128], sizes = [1000, 64], strides = [1, 1]} : vector<1000x256xf32> to vector<1000x64xf32>
    %tanh3A_1468 = math.tanh %slice3A_1467 : vector<1000x64xf32>
    %slice3A_1469 = vector.extract_strided_slice %add3A_1446 {offsets = [0, 192], sizes = [1000, 64], strides = [1, 1]} : vector<1000x256xf32> to vector<1000x64xf32>
    %tanh3A_1470 = math.tanh %slice3A_1469 : vector<1000x64xf32>
    %mul3A_1471 = arith.constant 5.000000e-01 : f32
    %mul3A_1472 = vector.broadcast %mul3A_1471 : f32 to vector<1000x64xf32>
    %mul3A_1473 = arith.mulf %mul3A_1472, %tanh3A_1470 : vector<1000x64xf32>
    %add3A_1474 = arith.constant 5.000000e-01 : f32
    %add3A_1475 = vector.broadcast %add3A_1474 : f32 to vector<1000x64xf32>
    %add3A_1476 = arith.addf %mul3A_1473, %add3A_1475 : vector<1000x64xf32>
    %mul3A_1477 = arith.mulf %add3A_1466, %add3A_1405 : vector<1000x64xf32>
    %mul3A_1478 = arith.mulf %add3A_1458, %tanh3A_1468 : vector<1000x64xf32>
    %add3A_1479 = arith.addf %mul3A_1477, %mul3A_1478 : vector<1000x64xf32>
    %tanh3A_1480 = math.tanh %add3A_1479 : vector<1000x64xf32>
    %mul3A_1481 = arith.mulf %add3A_1476, %tanh3A_1480 : vector<1000x64xf32>
    %slice3A_1482 = vector.extract_strided_slice %add3A_1450 {offsets = [0, 0], sizes = [1000, 64], strides = [1, 1]} : vector<1000x256xf32> to vector<1000x64xf32>
    %tanh3A_1483 = math.tanh %slice3A_1482 : vector<1000x64xf32>
    %mul3A_1484 = arith.constant 5.000000e-01 : f32
    %mul3A_1485 = vector.broadcast %mul3A_1484 : f32 to vector<1000x64xf32>
    %mul3A_1486 = arith.mulf %mul3A_1485, %tanh3A_1483 : vector<1000x64xf32>
    %add3A_1487 = arith.constant 5.000000e-01 : f32
    %add3A_1488 = vector.broadcast %add3A_1487 : f32 to vector<1000x64xf32>
    %add3A_1489 = arith.addf %mul3A_1486, %add3A_1488 : vector<1000x64xf32>
    %slice3A_1490 = vector.extract_strided_slice %add3A_1450 {offsets = [0, 64], sizes = [1000, 64], strides = [1, 1]} : vector<1000x256xf32> to vector<1000x64xf32>
    %tanh3A_1491 = math.tanh %slice3A_1490 : vector<1000x64xf32>
    %mul3A_1492 = arith.constant 5.000000e-01 : f32
    %mul3A_1493 = vector.broadcast %mul3A_1492 : f32 to vector<1000x64xf32>
    %mul3A_1494 = arith.mulf %mul3A_1493, %tanh3A_1491 : vector<1000x64xf32>
    %add3A_1495 = arith.constant 5.000000e-01 : f32
    %add3A_1496 = vector.broadcast %add3A_1495 : f32 to vector<1000x64xf32>
    %add3A_1497 = arith.addf %mul3A_1494, %add3A_1496 : vector<1000x64xf32>
    %slice3A_1498 = vector.extract_strided_slice %add3A_1450 {offsets = [0, 128], sizes = [1000, 64], strides = [1, 1]} : vector<1000x256xf32> to vector<1000x64xf32>
    %tanh3A_1499 = math.tanh %slice3A_1498 : vector<1000x64xf32>
    %slice3A_1500 = vector.extract_strided_slice %add3A_1450 {offsets = [0, 192], sizes = [1000, 64], strides = [1, 1]} : vector<1000x256xf32> to vector<1000x64xf32>
    %tanh3A_1501 = math.tanh %slice3A_1500 : vector<1000x64xf32>
    %mul3A_1502 = arith.constant 5.000000e-01 : f32
    %mul3A_1503 = vector.broadcast %mul3A_1502 : f32 to vector<1000x64xf32>
    %mul3A_1504 = arith.mulf %mul3A_1503, %tanh3A_1501 : vector<1000x64xf32>
    %add3A_1505 = arith.constant 5.000000e-01 : f32
    %add3A_1506 = vector.broadcast %add3A_1505 : f32 to vector<1000x64xf32>
    %add3A_1507 = arith.addf %mul3A_1504, %add3A_1506 : vector<1000x64xf32>
    %mul3A_1508 = arith.mulf %add3A_1497, %add3A_1436 : vector<1000x64xf32>
    %mul3A_1509 = arith.mulf %add3A_1489, %tanh3A_1499 : vector<1000x64xf32>
    %add3A_1510 = arith.addf %mul3A_1508, %mul3A_1509 : vector<1000x64xf32>
    %tanh3A_1511 = math.tanh %add3A_1510 : vector<1000x64xf32>
    %mul3A_1512 = arith.mulf %add3A_1507, %tanh3A_1511 : vector<1000x64xf32>
    %convert_element_type3A_1513 = arith.truncf %mul3A_1481 : vector<1000x64xf32> to vector<1000x64xbf16>
    %concatenate3A_1514 = tpu.concatenate %slice3A_21, %convert_element_type3A_1513 in 1 : vector<1000x16xbf16>, vector<1000x64xbf16> -> vector<1000x80xbf16>
    %convert_element_type3A_1515 = arith.truncf %mul3A_1512 : vector<1000x64xf32> to vector<1000x64xbf16>
    %concatenate3A_1516 = tpu.concatenate %slice3A_4, %convert_element_type3A_1515 in 1 : vector<1000x16xbf16>, vector<1000x64xbf16> -> vector<1000x80xbf16>
    %dot_general3A_1517 = arith.constant dense<0.000000e+00> : vector<1000x256xf32>
    %dot_general3A_1518 = tpu.matmul %concatenate3A_1514, %get3A_28, %dot_general3A_1517 {dimension_numbers = #tpu.dot_dimension_numbers<[1], [0], [0], [1], [0, 0, 1, 1], [], []>, transpose_lhs_hint = false} : vector<1000x80xbf16>, vector<80x256xbf16>, vector<1000x256xf32> -> vector<1000x256xf32>
    %add3A_1519 = vector.broadcast %get3A_34 : vector<1x256xf32> to vector<1000x256xf32>
    %add3A_1520 = arith.addf %dot_general3A_1518, %add3A_1519 : vector<1000x256xf32>
    %dot_general3A_1521 = arith.constant dense<0.000000e+00> : vector<1000x256xf32>
    %dot_general3A_1522 = tpu.matmul %concatenate3A_1516, %get3A_31, %dot_general3A_1521 {dimension_numbers = #tpu.dot_dimension_numbers<[1], [0], [0], [1], [0, 0, 1, 1], [], []>, transpose_lhs_hint = false} : vector<1000x80xbf16>, vector<80x256xbf16>, vector<1000x256xf32> -> vector<1000x256xf32>
    %add3A_1523 = vector.broadcast %get3A_37 : vector<1x256xf32> to vector<1000x256xf32>
    %add3A_1524 = arith.addf %dot_general3A_1522, %add3A_1523 : vector<1000x256xf32>
    %slice3A_1525 = vector.extract_strided_slice %add3A_1520 {offsets = [0, 0], sizes = [1000, 64], strides = [1, 1]} : vector<1000x256xf32> to vector<1000x64xf32>
    %tanh3A_1526 = math.tanh %slice3A_1525 : vector<1000x64xf32>
    %mul3A_1527 = arith.constant 5.000000e-01 : f32
    %mul3A_1528 = vector.broadcast %mul3A_1527 : f32 to vector<1000x64xf32>
    %mul3A_1529 = arith.mulf %mul3A_1528, %tanh3A_1526 : vector<1000x64xf32>
    %add3A_1530 = arith.constant 5.000000e-01 : f32
    %add3A_1531 = vector.broadcast %add3A_1530 : f32 to vector<1000x64xf32>
    %add3A_1532 = arith.addf %mul3A_1529, %add3A_1531 : vector<1000x64xf32>
    %slice3A_1533 = vector.extract_strided_slice %add3A_1520 {offsets = [0, 64], sizes = [1000, 64], strides = [1, 1]} : vector<1000x256xf32> to vector<1000x64xf32>
    %tanh3A_1534 = math.tanh %slice3A_1533 : vector<1000x64xf32>
    %mul3A_1535 = arith.constant 5.000000e-01 : f32
    %mul3A_1536 = vector.broadcast %mul3A_1535 : f32 to vector<1000x64xf32>
    %mul3A_1537 = arith.mulf %mul3A_1536, %tanh3A_1534 : vector<1000x64xf32>
    %add3A_1538 = arith.constant 5.000000e-01 : f32
    %add3A_1539 = vector.broadcast %add3A_1538 : f32 to vector<1000x64xf32>
    %add3A_1540 = arith.addf %mul3A_1537, %add3A_1539 : vector<1000x64xf32>
    %slice3A_1541 = vector.extract_strided_slice %add3A_1520 {offsets = [0, 128], sizes = [1000, 64], strides = [1, 1]} : vector<1000x256xf32> to vector<1000x64xf32>
    %tanh3A_1542 = math.tanh %slice3A_1541 : vector<1000x64xf32>
    %slice3A_1543 = vector.extract_strided_slice %add3A_1520 {offsets = [0, 192], sizes = [1000, 64], strides = [1, 1]} : vector<1000x256xf32> to vector<1000x64xf32>
    %tanh3A_1544 = math.tanh %slice3A_1543 : vector<1000x64xf32>
    %mul3A_1545 = arith.constant 5.000000e-01 : f32
    %mul3A_1546 = vector.broadcast %mul3A_1545 : f32 to vector<1000x64xf32>
    %mul3A_1547 = arith.mulf %mul3A_1546, %tanh3A_1544 : vector<1000x64xf32>
    %add3A_1548 = arith.constant 5.000000e-01 : f32
    %add3A_1549 = vector.broadcast %add3A_1548 : f32 to vector<1000x64xf32>
    %add3A_1550 = arith.addf %mul3A_1547, %add3A_1549 : vector<1000x64xf32>
    %mul3A_1551 = arith.mulf %add3A_1540, %add3A_1479 : vector<1000x64xf32>
    %mul3A_1552 = arith.mulf %add3A_1532, %tanh3A_1542 : vector<1000x64xf32>
    %add3A_1553 = arith.addf %mul3A_1551, %mul3A_1552 : vector<1000x64xf32>
    %tanh3A_1554 = math.tanh %add3A_1553 : vector<1000x64xf32>
    %mul3A_1555 = arith.mulf %add3A_1550, %tanh3A_1554 : vector<1000x64xf32>
    %slice3A_1556 = vector.extract_strided_slice %add3A_1524 {offsets = [0, 0], sizes = [1000, 64], strides = [1, 1]} : vector<1000x256xf32> to vector<1000x64xf32>
    %tanh3A_1557 = math.tanh %slice3A_1556 : vector<1000x64xf32>
    %mul3A_1558 = arith.constant 5.000000e-01 : f32
    %mul3A_1559 = vector.broadcast %mul3A_1558 : f32 to vector<1000x64xf32>
    %mul3A_1560 = arith.mulf %mul3A_1559, %tanh3A_1557 : vector<1000x64xf32>
    %add3A_1561 = arith.constant 5.000000e-01 : f32
    %add3A_1562 = vector.broadcast %add3A_1561 : f32 to vector<1000x64xf32>
    %add3A_1563 = arith.addf %mul3A_1560, %add3A_1562 : vector<1000x64xf32>
    %slice3A_1564 = vector.extract_strided_slice %add3A_1524 {offsets = [0, 64], sizes = [1000, 64], strides = [1, 1]} : vector<1000x256xf32> to vector<1000x64xf32>
    %tanh3A_1565 = math.tanh %slice3A_1564 : vector<1000x64xf32>
    %mul3A_1566 = arith.constant 5.000000e-01 : f32
    %mul3A_1567 = vector.broadcast %mul3A_1566 : f32 to vector<1000x64xf32>
    %mul3A_1568 = arith.mulf %mul3A_1567, %tanh3A_1565 : vector<1000x64xf32>
    %add3A_1569 = arith.constant 5.000000e-01 : f32
    %add3A_1570 = vector.broadcast %add3A_1569 : f32 to vector<1000x64xf32>
    %add3A_1571 = arith.addf %mul3A_1568, %add3A_1570 : vector<1000x64xf32>
    %slice3A_1572 = vector.extract_strided_slice %add3A_1524 {offsets = [0, 128], sizes = [1000, 64], strides = [1, 1]} : vector<1000x256xf32> to vector<1000x64xf32>
    %tanh3A_1573 = math.tanh %slice3A_1572 : vector<1000x64xf32>
    %slice3A_1574 = vector.extract_strided_slice %add3A_1524 {offsets = [0, 192], sizes = [1000, 64], strides = [1, 1]} : vector<1000x256xf32> to vector<1000x64xf32>
    %tanh3A_1575 = math.tanh %slice3A_1574 : vector<1000x64xf32>
    %mul3A_1576 = arith.constant 5.000000e-01 : f32
    %mul3A_1577 = vector.broadcast %mul3A_1576 : f32 to vector<1000x64xf32>
    %mul3A_1578 = arith.mulf %mul3A_1577, %tanh3A_1575 : vector<1000x64xf32>
    %add3A_1579 = arith.constant 5.000000e-01 : f32
    %add3A_1580 = vector.broadcast %add3A_1579 : f32 to vector<1000x64xf32>
    %add3A_1581 = arith.addf %mul3A_1578, %add3A_1580 : vector<1000x64xf32>
    %mul3A_1582 = arith.mulf %add3A_1571, %add3A_1510 : vector<1000x64xf32>
    %mul3A_1583 = arith.mulf %add3A_1563, %tanh3A_1573 : vector<1000x64xf32>
    %add3A_1584 = arith.addf %mul3A_1582, %mul3A_1583 : vector<1000x64xf32>
    %tanh3A_1585 = math.tanh %add3A_1584 : vector<1000x64xf32>
    %mul3A_1586 = arith.mulf %add3A_1581, %tanh3A_1585 : vector<1000x64xf32>
    %convert_element_type3A_1587 = arith.truncf %mul3A_1555 : vector<1000x64xf32> to vector<1000x64xbf16>
    %concatenate3A_1588 = tpu.concatenate %slice3A_22, %convert_element_type3A_1587 in 1 : vector<1000x16xbf16>, vector<1000x64xbf16> -> vector<1000x80xbf16>
    %convert_element_type3A_1589 = arith.truncf %mul3A_1586 : vector<1000x64xf32> to vector<1000x64xbf16>
    %concatenate3A_1590 = tpu.concatenate %slice3A_3, %convert_element_type3A_1589 in 1 : vector<1000x16xbf16>, vector<1000x64xbf16> -> vector<1000x80xbf16>
    %dot_general3A_1591 = arith.constant dense<0.000000e+00> : vector<1000x256xf32>
    %dot_general3A_1592 = tpu.matmul %concatenate3A_1588, %get3A_28, %dot_general3A_1591 {dimension_numbers = #tpu.dot_dimension_numbers<[1], [0], [0], [1], [0, 0, 1, 1], [], []>, transpose_lhs_hint = false} : vector<1000x80xbf16>, vector<80x256xbf16>, vector<1000x256xf32> -> vector<1000x256xf32>
    %add3A_1593 = vector.broadcast %get3A_34 : vector<1x256xf32> to vector<1000x256xf32>
    %add3A_1594 = arith.addf %dot_general3A_1592, %add3A_1593 : vector<1000x256xf32>
    %dot_general3A_1595 = arith.constant dense<0.000000e+00> : vector<1000x256xf32>
    %dot_general3A_1596 = tpu.matmul %concatenate3A_1590, %get3A_31, %dot_general3A_1595 {dimension_numbers = #tpu.dot_dimension_numbers<[1], [0], [0], [1], [0, 0, 1, 1], [], []>, transpose_lhs_hint = false} : vector<1000x80xbf16>, vector<80x256xbf16>, vector<1000x256xf32> -> vector<1000x256xf32>
    %add3A_1597 = vector.broadcast %get3A_37 : vector<1x256xf32> to vector<1000x256xf32>
    %add3A_1598 = arith.addf %dot_general3A_1596, %add3A_1597 : vector<1000x256xf32>
    %slice3A_1599 = vector.extract_strided_slice %add3A_1594 {offsets = [0, 0], sizes = [1000, 64], strides = [1, 1]} : vector<1000x256xf32> to vector<1000x64xf32>
    %tanh3A_1600 = math.tanh %slice3A_1599 : vector<1000x64xf32>
    %mul3A_1601 = arith.constant 5.000000e-01 : f32
    %mul3A_1602 = vector.broadcast %mul3A_1601 : f32 to vector<1000x64xf32>
    %mul3A_1603 = arith.mulf %mul3A_1602, %tanh3A_1600 : vector<1000x64xf32>
    %add3A_1604 = arith.constant 5.000000e-01 : f32
    %add3A_1605 = vector.broadcast %add3A_1604 : f32 to vector<1000x64xf32>
    %add3A_1606 = arith.addf %mul3A_1603, %add3A_1605 : vector<1000x64xf32>
    %slice3A_1607 = vector.extract_strided_slice %add3A_1594 {offsets = [0, 64], sizes = [1000, 64], strides = [1, 1]} : vector<1000x256xf32> to vector<1000x64xf32>
    %tanh3A_1608 = math.tanh %slice3A_1607 : vector<1000x64xf32>
    %mul3A_1609 = arith.constant 5.000000e-01 : f32
    %mul3A_1610 = vector.broadcast %mul3A_1609 : f32 to vector<1000x64xf32>
    %mul3A_1611 = arith.mulf %mul3A_1610, %tanh3A_1608 : vector<1000x64xf32>
    %add3A_1612 = arith.constant 5.000000e-01 : f32
    %add3A_1613 = vector.broadcast %add3A_1612 : f32 to vector<1000x64xf32>
    %add3A_1614 = arith.addf %mul3A_1611, %add3A_1613 : vector<1000x64xf32>
    %slice3A_1615 = vector.extract_strided_slice %add3A_1594 {offsets = [0, 128], sizes = [1000, 64], strides = [1, 1]} : vector<1000x256xf32> to vector<1000x64xf32>
    %tanh3A_1616 = math.tanh %slice3A_1615 : vector<1000x64xf32>
    %slice3A_1617 = vector.extract_strided_slice %add3A_1594 {offsets = [0, 192], sizes = [1000, 64], strides = [1, 1]} : vector<1000x256xf32> to vector<1000x64xf32>
    %tanh3A_1618 = math.tanh %slice3A_1617 : vector<1000x64xf32>
    %mul3A_1619 = arith.constant 5.000000e-01 : f32
    %mul3A_1620 = vector.broadcast %mul3A_1619 : f32 to vector<1000x64xf32>
    %mul3A_1621 = arith.mulf %mul3A_1620, %tanh3A_1618 : vector<1000x64xf32>
    %add3A_1622 = arith.constant 5.000000e-01 : f32
    %add3A_1623 = vector.broadcast %add3A_1622 : f32 to vector<1000x64xf32>
    %add3A_1624 = arith.addf %mul3A_1621, %add3A_1623 : vector<1000x64xf32>
    %mul3A_1625 = arith.mulf %add3A_1614, %add3A_1553 : vector<1000x64xf32>
    %mul3A_1626 = arith.mulf %add3A_1606, %tanh3A_1616 : vector<1000x64xf32>
    %add3A_1627 = arith.addf %mul3A_1625, %mul3A_1626 : vector<1000x64xf32>
    %tanh3A_1628 = math.tanh %add3A_1627 : vector<1000x64xf32>
    %mul3A_1629 = arith.mulf %add3A_1624, %tanh3A_1628 : vector<1000x64xf32>
    %slice3A_1630 = vector.extract_strided_slice %add3A_1598 {offsets = [0, 0], sizes = [1000, 64], strides = [1, 1]} : vector<1000x256xf32> to vector<1000x64xf32>
    %tanh3A_1631 = math.tanh %slice3A_1630 : vector<1000x64xf32>
    %mul3A_1632 = arith.constant 5.000000e-01 : f32
    %mul3A_1633 = vector.broadcast %mul3A_1632 : f32 to vector<1000x64xf32>
    %mul3A_1634 = arith.mulf %mul3A_1633, %tanh3A_1631 : vector<1000x64xf32>
    %add3A_1635 = arith.constant 5.000000e-01 : f32
    %add3A_1636 = vector.broadcast %add3A_1635 : f32 to vector<1000x64xf32>
    %add3A_1637 = arith.addf %mul3A_1634, %add3A_1636 : vector<1000x64xf32>
    %slice3A_1638 = vector.extract_strided_slice %add3A_1598 {offsets = [0, 64], sizes = [1000, 64], strides = [1, 1]} : vector<1000x256xf32> to vector<1000x64xf32>
    %tanh3A_1639 = math.tanh %slice3A_1638 : vector<1000x64xf32>
    %mul3A_1640 = arith.constant 5.000000e-01 : f32
    %mul3A_1641 = vector.broadcast %mul3A_1640 : f32 to vector<1000x64xf32>
    %mul3A_1642 = arith.mulf %mul3A_1641, %tanh3A_1639 : vector<1000x64xf32>
    %add3A_1643 = arith.constant 5.000000e-01 : f32
    %add3A_1644 = vector.broadcast %add3A_1643 : f32 to vector<1000x64xf32>
    %add3A_1645 = arith.addf %mul3A_1642, %add3A_1644 : vector<1000x64xf32>
    %slice3A_1646 = vector.extract_strided_slice %add3A_1598 {offsets = [0, 128], sizes = [1000, 64], strides = [1, 1]} : vector<1000x256xf32> to vector<1000x64xf32>
    %tanh3A_1647 = math.tanh %slice3A_1646 : vector<1000x64xf32>
    %slice3A_1648 = vector.extract_strided_slice %add3A_1598 {offsets = [0, 192], sizes = [1000, 64], strides = [1, 1]} : vector<1000x256xf32> to vector<1000x64xf32>
    %tanh3A_1649 = math.tanh %slice3A_1648 : vector<1000x64xf32>
    %mul3A_1650 = arith.constant 5.000000e-01 : f32
    %mul3A_1651 = vector.broadcast %mul3A_1650 : f32 to vector<1000x64xf32>
    %mul3A_1652 = arith.mulf %mul3A_1651, %tanh3A_1649 : vector<1000x64xf32>
    %add3A_1653 = arith.constant 5.000000e-01 : f32
    %add3A_1654 = vector.broadcast %add3A_1653 : f32 to vector<1000x64xf32>
    %add3A_1655 = arith.addf %mul3A_1652, %add3A_1654 : vector<1000x64xf32>
    %mul3A_1656 = arith.mulf %add3A_1645, %add3A_1584 : vector<1000x64xf32>
    %mul3A_1657 = arith.mulf %add3A_1637, %tanh3A_1647 : vector<1000x64xf32>
    %add3A_1658 = arith.addf %mul3A_1656, %mul3A_1657 : vector<1000x64xf32>
    %tanh3A_1659 = math.tanh %add3A_1658 : vector<1000x64xf32>
    %mul3A_1660 = arith.mulf %add3A_1655, %tanh3A_1659 : vector<1000x64xf32>
    %convert_element_type3A_1661 = arith.truncf %mul3A_1629 : vector<1000x64xf32> to vector<1000x64xbf16>
    %concatenate3A_1662 = tpu.concatenate %slice3A_23, %convert_element_type3A_1661 in 1 : vector<1000x16xbf16>, vector<1000x64xbf16> -> vector<1000x80xbf16>
    %convert_element_type3A_1663 = arith.truncf %mul3A_1660 : vector<1000x64xf32> to vector<1000x64xbf16>
    %concatenate3A_1664 = tpu.concatenate %slice3A_2, %convert_element_type3A_1663 in 1 : vector<1000x16xbf16>, vector<1000x64xbf16> -> vector<1000x80xbf16>
    %dot_general3A_1665 = arith.constant dense<0.000000e+00> : vector<1000x256xf32>
    %dot_general3A_1666 = tpu.matmul %concatenate3A_1662, %get3A_28, %dot_general3A_1665 {dimension_numbers = #tpu.dot_dimension_numbers<[1], [0], [0], [1], [0, 0, 1, 1], [], []>, transpose_lhs_hint = false} : vector<1000x80xbf16>, vector<80x256xbf16>, vector<1000x256xf32> -> vector<1000x256xf32>
    %add3A_1667 = vector.broadcast %get3A_34 : vector<1x256xf32> to vector<1000x256xf32>
    %add3A_1668 = arith.addf %dot_general3A_1666, %add3A_1667 : vector<1000x256xf32>
    %dot_general3A_1669 = arith.constant dense<0.000000e+00> : vector<1000x256xf32>
    %dot_general3A_1670 = tpu.matmul %concatenate3A_1664, %get3A_31, %dot_general3A_1669 {dimension_numbers = #tpu.dot_dimension_numbers<[1], [0], [0], [1], [0, 0, 1, 1], [], []>, transpose_lhs_hint = false} : vector<1000x80xbf16>, vector<80x256xbf16>, vector<1000x256xf32> -> vector<1000x256xf32>
    %add3A_1671 = vector.broadcast %get3A_37 : vector<1x256xf32> to vector<1000x256xf32>
    %add3A_1672 = arith.addf %dot_general3A_1670, %add3A_1671 : vector<1000x256xf32>
    %slice3A_1673 = vector.extract_strided_slice %add3A_1668 {offsets = [0, 0], sizes = [1000, 64], strides = [1, 1]} : vector<1000x256xf32> to vector<1000x64xf32>
    %tanh3A_1674 = math.tanh %slice3A_1673 : vector<1000x64xf32>
    %mul3A_1675 = arith.constant 5.000000e-01 : f32
    %mul3A_1676 = vector.broadcast %mul3A_1675 : f32 to vector<1000x64xf32>
    %mul3A_1677 = arith.mulf %mul3A_1676, %tanh3A_1674 : vector<1000x64xf32>
    %add3A_1678 = arith.constant 5.000000e-01 : f32
    %add3A_1679 = vector.broadcast %add3A_1678 : f32 to vector<1000x64xf32>
    %add3A_1680 = arith.addf %mul3A_1677, %add3A_1679 : vector<1000x64xf32>
    %slice3A_1681 = vector.extract_strided_slice %add3A_1668 {offsets = [0, 64], sizes = [1000, 64], strides = [1, 1]} : vector<1000x256xf32> to vector<1000x64xf32>
    %tanh3A_1682 = math.tanh %slice3A_1681 : vector<1000x64xf32>
    %mul3A_1683 = arith.constant 5.000000e-01 : f32
    %mul3A_1684 = vector.broadcast %mul3A_1683 : f32 to vector<1000x64xf32>
    %mul3A_1685 = arith.mulf %mul3A_1684, %tanh3A_1682 : vector<1000x64xf32>
    %add3A_1686 = arith.constant 5.000000e-01 : f32
    %add3A_1687 = vector.broadcast %add3A_1686 : f32 to vector<1000x64xf32>
    %add3A_1688 = arith.addf %mul3A_1685, %add3A_1687 : vector<1000x64xf32>
    %slice3A_1689 = vector.extract_strided_slice %add3A_1668 {offsets = [0, 128], sizes = [1000, 64], strides = [1, 1]} : vector<1000x256xf32> to vector<1000x64xf32>
    %tanh3A_1690 = math.tanh %slice3A_1689 : vector<1000x64xf32>
    %slice3A_1691 = vector.extract_strided_slice %add3A_1668 {offsets = [0, 192], sizes = [1000, 64], strides = [1, 1]} : vector<1000x256xf32> to vector<1000x64xf32>
    %tanh3A_1692 = math.tanh %slice3A_1691 : vector<1000x64xf32>
    %mul3A_1693 = arith.constant 5.000000e-01 : f32
    %mul3A_1694 = vector.broadcast %mul3A_1693 : f32 to vector<1000x64xf32>
    %mul3A_1695 = arith.mulf %mul3A_1694, %tanh3A_1692 : vector<1000x64xf32>
    %add3A_1696 = arith.constant 5.000000e-01 : f32
    %add3A_1697 = vector.broadcast %add3A_1696 : f32 to vector<1000x64xf32>
    %add3A_1698 = arith.addf %mul3A_1695, %add3A_1697 : vector<1000x64xf32>
    %mul3A_1699 = arith.mulf %add3A_1688, %add3A_1627 : vector<1000x64xf32>
    %mul3A_1700 = arith.mulf %add3A_1680, %tanh3A_1690 : vector<1000x64xf32>
    %add3A_1701 = arith.addf %mul3A_1699, %mul3A_1700 : vector<1000x64xf32>
    %tanh3A_1702 = math.tanh %add3A_1701 : vector<1000x64xf32>
    %mul3A_1703 = arith.mulf %add3A_1698, %tanh3A_1702 : vector<1000x64xf32>
    %slice3A_1704 = vector.extract_strided_slice %add3A_1672 {offsets = [0, 0], sizes = [1000, 64], strides = [1, 1]} : vector<1000x256xf32> to vector<1000x64xf32>
    %tanh3A_1705 = math.tanh %slice3A_1704 : vector<1000x64xf32>
    %mul3A_1706 = arith.constant 5.000000e-01 : f32
    %mul3A_1707 = vector.broadcast %mul3A_1706 : f32 to vector<1000x64xf32>
    %mul3A_1708 = arith.mulf %mul3A_1707, %tanh3A_1705 : vector<1000x64xf32>
    %add3A_1709 = arith.constant 5.000000e-01 : f32
    %add3A_1710 = vector.broadcast %add3A_1709 : f32 to vector<1000x64xf32>
    %add3A_1711 = arith.addf %mul3A_1708, %add3A_1710 : vector<1000x64xf32>
    %slice3A_1712 = vector.extract_strided_slice %add3A_1672 {offsets = [0, 64], sizes = [1000, 64], strides = [1, 1]} : vector<1000x256xf32> to vector<1000x64xf32>
    %tanh3A_1713 = math.tanh %slice3A_1712 : vector<1000x64xf32>
    %mul3A_1714 = arith.constant 5.000000e-01 : f32
    %mul3A_1715 = vector.broadcast %mul3A_1714 : f32 to vector<1000x64xf32>
    %mul3A_1716 = arith.mulf %mul3A_1715, %tanh3A_1713 : vector<1000x64xf32>
    %add3A_1717 = arith.constant 5.000000e-01 : f32
    %add3A_1718 = vector.broadcast %add3A_1717 : f32 to vector<1000x64xf32>
    %add3A_1719 = arith.addf %mul3A_1716, %add3A_1718 : vector<1000x64xf32>
    %slice3A_1720 = vector.extract_strided_slice %add3A_1672 {offsets = [0, 128], sizes = [1000, 64], strides = [1, 1]} : vector<1000x256xf32> to vector<1000x64xf32>
    %tanh3A_1721 = math.tanh %slice3A_1720 : vector<1000x64xf32>
    %slice3A_1722 = vector.extract_strided_slice %add3A_1672 {offsets = [0, 192], sizes = [1000, 64], strides = [1, 1]} : vector<1000x256xf32> to vector<1000x64xf32>
    %tanh3A_1723 = math.tanh %slice3A_1722 : vector<1000x64xf32>
    %mul3A_1724 = arith.constant 5.000000e-01 : f32
    %mul3A_1725 = vector.broadcast %mul3A_1724 : f32 to vector<1000x64xf32>
    %mul3A_1726 = arith.mulf %mul3A_1725, %tanh3A_1723 : vector<1000x64xf32>
    %add3A_1727 = arith.constant 5.000000e-01 : f32
    %add3A_1728 = vector.broadcast %add3A_1727 : f32 to vector<1000x64xf32>
    %add3A_1729 = arith.addf %mul3A_1726, %add3A_1728 : vector<1000x64xf32>
    %mul3A_1730 = arith.mulf %add3A_1719, %add3A_1658 : vector<1000x64xf32>
    %mul3A_1731 = arith.mulf %add3A_1711, %tanh3A_1721 : vector<1000x64xf32>
    %add3A_1732 = arith.addf %mul3A_1730, %mul3A_1731 : vector<1000x64xf32>
    %tanh3A_1733 = math.tanh %add3A_1732 : vector<1000x64xf32>
    %mul3A_1734 = arith.mulf %add3A_1729, %tanh3A_1733 : vector<1000x64xf32>
    %convert_element_type3A_1735 = arith.truncf %mul3A_1703 : vector<1000x64xf32> to vector<1000x64xbf16>
    %concatenate3A_1736 = tpu.concatenate %slice3A_24, %convert_element_type3A_1735 in 1 : vector<1000x16xbf16>, vector<1000x64xbf16> -> vector<1000x80xbf16>
    %convert_element_type3A_1737 = arith.truncf %mul3A_1734 : vector<1000x64xf32> to vector<1000x64xbf16>
    %concatenate3A_1738 = tpu.concatenate %slice3A, %convert_element_type3A_1737 in 1 : vector<1000x16xbf16>, vector<1000x64xbf16> -> vector<1000x80xbf16>
    %dot_general3A_1739 = arith.constant dense<0.000000e+00> : vector<1000x256xf32>
    %dot_general3A_1740 = tpu.matmul %concatenate3A_1736, %get3A_28, %dot_general3A_1739 {dimension_numbers = #tpu.dot_dimension_numbers<[1], [0], [0], [1], [0, 0, 1, 1], [], []>, transpose_lhs_hint = false} : vector<1000x80xbf16>, vector<80x256xbf16>, vector<1000x256xf32> -> vector<1000x256xf32>
    %add3A_1741 = vector.broadcast %get3A_34 : vector<1x256xf32> to vector<1000x256xf32>
    %add3A_1742 = arith.addf %dot_general3A_1740, %add3A_1741 : vector<1000x256xf32>
    %dot_general3A_1743 = arith.constant dense<0.000000e+00> : vector<1000x256xf32>
    %dot_general3A_1744 = tpu.matmul %concatenate3A_1738, %get3A_31, %dot_general3A_1743 {dimension_numbers = #tpu.dot_dimension_numbers<[1], [0], [0], [1], [0, 0, 1, 1], [], []>, transpose_lhs_hint = false} : vector<1000x80xbf16>, vector<80x256xbf16>, vector<1000x256xf32> -> vector<1000x256xf32>
    %add3A_1745 = vector.broadcast %get3A_37 : vector<1x256xf32> to vector<1000x256xf32>
    %add3A_1746 = arith.addf %dot_general3A_1744, %add3A_1745 : vector<1000x256xf32>
    %slice3A_1747 = vector.extract_strided_slice %add3A_1742 {offsets = [0, 0], sizes = [1000, 64], strides = [1, 1]} : vector<1000x256xf32> to vector<1000x64xf32>
    %tanh3A_1748 = math.tanh %slice3A_1747 : vector<1000x64xf32>
    %mul3A_1749 = arith.constant 5.000000e-01 : f32
    %mul3A_1750 = vector.broadcast %mul3A_1749 : f32 to vector<1000x64xf32>
    %mul3A_1751 = arith.mulf %mul3A_1750, %tanh3A_1748 : vector<1000x64xf32>
    %add3A_1752 = arith.constant 5.000000e-01 : f32
    %add3A_1753 = vector.broadcast %add3A_1752 : f32 to vector<1000x64xf32>
    %add3A_1754 = arith.addf %mul3A_1751, %add3A_1753 : vector<1000x64xf32>
    %slice3A_1755 = vector.extract_strided_slice %add3A_1742 {offsets = [0, 64], sizes = [1000, 64], strides = [1, 1]} : vector<1000x256xf32> to vector<1000x64xf32>
    %tanh3A_1756 = math.tanh %slice3A_1755 : vector<1000x64xf32>
    %mul3A_1757 = arith.constant 5.000000e-01 : f32
    %mul3A_1758 = vector.broadcast %mul3A_1757 : f32 to vector<1000x64xf32>
    %mul3A_1759 = arith.mulf %mul3A_1758, %tanh3A_1756 : vector<1000x64xf32>
    %add3A_1760 = arith.constant 5.000000e-01 : f32
    %add3A_1761 = vector.broadcast %add3A_1760 : f32 to vector<1000x64xf32>
    %add3A_1762 = arith.addf %mul3A_1759, %add3A_1761 : vector<1000x64xf32>
    %slice3A_1763 = vector.extract_strided_slice %add3A_1742 {offsets = [0, 128], sizes = [1000, 64], strides = [1, 1]} : vector<1000x256xf32> to vector<1000x64xf32>
    %tanh3A_1764 = math.tanh %slice3A_1763 : vector<1000x64xf32>
    %slice3A_1765 = vector.extract_strided_slice %add3A_1742 {offsets = [0, 192], sizes = [1000, 64], strides = [1, 1]} : vector<1000x256xf32> to vector<1000x64xf32>
    %tanh3A_1766 = math.tanh %slice3A_1765 : vector<1000x64xf32>
    %mul3A_1767 = arith.constant 5.000000e-01 : f32
    %mul3A_1768 = vector.broadcast %mul3A_1767 : f32 to vector<1000x64xf32>
    %mul3A_1769 = arith.mulf %mul3A_1768, %tanh3A_1766 : vector<1000x64xf32>
    %add3A_1770 = arith.constant 5.000000e-01 : f32
    %add3A_1771 = vector.broadcast %add3A_1770 : f32 to vector<1000x64xf32>
    %add3A_1772 = arith.addf %mul3A_1769, %add3A_1771 : vector<1000x64xf32>
    %mul3A_1773 = arith.mulf %add3A_1762, %add3A_1701 : vector<1000x64xf32>
    %mul3A_1774 = arith.mulf %add3A_1754, %tanh3A_1764 : vector<1000x64xf32>
    %add3A_1775 = arith.addf %mul3A_1773, %mul3A_1774 : vector<1000x64xf32>
    %tanh3A_1776 = math.tanh %add3A_1775 : vector<1000x64xf32>
    %mul3A_1777 = arith.mulf %add3A_1772, %tanh3A_1776 : vector<1000x64xf32>
    %slice3A_1778 = vector.extract_strided_slice %add3A_1746 {offsets = [0, 0], sizes = [1000, 64], strides = [1, 1]} : vector<1000x256xf32> to vector<1000x64xf32>
    %tanh3A_1779 = math.tanh %slice3A_1778 : vector<1000x64xf32>
    %mul3A_1780 = arith.constant 5.000000e-01 : f32
    %mul3A_1781 = vector.broadcast %mul3A_1780 : f32 to vector<1000x64xf32>
    %mul3A_1782 = arith.mulf %mul3A_1781, %tanh3A_1779 : vector<1000x64xf32>
    %add3A_1783 = arith.constant 5.000000e-01 : f32
    %add3A_1784 = vector.broadcast %add3A_1783 : f32 to vector<1000x64xf32>
    %add3A_1785 = arith.addf %mul3A_1782, %add3A_1784 : vector<1000x64xf32>
    %slice3A_1786 = vector.extract_strided_slice %add3A_1746 {offsets = [0, 64], sizes = [1000, 64], strides = [1, 1]} : vector<1000x256xf32> to vector<1000x64xf32>
    %tanh3A_1787 = math.tanh %slice3A_1786 : vector<1000x64xf32>
    %mul3A_1788 = arith.constant 5.000000e-01 : f32
    %mul3A_1789 = vector.broadcast %mul3A_1788 : f32 to vector<1000x64xf32>
    %mul3A_1790 = arith.mulf %mul3A_1789, %tanh3A_1787 : vector<1000x64xf32>
    %add3A_1791 = arith.constant 5.000000e-01 : f32
    %add3A_1792 = vector.broadcast %add3A_1791 : f32 to vector<1000x64xf32>
    %add3A_1793 = arith.addf %mul3A_1790, %add3A_1792 : vector<1000x64xf32>
    %slice3A_1794 = vector.extract_strided_slice %add3A_1746 {offsets = [0, 128], sizes = [1000, 64], strides = [1, 1]} : vector<1000x256xf32> to vector<1000x64xf32>
    %tanh3A_1795 = math.tanh %slice3A_1794 : vector<1000x64xf32>
    %slice3A_1796 = vector.extract_strided_slice %add3A_1746 {offsets = [0, 192], sizes = [1000, 64], strides = [1, 1]} : vector<1000x256xf32> to vector<1000x64xf32>
    %tanh3A_1797 = math.tanh %slice3A_1796 : vector<1000x64xf32>
    %mul3A_1798 = arith.constant 5.000000e-01 : f32
    %mul3A_1799 = vector.broadcast %mul3A_1798 : f32 to vector<1000x64xf32>
    %mul3A_1800 = arith.mulf %mul3A_1799, %tanh3A_1797 : vector<1000x64xf32>
    %add3A_1801 = arith.constant 5.000000e-01 : f32
    %add3A_1802 = vector.broadcast %add3A_1801 : f32 to vector<1000x64xf32>
    %add3A_1803 = arith.addf %mul3A_1800, %add3A_1802 : vector<1000x64xf32>
    %mul3A_1804 = arith.mulf %add3A_1793, %add3A_1732 : vector<1000x64xf32>
    %mul3A_1805 = arith.mulf %add3A_1785, %tanh3A_1795 : vector<1000x64xf32>
    %add3A_1806 = arith.addf %mul3A_1804, %mul3A_1805 : vector<1000x64xf32>
    %tanh3A_1807 = math.tanh %add3A_1806 : vector<1000x64xf32>
    %mul3A_1808 = arith.mulf %add3A_1803, %tanh3A_1807 : vector<1000x64xf32>
    %get3A_1809 = arith.constant 0 : index
    %get3A_1810 = arith.constant 0 : index
    %get3A_1811 = vector.load %arg6[%get3A_1809, %get3A_1810] : memref<192x256xbf16, #tpu.memory_space<vmem>>, vector<192x256xbf16>
    %get3A_1812 = arith.constant 0 : index
    %get3A_1813 = arith.constant 0 : index
    %get3A_1814 = vector.load %arg7[%get3A_1812, %get3A_1813] : memref<1x256xf32, #tpu.memory_space<vmem>>, vector<1x256xf32>
    %convert_element_type3A_1815 = arith.truncf %mul3A_75 : vector<1000x64xf32> to vector<1000x64xbf16>
    %convert_element_type3A_1816 = arith.truncf %mul3A_1808 : vector<1000x64xf32> to vector<1000x64xbf16>
    %convert_element_type3A_1817 = arith.truncf %broadcast_in_dim3A_25 : vector<1000x64xf32> to vector<1000x64xbf16>
    %concatenate3A_1818 = tpu.concatenate %convert_element_type3A_1815, %convert_element_type3A_1816, %convert_element_type3A_1817 in 1 : vector<1000x64xbf16>, vector<1000x64xbf16>, vector<1000x64xbf16> -> vector<1000x192xbf16>
    %dot_general3A_1819 = arith.constant dense<0.000000e+00> : vector<1000x256xf32>
    %dot_general3A_1820 = tpu.matmul %concatenate3A_1818, %get3A_1811, %dot_general3A_1819 {dimension_numbers = #tpu.dot_dimension_numbers<[1], [0], [0], [1], [0, 0, 1, 1], [], []>, transpose_lhs_hint = false} : vector<1000x192xbf16>, vector<192x256xbf16>, vector<1000x256xf32> -> vector<1000x256xf32>
    %add3A_1821 = vector.broadcast %get3A_1814 : vector<1x256xf32> to vector<1000x256xf32>
    %add3A_1822 = arith.addf %dot_general3A_1820, %add3A_1821 : vector<1000x256xf32>
    %slice3A_1823 = vector.extract_strided_slice %add3A_1822 {offsets = [0, 0], sizes = [1000, 64], strides = [1, 1]} : vector<1000x256xf32> to vector<1000x64xf32>
    %tanh3A_1824 = math.tanh %slice3A_1823 : vector<1000x64xf32>
    %mul3A_1825 = arith.constant 5.000000e-01 : f32
    %mul3A_1826 = vector.broadcast %mul3A_1825 : f32 to vector<1000x64xf32>
    %mul3A_1827 = arith.mulf %mul3A_1826, %tanh3A_1824 : vector<1000x64xf32>
    %add3A_1828 = arith.constant 5.000000e-01 : f32
    %add3A_1829 = vector.broadcast %add3A_1828 : f32 to vector<1000x64xf32>
    %add3A_1830 = arith.addf %mul3A_1827, %add3A_1829 : vector<1000x64xf32>
    %slice3A_1831 = vector.extract_strided_slice %add3A_1822 {offsets = [0, 64], sizes = [1000, 64], strides = [1, 1]} : vector<1000x256xf32> to vector<1000x64xf32>
    %tanh3A_1832 = math.tanh %slice3A_1831 : vector<1000x64xf32>
    %mul3A_1833 = arith.constant 5.000000e-01 : f32
    %mul3A_1834 = vector.broadcast %mul3A_1833 : f32 to vector<1000x64xf32>
    %mul3A_1835 = arith.mulf %mul3A_1834, %tanh3A_1832 : vector<1000x64xf32>
    %add3A_1836 = arith.constant 5.000000e-01 : f32
    %add3A_1837 = vector.broadcast %add3A_1836 : f32 to vector<1000x64xf32>
    %add3A_1838 = arith.addf %mul3A_1835, %add3A_1837 : vector<1000x64xf32>
    %slice3A_1839 = vector.extract_strided_slice %add3A_1822 {offsets = [0, 128], sizes = [1000, 64], strides = [1, 1]} : vector<1000x256xf32> to vector<1000x64xf32>
    %tanh3A_1840 = math.tanh %slice3A_1839 : vector<1000x64xf32>
    %slice3A_1841 = vector.extract_strided_slice %add3A_1822 {offsets = [0, 192], sizes = [1000, 64], strides = [1, 1]} : vector<1000x256xf32> to vector<1000x64xf32>
    %tanh3A_1842 = math.tanh %slice3A_1841 : vector<1000x64xf32>
    %mul3A_1843 = arith.constant 5.000000e-01 : f32
    %mul3A_1844 = vector.broadcast %mul3A_1843 : f32 to vector<1000x64xf32>
    %mul3A_1845 = arith.mulf %mul3A_1844, %tanh3A_1842 : vector<1000x64xf32>
    %add3A_1846 = arith.constant 5.000000e-01 : f32
    %add3A_1847 = vector.broadcast %add3A_1846 : f32 to vector<1000x64xf32>
    %add3A_1848 = arith.addf %mul3A_1845, %add3A_1847 : vector<1000x64xf32>
    %mul3A_1849 = arith.mulf %add3A_1838, %broadcast_in_dim3A_25 : vector<1000x64xf32>
    %mul3A_1850 = arith.mulf %add3A_1830, %tanh3A_1840 : vector<1000x64xf32>
    %add3A_1851 = arith.addf %mul3A_1849, %mul3A_1850 : vector<1000x64xf32>
    %tanh3A_1852 = math.tanh %add3A_1851 : vector<1000x64xf32>
    %mul3A_1853 = arith.mulf %add3A_1848, %tanh3A_1852 : vector<1000x64xf32>
    %convert_element_type3A_1854 = arith.truncf %mul3A_149 : vector<1000x64xf32> to vector<1000x64xbf16>
    %convert_element_type3A_1855 = arith.truncf %mul3A_1734 : vector<1000x64xf32> to vector<1000x64xbf16>
    %convert_element_type3A_1856 = arith.truncf %mul3A_1853 : vector<1000x64xf32> to vector<1000x64xbf16>
    %concatenate3A_1857 = tpu.concatenate %convert_element_type3A_1854, %convert_element_type3A_1855, %convert_element_type3A_1856 in 1 : vector<1000x64xbf16>, vector<1000x64xbf16>, vector<1000x64xbf16> -> vector<1000x192xbf16>
    %dot_general3A_1858 = arith.constant dense<0.000000e+00> : vector<1000x256xf32>
    %dot_general3A_1859 = tpu.matmul %concatenate3A_1857, %get3A_1811, %dot_general3A_1858 {dimension_numbers = #tpu.dot_dimension_numbers<[1], [0], [0], [1], [0, 0, 1, 1], [], []>, transpose_lhs_hint = false} : vector<1000x192xbf16>, vector<192x256xbf16>, vector<1000x256xf32> -> vector<1000x256xf32>
    %add3A_1860 = vector.broadcast %get3A_1814 : vector<1x256xf32> to vector<1000x256xf32>
    %add3A_1861 = arith.addf %dot_general3A_1859, %add3A_1860 : vector<1000x256xf32>
    %slice3A_1862 = vector.extract_strided_slice %add3A_1861 {offsets = [0, 0], sizes = [1000, 64], strides = [1, 1]} : vector<1000x256xf32> to vector<1000x64xf32>
    %tanh3A_1863 = math.tanh %slice3A_1862 : vector<1000x64xf32>
    %mul3A_1864 = arith.constant 5.000000e-01 : f32
    %mul3A_1865 = vector.broadcast %mul3A_1864 : f32 to vector<1000x64xf32>
    %mul3A_1866 = arith.mulf %mul3A_1865, %tanh3A_1863 : vector<1000x64xf32>
    %add3A_1867 = arith.constant 5.000000e-01 : f32
    %add3A_1868 = vector.broadcast %add3A_1867 : f32 to vector<1000x64xf32>
    %add3A_1869 = arith.addf %mul3A_1866, %add3A_1868 : vector<1000x64xf32>
    %slice3A_1870 = vector.extract_strided_slice %add3A_1861 {offsets = [0, 64], sizes = [1000, 64], strides = [1, 1]} : vector<1000x256xf32> to vector<1000x64xf32>
    %tanh3A_1871 = math.tanh %slice3A_1870 : vector<1000x64xf32>
    %mul3A_1872 = arith.constant 5.000000e-01 : f32
    %mul3A_1873 = vector.broadcast %mul3A_1872 : f32 to vector<1000x64xf32>
    %mul3A_1874 = arith.mulf %mul3A_1873, %tanh3A_1871 : vector<1000x64xf32>
    %add3A_1875 = arith.constant 5.000000e-01 : f32
    %add3A_1876 = vector.broadcast %add3A_1875 : f32 to vector<1000x64xf32>
    %add3A_1877 = arith.addf %mul3A_1874, %add3A_1876 : vector<1000x64xf32>
    %slice3A_1878 = vector.extract_strided_slice %add3A_1861 {offsets = [0, 128], sizes = [1000, 64], strides = [1, 1]} : vector<1000x256xf32> to vector<1000x64xf32>
    %tanh3A_1879 = math.tanh %slice3A_1878 : vector<1000x64xf32>
    %slice3A_1880 = vector.extract_strided_slice %add3A_1861 {offsets = [0, 192], sizes = [1000, 64], strides = [1, 1]} : vector<1000x256xf32> to vector<1000x64xf32>
    %tanh3A_1881 = math.tanh %slice3A_1880 : vector<1000x64xf32>
    %mul3A_1882 = arith.constant 5.000000e-01 : f32
    %mul3A_1883 = vector.broadcast %mul3A_1882 : f32 to vector<1000x64xf32>
    %mul3A_1884 = arith.mulf %mul3A_1883, %tanh3A_1881 : vector<1000x64xf32>
    %add3A_1885 = arith.constant 5.000000e-01 : f32
    %add3A_1886 = vector.broadcast %add3A_1885 : f32 to vector<1000x64xf32>
    %add3A_1887 = arith.addf %mul3A_1884, %add3A_1886 : vector<1000x64xf32>
    %mul3A_1888 = arith.mulf %add3A_1877, %add3A_1851 : vector<1000x64xf32>
    %mul3A_1889 = arith.mulf %add3A_1869, %tanh3A_1879 : vector<1000x64xf32>
    %add3A_1890 = arith.addf %mul3A_1888, %mul3A_1889 : vector<1000x64xf32>
    %tanh3A_1891 = math.tanh %add3A_1890 : vector<1000x64xf32>
    %mul3A_1892 = arith.mulf %add3A_1887, %tanh3A_1891 : vector<1000x64xf32>
    %convert_element_type3A_1893 = arith.truncf %mul3A_223 : vector<1000x64xf32> to vector<1000x64xbf16>
    %convert_element_type3A_1894 = arith.truncf %mul3A_1660 : vector<1000x64xf32> to vector<1000x64xbf16>
    %convert_element_type3A_1895 = arith.truncf %mul3A_1892 : vector<1000x64xf32> to vector<1000x64xbf16>
    %concatenate3A_1896 = tpu.concatenate %convert_element_type3A_1893, %convert_element_type3A_1894, %convert_element_type3A_1895 in 1 : vector<1000x64xbf16>, vector<1000x64xbf16>, vector<1000x64xbf16> -> vector<1000x192xbf16>
    %dot_general3A_1897 = arith.constant dense<0.000000e+00> : vector<1000x256xf32>
    %dot_general3A_1898 = tpu.matmul %concatenate3A_1896, %get3A_1811, %dot_general3A_1897 {dimension_numbers = #tpu.dot_dimension_numbers<[1], [0], [0], [1], [0, 0, 1, 1], [], []>, transpose_lhs_hint = false} : vector<1000x192xbf16>, vector<192x256xbf16>, vector<1000x256xf32> -> vector<1000x256xf32>
    %add3A_1899 = vector.broadcast %get3A_1814 : vector<1x256xf32> to vector<1000x256xf32>
    %add3A_1900 = arith.addf %dot_general3A_1898, %add3A_1899 : vector<1000x256xf32>
    %slice3A_1901 = vector.extract_strided_slice %add3A_1900 {offsets = [0, 0], sizes = [1000, 64], strides = [1, 1]} : vector<1000x256xf32> to vector<1000x64xf32>
    %tanh3A_1902 = math.tanh %slice3A_1901 : vector<1000x64xf32>
    %mul3A_1903 = arith.constant 5.000000e-01 : f32
    %mul3A_1904 = vector.broadcast %mul3A_1903 : f32 to vector<1000x64xf32>
    %mul3A_1905 = arith.mulf %mul3A_1904, %tanh3A_1902 : vector<1000x64xf32>
    %add3A_1906 = arith.constant 5.000000e-01 : f32
    %add3A_1907 = vector.broadcast %add3A_1906 : f32 to vector<1000x64xf32>
    %add3A_1908 = arith.addf %mul3A_1905, %add3A_1907 : vector<1000x64xf32>
    %slice3A_1909 = vector.extract_strided_slice %add3A_1900 {offsets = [0, 64], sizes = [1000, 64], strides = [1, 1]} : vector<1000x256xf32> to vector<1000x64xf32>
    %tanh3A_1910 = math.tanh %slice3A_1909 : vector<1000x64xf32>
    %mul3A_1911 = arith.constant 5.000000e-01 : f32
    %mul3A_1912 = vector.broadcast %mul3A_1911 : f32 to vector<1000x64xf32>
    %mul3A_1913 = arith.mulf %mul3A_1912, %tanh3A_1910 : vector<1000x64xf32>
    %add3A_1914 = arith.constant 5.000000e-01 : f32
    %add3A_1915 = vector.broadcast %add3A_1914 : f32 to vector<1000x64xf32>
    %add3A_1916 = arith.addf %mul3A_1913, %add3A_1915 : vector<1000x64xf32>
    %slice3A_1917 = vector.extract_strided_slice %add3A_1900 {offsets = [0, 128], sizes = [1000, 64], strides = [1, 1]} : vector<1000x256xf32> to vector<1000x64xf32>
    %tanh3A_1918 = math.tanh %slice3A_1917 : vector<1000x64xf32>
    %slice3A_1919 = vector.extract_strided_slice %add3A_1900 {offsets = [0, 192], sizes = [1000, 64], strides = [1, 1]} : vector<1000x256xf32> to vector<1000x64xf32>
    %tanh3A_1920 = math.tanh %slice3A_1919 : vector<1000x64xf32>
    %mul3A_1921 = arith.constant 5.000000e-01 : f32
    %mul3A_1922 = vector.broadcast %mul3A_1921 : f32 to vector<1000x64xf32>
    %mul3A_1923 = arith.mulf %mul3A_1922, %tanh3A_1920 : vector<1000x64xf32>
    %add3A_1924 = arith.constant 5.000000e-01 : f32
    %add3A_1925 = vector.broadcast %add3A_1924 : f32 to vector<1000x64xf32>
    %add3A_1926 = arith.addf %mul3A_1923, %add3A_1925 : vector<1000x64xf32>
    %mul3A_1927 = arith.mulf %add3A_1916, %add3A_1890 : vector<1000x64xf32>
    %mul3A_1928 = arith.mulf %add3A_1908, %tanh3A_1918 : vector<1000x64xf32>
    %add3A_1929 = arith.addf %mul3A_1927, %mul3A_1928 : vector<1000x64xf32>
    %tanh3A_1930 = math.tanh %add3A_1929 : vector<1000x64xf32>
    %mul3A_1931 = arith.mulf %add3A_1926, %tanh3A_1930 : vector<1000x64xf32>
    %convert_element_type3A_1932 = arith.truncf %mul3A_297 : vector<1000x64xf32> to vector<1000x64xbf16>
    %convert_element_type3A_1933 = arith.truncf %mul3A_1586 : vector<1000x64xf32> to vector<1000x64xbf16>
    %convert_element_type3A_1934 = arith.truncf %mul3A_1931 : vector<1000x64xf32> to vector<1000x64xbf16>
    %concatenate3A_1935 = tpu.concatenate %convert_element_type3A_1932, %convert_element_type3A_1933, %convert_element_type3A_1934 in 1 : vector<1000x64xbf16>, vector<1000x64xbf16>, vector<1000x64xbf16> -> vector<1000x192xbf16>
    %dot_general3A_1936 = arith.constant dense<0.000000e+00> : vector<1000x256xf32>
    %dot_general3A_1937 = tpu.matmul %concatenate3A_1935, %get3A_1811, %dot_general3A_1936 {dimension_numbers = #tpu.dot_dimension_numbers<[1], [0], [0], [1], [0, 0, 1, 1], [], []>, transpose_lhs_hint = false} : vector<1000x192xbf16>, vector<192x256xbf16>, vector<1000x256xf32> -> vector<1000x256xf32>
    %add3A_1938 = vector.broadcast %get3A_1814 : vector<1x256xf32> to vector<1000x256xf32>
    %add3A_1939 = arith.addf %dot_general3A_1937, %add3A_1938 : vector<1000x256xf32>
    %slice3A_1940 = vector.extract_strided_slice %add3A_1939 {offsets = [0, 0], sizes = [1000, 64], strides = [1, 1]} : vector<1000x256xf32> to vector<1000x64xf32>
    %tanh3A_1941 = math.tanh %slice3A_1940 : vector<1000x64xf32>
    %mul3A_1942 = arith.constant 5.000000e-01 : f32
    %mul3A_1943 = vector.broadcast %mul3A_1942 : f32 to vector<1000x64xf32>
    %mul3A_1944 = arith.mulf %mul3A_1943, %tanh3A_1941 : vector<1000x64xf32>
    %add3A_1945 = arith.constant 5.000000e-01 : f32
    %add3A_1946 = vector.broadcast %add3A_1945 : f32 to vector<1000x64xf32>
    %add3A_1947 = arith.addf %mul3A_1944, %add3A_1946 : vector<1000x64xf32>
    %slice3A_1948 = vector.extract_strided_slice %add3A_1939 {offsets = [0, 64], sizes = [1000, 64], strides = [1, 1]} : vector<1000x256xf32> to vector<1000x64xf32>
    %tanh3A_1949 = math.tanh %slice3A_1948 : vector<1000x64xf32>
    %mul3A_1950 = arith.constant 5.000000e-01 : f32
    %mul3A_1951 = vector.broadcast %mul3A_1950 : f32 to vector<1000x64xf32>
    %mul3A_1952 = arith.mulf %mul3A_1951, %tanh3A_1949 : vector<1000x64xf32>
    %add3A_1953 = arith.constant 5.000000e-01 : f32
    %add3A_1954 = vector.broadcast %add3A_1953 : f32 to vector<1000x64xf32>
    %add3A_1955 = arith.addf %mul3A_1952, %add3A_1954 : vector<1000x64xf32>
    %slice3A_1956 = vector.extract_strided_slice %add3A_1939 {offsets = [0, 128], sizes = [1000, 64], strides = [1, 1]} : vector<1000x256xf32> to vector<1000x64xf32>
    %tanh3A_1957 = math.tanh %slice3A_1956 : vector<1000x64xf32>
    %slice3A_1958 = vector.extract_strided_slice %add3A_1939 {offsets = [0, 192], sizes = [1000, 64], strides = [1, 1]} : vector<1000x256xf32> to vector<1000x64xf32>
    %tanh3A_1959 = math.tanh %slice3A_1958 : vector<1000x64xf32>
    %mul3A_1960 = arith.constant 5.000000e-01 : f32
    %mul3A_1961 = vector.broadcast %mul3A_1960 : f32 to vector<1000x64xf32>
    %mul3A_1962 = arith.mulf %mul3A_1961, %tanh3A_1959 : vector<1000x64xf32>
    %add3A_1963 = arith.constant 5.000000e-01 : f32
    %add3A_1964 = vector.broadcast %add3A_1963 : f32 to vector<1000x64xf32>
    %add3A_1965 = arith.addf %mul3A_1962, %add3A_1964 : vector<1000x64xf32>
    %mul3A_1966 = arith.mulf %add3A_1955, %add3A_1929 : vector<1000x64xf32>
    %mul3A_1967 = arith.mulf %add3A_1947, %tanh3A_1957 : vector<1000x64xf32>
    %add3A_1968 = arith.addf %mul3A_1966, %mul3A_1967 : vector<1000x64xf32>
    %tanh3A_1969 = math.tanh %add3A_1968 : vector<1000x64xf32>
    %mul3A_1970 = arith.mulf %add3A_1965, %tanh3A_1969 : vector<1000x64xf32>
    %convert_element_type3A_1971 = arith.truncf %mul3A_371 : vector<1000x64xf32> to vector<1000x64xbf16>
    %convert_element_type3A_1972 = arith.truncf %mul3A_1512 : vector<1000x64xf32> to vector<1000x64xbf16>
    %convert_element_type3A_1973 = arith.truncf %mul3A_1970 : vector<1000x64xf32> to vector<1000x64xbf16>
    %concatenate3A_1974 = tpu.concatenate %convert_element_type3A_1971, %convert_element_type3A_1972, %convert_element_type3A_1973 in 1 : vector<1000x64xbf16>, vector<1000x64xbf16>, vector<1000x64xbf16> -> vector<1000x192xbf16>
    %dot_general3A_1975 = arith.constant dense<0.000000e+00> : vector<1000x256xf32>
    %dot_general3A_1976 = tpu.matmul %concatenate3A_1974, %get3A_1811, %dot_general3A_1975 {dimension_numbers = #tpu.dot_dimension_numbers<[1], [0], [0], [1], [0, 0, 1, 1], [], []>, transpose_lhs_hint = false} : vector<1000x192xbf16>, vector<192x256xbf16>, vector<1000x256xf32> -> vector<1000x256xf32>
    %add3A_1977 = vector.broadcast %get3A_1814 : vector<1x256xf32> to vector<1000x256xf32>
    %add3A_1978 = arith.addf %dot_general3A_1976, %add3A_1977 : vector<1000x256xf32>
    %slice3A_1979 = vector.extract_strided_slice %add3A_1978 {offsets = [0, 0], sizes = [1000, 64], strides = [1, 1]} : vector<1000x256xf32> to vector<1000x64xf32>
    %tanh3A_1980 = math.tanh %slice3A_1979 : vector<1000x64xf32>
    %mul3A_1981 = arith.constant 5.000000e-01 : f32
    %mul3A_1982 = vector.broadcast %mul3A_1981 : f32 to vector<1000x64xf32>
    %mul3A_1983 = arith.mulf %mul3A_1982, %tanh3A_1980 : vector<1000x64xf32>
    %add3A_1984 = arith.constant 5.000000e-01 : f32
    %add3A_1985 = vector.broadcast %add3A_1984 : f32 to vector<1000x64xf32>
    %add3A_1986 = arith.addf %mul3A_1983, %add3A_1985 : vector<1000x64xf32>
    %slice3A_1987 = vector.extract_strided_slice %add3A_1978 {offsets = [0, 64], sizes = [1000, 64], strides = [1, 1]} : vector<1000x256xf32> to vector<1000x64xf32>
    %tanh3A_1988 = math.tanh %slice3A_1987 : vector<1000x64xf32>
    %mul3A_1989 = arith.constant 5.000000e-01 : f32
    %mul3A_1990 = vector.broadcast %mul3A_1989 : f32 to vector<1000x64xf32>
    %mul3A_1991 = arith.mulf %mul3A_1990, %tanh3A_1988 : vector<1000x64xf32>
    %add3A_1992 = arith.constant 5.000000e-01 : f32
    %add3A_1993 = vector.broadcast %add3A_1992 : f32 to vector<1000x64xf32>
    %add3A_1994 = arith.addf %mul3A_1991, %add3A_1993 : vector<1000x64xf32>
    %slice3A_1995 = vector.extract_strided_slice %add3A_1978 {offsets = [0, 128], sizes = [1000, 64], strides = [1, 1]} : vector<1000x256xf32> to vector<1000x64xf32>
    %tanh3A_1996 = math.tanh %slice3A_1995 : vector<1000x64xf32>
    %slice3A_1997 = vector.extract_strided_slice %add3A_1978 {offsets = [0, 192], sizes = [1000, 64], strides = [1, 1]} : vector<1000x256xf32> to vector<1000x64xf32>
    %tanh3A_1998 = math.tanh %slice3A_1997 : vector<1000x64xf32>
    %mul3A_1999 = arith.constant 5.000000e-01 : f32
    %mul3A_2000 = vector.broadcast %mul3A_1999 : f32 to vector<1000x64xf32>
    %mul3A_2001 = arith.mulf %mul3A_2000, %tanh3A_1998 : vector<1000x64xf32>
    %add3A_2002 = arith.constant 5.000000e-01 : f32
    %add3A_2003 = vector.broadcast %add3A_2002 : f32 to vector<1000x64xf32>
    %add3A_2004 = arith.addf %mul3A_2001, %add3A_2003 : vector<1000x64xf32>
    %mul3A_2005 = arith.mulf %add3A_1994, %add3A_1968 : vector<1000x64xf32>
    %mul3A_2006 = arith.mulf %add3A_1986, %tanh3A_1996 : vector<1000x64xf32>
    %add3A_2007 = arith.addf %mul3A_2005, %mul3A_2006 : vector<1000x64xf32>
    %tanh3A_2008 = math.tanh %add3A_2007 : vector<1000x64xf32>
    %mul3A_2009 = arith.mulf %add3A_2004, %tanh3A_2008 : vector<1000x64xf32>
    %convert_element_type3A_2010 = arith.truncf %mul3A_445 : vector<1000x64xf32> to vector<1000x64xbf16>
    %convert_element_type3A_2011 = arith.truncf %mul3A_1438 : vector<1000x64xf32> to vector<1000x64xbf16>
    %convert_element_type3A_2012 = arith.truncf %mul3A_2009 : vector<1000x64xf32> to vector<1000x64xbf16>
    %concatenate3A_2013 = tpu.concatenate %convert_element_type3A_2010, %convert_element_type3A_2011, %convert_element_type3A_2012 in 1 : vector<1000x64xbf16>, vector<1000x64xbf16>, vector<1000x64xbf16> -> vector<1000x192xbf16>
    %dot_general3A_2014 = arith.constant dense<0.000000e+00> : vector<1000x256xf32>
    %dot_general3A_2015 = tpu.matmul %concatenate3A_2013, %get3A_1811, %dot_general3A_2014 {dimension_numbers = #tpu.dot_dimension_numbers<[1], [0], [0], [1], [0, 0, 1, 1], [], []>, transpose_lhs_hint = false} : vector<1000x192xbf16>, vector<192x256xbf16>, vector<1000x256xf32> -> vector<1000x256xf32>
    %add3A_2016 = vector.broadcast %get3A_1814 : vector<1x256xf32> to vector<1000x256xf32>
    %add3A_2017 = arith.addf %dot_general3A_2015, %add3A_2016 : vector<1000x256xf32>
    %slice3A_2018 = vector.extract_strided_slice %add3A_2017 {offsets = [0, 0], sizes = [1000, 64], strides = [1, 1]} : vector<1000x256xf32> to vector<1000x64xf32>
    %tanh3A_2019 = math.tanh %slice3A_2018 : vector<1000x64xf32>
    %mul3A_2020 = arith.constant 5.000000e-01 : f32
    %mul3A_2021 = vector.broadcast %mul3A_2020 : f32 to vector<1000x64xf32>
    %mul3A_2022 = arith.mulf %mul3A_2021, %tanh3A_2019 : vector<1000x64xf32>
    %add3A_2023 = arith.constant 5.000000e-01 : f32
    %add3A_2024 = vector.broadcast %add3A_2023 : f32 to vector<1000x64xf32>
    %add3A_2025 = arith.addf %mul3A_2022, %add3A_2024 : vector<1000x64xf32>
    %slice3A_2026 = vector.extract_strided_slice %add3A_2017 {offsets = [0, 64], sizes = [1000, 64], strides = [1, 1]} : vector<1000x256xf32> to vector<1000x64xf32>
    %tanh3A_2027 = math.tanh %slice3A_2026 : vector<1000x64xf32>
    %mul3A_2028 = arith.constant 5.000000e-01 : f32
    %mul3A_2029 = vector.broadcast %mul3A_2028 : f32 to vector<1000x64xf32>
    %mul3A_2030 = arith.mulf %mul3A_2029, %tanh3A_2027 : vector<1000x64xf32>
    %add3A_2031 = arith.constant 5.000000e-01 : f32
    %add3A_2032 = vector.broadcast %add3A_2031 : f32 to vector<1000x64xf32>
    %add3A_2033 = arith.addf %mul3A_2030, %add3A_2032 : vector<1000x64xf32>
    %slice3A_2034 = vector.extract_strided_slice %add3A_2017 {offsets = [0, 128], sizes = [1000, 64], strides = [1, 1]} : vector<1000x256xf32> to vector<1000x64xf32>
    %tanh3A_2035 = math.tanh %slice3A_2034 : vector<1000x64xf32>
    %slice3A_2036 = vector.extract_strided_slice %add3A_2017 {offsets = [0, 192], sizes = [1000, 64], strides = [1, 1]} : vector<1000x256xf32> to vector<1000x64xf32>
    %tanh3A_2037 = math.tanh %slice3A_2036 : vector<1000x64xf32>
    %mul3A_2038 = arith.constant 5.000000e-01 : f32
    %mul3A_2039 = vector.broadcast %mul3A_2038 : f32 to vector<1000x64xf32>
    %mul3A_2040 = arith.mulf %mul3A_2039, %tanh3A_2037 : vector<1000x64xf32>
    %add3A_2041 = arith.constant 5.000000e-01 : f32
    %add3A_2042 = vector.broadcast %add3A_2041 : f32 to vector<1000x64xf32>
    %add3A_2043 = arith.addf %mul3A_2040, %add3A_2042 : vector<1000x64xf32>
    %mul3A_2044 = arith.mulf %add3A_2033, %add3A_2007 : vector<1000x64xf32>
    %mul3A_2045 = arith.mulf %add3A_2025, %tanh3A_2035 : vector<1000x64xf32>
    %add3A_2046 = arith.addf %mul3A_2044, %mul3A_2045 : vector<1000x64xf32>
    %tanh3A_2047 = math.tanh %add3A_2046 : vector<1000x64xf32>
    %mul3A_2048 = arith.mulf %add3A_2043, %tanh3A_2047 : vector<1000x64xf32>
    %convert_element_type3A_2049 = arith.truncf %mul3A_519 : vector<1000x64xf32> to vector<1000x64xbf16>
    %convert_element_type3A_2050 = arith.truncf %mul3A_1364 : vector<1000x64xf32> to vector<1000x64xbf16>
    %convert_element_type3A_2051 = arith.truncf %mul3A_2048 : vector<1000x64xf32> to vector<1000x64xbf16>
    %concatenate3A_2052 = tpu.concatenate %convert_element_type3A_2049, %convert_element_type3A_2050, %convert_element_type3A_2051 in 1 : vector<1000x64xbf16>, vector<1000x64xbf16>, vector<1000x64xbf16> -> vector<1000x192xbf16>
    %dot_general3A_2053 = arith.constant dense<0.000000e+00> : vector<1000x256xf32>
    %dot_general3A_2054 = tpu.matmul %concatenate3A_2052, %get3A_1811, %dot_general3A_2053 {dimension_numbers = #tpu.dot_dimension_numbers<[1], [0], [0], [1], [0, 0, 1, 1], [], []>, transpose_lhs_hint = false} : vector<1000x192xbf16>, vector<192x256xbf16>, vector<1000x256xf32> -> vector<1000x256xf32>
    %add3A_2055 = vector.broadcast %get3A_1814 : vector<1x256xf32> to vector<1000x256xf32>
    %add3A_2056 = arith.addf %dot_general3A_2054, %add3A_2055 : vector<1000x256xf32>
    %slice3A_2057 = vector.extract_strided_slice %add3A_2056 {offsets = [0, 0], sizes = [1000, 64], strides = [1, 1]} : vector<1000x256xf32> to vector<1000x64xf32>
    %tanh3A_2058 = math.tanh %slice3A_2057 : vector<1000x64xf32>
    %mul3A_2059 = arith.constant 5.000000e-01 : f32
    %mul3A_2060 = vector.broadcast %mul3A_2059 : f32 to vector<1000x64xf32>
    %mul3A_2061 = arith.mulf %mul3A_2060, %tanh3A_2058 : vector<1000x64xf32>
    %add3A_2062 = arith.constant 5.000000e-01 : f32
    %add3A_2063 = vector.broadcast %add3A_2062 : f32 to vector<1000x64xf32>
    %add3A_2064 = arith.addf %mul3A_2061, %add3A_2063 : vector<1000x64xf32>
    %slice3A_2065 = vector.extract_strided_slice %add3A_2056 {offsets = [0, 64], sizes = [1000, 64], strides = [1, 1]} : vector<1000x256xf32> to vector<1000x64xf32>
    %tanh3A_2066 = math.tanh %slice3A_2065 : vector<1000x64xf32>
    %mul3A_2067 = arith.constant 5.000000e-01 : f32
    %mul3A_2068 = vector.broadcast %mul3A_2067 : f32 to vector<1000x64xf32>
    %mul3A_2069 = arith.mulf %mul3A_2068, %tanh3A_2066 : vector<1000x64xf32>
    %add3A_2070 = arith.constant 5.000000e-01 : f32
    %add3A_2071 = vector.broadcast %add3A_2070 : f32 to vector<1000x64xf32>
    %add3A_2072 = arith.addf %mul3A_2069, %add3A_2071 : vector<1000x64xf32>
    %slice3A_2073 = vector.extract_strided_slice %add3A_2056 {offsets = [0, 128], sizes = [1000, 64], strides = [1, 1]} : vector<1000x256xf32> to vector<1000x64xf32>
    %tanh3A_2074 = math.tanh %slice3A_2073 : vector<1000x64xf32>
    %slice3A_2075 = vector.extract_strided_slice %add3A_2056 {offsets = [0, 192], sizes = [1000, 64], strides = [1, 1]} : vector<1000x256xf32> to vector<1000x64xf32>
    %tanh3A_2076 = math.tanh %slice3A_2075 : vector<1000x64xf32>
    %mul3A_2077 = arith.constant 5.000000e-01 : f32
    %mul3A_2078 = vector.broadcast %mul3A_2077 : f32 to vector<1000x64xf32>
    %mul3A_2079 = arith.mulf %mul3A_2078, %tanh3A_2076 : vector<1000x64xf32>
    %add3A_2080 = arith.constant 5.000000e-01 : f32
    %add3A_2081 = vector.broadcast %add3A_2080 : f32 to vector<1000x64xf32>
    %add3A_2082 = arith.addf %mul3A_2079, %add3A_2081 : vector<1000x64xf32>
    %mul3A_2083 = arith.mulf %add3A_2072, %add3A_2046 : vector<1000x64xf32>
    %mul3A_2084 = arith.mulf %add3A_2064, %tanh3A_2074 : vector<1000x64xf32>
    %add3A_2085 = arith.addf %mul3A_2083, %mul3A_2084 : vector<1000x64xf32>
    %tanh3A_2086 = math.tanh %add3A_2085 : vector<1000x64xf32>
    %mul3A_2087 = arith.mulf %add3A_2082, %tanh3A_2086 : vector<1000x64xf32>
    %convert_element_type3A_2088 = arith.truncf %mul3A_593 : vector<1000x64xf32> to vector<1000x64xbf16>
    %convert_element_type3A_2089 = arith.truncf %mul3A_1290 : vector<1000x64xf32> to vector<1000x64xbf16>
    %convert_element_type3A_2090 = arith.truncf %mul3A_2087 : vector<1000x64xf32> to vector<1000x64xbf16>
    %concatenate3A_2091 = tpu.concatenate %convert_element_type3A_2088, %convert_element_type3A_2089, %convert_element_type3A_2090 in 1 : vector<1000x64xbf16>, vector<1000x64xbf16>, vector<1000x64xbf16> -> vector<1000x192xbf16>
    %dot_general3A_2092 = arith.constant dense<0.000000e+00> : vector<1000x256xf32>
    %dot_general3A_2093 = tpu.matmul %concatenate3A_2091, %get3A_1811, %dot_general3A_2092 {dimension_numbers = #tpu.dot_dimension_numbers<[1], [0], [0], [1], [0, 0, 1, 1], [], []>, transpose_lhs_hint = false} : vector<1000x192xbf16>, vector<192x256xbf16>, vector<1000x256xf32> -> vector<1000x256xf32>
    %add3A_2094 = vector.broadcast %get3A_1814 : vector<1x256xf32> to vector<1000x256xf32>
    %add3A_2095 = arith.addf %dot_general3A_2093, %add3A_2094 : vector<1000x256xf32>
    %slice3A_2096 = vector.extract_strided_slice %add3A_2095 {offsets = [0, 0], sizes = [1000, 64], strides = [1, 1]} : vector<1000x256xf32> to vector<1000x64xf32>
    %tanh3A_2097 = math.tanh %slice3A_2096 : vector<1000x64xf32>
    %mul3A_2098 = arith.constant 5.000000e-01 : f32
    %mul3A_2099 = vector.broadcast %mul3A_2098 : f32 to vector<1000x64xf32>
    %mul3A_2100 = arith.mulf %mul3A_2099, %tanh3A_2097 : vector<1000x64xf32>
    %add3A_2101 = arith.constant 5.000000e-01 : f32
    %add3A_2102 = vector.broadcast %add3A_2101 : f32 to vector<1000x64xf32>
    %add3A_2103 = arith.addf %mul3A_2100, %add3A_2102 : vector<1000x64xf32>
    %slice3A_2104 = vector.extract_strided_slice %add3A_2095 {offsets = [0, 64], sizes = [1000, 64], strides = [1, 1]} : vector<1000x256xf32> to vector<1000x64xf32>
    %tanh3A_2105 = math.tanh %slice3A_2104 : vector<1000x64xf32>
    %mul3A_2106 = arith.constant 5.000000e-01 : f32
    %mul3A_2107 = vector.broadcast %mul3A_2106 : f32 to vector<1000x64xf32>
    %mul3A_2108 = arith.mulf %mul3A_2107, %tanh3A_2105 : vector<1000x64xf32>
    %add3A_2109 = arith.constant 5.000000e-01 : f32
    %add3A_2110 = vector.broadcast %add3A_2109 : f32 to vector<1000x64xf32>
    %add3A_2111 = arith.addf %mul3A_2108, %add3A_2110 : vector<1000x64xf32>
    %slice3A_2112 = vector.extract_strided_slice %add3A_2095 {offsets = [0, 128], sizes = [1000, 64], strides = [1, 1]} : vector<1000x256xf32> to vector<1000x64xf32>
    %tanh3A_2113 = math.tanh %slice3A_2112 : vector<1000x64xf32>
    %slice3A_2114 = vector.extract_strided_slice %add3A_2095 {offsets = [0, 192], sizes = [1000, 64], strides = [1, 1]} : vector<1000x256xf32> to vector<1000x64xf32>
    %tanh3A_2115 = math.tanh %slice3A_2114 : vector<1000x64xf32>
    %mul3A_2116 = arith.constant 5.000000e-01 : f32
    %mul3A_2117 = vector.broadcast %mul3A_2116 : f32 to vector<1000x64xf32>
    %mul3A_2118 = arith.mulf %mul3A_2117, %tanh3A_2115 : vector<1000x64xf32>
    %add3A_2119 = arith.constant 5.000000e-01 : f32
    %add3A_2120 = vector.broadcast %add3A_2119 : f32 to vector<1000x64xf32>
    %add3A_2121 = arith.addf %mul3A_2118, %add3A_2120 : vector<1000x64xf32>
    %mul3A_2122 = arith.mulf %add3A_2111, %add3A_2085 : vector<1000x64xf32>
    %mul3A_2123 = arith.mulf %add3A_2103, %tanh3A_2113 : vector<1000x64xf32>
    %add3A_2124 = arith.addf %mul3A_2122, %mul3A_2123 : vector<1000x64xf32>
    %tanh3A_2125 = math.tanh %add3A_2124 : vector<1000x64xf32>
    %mul3A_2126 = arith.mulf %add3A_2121, %tanh3A_2125 : vector<1000x64xf32>
    %convert_element_type3A_2127 = arith.truncf %mul3A_667 : vector<1000x64xf32> to vector<1000x64xbf16>
    %convert_element_type3A_2128 = arith.truncf %mul3A_1216 : vector<1000x64xf32> to vector<1000x64xbf16>
    %convert_element_type3A_2129 = arith.truncf %mul3A_2126 : vector<1000x64xf32> to vector<1000x64xbf16>
    %concatenate3A_2130 = tpu.concatenate %convert_element_type3A_2127, %convert_element_type3A_2128, %convert_element_type3A_2129 in 1 : vector<1000x64xbf16>, vector<1000x64xbf16>, vector<1000x64xbf16> -> vector<1000x192xbf16>
    %dot_general3A_2131 = arith.constant dense<0.000000e+00> : vector<1000x256xf32>
    %dot_general3A_2132 = tpu.matmul %concatenate3A_2130, %get3A_1811, %dot_general3A_2131 {dimension_numbers = #tpu.dot_dimension_numbers<[1], [0], [0], [1], [0, 0, 1, 1], [], []>, transpose_lhs_hint = false} : vector<1000x192xbf16>, vector<192x256xbf16>, vector<1000x256xf32> -> vector<1000x256xf32>
    %add3A_2133 = vector.broadcast %get3A_1814 : vector<1x256xf32> to vector<1000x256xf32>
    %add3A_2134 = arith.addf %dot_general3A_2132, %add3A_2133 : vector<1000x256xf32>
    %slice3A_2135 = vector.extract_strided_slice %add3A_2134 {offsets = [0, 0], sizes = [1000, 64], strides = [1, 1]} : vector<1000x256xf32> to vector<1000x64xf32>
    %tanh3A_2136 = math.tanh %slice3A_2135 : vector<1000x64xf32>
    %mul3A_2137 = arith.constant 5.000000e-01 : f32
    %mul3A_2138 = vector.broadcast %mul3A_2137 : f32 to vector<1000x64xf32>
    %mul3A_2139 = arith.mulf %mul3A_2138, %tanh3A_2136 : vector<1000x64xf32>
    %add3A_2140 = arith.constant 5.000000e-01 : f32
    %add3A_2141 = vector.broadcast %add3A_2140 : f32 to vector<1000x64xf32>
    %add3A_2142 = arith.addf %mul3A_2139, %add3A_2141 : vector<1000x64xf32>
    %slice3A_2143 = vector.extract_strided_slice %add3A_2134 {offsets = [0, 64], sizes = [1000, 64], strides = [1, 1]} : vector<1000x256xf32> to vector<1000x64xf32>
    %tanh3A_2144 = math.tanh %slice3A_2143 : vector<1000x64xf32>
    %mul3A_2145 = arith.constant 5.000000e-01 : f32
    %mul3A_2146 = vector.broadcast %mul3A_2145 : f32 to vector<1000x64xf32>
    %mul3A_2147 = arith.mulf %mul3A_2146, %tanh3A_2144 : vector<1000x64xf32>
    %add3A_2148 = arith.constant 5.000000e-01 : f32
    %add3A_2149 = vector.broadcast %add3A_2148 : f32 to vector<1000x64xf32>
    %add3A_2150 = arith.addf %mul3A_2147, %add3A_2149 : vector<1000x64xf32>
    %slice3A_2151 = vector.extract_strided_slice %add3A_2134 {offsets = [0, 128], sizes = [1000, 64], strides = [1, 1]} : vector<1000x256xf32> to vector<1000x64xf32>
    %tanh3A_2152 = math.tanh %slice3A_2151 : vector<1000x64xf32>
    %slice3A_2153 = vector.extract_strided_slice %add3A_2134 {offsets = [0, 192], sizes = [1000, 64], strides = [1, 1]} : vector<1000x256xf32> to vector<1000x64xf32>
    %tanh3A_2154 = math.tanh %slice3A_2153 : vector<1000x64xf32>
    %mul3A_2155 = arith.constant 5.000000e-01 : f32
    %mul3A_2156 = vector.broadcast %mul3A_2155 : f32 to vector<1000x64xf32>
    %mul3A_2157 = arith.mulf %mul3A_2156, %tanh3A_2154 : vector<1000x64xf32>
    %add3A_2158 = arith.constant 5.000000e-01 : f32
    %add3A_2159 = vector.broadcast %add3A_2158 : f32 to vector<1000x64xf32>
    %add3A_2160 = arith.addf %mul3A_2157, %add3A_2159 : vector<1000x64xf32>
    %mul3A_2161 = arith.mulf %add3A_2150, %add3A_2124 : vector<1000x64xf32>
    %mul3A_2162 = arith.mulf %add3A_2142, %tanh3A_2152 : vector<1000x64xf32>
    %add3A_2163 = arith.addf %mul3A_2161, %mul3A_2162 : vector<1000x64xf32>
    %tanh3A_2164 = math.tanh %add3A_2163 : vector<1000x64xf32>
    %mul3A_2165 = arith.mulf %add3A_2160, %tanh3A_2164 : vector<1000x64xf32>
    %convert_element_type3A_2166 = arith.truncf %mul3A_741 : vector<1000x64xf32> to vector<1000x64xbf16>
    %convert_element_type3A_2167 = arith.truncf %mul3A_1142 : vector<1000x64xf32> to vector<1000x64xbf16>
    %convert_element_type3A_2168 = arith.truncf %mul3A_2165 : vector<1000x64xf32> to vector<1000x64xbf16>
    %concatenate3A_2169 = tpu.concatenate %convert_element_type3A_2166, %convert_element_type3A_2167, %convert_element_type3A_2168 in 1 : vector<1000x64xbf16>, vector<1000x64xbf16>, vector<1000x64xbf16> -> vector<1000x192xbf16>
    %dot_general3A_2170 = arith.constant dense<0.000000e+00> : vector<1000x256xf32>
    %dot_general3A_2171 = tpu.matmul %concatenate3A_2169, %get3A_1811, %dot_general3A_2170 {dimension_numbers = #tpu.dot_dimension_numbers<[1], [0], [0], [1], [0, 0, 1, 1], [], []>, transpose_lhs_hint = false} : vector<1000x192xbf16>, vector<192x256xbf16>, vector<1000x256xf32> -> vector<1000x256xf32>
    %add3A_2172 = vector.broadcast %get3A_1814 : vector<1x256xf32> to vector<1000x256xf32>
    %add3A_2173 = arith.addf %dot_general3A_2171, %add3A_2172 : vector<1000x256xf32>
    %slice3A_2174 = vector.extract_strided_slice %add3A_2173 {offsets = [0, 0], sizes = [1000, 64], strides = [1, 1]} : vector<1000x256xf32> to vector<1000x64xf32>
    %tanh3A_2175 = math.tanh %slice3A_2174 : vector<1000x64xf32>
    %mul3A_2176 = arith.constant 5.000000e-01 : f32
    %mul3A_2177 = vector.broadcast %mul3A_2176 : f32 to vector<1000x64xf32>
    %mul3A_2178 = arith.mulf %mul3A_2177, %tanh3A_2175 : vector<1000x64xf32>
    %add3A_2179 = arith.constant 5.000000e-01 : f32
    %add3A_2180 = vector.broadcast %add3A_2179 : f32 to vector<1000x64xf32>
    %add3A_2181 = arith.addf %mul3A_2178, %add3A_2180 : vector<1000x64xf32>
    %slice3A_2182 = vector.extract_strided_slice %add3A_2173 {offsets = [0, 64], sizes = [1000, 64], strides = [1, 1]} : vector<1000x256xf32> to vector<1000x64xf32>
    %tanh3A_2183 = math.tanh %slice3A_2182 : vector<1000x64xf32>
    %mul3A_2184 = arith.constant 5.000000e-01 : f32
    %mul3A_2185 = vector.broadcast %mul3A_2184 : f32 to vector<1000x64xf32>
    %mul3A_2186 = arith.mulf %mul3A_2185, %tanh3A_2183 : vector<1000x64xf32>
    %add3A_2187 = arith.constant 5.000000e-01 : f32
    %add3A_2188 = vector.broadcast %add3A_2187 : f32 to vector<1000x64xf32>
    %add3A_2189 = arith.addf %mul3A_2186, %add3A_2188 : vector<1000x64xf32>
    %slice3A_2190 = vector.extract_strided_slice %add3A_2173 {offsets = [0, 128], sizes = [1000, 64], strides = [1, 1]} : vector<1000x256xf32> to vector<1000x64xf32>
    %tanh3A_2191 = math.tanh %slice3A_2190 : vector<1000x64xf32>
    %slice3A_2192 = vector.extract_strided_slice %add3A_2173 {offsets = [0, 192], sizes = [1000, 64], strides = [1, 1]} : vector<1000x256xf32> to vector<1000x64xf32>
    %tanh3A_2193 = math.tanh %slice3A_2192 : vector<1000x64xf32>
    %mul3A_2194 = arith.constant 5.000000e-01 : f32
    %mul3A_2195 = vector.broadcast %mul3A_2194 : f32 to vector<1000x64xf32>
    %mul3A_2196 = arith.mulf %mul3A_2195, %tanh3A_2193 : vector<1000x64xf32>
    %add3A_2197 = arith.constant 5.000000e-01 : f32
    %add3A_2198 = vector.broadcast %add3A_2197 : f32 to vector<1000x64xf32>
    %add3A_2199 = arith.addf %mul3A_2196, %add3A_2198 : vector<1000x64xf32>
    %mul3A_2200 = arith.mulf %add3A_2189, %add3A_2163 : vector<1000x64xf32>
    %mul3A_2201 = arith.mulf %add3A_2181, %tanh3A_2191 : vector<1000x64xf32>
    %add3A_2202 = arith.addf %mul3A_2200, %mul3A_2201 : vector<1000x64xf32>
    %tanh3A_2203 = math.tanh %add3A_2202 : vector<1000x64xf32>
    %mul3A_2204 = arith.mulf %add3A_2199, %tanh3A_2203 : vector<1000x64xf32>
    %convert_element_type3A_2205 = arith.truncf %mul3A_815 : vector<1000x64xf32> to vector<1000x64xbf16>
    %convert_element_type3A_2206 = arith.truncf %mul3A_1068 : vector<1000x64xf32> to vector<1000x64xbf16>
    %convert_element_type3A_2207 = arith.truncf %mul3A_2204 : vector<1000x64xf32> to vector<1000x64xbf16>
    %concatenate3A_2208 = tpu.concatenate %convert_element_type3A_2205, %convert_element_type3A_2206, %convert_element_type3A_2207 in 1 : vector<1000x64xbf16>, vector<1000x64xbf16>, vector<1000x64xbf16> -> vector<1000x192xbf16>
    %dot_general3A_2209 = arith.constant dense<0.000000e+00> : vector<1000x256xf32>
    %dot_general3A_2210 = tpu.matmul %concatenate3A_2208, %get3A_1811, %dot_general3A_2209 {dimension_numbers = #tpu.dot_dimension_numbers<[1], [0], [0], [1], [0, 0, 1, 1], [], []>, transpose_lhs_hint = false} : vector<1000x192xbf16>, vector<192x256xbf16>, vector<1000x256xf32> -> vector<1000x256xf32>
    %add3A_2211 = vector.broadcast %get3A_1814 : vector<1x256xf32> to vector<1000x256xf32>
    %add3A_2212 = arith.addf %dot_general3A_2210, %add3A_2211 : vector<1000x256xf32>
    %slice3A_2213 = vector.extract_strided_slice %add3A_2212 {offsets = [0, 0], sizes = [1000, 64], strides = [1, 1]} : vector<1000x256xf32> to vector<1000x64xf32>
    %tanh3A_2214 = math.tanh %slice3A_2213 : vector<1000x64xf32>
    %mul3A_2215 = arith.constant 5.000000e-01 : f32
    %mul3A_2216 = vector.broadcast %mul3A_2215 : f32 to vector<1000x64xf32>
    %mul3A_2217 = arith.mulf %mul3A_2216, %tanh3A_2214 : vector<1000x64xf32>
    %add3A_2218 = arith.constant 5.000000e-01 : f32
    %add3A_2219 = vector.broadcast %add3A_2218 : f32 to vector<1000x64xf32>
    %add3A_2220 = arith.addf %mul3A_2217, %add3A_2219 : vector<1000x64xf32>
    %slice3A_2221 = vector.extract_strided_slice %add3A_2212 {offsets = [0, 64], sizes = [1000, 64], strides = [1, 1]} : vector<1000x256xf32> to vector<1000x64xf32>
    %tanh3A_2222 = math.tanh %slice3A_2221 : vector<1000x64xf32>
    %mul3A_2223 = arith.constant 5.000000e-01 : f32
    %mul3A_2224 = vector.broadcast %mul3A_2223 : f32 to vector<1000x64xf32>
    %mul3A_2225 = arith.mulf %mul3A_2224, %tanh3A_2222 : vector<1000x64xf32>
    %add3A_2226 = arith.constant 5.000000e-01 : f32
    %add3A_2227 = vector.broadcast %add3A_2226 : f32 to vector<1000x64xf32>
    %add3A_2228 = arith.addf %mul3A_2225, %add3A_2227 : vector<1000x64xf32>
    %slice3A_2229 = vector.extract_strided_slice %add3A_2212 {offsets = [0, 128], sizes = [1000, 64], strides = [1, 1]} : vector<1000x256xf32> to vector<1000x64xf32>
    %tanh3A_2230 = math.tanh %slice3A_2229 : vector<1000x64xf32>
    %slice3A_2231 = vector.extract_strided_slice %add3A_2212 {offsets = [0, 192], sizes = [1000, 64], strides = [1, 1]} : vector<1000x256xf32> to vector<1000x64xf32>
    %tanh3A_2232 = math.tanh %slice3A_2231 : vector<1000x64xf32>
    %mul3A_2233 = arith.constant 5.000000e-01 : f32
    %mul3A_2234 = vector.broadcast %mul3A_2233 : f32 to vector<1000x64xf32>
    %mul3A_2235 = arith.mulf %mul3A_2234, %tanh3A_2232 : vector<1000x64xf32>
    %add3A_2236 = arith.constant 5.000000e-01 : f32
    %add3A_2237 = vector.broadcast %add3A_2236 : f32 to vector<1000x64xf32>
    %add3A_2238 = arith.addf %mul3A_2235, %add3A_2237 : vector<1000x64xf32>
    %mul3A_2239 = arith.mulf %add3A_2228, %add3A_2202 : vector<1000x64xf32>
    %mul3A_2240 = arith.mulf %add3A_2220, %tanh3A_2230 : vector<1000x64xf32>
    %add3A_2241 = arith.addf %mul3A_2239, %mul3A_2240 : vector<1000x64xf32>
    %tanh3A_2242 = math.tanh %add3A_2241 : vector<1000x64xf32>
    %mul3A_2243 = arith.mulf %add3A_2238, %tanh3A_2242 : vector<1000x64xf32>
    %convert_element_type3A_2244 = arith.truncf %mul3A_889 : vector<1000x64xf32> to vector<1000x64xbf16>
    %convert_element_type3A_2245 = arith.truncf %mul3A_994 : vector<1000x64xf32> to vector<1000x64xbf16>
    %convert_element_type3A_2246 = arith.truncf %mul3A_2243 : vector<1000x64xf32> to vector<1000x64xbf16>
    %concatenate3A_2247 = tpu.concatenate %convert_element_type3A_2244, %convert_element_type3A_2245, %convert_element_type3A_2246 in 1 : vector<1000x64xbf16>, vector<1000x64xbf16>, vector<1000x64xbf16> -> vector<1000x192xbf16>
    %dot_general3A_2248 = arith.constant dense<0.000000e+00> : vector<1000x256xf32>
    %dot_general3A_2249 = tpu.matmul %concatenate3A_2247, %get3A_1811, %dot_general3A_2248 {dimension_numbers = #tpu.dot_dimension_numbers<[1], [0], [0], [1], [0, 0, 1, 1], [], []>, transpose_lhs_hint = false} : vector<1000x192xbf16>, vector<192x256xbf16>, vector<1000x256xf32> -> vector<1000x256xf32>
    %add3A_2250 = vector.broadcast %get3A_1814 : vector<1x256xf32> to vector<1000x256xf32>
    %add3A_2251 = arith.addf %dot_general3A_2249, %add3A_2250 : vector<1000x256xf32>
    %slice3A_2252 = vector.extract_strided_slice %add3A_2251 {offsets = [0, 0], sizes = [1000, 64], strides = [1, 1]} : vector<1000x256xf32> to vector<1000x64xf32>
    %tanh3A_2253 = math.tanh %slice3A_2252 : vector<1000x64xf32>
    %mul3A_2254 = arith.constant 5.000000e-01 : f32
    %mul3A_2255 = vector.broadcast %mul3A_2254 : f32 to vector<1000x64xf32>
    %mul3A_2256 = arith.mulf %mul3A_2255, %tanh3A_2253 : vector<1000x64xf32>
    %add3A_2257 = arith.constant 5.000000e-01 : f32
    %add3A_2258 = vector.broadcast %add3A_2257 : f32 to vector<1000x64xf32>
    %add3A_2259 = arith.addf %mul3A_2256, %add3A_2258 : vector<1000x64xf32>
    %slice3A_2260 = vector.extract_strided_slice %add3A_2251 {offsets = [0, 64], sizes = [1000, 64], strides = [1, 1]} : vector<1000x256xf32> to vector<1000x64xf32>
    %tanh3A_2261 = math.tanh %slice3A_2260 : vector<1000x64xf32>
    %mul3A_2262 = arith.constant 5.000000e-01 : f32
    %mul3A_2263 = vector.broadcast %mul3A_2262 : f32 to vector<1000x64xf32>
    %mul3A_2264 = arith.mulf %mul3A_2263, %tanh3A_2261 : vector<1000x64xf32>
    %add3A_2265 = arith.constant 5.000000e-01 : f32
    %add3A_2266 = vector.broadcast %add3A_2265 : f32 to vector<1000x64xf32>
    %add3A_2267 = arith.addf %mul3A_2264, %add3A_2266 : vector<1000x64xf32>
    %slice3A_2268 = vector.extract_strided_slice %add3A_2251 {offsets = [0, 128], sizes = [1000, 64], strides = [1, 1]} : vector<1000x256xf32> to vector<1000x64xf32>
    %tanh3A_2269 = math.tanh %slice3A_2268 : vector<1000x64xf32>
    %slice3A_2270 = vector.extract_strided_slice %add3A_2251 {offsets = [0, 192], sizes = [1000, 64], strides = [1, 1]} : vector<1000x256xf32> to vector<1000x64xf32>
    %tanh3A_2271 = math.tanh %slice3A_2270 : vector<1000x64xf32>
    %mul3A_2272 = arith.constant 5.000000e-01 : f32
    %mul3A_2273 = vector.broadcast %mul3A_2272 : f32 to vector<1000x64xf32>
    %mul3A_2274 = arith.mulf %mul3A_2273, %tanh3A_2271 : vector<1000x64xf32>
    %add3A_2275 = arith.constant 5.000000e-01 : f32
    %add3A_2276 = vector.broadcast %add3A_2275 : f32 to vector<1000x64xf32>
    %add3A_2277 = arith.addf %mul3A_2274, %add3A_2276 : vector<1000x64xf32>
    %mul3A_2278 = arith.mulf %add3A_2267, %add3A_2241 : vector<1000x64xf32>
    %mul3A_2279 = arith.mulf %add3A_2259, %tanh3A_2269 : vector<1000x64xf32>
    %add3A_2280 = arith.addf %mul3A_2278, %mul3A_2279 : vector<1000x64xf32>
    %tanh3A_2281 = math.tanh %add3A_2280 : vector<1000x64xf32>
    %mul3A_2282 = arith.mulf %add3A_2277, %tanh3A_2281 : vector<1000x64xf32>
    %convert_element_type3A_2283 = arith.truncf %mul3A_963 : vector<1000x64xf32> to vector<1000x64xbf16>
    %convert_element_type3A_2284 = arith.truncf %mul3A_920 : vector<1000x64xf32> to vector<1000x64xbf16>
    %convert_element_type3A_2285 = arith.truncf %mul3A_2282 : vector<1000x64xf32> to vector<1000x64xbf16>
    %concatenate3A_2286 = tpu.concatenate %convert_element_type3A_2283, %convert_element_type3A_2284, %convert_element_type3A_2285 in 1 : vector<1000x64xbf16>, vector<1000x64xbf16>, vector<1000x64xbf16> -> vector<1000x192xbf16>
    %dot_general3A_2287 = arith.constant dense<0.000000e+00> : vector<1000x256xf32>
    %dot_general3A_2288 = tpu.matmul %concatenate3A_2286, %get3A_1811, %dot_general3A_2287 {dimension_numbers = #tpu.dot_dimension_numbers<[1], [0], [0], [1], [0, 0, 1, 1], [], []>, transpose_lhs_hint = false} : vector<1000x192xbf16>, vector<192x256xbf16>, vector<1000x256xf32> -> vector<1000x256xf32>
    %add3A_2289 = vector.broadcast %get3A_1814 : vector<1x256xf32> to vector<1000x256xf32>
    %add3A_2290 = arith.addf %dot_general3A_2288, %add3A_2289 : vector<1000x256xf32>
    %slice3A_2291 = vector.extract_strided_slice %add3A_2290 {offsets = [0, 0], sizes = [1000, 64], strides = [1, 1]} : vector<1000x256xf32> to vector<1000x64xf32>
    %tanh3A_2292 = math.tanh %slice3A_2291 : vector<1000x64xf32>
    %mul3A_2293 = arith.constant 5.000000e-01 : f32
    %mul3A_2294 = vector.broadcast %mul3A_2293 : f32 to vector<1000x64xf32>
    %mul3A_2295 = arith.mulf %mul3A_2294, %tanh3A_2292 : vector<1000x64xf32>
    %add3A_2296 = arith.constant 5.000000e-01 : f32
    %add3A_2297 = vector.broadcast %add3A_2296 : f32 to vector<1000x64xf32>
    %add3A_2298 = arith.addf %mul3A_2295, %add3A_2297 : vector<1000x64xf32>
    %slice3A_2299 = vector.extract_strided_slice %add3A_2290 {offsets = [0, 64], sizes = [1000, 64], strides = [1, 1]} : vector<1000x256xf32> to vector<1000x64xf32>
    %tanh3A_2300 = math.tanh %slice3A_2299 : vector<1000x64xf32>
    %mul3A_2301 = arith.constant 5.000000e-01 : f32
    %mul3A_2302 = vector.broadcast %mul3A_2301 : f32 to vector<1000x64xf32>
    %mul3A_2303 = arith.mulf %mul3A_2302, %tanh3A_2300 : vector<1000x64xf32>
    %add3A_2304 = arith.constant 5.000000e-01 : f32
    %add3A_2305 = vector.broadcast %add3A_2304 : f32 to vector<1000x64xf32>
    %add3A_2306 = arith.addf %mul3A_2303, %add3A_2305 : vector<1000x64xf32>
    %slice3A_2307 = vector.extract_strided_slice %add3A_2290 {offsets = [0, 128], sizes = [1000, 64], strides = [1, 1]} : vector<1000x256xf32> to vector<1000x64xf32>
    %tanh3A_2308 = math.tanh %slice3A_2307 : vector<1000x64xf32>
    %slice3A_2309 = vector.extract_strided_slice %add3A_2290 {offsets = [0, 192], sizes = [1000, 64], strides = [1, 1]} : vector<1000x256xf32> to vector<1000x64xf32>
    %tanh3A_2310 = math.tanh %slice3A_2309 : vector<1000x64xf32>
    %mul3A_2311 = arith.constant 5.000000e-01 : f32
    %mul3A_2312 = vector.broadcast %mul3A_2311 : f32 to vector<1000x64xf32>
    %mul3A_2313 = arith.mulf %mul3A_2312, %tanh3A_2310 : vector<1000x64xf32>
    %add3A_2314 = arith.constant 5.000000e-01 : f32
    %add3A_2315 = vector.broadcast %add3A_2314 : f32 to vector<1000x64xf32>
    %add3A_2316 = arith.addf %mul3A_2313, %add3A_2315 : vector<1000x64xf32>
    %mul3A_2317 = arith.mulf %add3A_2306, %add3A_2280 : vector<1000x64xf32>
    %mul3A_2318 = arith.mulf %add3A_2298, %tanh3A_2308 : vector<1000x64xf32>
    %add3A_2319 = arith.addf %mul3A_2317, %mul3A_2318 : vector<1000x64xf32>
    %tanh3A_2320 = math.tanh %add3A_2319 : vector<1000x64xf32>
    %mul3A_2321 = arith.mulf %add3A_2316, %tanh3A_2320 : vector<1000x64xf32>
    %convert_element_type3A_2322 = arith.truncf %mul3A_1037 : vector<1000x64xf32> to vector<1000x64xbf16>
    %convert_element_type3A_2323 = arith.truncf %mul3A_846 : vector<1000x64xf32> to vector<1000x64xbf16>
    %convert_element_type3A_2324 = arith.truncf %mul3A_2321 : vector<1000x64xf32> to vector<1000x64xbf16>
    %concatenate3A_2325 = tpu.concatenate %convert_element_type3A_2322, %convert_element_type3A_2323, %convert_element_type3A_2324 in 1 : vector<1000x64xbf16>, vector<1000x64xbf16>, vector<1000x64xbf16> -> vector<1000x192xbf16>
    %dot_general3A_2326 = arith.constant dense<0.000000e+00> : vector<1000x256xf32>
    %dot_general3A_2327 = tpu.matmul %concatenate3A_2325, %get3A_1811, %dot_general3A_2326 {dimension_numbers = #tpu.dot_dimension_numbers<[1], [0], [0], [1], [0, 0, 1, 1], [], []>, transpose_lhs_hint = false} : vector<1000x192xbf16>, vector<192x256xbf16>, vector<1000x256xf32> -> vector<1000x256xf32>
    %add3A_2328 = vector.broadcast %get3A_1814 : vector<1x256xf32> to vector<1000x256xf32>
    %add3A_2329 = arith.addf %dot_general3A_2327, %add3A_2328 : vector<1000x256xf32>
    %slice3A_2330 = vector.extract_strided_slice %add3A_2329 {offsets = [0, 0], sizes = [1000, 64], strides = [1, 1]} : vector<1000x256xf32> to vector<1000x64xf32>
    %tanh3A_2331 = math.tanh %slice3A_2330 : vector<1000x64xf32>
    %mul3A_2332 = arith.constant 5.000000e-01 : f32
    %mul3A_2333 = vector.broadcast %mul3A_2332 : f32 to vector<1000x64xf32>
    %mul3A_2334 = arith.mulf %mul3A_2333, %tanh3A_2331 : vector<1000x64xf32>
    %add3A_2335 = arith.constant 5.000000e-01 : f32
    %add3A_2336 = vector.broadcast %add3A_2335 : f32 to vector<1000x64xf32>
    %add3A_2337 = arith.addf %mul3A_2334, %add3A_2336 : vector<1000x64xf32>
    %slice3A_2338 = vector.extract_strided_slice %add3A_2329 {offsets = [0, 64], sizes = [1000, 64], strides = [1, 1]} : vector<1000x256xf32> to vector<1000x64xf32>
    %tanh3A_2339 = math.tanh %slice3A_2338 : vector<1000x64xf32>
    %mul3A_2340 = arith.constant 5.000000e-01 : f32
    %mul3A_2341 = vector.broadcast %mul3A_2340 : f32 to vector<1000x64xf32>
    %mul3A_2342 = arith.mulf %mul3A_2341, %tanh3A_2339 : vector<1000x64xf32>
    %add3A_2343 = arith.constant 5.000000e-01 : f32
    %add3A_2344 = vector.broadcast %add3A_2343 : f32 to vector<1000x64xf32>
    %add3A_2345 = arith.addf %mul3A_2342, %add3A_2344 : vector<1000x64xf32>
    %slice3A_2346 = vector.extract_strided_slice %add3A_2329 {offsets = [0, 128], sizes = [1000, 64], strides = [1, 1]} : vector<1000x256xf32> to vector<1000x64xf32>
    %tanh3A_2347 = math.tanh %slice3A_2346 : vector<1000x64xf32>
    %slice3A_2348 = vector.extract_strided_slice %add3A_2329 {offsets = [0, 192], sizes = [1000, 64], strides = [1, 1]} : vector<1000x256xf32> to vector<1000x64xf32>
    %tanh3A_2349 = math.tanh %slice3A_2348 : vector<1000x64xf32>
    %mul3A_2350 = arith.constant 5.000000e-01 : f32
    %mul3A_2351 = vector.broadcast %mul3A_2350 : f32 to vector<1000x64xf32>
    %mul3A_2352 = arith.mulf %mul3A_2351, %tanh3A_2349 : vector<1000x64xf32>
    %add3A_2353 = arith.constant 5.000000e-01 : f32
    %add3A_2354 = vector.broadcast %add3A_2353 : f32 to vector<1000x64xf32>
    %add3A_2355 = arith.addf %mul3A_2352, %add3A_2354 : vector<1000x64xf32>
    %mul3A_2356 = arith.mulf %add3A_2345, %add3A_2319 : vector<1000x64xf32>
    %mul3A_2357 = arith.mulf %add3A_2337, %tanh3A_2347 : vector<1000x64xf32>
    %add3A_2358 = arith.addf %mul3A_2356, %mul3A_2357 : vector<1000x64xf32>
    %tanh3A_2359 = math.tanh %add3A_2358 : vector<1000x64xf32>
    %mul3A_2360 = arith.mulf %add3A_2355, %tanh3A_2359 : vector<1000x64xf32>
    %convert_element_type3A_2361 = arith.truncf %mul3A_1111 : vector<1000x64xf32> to vector<1000x64xbf16>
    %convert_element_type3A_2362 = arith.truncf %mul3A_772 : vector<1000x64xf32> to vector<1000x64xbf16>
    %convert_element_type3A_2363 = arith.truncf %mul3A_2360 : vector<1000x64xf32> to vector<1000x64xbf16>
    %concatenate3A_2364 = tpu.concatenate %convert_element_type3A_2361, %convert_element_type3A_2362, %convert_element_type3A_2363 in 1 : vector<1000x64xbf16>, vector<1000x64xbf16>, vector<1000x64xbf16> -> vector<1000x192xbf16>
    %dot_general3A_2365 = arith.constant dense<0.000000e+00> : vector<1000x256xf32>
    %dot_general3A_2366 = tpu.matmul %concatenate3A_2364, %get3A_1811, %dot_general3A_2365 {dimension_numbers = #tpu.dot_dimension_numbers<[1], [0], [0], [1], [0, 0, 1, 1], [], []>, transpose_lhs_hint = false} : vector<1000x192xbf16>, vector<192x256xbf16>, vector<1000x256xf32> -> vector<1000x256xf32>
    %add3A_2367 = vector.broadcast %get3A_1814 : vector<1x256xf32> to vector<1000x256xf32>
    %add3A_2368 = arith.addf %dot_general3A_2366, %add3A_2367 : vector<1000x256xf32>
    %slice3A_2369 = vector.extract_strided_slice %add3A_2368 {offsets = [0, 0], sizes = [1000, 64], strides = [1, 1]} : vector<1000x256xf32> to vector<1000x64xf32>
    %tanh3A_2370 = math.tanh %slice3A_2369 : vector<1000x64xf32>
    %mul3A_2371 = arith.constant 5.000000e-01 : f32
    %mul3A_2372 = vector.broadcast %mul3A_2371 : f32 to vector<1000x64xf32>
    %mul3A_2373 = arith.mulf %mul3A_2372, %tanh3A_2370 : vector<1000x64xf32>
    %add3A_2374 = arith.constant 5.000000e-01 : f32
    %add3A_2375 = vector.broadcast %add3A_2374 : f32 to vector<1000x64xf32>
    %add3A_2376 = arith.addf %mul3A_2373, %add3A_2375 : vector<1000x64xf32>
    %slice3A_2377 = vector.extract_strided_slice %add3A_2368 {offsets = [0, 64], sizes = [1000, 64], strides = [1, 1]} : vector<1000x256xf32> to vector<1000x64xf32>
    %tanh3A_2378 = math.tanh %slice3A_2377 : vector<1000x64xf32>
    %mul3A_2379 = arith.constant 5.000000e-01 : f32
    %mul3A_2380 = vector.broadcast %mul3A_2379 : f32 to vector<1000x64xf32>
    %mul3A_2381 = arith.mulf %mul3A_2380, %tanh3A_2378 : vector<1000x64xf32>
    %add3A_2382 = arith.constant 5.000000e-01 : f32
    %add3A_2383 = vector.broadcast %add3A_2382 : f32 to vector<1000x64xf32>
    %add3A_2384 = arith.addf %mul3A_2381, %add3A_2383 : vector<1000x64xf32>
    %slice3A_2385 = vector.extract_strided_slice %add3A_2368 {offsets = [0, 128], sizes = [1000, 64], strides = [1, 1]} : vector<1000x256xf32> to vector<1000x64xf32>
    %tanh3A_2386 = math.tanh %slice3A_2385 : vector<1000x64xf32>
    %slice3A_2387 = vector.extract_strided_slice %add3A_2368 {offsets = [0, 192], sizes = [1000, 64], strides = [1, 1]} : vector<1000x256xf32> to vector<1000x64xf32>
    %tanh3A_2388 = math.tanh %slice3A_2387 : vector<1000x64xf32>
    %mul3A_2389 = arith.constant 5.000000e-01 : f32
    %mul3A_2390 = vector.broadcast %mul3A_2389 : f32 to vector<1000x64xf32>
    %mul3A_2391 = arith.mulf %mul3A_2390, %tanh3A_2388 : vector<1000x64xf32>
    %add3A_2392 = arith.constant 5.000000e-01 : f32
    %add3A_2393 = vector.broadcast %add3A_2392 : f32 to vector<1000x64xf32>
    %add3A_2394 = arith.addf %mul3A_2391, %add3A_2393 : vector<1000x64xf32>
    %mul3A_2395 = arith.mulf %add3A_2384, %add3A_2358 : vector<1000x64xf32>
    %mul3A_2396 = arith.mulf %add3A_2376, %tanh3A_2386 : vector<1000x64xf32>
    %add3A_2397 = arith.addf %mul3A_2395, %mul3A_2396 : vector<1000x64xf32>
    %tanh3A_2398 = math.tanh %add3A_2397 : vector<1000x64xf32>
    %mul3A_2399 = arith.mulf %add3A_2394, %tanh3A_2398 : vector<1000x64xf32>
    %convert_element_type3A_2400 = arith.truncf %mul3A_1185 : vector<1000x64xf32> to vector<1000x64xbf16>
    %convert_element_type3A_2401 = arith.truncf %mul3A_698 : vector<1000x64xf32> to vector<1000x64xbf16>
    %convert_element_type3A_2402 = arith.truncf %mul3A_2399 : vector<1000x64xf32> to vector<1000x64xbf16>
    %concatenate3A_2403 = tpu.concatenate %convert_element_type3A_2400, %convert_element_type3A_2401, %convert_element_type3A_2402 in 1 : vector<1000x64xbf16>, vector<1000x64xbf16>, vector<1000x64xbf16> -> vector<1000x192xbf16>
    %dot_general3A_2404 = arith.constant dense<0.000000e+00> : vector<1000x256xf32>
    %dot_general3A_2405 = tpu.matmul %concatenate3A_2403, %get3A_1811, %dot_general3A_2404 {dimension_numbers = #tpu.dot_dimension_numbers<[1], [0], [0], [1], [0, 0, 1, 1], [], []>, transpose_lhs_hint = false} : vector<1000x192xbf16>, vector<192x256xbf16>, vector<1000x256xf32> -> vector<1000x256xf32>
    %add3A_2406 = vector.broadcast %get3A_1814 : vector<1x256xf32> to vector<1000x256xf32>
    %add3A_2407 = arith.addf %dot_general3A_2405, %add3A_2406 : vector<1000x256xf32>
    %slice3A_2408 = vector.extract_strided_slice %add3A_2407 {offsets = [0, 0], sizes = [1000, 64], strides = [1, 1]} : vector<1000x256xf32> to vector<1000x64xf32>
    %tanh3A_2409 = math.tanh %slice3A_2408 : vector<1000x64xf32>
    %mul3A_2410 = arith.constant 5.000000e-01 : f32
    %mul3A_2411 = vector.broadcast %mul3A_2410 : f32 to vector<1000x64xf32>
    %mul3A_2412 = arith.mulf %mul3A_2411, %tanh3A_2409 : vector<1000x64xf32>
    %add3A_2413 = arith.constant 5.000000e-01 : f32
    %add3A_2414 = vector.broadcast %add3A_2413 : f32 to vector<1000x64xf32>
    %add3A_2415 = arith.addf %mul3A_2412, %add3A_2414 : vector<1000x64xf32>
    %slice3A_2416 = vector.extract_strided_slice %add3A_2407 {offsets = [0, 64], sizes = [1000, 64], strides = [1, 1]} : vector<1000x256xf32> to vector<1000x64xf32>
    %tanh3A_2417 = math.tanh %slice3A_2416 : vector<1000x64xf32>
    %mul3A_2418 = arith.constant 5.000000e-01 : f32
    %mul3A_2419 = vector.broadcast %mul3A_2418 : f32 to vector<1000x64xf32>
    %mul3A_2420 = arith.mulf %mul3A_2419, %tanh3A_2417 : vector<1000x64xf32>
    %add3A_2421 = arith.constant 5.000000e-01 : f32
    %add3A_2422 = vector.broadcast %add3A_2421 : f32 to vector<1000x64xf32>
    %add3A_2423 = arith.addf %mul3A_2420, %add3A_2422 : vector<1000x64xf32>
    %slice3A_2424 = vector.extract_strided_slice %add3A_2407 {offsets = [0, 128], sizes = [1000, 64], strides = [1, 1]} : vector<1000x256xf32> to vector<1000x64xf32>
    %tanh3A_2425 = math.tanh %slice3A_2424 : vector<1000x64xf32>
    %slice3A_2426 = vector.extract_strided_slice %add3A_2407 {offsets = [0, 192], sizes = [1000, 64], strides = [1, 1]} : vector<1000x256xf32> to vector<1000x64xf32>
    %tanh3A_2427 = math.tanh %slice3A_2426 : vector<1000x64xf32>
    %mul3A_2428 = arith.constant 5.000000e-01 : f32
    %mul3A_2429 = vector.broadcast %mul3A_2428 : f32 to vector<1000x64xf32>
    %mul3A_2430 = arith.mulf %mul3A_2429, %tanh3A_2427 : vector<1000x64xf32>
    %add3A_2431 = arith.constant 5.000000e-01 : f32
    %add3A_2432 = vector.broadcast %add3A_2431 : f32 to vector<1000x64xf32>
    %add3A_2433 = arith.addf %mul3A_2430, %add3A_2432 : vector<1000x64xf32>
    %mul3A_2434 = arith.mulf %add3A_2423, %add3A_2397 : vector<1000x64xf32>
    %mul3A_2435 = arith.mulf %add3A_2415, %tanh3A_2425 : vector<1000x64xf32>
    %add3A_2436 = arith.addf %mul3A_2434, %mul3A_2435 : vector<1000x64xf32>
    %tanh3A_2437 = math.tanh %add3A_2436 : vector<1000x64xf32>
    %mul3A_2438 = arith.mulf %add3A_2433, %tanh3A_2437 : vector<1000x64xf32>
    %convert_element_type3A_2439 = arith.truncf %mul3A_1259 : vector<1000x64xf32> to vector<1000x64xbf16>
    %convert_element_type3A_2440 = arith.truncf %mul3A_624 : vector<1000x64xf32> to vector<1000x64xbf16>
    %convert_element_type3A_2441 = arith.truncf %mul3A_2438 : vector<1000x64xf32> to vector<1000x64xbf16>
    %concatenate3A_2442 = tpu.concatenate %convert_element_type3A_2439, %convert_element_type3A_2440, %convert_element_type3A_2441 in 1 : vector<1000x64xbf16>, vector<1000x64xbf16>, vector<1000x64xbf16> -> vector<1000x192xbf16>
    %dot_general3A_2443 = arith.constant dense<0.000000e+00> : vector<1000x256xf32>
    %dot_general3A_2444 = tpu.matmul %concatenate3A_2442, %get3A_1811, %dot_general3A_2443 {dimension_numbers = #tpu.dot_dimension_numbers<[1], [0], [0], [1], [0, 0, 1, 1], [], []>, transpose_lhs_hint = false} : vector<1000x192xbf16>, vector<192x256xbf16>, vector<1000x256xf32> -> vector<1000x256xf32>
    %add3A_2445 = vector.broadcast %get3A_1814 : vector<1x256xf32> to vector<1000x256xf32>
    %add3A_2446 = arith.addf %dot_general3A_2444, %add3A_2445 : vector<1000x256xf32>
    %slice3A_2447 = vector.extract_strided_slice %add3A_2446 {offsets = [0, 0], sizes = [1000, 64], strides = [1, 1]} : vector<1000x256xf32> to vector<1000x64xf32>
    %tanh3A_2448 = math.tanh %slice3A_2447 : vector<1000x64xf32>
    %mul3A_2449 = arith.constant 5.000000e-01 : f32
    %mul3A_2450 = vector.broadcast %mul3A_2449 : f32 to vector<1000x64xf32>
    %mul3A_2451 = arith.mulf %mul3A_2450, %tanh3A_2448 : vector<1000x64xf32>
    %add3A_2452 = arith.constant 5.000000e-01 : f32
    %add3A_2453 = vector.broadcast %add3A_2452 : f32 to vector<1000x64xf32>
    %add3A_2454 = arith.addf %mul3A_2451, %add3A_2453 : vector<1000x64xf32>
    %slice3A_2455 = vector.extract_strided_slice %add3A_2446 {offsets = [0, 64], sizes = [1000, 64], strides = [1, 1]} : vector<1000x256xf32> to vector<1000x64xf32>
    %tanh3A_2456 = math.tanh %slice3A_2455 : vector<1000x64xf32>
    %mul3A_2457 = arith.constant 5.000000e-01 : f32
    %mul3A_2458 = vector.broadcast %mul3A_2457 : f32 to vector<1000x64xf32>
    %mul3A_2459 = arith.mulf %mul3A_2458, %tanh3A_2456 : vector<1000x64xf32>
    %add3A_2460 = arith.constant 5.000000e-01 : f32
    %add3A_2461 = vector.broadcast %add3A_2460 : f32 to vector<1000x64xf32>
    %add3A_2462 = arith.addf %mul3A_2459, %add3A_2461 : vector<1000x64xf32>
    %slice3A_2463 = vector.extract_strided_slice %add3A_2446 {offsets = [0, 128], sizes = [1000, 64], strides = [1, 1]} : vector<1000x256xf32> to vector<1000x64xf32>
    %tanh3A_2464 = math.tanh %slice3A_2463 : vector<1000x64xf32>
    %slice3A_2465 = vector.extract_strided_slice %add3A_2446 {offsets = [0, 192], sizes = [1000, 64], strides = [1, 1]} : vector<1000x256xf32> to vector<1000x64xf32>
    %tanh3A_2466 = math.tanh %slice3A_2465 : vector<1000x64xf32>
    %mul3A_2467 = arith.constant 5.000000e-01 : f32
    %mul3A_2468 = vector.broadcast %mul3A_2467 : f32 to vector<1000x64xf32>
    %mul3A_2469 = arith.mulf %mul3A_2468, %tanh3A_2466 : vector<1000x64xf32>
    %add3A_2470 = arith.constant 5.000000e-01 : f32
    %add3A_2471 = vector.broadcast %add3A_2470 : f32 to vector<1000x64xf32>
    %add3A_2472 = arith.addf %mul3A_2469, %add3A_2471 : vector<1000x64xf32>
    %mul3A_2473 = arith.mulf %add3A_2462, %add3A_2436 : vector<1000x64xf32>
    %mul3A_2474 = arith.mulf %add3A_2454, %tanh3A_2464 : vector<1000x64xf32>
    %add3A_2475 = arith.addf %mul3A_2473, %mul3A_2474 : vector<1000x64xf32>
    %tanh3A_2476 = math.tanh %add3A_2475 : vector<1000x64xf32>
    %mul3A_2477 = arith.mulf %add3A_2472, %tanh3A_2476 : vector<1000x64xf32>
    %convert_element_type3A_2478 = arith.truncf %mul3A_1333 : vector<1000x64xf32> to vector<1000x64xbf16>
    %convert_element_type3A_2479 = arith.truncf %mul3A_550 : vector<1000x64xf32> to vector<1000x64xbf16>
    %convert_element_type3A_2480 = arith.truncf %mul3A_2477 : vector<1000x64xf32> to vector<1000x64xbf16>
    %concatenate3A_2481 = tpu.concatenate %convert_element_type3A_2478, %convert_element_type3A_2479, %convert_element_type3A_2480 in 1 : vector<1000x64xbf16>, vector<1000x64xbf16>, vector<1000x64xbf16> -> vector<1000x192xbf16>
    %dot_general3A_2482 = arith.constant dense<0.000000e+00> : vector<1000x256xf32>
    %dot_general3A_2483 = tpu.matmul %concatenate3A_2481, %get3A_1811, %dot_general3A_2482 {dimension_numbers = #tpu.dot_dimension_numbers<[1], [0], [0], [1], [0, 0, 1, 1], [], []>, transpose_lhs_hint = false} : vector<1000x192xbf16>, vector<192x256xbf16>, vector<1000x256xf32> -> vector<1000x256xf32>
    %add3A_2484 = vector.broadcast %get3A_1814 : vector<1x256xf32> to vector<1000x256xf32>
    %add3A_2485 = arith.addf %dot_general3A_2483, %add3A_2484 : vector<1000x256xf32>
    %slice3A_2486 = vector.extract_strided_slice %add3A_2485 {offsets = [0, 0], sizes = [1000, 64], strides = [1, 1]} : vector<1000x256xf32> to vector<1000x64xf32>
    %tanh3A_2487 = math.tanh %slice3A_2486 : vector<1000x64xf32>
    %mul3A_2488 = arith.constant 5.000000e-01 : f32
    %mul3A_2489 = vector.broadcast %mul3A_2488 : f32 to vector<1000x64xf32>
    %mul3A_2490 = arith.mulf %mul3A_2489, %tanh3A_2487 : vector<1000x64xf32>
    %add3A_2491 = arith.constant 5.000000e-01 : f32
    %add3A_2492 = vector.broadcast %add3A_2491 : f32 to vector<1000x64xf32>
    %add3A_2493 = arith.addf %mul3A_2490, %add3A_2492 : vector<1000x64xf32>
    %slice3A_2494 = vector.extract_strided_slice %add3A_2485 {offsets = [0, 64], sizes = [1000, 64], strides = [1, 1]} : vector<1000x256xf32> to vector<1000x64xf32>
    %tanh3A_2495 = math.tanh %slice3A_2494 : vector<1000x64xf32>
    %mul3A_2496 = arith.constant 5.000000e-01 : f32
    %mul3A_2497 = vector.broadcast %mul3A_2496 : f32 to vector<1000x64xf32>
    %mul3A_2498 = arith.mulf %mul3A_2497, %tanh3A_2495 : vector<1000x64xf32>
    %add3A_2499 = arith.constant 5.000000e-01 : f32
    %add3A_2500 = vector.broadcast %add3A_2499 : f32 to vector<1000x64xf32>
    %add3A_2501 = arith.addf %mul3A_2498, %add3A_2500 : vector<1000x64xf32>
    %slice3A_2502 = vector.extract_strided_slice %add3A_2485 {offsets = [0, 128], sizes = [1000, 64], strides = [1, 1]} : vector<1000x256xf32> to vector<1000x64xf32>
    %tanh3A_2503 = math.tanh %slice3A_2502 : vector<1000x64xf32>
    %slice3A_2504 = vector.extract_strided_slice %add3A_2485 {offsets = [0, 192], sizes = [1000, 64], strides = [1, 1]} : vector<1000x256xf32> to vector<1000x64xf32>
    %tanh3A_2505 = math.tanh %slice3A_2504 : vector<1000x64xf32>
    %mul3A_2506 = arith.constant 5.000000e-01 : f32
    %mul3A_2507 = vector.broadcast %mul3A_2506 : f32 to vector<1000x64xf32>
    %mul3A_2508 = arith.mulf %mul3A_2507, %tanh3A_2505 : vector<1000x64xf32>
    %add3A_2509 = arith.constant 5.000000e-01 : f32
    %add3A_2510 = vector.broadcast %add3A_2509 : f32 to vector<1000x64xf32>
    %add3A_2511 = arith.addf %mul3A_2508, %add3A_2510 : vector<1000x64xf32>
    %mul3A_2512 = arith.mulf %add3A_2501, %add3A_2475 : vector<1000x64xf32>
    %mul3A_2513 = arith.mulf %add3A_2493, %tanh3A_2503 : vector<1000x64xf32>
    %add3A_2514 = arith.addf %mul3A_2512, %mul3A_2513 : vector<1000x64xf32>
    %tanh3A_2515 = math.tanh %add3A_2514 : vector<1000x64xf32>
    %mul3A_2516 = arith.mulf %add3A_2511, %tanh3A_2515 : vector<1000x64xf32>
    %convert_element_type3A_2517 = arith.truncf %mul3A_1407 : vector<1000x64xf32> to vector<1000x64xbf16>
    %convert_element_type3A_2518 = arith.truncf %mul3A_476 : vector<1000x64xf32> to vector<1000x64xbf16>
    %convert_element_type3A_2519 = arith.truncf %mul3A_2516 : vector<1000x64xf32> to vector<1000x64xbf16>
    %concatenate3A_2520 = tpu.concatenate %convert_element_type3A_2517, %convert_element_type3A_2518, %convert_element_type3A_2519 in 1 : vector<1000x64xbf16>, vector<1000x64xbf16>, vector<1000x64xbf16> -> vector<1000x192xbf16>
    %dot_general3A_2521 = arith.constant dense<0.000000e+00> : vector<1000x256xf32>
    %dot_general3A_2522 = tpu.matmul %concatenate3A_2520, %get3A_1811, %dot_general3A_2521 {dimension_numbers = #tpu.dot_dimension_numbers<[1], [0], [0], [1], [0, 0, 1, 1], [], []>, transpose_lhs_hint = false} : vector<1000x192xbf16>, vector<192x256xbf16>, vector<1000x256xf32> -> vector<1000x256xf32>
    %add3A_2523 = vector.broadcast %get3A_1814 : vector<1x256xf32> to vector<1000x256xf32>
    %add3A_2524 = arith.addf %dot_general3A_2522, %add3A_2523 : vector<1000x256xf32>
    %slice3A_2525 = vector.extract_strided_slice %add3A_2524 {offsets = [0, 0], sizes = [1000, 64], strides = [1, 1]} : vector<1000x256xf32> to vector<1000x64xf32>
    %tanh3A_2526 = math.tanh %slice3A_2525 : vector<1000x64xf32>
    %mul3A_2527 = arith.constant 5.000000e-01 : f32
    %mul3A_2528 = vector.broadcast %mul3A_2527 : f32 to vector<1000x64xf32>
    %mul3A_2529 = arith.mulf %mul3A_2528, %tanh3A_2526 : vector<1000x64xf32>
    %add3A_2530 = arith.constant 5.000000e-01 : f32
    %add3A_2531 = vector.broadcast %add3A_2530 : f32 to vector<1000x64xf32>
    %add3A_2532 = arith.addf %mul3A_2529, %add3A_2531 : vector<1000x64xf32>
    %slice3A_2533 = vector.extract_strided_slice %add3A_2524 {offsets = [0, 64], sizes = [1000, 64], strides = [1, 1]} : vector<1000x256xf32> to vector<1000x64xf32>
    %tanh3A_2534 = math.tanh %slice3A_2533 : vector<1000x64xf32>
    %mul3A_2535 = arith.constant 5.000000e-01 : f32
    %mul3A_2536 = vector.broadcast %mul3A_2535 : f32 to vector<1000x64xf32>
    %mul3A_2537 = arith.mulf %mul3A_2536, %tanh3A_2534 : vector<1000x64xf32>
    %add3A_2538 = arith.constant 5.000000e-01 : f32
    %add3A_2539 = vector.broadcast %add3A_2538 : f32 to vector<1000x64xf32>
    %add3A_2540 = arith.addf %mul3A_2537, %add3A_2539 : vector<1000x64xf32>
    %slice3A_2541 = vector.extract_strided_slice %add3A_2524 {offsets = [0, 128], sizes = [1000, 64], strides = [1, 1]} : vector<1000x256xf32> to vector<1000x64xf32>
    %tanh3A_2542 = math.tanh %slice3A_2541 : vector<1000x64xf32>
    %slice3A_2543 = vector.extract_strided_slice %add3A_2524 {offsets = [0, 192], sizes = [1000, 64], strides = [1, 1]} : vector<1000x256xf32> to vector<1000x64xf32>
    %tanh3A_2544 = math.tanh %slice3A_2543 : vector<1000x64xf32>
    %mul3A_2545 = arith.constant 5.000000e-01 : f32
    %mul3A_2546 = vector.broadcast %mul3A_2545 : f32 to vector<1000x64xf32>
    %mul3A_2547 = arith.mulf %mul3A_2546, %tanh3A_2544 : vector<1000x64xf32>
    %add3A_2548 = arith.constant 5.000000e-01 : f32
    %add3A_2549 = vector.broadcast %add3A_2548 : f32 to vector<1000x64xf32>
    %add3A_2550 = arith.addf %mul3A_2547, %add3A_2549 : vector<1000x64xf32>
    %mul3A_2551 = arith.mulf %add3A_2540, %add3A_2514 : vector<1000x64xf32>
    %mul3A_2552 = arith.mulf %add3A_2532, %tanh3A_2542 : vector<1000x64xf32>
    %add3A_2553 = arith.addf %mul3A_2551, %mul3A_2552 : vector<1000x64xf32>
    %tanh3A_2554 = math.tanh %add3A_2553 : vector<1000x64xf32>
    %mul3A_2555 = arith.mulf %add3A_2550, %tanh3A_2554 : vector<1000x64xf32>
    %convert_element_type3A_2556 = arith.truncf %mul3A_1481 : vector<1000x64xf32> to vector<1000x64xbf16>
    %convert_element_type3A_2557 = arith.truncf %mul3A_402 : vector<1000x64xf32> to vector<1000x64xbf16>
    %convert_element_type3A_2558 = arith.truncf %mul3A_2555 : vector<1000x64xf32> to vector<1000x64xbf16>
    %concatenate3A_2559 = tpu.concatenate %convert_element_type3A_2556, %convert_element_type3A_2557, %convert_element_type3A_2558 in 1 : vector<1000x64xbf16>, vector<1000x64xbf16>, vector<1000x64xbf16> -> vector<1000x192xbf16>
    %dot_general3A_2560 = arith.constant dense<0.000000e+00> : vector<1000x256xf32>
    %dot_general3A_2561 = tpu.matmul %concatenate3A_2559, %get3A_1811, %dot_general3A_2560 {dimension_numbers = #tpu.dot_dimension_numbers<[1], [0], [0], [1], [0, 0, 1, 1], [], []>, transpose_lhs_hint = false} : vector<1000x192xbf16>, vector<192x256xbf16>, vector<1000x256xf32> -> vector<1000x256xf32>
    %add3A_2562 = vector.broadcast %get3A_1814 : vector<1x256xf32> to vector<1000x256xf32>
    %add3A_2563 = arith.addf %dot_general3A_2561, %add3A_2562 : vector<1000x256xf32>
    %slice3A_2564 = vector.extract_strided_slice %add3A_2563 {offsets = [0, 0], sizes = [1000, 64], strides = [1, 1]} : vector<1000x256xf32> to vector<1000x64xf32>
    %tanh3A_2565 = math.tanh %slice3A_2564 : vector<1000x64xf32>
    %mul3A_2566 = arith.constant 5.000000e-01 : f32
    %mul3A_2567 = vector.broadcast %mul3A_2566 : f32 to vector<1000x64xf32>
    %mul3A_2568 = arith.mulf %mul3A_2567, %tanh3A_2565 : vector<1000x64xf32>
    %add3A_2569 = arith.constant 5.000000e-01 : f32
    %add3A_2570 = vector.broadcast %add3A_2569 : f32 to vector<1000x64xf32>
    %add3A_2571 = arith.addf %mul3A_2568, %add3A_2570 : vector<1000x64xf32>
    %slice3A_2572 = vector.extract_strided_slice %add3A_2563 {offsets = [0, 64], sizes = [1000, 64], strides = [1, 1]} : vector<1000x256xf32> to vector<1000x64xf32>
    %tanh3A_2573 = math.tanh %slice3A_2572 : vector<1000x64xf32>
    %mul3A_2574 = arith.constant 5.000000e-01 : f32
    %mul3A_2575 = vector.broadcast %mul3A_2574 : f32 to vector<1000x64xf32>
    %mul3A_2576 = arith.mulf %mul3A_2575, %tanh3A_2573 : vector<1000x64xf32>
    %add3A_2577 = arith.constant 5.000000e-01 : f32
    %add3A_2578 = vector.broadcast %add3A_2577 : f32 to vector<1000x64xf32>
    %add3A_2579 = arith.addf %mul3A_2576, %add3A_2578 : vector<1000x64xf32>
    %slice3A_2580 = vector.extract_strided_slice %add3A_2563 {offsets = [0, 128], sizes = [1000, 64], strides = [1, 1]} : vector<1000x256xf32> to vector<1000x64xf32>
    %tanh3A_2581 = math.tanh %slice3A_2580 : vector<1000x64xf32>
    %slice3A_2582 = vector.extract_strided_slice %add3A_2563 {offsets = [0, 192], sizes = [1000, 64], strides = [1, 1]} : vector<1000x256xf32> to vector<1000x64xf32>
    %tanh3A_2583 = math.tanh %slice3A_2582 : vector<1000x64xf32>
    %mul3A_2584 = arith.constant 5.000000e-01 : f32
    %mul3A_2585 = vector.broadcast %mul3A_2584 : f32 to vector<1000x64xf32>
    %mul3A_2586 = arith.mulf %mul3A_2585, %tanh3A_2583 : vector<1000x64xf32>
    %add3A_2587 = arith.constant 5.000000e-01 : f32
    %add3A_2588 = vector.broadcast %add3A_2587 : f32 to vector<1000x64xf32>
    %add3A_2589 = arith.addf %mul3A_2586, %add3A_2588 : vector<1000x64xf32>
    %mul3A_2590 = arith.mulf %add3A_2579, %add3A_2553 : vector<1000x64xf32>
    %mul3A_2591 = arith.mulf %add3A_2571, %tanh3A_2581 : vector<1000x64xf32>
    %add3A_2592 = arith.addf %mul3A_2590, %mul3A_2591 : vector<1000x64xf32>
    %tanh3A_2593 = math.tanh %add3A_2592 : vector<1000x64xf32>
    %mul3A_2594 = arith.mulf %add3A_2589, %tanh3A_2593 : vector<1000x64xf32>
    %convert_element_type3A_2595 = arith.truncf %mul3A_1555 : vector<1000x64xf32> to vector<1000x64xbf16>
    %convert_element_type3A_2596 = arith.truncf %mul3A_328 : vector<1000x64xf32> to vector<1000x64xbf16>
    %convert_element_type3A_2597 = arith.truncf %mul3A_2594 : vector<1000x64xf32> to vector<1000x64xbf16>
    %concatenate3A_2598 = tpu.concatenate %convert_element_type3A_2595, %convert_element_type3A_2596, %convert_element_type3A_2597 in 1 : vector<1000x64xbf16>, vector<1000x64xbf16>, vector<1000x64xbf16> -> vector<1000x192xbf16>
    %dot_general3A_2599 = arith.constant dense<0.000000e+00> : vector<1000x256xf32>
    %dot_general3A_2600 = tpu.matmul %concatenate3A_2598, %get3A_1811, %dot_general3A_2599 {dimension_numbers = #tpu.dot_dimension_numbers<[1], [0], [0], [1], [0, 0, 1, 1], [], []>, transpose_lhs_hint = false} : vector<1000x192xbf16>, vector<192x256xbf16>, vector<1000x256xf32> -> vector<1000x256xf32>
    %add3A_2601 = vector.broadcast %get3A_1814 : vector<1x256xf32> to vector<1000x256xf32>
    %add3A_2602 = arith.addf %dot_general3A_2600, %add3A_2601 : vector<1000x256xf32>
    %slice3A_2603 = vector.extract_strided_slice %add3A_2602 {offsets = [0, 0], sizes = [1000, 64], strides = [1, 1]} : vector<1000x256xf32> to vector<1000x64xf32>
    %tanh3A_2604 = math.tanh %slice3A_2603 : vector<1000x64xf32>
    %mul3A_2605 = arith.constant 5.000000e-01 : f32
    %mul3A_2606 = vector.broadcast %mul3A_2605 : f32 to vector<1000x64xf32>
    %mul3A_2607 = arith.mulf %mul3A_2606, %tanh3A_2604 : vector<1000x64xf32>
    %add3A_2608 = arith.constant 5.000000e-01 : f32
    %add3A_2609 = vector.broadcast %add3A_2608 : f32 to vector<1000x64xf32>
    %add3A_2610 = arith.addf %mul3A_2607, %add3A_2609 : vector<1000x64xf32>
    %slice3A_2611 = vector.extract_strided_slice %add3A_2602 {offsets = [0, 64], sizes = [1000, 64], strides = [1, 1]} : vector<1000x256xf32> to vector<1000x64xf32>
    %tanh3A_2612 = math.tanh %slice3A_2611 : vector<1000x64xf32>
    %mul3A_2613 = arith.constant 5.000000e-01 : f32
    %mul3A_2614 = vector.broadcast %mul3A_2613 : f32 to vector<1000x64xf32>
    %mul3A_2615 = arith.mulf %mul3A_2614, %tanh3A_2612 : vector<1000x64xf32>
    %add3A_2616 = arith.constant 5.000000e-01 : f32
    %add3A_2617 = vector.broadcast %add3A_2616 : f32 to vector<1000x64xf32>
    %add3A_2618 = arith.addf %mul3A_2615, %add3A_2617 : vector<1000x64xf32>
    %slice3A_2619 = vector.extract_strided_slice %add3A_2602 {offsets = [0, 128], sizes = [1000, 64], strides = [1, 1]} : vector<1000x256xf32> to vector<1000x64xf32>
    %tanh3A_2620 = math.tanh %slice3A_2619 : vector<1000x64xf32>
    %slice3A_2621 = vector.extract_strided_slice %add3A_2602 {offsets = [0, 192], sizes = [1000, 64], strides = [1, 1]} : vector<1000x256xf32> to vector<1000x64xf32>
    %tanh3A_2622 = math.tanh %slice3A_2621 : vector<1000x64xf32>
    %mul3A_2623 = arith.constant 5.000000e-01 : f32
    %mul3A_2624 = vector.broadcast %mul3A_2623 : f32 to vector<1000x64xf32>
    %mul3A_2625 = arith.mulf %mul3A_2624, %tanh3A_2622 : vector<1000x64xf32>
    %add3A_2626 = arith.constant 5.000000e-01 : f32
    %add3A_2627 = vector.broadcast %add3A_2626 : f32 to vector<1000x64xf32>
    %add3A_2628 = arith.addf %mul3A_2625, %add3A_2627 : vector<1000x64xf32>
    %mul3A_2629 = arith.mulf %add3A_2618, %add3A_2592 : vector<1000x64xf32>
    %mul3A_2630 = arith.mulf %add3A_2610, %tanh3A_2620 : vector<1000x64xf32>
    %add3A_2631 = arith.addf %mul3A_2629, %mul3A_2630 : vector<1000x64xf32>
    %tanh3A_2632 = math.tanh %add3A_2631 : vector<1000x64xf32>
    %mul3A_2633 = arith.mulf %add3A_2628, %tanh3A_2632 : vector<1000x64xf32>
    %convert_element_type3A_2634 = arith.truncf %mul3A_1629 : vector<1000x64xf32> to vector<1000x64xbf16>
    %convert_element_type3A_2635 = arith.truncf %mul3A_254 : vector<1000x64xf32> to vector<1000x64xbf16>
    %convert_element_type3A_2636 = arith.truncf %mul3A_2633 : vector<1000x64xf32> to vector<1000x64xbf16>
    %concatenate3A_2637 = tpu.concatenate %convert_element_type3A_2634, %convert_element_type3A_2635, %convert_element_type3A_2636 in 1 : vector<1000x64xbf16>, vector<1000x64xbf16>, vector<1000x64xbf16> -> vector<1000x192xbf16>
    %dot_general3A_2638 = arith.constant dense<0.000000e+00> : vector<1000x256xf32>
    %dot_general3A_2639 = tpu.matmul %concatenate3A_2637, %get3A_1811, %dot_general3A_2638 {dimension_numbers = #tpu.dot_dimension_numbers<[1], [0], [0], [1], [0, 0, 1, 1], [], []>, transpose_lhs_hint = false} : vector<1000x192xbf16>, vector<192x256xbf16>, vector<1000x256xf32> -> vector<1000x256xf32>
    %add3A_2640 = vector.broadcast %get3A_1814 : vector<1x256xf32> to vector<1000x256xf32>
    %add3A_2641 = arith.addf %dot_general3A_2639, %add3A_2640 : vector<1000x256xf32>
    %slice3A_2642 = vector.extract_strided_slice %add3A_2641 {offsets = [0, 0], sizes = [1000, 64], strides = [1, 1]} : vector<1000x256xf32> to vector<1000x64xf32>
    %tanh3A_2643 = math.tanh %slice3A_2642 : vector<1000x64xf32>
    %mul3A_2644 = arith.constant 5.000000e-01 : f32
    %mul3A_2645 = vector.broadcast %mul3A_2644 : f32 to vector<1000x64xf32>
    %mul3A_2646 = arith.mulf %mul3A_2645, %tanh3A_2643 : vector<1000x64xf32>
    %add3A_2647 = arith.constant 5.000000e-01 : f32
    %add3A_2648 = vector.broadcast %add3A_2647 : f32 to vector<1000x64xf32>
    %add3A_2649 = arith.addf %mul3A_2646, %add3A_2648 : vector<1000x64xf32>
    %slice3A_2650 = vector.extract_strided_slice %add3A_2641 {offsets = [0, 64], sizes = [1000, 64], strides = [1, 1]} : vector<1000x256xf32> to vector<1000x64xf32>
    %tanh3A_2651 = math.tanh %slice3A_2650 : vector<1000x64xf32>
    %mul3A_2652 = arith.constant 5.000000e-01 : f32
    %mul3A_2653 = vector.broadcast %mul3A_2652 : f32 to vector<1000x64xf32>
    %mul3A_2654 = arith.mulf %mul3A_2653, %tanh3A_2651 : vector<1000x64xf32>
    %add3A_2655 = arith.constant 5.000000e-01 : f32
    %add3A_2656 = vector.broadcast %add3A_2655 : f32 to vector<1000x64xf32>
    %add3A_2657 = arith.addf %mul3A_2654, %add3A_2656 : vector<1000x64xf32>
    %slice3A_2658 = vector.extract_strided_slice %add3A_2641 {offsets = [0, 128], sizes = [1000, 64], strides = [1, 1]} : vector<1000x256xf32> to vector<1000x64xf32>
    %tanh3A_2659 = math.tanh %slice3A_2658 : vector<1000x64xf32>
    %slice3A_2660 = vector.extract_strided_slice %add3A_2641 {offsets = [0, 192], sizes = [1000, 64], strides = [1, 1]} : vector<1000x256xf32> to vector<1000x64xf32>
    %tanh3A_2661 = math.tanh %slice3A_2660 : vector<1000x64xf32>
    %mul3A_2662 = arith.constant 5.000000e-01 : f32
    %mul3A_2663 = vector.broadcast %mul3A_2662 : f32 to vector<1000x64xf32>
    %mul3A_2664 = arith.mulf %mul3A_2663, %tanh3A_2661 : vector<1000x64xf32>
    %add3A_2665 = arith.constant 5.000000e-01 : f32
    %add3A_2666 = vector.broadcast %add3A_2665 : f32 to vector<1000x64xf32>
    %add3A_2667 = arith.addf %mul3A_2664, %add3A_2666 : vector<1000x64xf32>
    %mul3A_2668 = arith.mulf %add3A_2657, %add3A_2631 : vector<1000x64xf32>
    %mul3A_2669 = arith.mulf %add3A_2649, %tanh3A_2659 : vector<1000x64xf32>
    %add3A_2670 = arith.addf %mul3A_2668, %mul3A_2669 : vector<1000x64xf32>
    %tanh3A_2671 = math.tanh %add3A_2670 : vector<1000x64xf32>
    %mul3A_2672 = arith.mulf %add3A_2667, %tanh3A_2671 : vector<1000x64xf32>
    %convert_element_type3A_2673 = arith.truncf %mul3A_1703 : vector<1000x64xf32> to vector<1000x64xbf16>
    %convert_element_type3A_2674 = arith.truncf %mul3A_180 : vector<1000x64xf32> to vector<1000x64xbf16>
    %convert_element_type3A_2675 = arith.truncf %mul3A_2672 : vector<1000x64xf32> to vector<1000x64xbf16>
    %concatenate3A_2676 = tpu.concatenate %convert_element_type3A_2673, %convert_element_type3A_2674, %convert_element_type3A_2675 in 1 : vector<1000x64xbf16>, vector<1000x64xbf16>, vector<1000x64xbf16> -> vector<1000x192xbf16>
    %dot_general3A_2677 = arith.constant dense<0.000000e+00> : vector<1000x256xf32>
    %dot_general3A_2678 = tpu.matmul %concatenate3A_2676, %get3A_1811, %dot_general3A_2677 {dimension_numbers = #tpu.dot_dimension_numbers<[1], [0], [0], [1], [0, 0, 1, 1], [], []>, transpose_lhs_hint = false} : vector<1000x192xbf16>, vector<192x256xbf16>, vector<1000x256xf32> -> vector<1000x256xf32>
    %add3A_2679 = vector.broadcast %get3A_1814 : vector<1x256xf32> to vector<1000x256xf32>
    %add3A_2680 = arith.addf %dot_general3A_2678, %add3A_2679 : vector<1000x256xf32>
    %slice3A_2681 = vector.extract_strided_slice %add3A_2680 {offsets = [0, 0], sizes = [1000, 64], strides = [1, 1]} : vector<1000x256xf32> to vector<1000x64xf32>
    %tanh3A_2682 = math.tanh %slice3A_2681 : vector<1000x64xf32>
    %mul3A_2683 = arith.constant 5.000000e-01 : f32
    %mul3A_2684 = vector.broadcast %mul3A_2683 : f32 to vector<1000x64xf32>
    %mul3A_2685 = arith.mulf %mul3A_2684, %tanh3A_2682 : vector<1000x64xf32>
    %add3A_2686 = arith.constant 5.000000e-01 : f32
    %add3A_2687 = vector.broadcast %add3A_2686 : f32 to vector<1000x64xf32>
    %add3A_2688 = arith.addf %mul3A_2685, %add3A_2687 : vector<1000x64xf32>
    %slice3A_2689 = vector.extract_strided_slice %add3A_2680 {offsets = [0, 64], sizes = [1000, 64], strides = [1, 1]} : vector<1000x256xf32> to vector<1000x64xf32>
    %tanh3A_2690 = math.tanh %slice3A_2689 : vector<1000x64xf32>
    %mul3A_2691 = arith.constant 5.000000e-01 : f32
    %mul3A_2692 = vector.broadcast %mul3A_2691 : f32 to vector<1000x64xf32>
    %mul3A_2693 = arith.mulf %mul3A_2692, %tanh3A_2690 : vector<1000x64xf32>
    %add3A_2694 = arith.constant 5.000000e-01 : f32
    %add3A_2695 = vector.broadcast %add3A_2694 : f32 to vector<1000x64xf32>
    %add3A_2696 = arith.addf %mul3A_2693, %add3A_2695 : vector<1000x64xf32>
    %slice3A_2697 = vector.extract_strided_slice %add3A_2680 {offsets = [0, 128], sizes = [1000, 64], strides = [1, 1]} : vector<1000x256xf32> to vector<1000x64xf32>
    %tanh3A_2698 = math.tanh %slice3A_2697 : vector<1000x64xf32>
    %slice3A_2699 = vector.extract_strided_slice %add3A_2680 {offsets = [0, 192], sizes = [1000, 64], strides = [1, 1]} : vector<1000x256xf32> to vector<1000x64xf32>
    %tanh3A_2700 = math.tanh %slice3A_2699 : vector<1000x64xf32>
    %mul3A_2701 = arith.constant 5.000000e-01 : f32
    %mul3A_2702 = vector.broadcast %mul3A_2701 : f32 to vector<1000x64xf32>
    %mul3A_2703 = arith.mulf %mul3A_2702, %tanh3A_2700 : vector<1000x64xf32>
    %add3A_2704 = arith.constant 5.000000e-01 : f32
    %add3A_2705 = vector.broadcast %add3A_2704 : f32 to vector<1000x64xf32>
    %add3A_2706 = arith.addf %mul3A_2703, %add3A_2705 : vector<1000x64xf32>
    %mul3A_2707 = arith.mulf %add3A_2696, %add3A_2670 : vector<1000x64xf32>
    %mul3A_2708 = arith.mulf %add3A_2688, %tanh3A_2698 : vector<1000x64xf32>
    %add3A_2709 = arith.addf %mul3A_2707, %mul3A_2708 : vector<1000x64xf32>
    %tanh3A_2710 = math.tanh %add3A_2709 : vector<1000x64xf32>
    %mul3A_2711 = arith.mulf %add3A_2706, %tanh3A_2710 : vector<1000x64xf32>
    %convert_element_type3A_2712 = arith.truncf %mul3A_1777 : vector<1000x64xf32> to vector<1000x64xbf16>
    %convert_element_type3A_2713 = arith.truncf %mul3A_106 : vector<1000x64xf32> to vector<1000x64xbf16>
    %convert_element_type3A_2714 = arith.truncf %mul3A_2711 : vector<1000x64xf32> to vector<1000x64xbf16>
    %concatenate3A_2715 = tpu.concatenate %convert_element_type3A_2712, %convert_element_type3A_2713, %convert_element_type3A_2714 in 1 : vector<1000x64xbf16>, vector<1000x64xbf16>, vector<1000x64xbf16> -> vector<1000x192xbf16>
    %dot_general3A_2716 = arith.constant dense<0.000000e+00> : vector<1000x256xf32>
    %dot_general3A_2717 = tpu.matmul %concatenate3A_2715, %get3A_1811, %dot_general3A_2716 {dimension_numbers = #tpu.dot_dimension_numbers<[1], [0], [0], [1], [0, 0, 1, 1], [], []>, transpose_lhs_hint = false} : vector<1000x192xbf16>, vector<192x256xbf16>, vector<1000x256xf32> -> vector<1000x256xf32>
    %add3A_2718 = vector.broadcast %get3A_1814 : vector<1x256xf32> to vector<1000x256xf32>
    %add3A_2719 = arith.addf %dot_general3A_2717, %add3A_2718 : vector<1000x256xf32>
    %slice3A_2720 = vector.extract_strided_slice %add3A_2719 {offsets = [0, 0], sizes = [1000, 64], strides = [1, 1]} : vector<1000x256xf32> to vector<1000x64xf32>
    %tanh3A_2721 = math.tanh %slice3A_2720 : vector<1000x64xf32>
    %mul3A_2722 = arith.constant 5.000000e-01 : f32
    %mul3A_2723 = vector.broadcast %mul3A_2722 : f32 to vector<1000x64xf32>
    %mul3A_2724 = arith.mulf %mul3A_2723, %tanh3A_2721 : vector<1000x64xf32>
    %add3A_2725 = arith.constant 5.000000e-01 : f32
    %add3A_2726 = vector.broadcast %add3A_2725 : f32 to vector<1000x64xf32>
    %add3A_2727 = arith.addf %mul3A_2724, %add3A_2726 : vector<1000x64xf32>
    %slice3A_2728 = vector.extract_strided_slice %add3A_2719 {offsets = [0, 64], sizes = [1000, 64], strides = [1, 1]} : vector<1000x256xf32> to vector<1000x64xf32>
    %tanh3A_2729 = math.tanh %slice3A_2728 : vector<1000x64xf32>
    %mul3A_2730 = arith.constant 5.000000e-01 : f32
    %mul3A_2731 = vector.broadcast %mul3A_2730 : f32 to vector<1000x64xf32>
    %mul3A_2732 = arith.mulf %mul3A_2731, %tanh3A_2729 : vector<1000x64xf32>
    %add3A_2733 = arith.constant 5.000000e-01 : f32
    %add3A_2734 = vector.broadcast %add3A_2733 : f32 to vector<1000x64xf32>
    %add3A_2735 = arith.addf %mul3A_2732, %add3A_2734 : vector<1000x64xf32>
    %slice3A_2736 = vector.extract_strided_slice %add3A_2719 {offsets = [0, 128], sizes = [1000, 64], strides = [1, 1]} : vector<1000x256xf32> to vector<1000x64xf32>
    %tanh3A_2737 = math.tanh %slice3A_2736 : vector<1000x64xf32>
    %slice3A_2738 = vector.extract_strided_slice %add3A_2719 {offsets = [0, 192], sizes = [1000, 64], strides = [1, 1]} : vector<1000x256xf32> to vector<1000x64xf32>
    %tanh3A_2739 = math.tanh %slice3A_2738 : vector<1000x64xf32>
    %mul3A_2740 = arith.constant 5.000000e-01 : f32
    %mul3A_2741 = vector.broadcast %mul3A_2740 : f32 to vector<1000x64xf32>
    %mul3A_2742 = arith.mulf %mul3A_2741, %tanh3A_2739 : vector<1000x64xf32>
    %add3A_2743 = arith.constant 5.000000e-01 : f32
    %add3A_2744 = vector.broadcast %add3A_2743 : f32 to vector<1000x64xf32>
    %add3A_2745 = arith.addf %mul3A_2742, %add3A_2744 : vector<1000x64xf32>
    %mul3A_2746 = arith.mulf %add3A_2735, %add3A_2709 : vector<1000x64xf32>
    %mul3A_2747 = arith.mulf %add3A_2727, %tanh3A_2737 : vector<1000x64xf32>
    %add3A_2748 = arith.addf %mul3A_2746, %mul3A_2747 : vector<1000x64xf32>
    %tanh3A_2749 = math.tanh %add3A_2748 : vector<1000x64xf32>
    %mul3A_2750 = arith.mulf %add3A_2745, %tanh3A_2749 : vector<1000x64xf32>
    %convert_element_type3A_2751 = arith.truncf %mul3A_1777 : vector<1000x64xf32> to vector<1000x64xbf16>
    %convert_element_type3A_2752 = arith.truncf %mul3A_106 : vector<1000x64xf32> to vector<1000x64xbf16>
    %concatenate3A_2753 = tpu.concatenate %convert_element_type3A_2751, %convert_element_type3A_2752 in 1 : vector<1000x64xbf16>, vector<1000x64xbf16> -> vector<1000x128xbf16>
    %get3A_2754 = arith.constant 0 : index
    %get3A_2755 = arith.constant 0 : index
    %get3A_2756 = vector.load %arg8[%get3A_2754, %get3A_2755] : memref<128x256xbf16, #tpu.memory_space<vmem>>, vector<128x256xbf16>
    %dot_general3A_2757 = arith.constant dense<0.000000e+00> : vector<1000x256xf32>
    %dot_general3A_2758 = tpu.matmul %concatenate3A_2753, %get3A_2756, %dot_general3A_2757 {dimension_numbers = #tpu.dot_dimension_numbers<[1], [0], [0], [1], [0, 0, 1, 1], [], []>, transpose_lhs_hint = false} : vector<1000x128xbf16>, vector<128x256xbf16>, vector<1000x256xf32> -> vector<1000x256xf32>
    %get3A_2759 = arith.constant 0 : index
    %get3A_2760 = arith.constant 0 : index
    %get3A_2761 = vector.load %arg9[%get3A_2759, %get3A_2760] : memref<1x256xf32, #tpu.memory_space<vmem>>, vector<1x256xf32>
    %add3A_2762 = vector.broadcast %get3A_2761 : vector<1x256xf32> to vector<1000x256xf32>
    %add3A_2763 = arith.addf %dot_general3A_2758, %add3A_2762 : vector<1000x256xf32>
    %slice3A_2764 = vector.extract_strided_slice %add3A_2763 {offsets = [0, 0], sizes = [1000, 64], strides = [1, 1]} : vector<1000x256xf32> to vector<1000x64xf32>
    %tanh3A_2765 = math.tanh %slice3A_2764 : vector<1000x64xf32>
    %mul3A_2766 = arith.constant 5.000000e-01 : f32
    %mul3A_2767 = vector.broadcast %mul3A_2766 : f32 to vector<1000x64xf32>
    %mul3A_2768 = arith.mulf %mul3A_2767, %tanh3A_2765 : vector<1000x64xf32>
    %add3A_2769 = arith.constant 5.000000e-01 : f32
    %add3A_2770 = vector.broadcast %add3A_2769 : f32 to vector<1000x64xf32>
    %add3A_2771 = arith.addf %mul3A_2768, %add3A_2770 : vector<1000x64xf32>
    %slice3A_2772 = vector.extract_strided_slice %add3A_2763 {offsets = [0, 128], sizes = [1000, 64], strides = [1, 1]} : vector<1000x256xf32> to vector<1000x64xf32>
    %tanh3A_2773 = math.tanh %slice3A_2772 : vector<1000x64xf32>
    %slice3A_2774 = vector.extract_strided_slice %add3A_2763 {offsets = [0, 192], sizes = [1000, 64], strides = [1, 1]} : vector<1000x256xf32> to vector<1000x64xf32>
    %tanh3A_2775 = math.tanh %slice3A_2774 : vector<1000x64xf32>
    %mul3A_2776 = arith.constant 5.000000e-01 : f32
    %mul3A_2777 = vector.broadcast %mul3A_2776 : f32 to vector<1000x64xf32>
    %mul3A_2778 = arith.mulf %mul3A_2777, %tanh3A_2775 : vector<1000x64xf32>
    %add3A_2779 = arith.constant 5.000000e-01 : f32
    %add3A_2780 = vector.broadcast %add3A_2779 : f32 to vector<1000x64xf32>
    %add3A_2781 = arith.addf %mul3A_2778, %add3A_2780 : vector<1000x64xf32>
    %mul3A_2782 = arith.mulf %add3A_2771, %tanh3A_2773 : vector<1000x64xf32>
    %tanh3A_2783 = math.tanh %mul3A_2782 : vector<1000x64xf32>
    %mul3A_2784 = arith.mulf %add3A_2781, %tanh3A_2783 : vector<1000x64xf32>
    %concatenate3A_2785 = tpu.concatenate %mul3A_2750, %mul3A_2784 in 1 : vector<1000x64xf32>, vector<1000x64xf32> -> vector<1000x128xf32>
    %swap3A = arith.constant 0 : index
    %swap3A_2786 = arith.constant 0 : index
    %swap3A_2787 = vector.load %arg10[%swap3A, %swap3A_2786] : memref<1000x128xf32, #tpu.memory_space<vmem>>, vector<1000x128xf32>
    tpu.vector_store %arg10[%swap3A, %swap3A_2786], %concatenate3A_2785 {strides = array<i32>} : memref<1000x128xf32, #tpu.memory_space<vmem>>, vector<1000x128xf32>,
    return
  }
  func.func @transform_0(%arg0: i32) -> (i32, i32) {
    %c0_i32 = arith.constant 0 : i32
    %c0_i32_0 = arith.constant 0 : i32
    return %arg0, %c0_i32 : i32, i32
  }
  func.func @transform_1(%arg0: i32) -> (i32, i32) {
    %c0_i32 = arith.constant 0 : i32
    %c0_i32_0 = arith.constant 0 : i32
    %c0_i32_1 = arith.constant 0 : i32
    return %c0_i32, %c0_i32_0 : i32, i32
  }
  func.func @transform_2(%arg0: i32) -> (i32, i32) {
    %c0_i32 = arith.constant 0 : i32
    %c0_i32_0 = arith.constant 0 : i32
    %c0_i32_1 = arith.constant 0 : i32
    return %c0_i32, %c0_i32_0 : i32, i32
  }
  func.func @transform_3(%arg0: i32) -> (i32, i32) {
    %c0_i32 = arith.constant 0 : i32
    %c0_i32_0 = arith.constant 0 : i32
    %c0_i32_1 = arith.constant 0 : i32
    return %c0_i32, %c0_i32_0 : i32, i32
  }
  func.func @transform_4(%arg0: i32) -> (i32, i32) {
    %c0_i32 = arith.constant 0 : i32
    %c0_i32_0 = arith.constant 0 : i32
    %c0_i32_1 = arith.constant 0 : i32
    return %c0_i32, %c0_i32_0 : i32, i32
  }
  func.func @transform_5(%arg0: i32) -> (i32, i32) {
    %c0_i32 = arith.constant 0 : i32
    %c0_i32_0 = arith.constant 0 : i32
    %c0_i32_1 = arith.constant 0 : i32
    return %c0_i32, %c0_i32_0 : i32, i32
  }
  func.func @transform_6(%arg0: i32) -> (i32, i32) {
    %c0_i32 = arith.constant 0 : i32
    %c0_i32_0 = arith.constant 0 : i32
    %c0_i32_1 = arith.constant 0 : i32
    return %c0_i32, %c0_i32_0 : i32, i32
  }
  func.func @transform_7(%arg0: i32) -> (i32, i32) {
    %c0_i32 = arith.constant 0 : i32
    %c0_i32_0 = arith.constant 0 : i32
    %c0_i32_1 = arith.constant 0 : i32
    return %c0_i32, %c0_i32_0 : i32, i32
  }
  func.func @transform_8(%arg0: i32) -> (i32, i32) {
    %c0_i32 = arith.constant 0 : i32
    %c0_i32_0 = arith.constant 0 : i32
    %c0_i32_1 = arith.constant 0 : i32
    return %c0_i32, %c0_i32_0 : i32, i32
  }
  func.func @transform_9(%arg0: i32) -> (i32, i32) {
    %c0_i32 = arith.constant 0 : i32
    %c0_i32_0 = arith.constant 0 : i32
    return %arg0, %c0_i32 : i32, i32
  }
}

</mosaic_0001>

<sc_bundles>
// kernel: kernel.11.cloned.1.call-start
scs
__scs_entry_jumppad:
0x0: {  	(pc) =	sbr.rel $0x88, $3  }
0x1: {  	(tag) =	ssettag $0x0;
	lr =	simm.s32 $0x1  }
0x2: {  	[smem:$0x3F6B] =	sst lr;
	_ =	strace $0xD0000000  }
0x3: {  	_ = 	snop  }
0x4: {  	_ = 	snop  }
0x5: {  	_ = 	snop  }
0x6: {  	_ = 	snop  }
0x7: {  	_ = 	snop  }
__scs_overlays_trampoline_lowered:
0x8: {  	[smem:$0x3F7A] =	sst s0  }
0x9: {  	[smem:$0x3F7B] =	sst s1  }
0xa: {  	[smem:$0x3F7C] =	sst s2  }
0xb: {  	[smem:$0x3F7D] =	sst s3  }
0xc: {  	[smem:$0x3F7E] =	sst s4  }
0xd: {  	[smem:$0x3F7F] =	sst s5  }
0xe: {  	[smem:$0x3F80] =	sst s6  }
0xf: {  	[smem:$0x3F81] =	sst s7  }
0x10: {  	[smem:$0x3F82] =	sst s8  }
0x11: {  	[smem:$0x3F83] =	sst s9;
	s0 =	simm.s32 @!p0 $0x0  }
0x12: {  	s1 =	sld [smem:$0x3F69];
	s0 =	simm.s32 @p0 $0x1  }
0x13: {  	[smem:$0x3F84] =	sst s0;
	s0 =	simm.s32 @!p1 $0x0  }
0x14: {  	s2 =	sld [smem:$0x3F68];
	s0 =	simm.s32 @p1 $0x1  }
0x15: {  	[smem:$0x3F85] =	sst s0;
	s0 =	simm.s32 @!p2 $0x0  }
0x16: {  	s3 =	sld [smem:$0x3FDB];
	s0 =	simm.s32 @p2 $0x1  }
0x17: {  	s4 =	simm.s32 $0x1BF5;
	[smem:$0x3F87] =	sst s0  }
0x18: {  	s0 =	sld [smem:$0x3F6A];
	_ =	swait.ge [sflag:s4], $0x0  }
0x19: {  	s7 =	sld [smem:$0x3F6B]  }
0x1a: {  	s8 =	sadd.s32 $0xFFFFE003, lr  }
0x1b: {  	s9 =	sadd.s32 $0xFFFFFEF7, lr;
	s5 =	simm.s32 $0xFFFFFFFF;
	p2 =	slt.u32 s8, $0xFFFFF086  }
0x1c: {  	p1 =	slt.u32 s9, $0xF7A;
	s5 =	simm.s32 @!p2 $0x0  }
0x1d: {  	s5 =	simm.s32 @p1 $0x1;
	p0 =	seq.s32 s7, s2  }
0x1e: {  	s7 =	smul.u32 @!p0 $0xF7A, s2;
	p2 =	seq.s32 @!p0 s5, $0x0  }
0x1f: {  	s9 =	smul.u32 $0xF7A, s1;
	s8 =	simm.s32 @!p0 $0x1BF5;
	p2 =	por !p2, p0  }
0x20: {  	[sflag:s8] =	ssyncset.s32 @!p0 $0xFFFFF086;
	s6 =	sadd.s32 @!p0 s3, s7;
	s7 =	simm.s32 @!p0 $0x108  }
0x21: {  	s3 =	sadd.s32 s3, s9;
	s6 =	sadd.s32 @!p0 $0x88, s6;
	s7 =	simm.s32 @p2 $0x1082  }
0x22: {  	[simem:s7], [sflag:s8] =	dma.local @!p0 [hbm:s6], $0xF7A  }
0x23: {  	s9 =	sor.u32 $0xD0000000, s2;
	s6 =	simm.s32 $0x108;
	_ =	swait.ge @!p0 [sflag:s8], $0x0  }
0x24: {  	s3 =	sadd.s32 $0x88, s3;
	s6 =	simm.s32 @!p1 $0x1082;
	[sflag:s4] =	ssyncset.s32 $0xFFFFF086  }
0x25: {  	[simem:s6], [sflag:s4] =	dma.local [hbm:s3], $0xF7A  }
0x26: {  	[smem:$0x3F6B] =	sst s1;
	(tag) =	ssettag s2;
	_ =	strace s9  }
0x27: {  	s1 =	sld [smem:$0x3F7B]  }
0x28: {  	s2 =	sld [smem:$0x3F7C]  }
0x29: {  	s4 =	sld [smem:$0x3F7E]  }
0x2a: {  	p0 =	seq.s32 s5, $0x0;
	s5 =	sld [smem:$0x3F7F]  }
0x2b: {  	s6 =	sld [smem:$0x3F80]  }
0x2c: {  	s7 =	sld [smem:$0x3F81]  }
0x2d: {  	s3 =	simm.s32 $0x108;
	s8 =	sld [smem:$0x3F82]  }
0x2e: {  	s3 =	simm.s32 @!p0 $0x1082;
	s9 =	sld [smem:$0x3F83]  }
0x2f: {  	lr =	sadd.s32 s0, s3;
	s0 =	sld [smem:$0x3F7A]  }
0x30: {  	s3 =	sld [smem:$0x3F7D]  }
0x31: {  	[smem:$0x3F86] =	sst s10  }
0x32: {  	s10 =	sld [smem:$0x3F84];
	_ =	sdelay $0x3  }
0x33: {  	p0 =	seq.s32 s10, $0x1;
	s10 =	sld [smem:$0x3F86];
	_ =	sdelay $0x3  }
0x34: {  	[smem:$0x3F86] =	sst s10  }
0x35: {  	s10 =	sld [smem:$0x3F85];
	_ =	sdelay $0x3  }
0x36: {  	p1 =	seq.s32 s10, $0x1;
	s10 =	sld [smem:$0x3F86];
	_ =	sdelay $0x3  }
0x37: {  	[smem:$0x3F86] =	sst s10  }
0x38: {  	s10 =	sld [smem:$0x3F87]  }
0x39: {  	_ = 	snop;
	(pc) =	sbr.ind lr, $3  }
0x3a: {  	_ = 	snop  }
0x3b: {  	_ = 	snop  }
0x3c: {  	p2 =	seq.s32 s10, $0x1;
	s10 =	sld [smem:$0x3F86]  }
0x3d: {  	_ =	shalt  }
0x3e: {  	_ =	shalt  }
0x3f: {  	_ =	shalt  }
0x40: {  	_ =	shalt  }
0x41: {  	_ =	shalt  }
0x42: {  	_ =	shalt  }
0x43: {  	_ =	shalt  }
0x44: {  	_ =	shalt  }
0x45: {  	_ =	shalt  }
0x46: {  	_ =	shalt  }
0x47: {  	_ =	shalt  }
0x48: {  	_ =	shalt  }
0x49: {  	_ =	shalt  }
0x4a: {  	_ =	shalt  }
0x4b: {  	_ =	shalt  }
0x4c: {  	_ =	shalt  }
0x4d: {  	_ =	shalt  }
0x4e: {  	_ =	shalt  }
0x4f: {  	_ =	shalt  }
0x50: {  	_ =	shalt  }
0x51: {  	_ =	shalt  }
0x52: {  	_ =	shalt  }
0x53: {  	_ =	shalt  }
0x54: {  	_ =	shalt  }
0x55: {  	_ =	shalt  }
0x56: {  	_ =	shalt  }
0x57: {  	_ =	shalt  }
0x58: {  	_ =	shalt  }
0x59: {  	_ =	shalt  }
0x5a: {  	_ =	shalt  }
0x5b: {  	_ =	shalt  }
0x5c: {  	_ =	shalt  }
0x5d: {  	_ =	shalt  }
0x5e: {  	_ =	shalt  }
0x5f: {  	_ =	shalt  }
0x60: {  	_ =	shalt  }
0x61: {  	_ =	shalt  }
0x62: {  	_ =	shalt  }
0x63: {  	_ =	shalt  }
0x64: {  	_ =	shalt  }
0x65: {  	_ =	shalt  }
0x66: {  	_ =	shalt  }
0x67: {  	_ =	shalt  }
0x68: {  	_ =	shalt  }
0x69: {  	_ =	shalt  }
0x6a: {  	_ =	shalt  }
0x6b: {  	_ =	shalt  }
0x6c: {  	_ =	shalt  }
0x6d: {  	_ =	shalt  }
0x6e: {  	_ =	shalt  }
0x6f: {  	_ =	shalt  }
0x70: {  	_ =	shalt  }
0x71: {  	_ =	shalt  }
0x72: {  	_ =	shalt  }
0x73: {  	_ =	shalt  }
0x74: {  	_ =	shalt  }
0x75: {  	_ =	shalt  }
0x76: {  	_ =	shalt  }
0x77: {  	_ =	shalt  }
0x78: {  	_ =	shalt  }
0x79: {  	_ =	shalt  }
0x7a: {  	_ =	shalt  }
0x7b: {  	_ =	shalt  }
0x7c: {  	_ =	shalt  }
0x7d: {  	_ =	shalt  }
0x7e: {  	_ =	shalt  }
0x7f: {  	_ =	shalt  }
0x80: {  	_ =	shalt  }
0x81: {  	_ =	shalt  }
0x82: {  	_ =	shalt  }
0x83: {  	_ =	shalt  }
0x84: {  	_ =	shalt  }
0x85: {  	_ =	shalt  }
0x86: {  	_ =	shalt  }
0x87: {  	_ =	shalt  }
.Lfunc_end0:
.L_simem_size_0:
called_computation.1_lowered:
.L_overlay_start_0:
0x88: {  	s2 =	sld [smem:$0x3FD9]  }
0x89: {  	s3 =	sld [smem:$0x3FFE];
	_ =	sdelay $0x1  }
0x8a: {  	s1 =	srdreg.scid  }
0x8b: {  	s0 =	sand.u32 $0x1, s1  }
0x8c: {  	s16 =	sshll.u32 s0, $0xA;
	s2 =	sadd.s32 s3, s2  }
0x8d: {  	s2 =	sadd.s32 s2, s16  }
0x8e: {  	[smem:$0x3F92] =	sst s2  }
0x8f: {  	_ = 	snop  }
0x90: {  	(tm) =	ssettm $0x1  }
0x91: {  	s17 =	sld [smem:$0x3FFB];
	_ =	sdelay $0x3  }
0x92: {  	_ =	strace s17  }
0x93: {  	s2 =	sld [smem:$0x3FFC];
	_ =	sdelay $0x3  }
0x94: {  	_ =	strace s2  }
0x95: {  	s2 =	sld [smem:$0x3FFD];
	_ =	sdelay $0x3  }
0x96: {  	_ =	strace s2  }
0x97: {  	_ =	strace $0x8FFFFFFF  }
0x98: {  	s18 =	sld [smem:$0x3FDB];
	_ =	sdelay $0x1  }
0x99: {  	s19 =	simm.s32 $_scs_section_size  }
0x9a: {  	s4 =	simm.s32 $_size__tile_overlayer_lowered;
	s5 =	simm.s32 $_tile_overlayer_lowered  }
0x9b: {  	s22 =	simm.s32 $0x1BFF;
	s21 =	sshll.u32 s5, $0x1;
	s2 =	sadd.s32 s19, s18  }
0x9c: {  	s6 =	simm.s32 $0x0;
	s20 =	sshll.u32 s4, $0x1;
	s4 =	sadd.s32 s21, s2  }
0x9d: {  	[timem:s6], [sflag:s22] =	dma.local [hbm:s4], s20  }
0x9e: {  	_ =	swait.ge [sflag:s22], s20  }
0x9f: {  	s3 =	ssub.s32 $0x0, s20;
	[sflag:s22] =	ssyncset.done $0x0  }
0xa0: {  	[sflag:s22] =	ssyncadd.s32 s3;
	_ =	sdelay $0x1  }
0xa1: {  	s23 =	simm.s32 $0x1B8B  }
0xa2: {  	_ =	swait.ge [sflag:s23], $0x1  }
0xa3: {  	[sflag:s23] =	ssyncset.done $0x0  }
0xa4: {  	s25 =	simm.s32 $0x1B8E;
	s24 =	sld [smem:$0x3FFE];
	[sflag:s23] =	ssyncadd.s32 $0xFFFFFFFF  }
0xa5: {  	s26 =	simm.s32 $execute0_lowered;
	[smem:$0x3FD2] =	sst s25  }
0xa6: {  	s4 =	sshll.u32 s26, $0x1;
	_ =	strace $0x80000046;
	[dreg:$0x1] =	wrdreg $0xFFFFFFFF  }
0xa7: {  	s28 =	simm.s32 $_size_execute0_lowered;
	s2 =	sadd.s32 s2, s4;
	[dreg:$0x0] =	wrdreg $0x0  }
0xa8: {  	s4 =	sshll.u32 s28, $0x1;
	[dreg:$0x2] =	wrdreg s2  }
0xa9: {  	[dreg:$0x3] =	wrdreg s4  }
0xaa: {  	[dreg:$0x4] =	wrdreg $0xC0  }
0xab: {  	_ =	task [dreg:s6], $0x5FFFF  }
0xac: {  	[dreg:$0x1] =	wrdreg $0xFFFFFFFF  }
0xad: {  	[dreg:$0x0] =	wrdreg $0x60  }
0xae: {  	[dreg:$0x2] =	wrdreg s24  }
0xaf: {  	[dreg:$0x3] =	wrdreg $0x100400  }
0xb0: {  	[dreg:$0x4] =	wrdreg $0xA  }
0xb1: {  	_ =	task.clear_ibuf [dreg:s6], $0x5FFFF;
	_ =	strace $0x90000046  }
0xb2: {  	s29 =	simm.s32 $0xA;
	_ =	strace $0x80000048  }
0xb3: {  	_ =	swait.ge [sflag:s29], $0x1  }
0xb4: {  	[sflag:s29] =	ssyncadd.s32 $0xFFFFFFFF  }
0xb5: {  	_ =	strace $0x90000048  }
0xb6: {  	_ =	sfence  }
0xb7: {  	s30 =	sld [smem:$0x0];
	_ =	sdelay $0x2  }
0xb8: {  	s31 =	sshll.u32 s1, $0xD;
	s1 =	sshrl.u32 s1, $0x2  }
0xb9: {  	s3 =	sand.u32 $0x4000, s31;
	s1 =	sadd.s32 s1, s30  }
0xba: {  	s0 =	sor.u32 s3, s0;
	s1 =	sshll.u32 s1, $0x11  }
0xbb: {  	s0 =	sor.u32 s1, s0  }
0xbc: {  	s0 =	sadd.s32 $0x8F2B, s0  }
0xbd: {  	[sflag:s0] =	ssyncadd.remote.s32 $0x1  }
0xbe: {  	_ =	sfence.sel $0xFFFF  }
0xbf: {  	[dreg:$0x0] =	wrdreg $0xFFFFFFFF;
	(pc) =	sbr.abs _section_cstart, $3  }
0xc0: {  	[dreg:$0x1] =	wrdreg $0xFFFFFFFF  }
0xc1: {  	_ =	task.clear_ibuf [dreg:s6], $0x2FFFF;
	_ =	strace $0x9FFFFFFF  }
0xc2: {  	(tm) =	ssettm $0x7FFFFFFF  }
0xc3: {  	_ =	shalt  }
tec
execute0_lowered:
.L_overlay_start_1:
0x0: {  	(tag) =	ssettag $0x1  }
0x1: {  	s0 =	rddreg [dreg:$0x0];
	s1 =	srdreg.scid  }
0x2: {  	s2 =	rddreg [dreg:$0x1];
	s7 =	stileid.u32  }
0x3: {  	s5 =	simm.s32 $0x0;
	s17 =	simm.s32 $0xEC40;
	s18 =	simm.s32 $0x9  }
0x4: {  	s20 =	simm.s32 $0x50;
	s21 =	simm.s32 $0x9C40;
	s4 =	smul.u32 $0xA000, s7  }
0x5: {  	s28 =	simm.s32 $0x1;
	s29 =	simm.s32 $0x5;
	s6 =	smul.u32 $0x9C4, s7  }
0x6: {  	s30 =	simm.s32 $0x2;
	s1 =	sand.u32 $0x1, s1;
	s7 =	smul.u32 $0x28000, s7  }
0x7: {  	s31 =	simm.s32 $0x6;
	s19 =	simm.s32 $0x4;
	s3 =	smul.u32 $0x13880, s1  }
0x8: {  	[smem:$0x7FF] =	sst s5;
	s22 =	smul.u32 $0xA0000, s1;
	s1 =	ssub.s32 $0x2, s1  }
0x9: {  	_ =	strace $0x80000047;
	s6 =	sadd.s32 s6, s0;
	s23 =	sshrl.u32 s1, $0x1  }
0xa: {  	s7 =	sshrl.u32 s7, $0x2;
	s3 =	sadd.s32 s3, s0;
	s5 =	sadd.s32 s4, s22  }
0xb: {  	s1 =	ssub.s32 s1, s23;
	s4 =	sadd.s32 s4, s2;
	s24 =	sadd.s32 s7, s2  }
0xc: {  	s12 =	sadd.s32 $0x11400, s6;
	s13 =	sadd.s32 $0x7600, s6;
	s22 =	simm.s32 $0xB040  }
0xd: {  	s23 =	simm.s32 $0x8;
	s5 =	sshrl.u32 s5, $0x3;
	s7 =	sadd.s32 $0x1400, s24  }
0xe: {  	s25 =	sadd.s32 $0x2800, s24;
	s26 =	sadd.s32 $0x3C00, s24;
	s8 =	sadd.s32 $0x5000, s24  }
0xf: {  	s9 =	sadd.s32 $0x6400, s24;
	s10 =	sadd.s32 $0x7800, s24;
	s11 =	sadd.s32 $0x8C00, s24  }
0x10: {  	s14 =	sadd.s32 $0x1B200, s3;
	s16 =	smax.u32 s1, $0x1;
	[dreg:$0x3] =	wrdreg s7  }
0x11: {  	s24 =	simm.s32 $0xC440;
	s1 =	simm.s32 $0x7;
	[dreg:$0x4] =	wrdreg s25  }
0x12: {  	s0 =	sadd.s32 s5, s0;
	[dreg:$0x5] =	wrdreg s26;
	s26 =	simm.s32 $0xD840  }
0x13: {  	v0 =	vimm.f32 $0.0e+00;
	s25 =	simm.s32 $0x0;
	s15 =	sadd.s32 $0x42400, s0;
	s0 =	simm.s32 $0x3  }
.LBB2_1:
0x14: {  	s5 =	simm.s32 $0x0  }
0x15: {  	s3 =	sand.u32 $0x7F00, s5  }
0x16: {  	s5 =	sand.u32 $0x30, s5;
	s6 =	sshrl.u32 s3, $0x2  }
0x17: {  	s3 =	simm.s32 $0x40;
	s6 =	sor.u32 s5, s6;
	s5 =	simm.s32 $0x0  }
.LBB2_2:
0x18: {  	p0 =	sne.s32 s3, $0x4FC0  }
0x19: {  	[tilespmem:s6+$0xEC40] =	vst v0;
	s5 =	sadd.s32 $0x10, s5;
	s6 =	smov.u32 s3;
	s3 =	sadd.s32 $0x40, s3  }
.Ltmp0:
0x1a: {  	(pc) =	sbr.rel @p0 .LBB2_2-.Ltmp0, $4  }
0x1b: {  	_ = 	snop  }
0x1c: {  	s6 =	sand.u32 $0x7F00, s6  }
0x1d: {  	s7 =	sand.u32 $0x30, s5;
	s6 =	sshrl.u32 s6, $0x2  }
0x1e: {  	s6 =	sor.u32 s7, s6  }
0x1f: {  	[tilespmem:s6+$0xEC40] =	vst v0  }
0x20: {  	[spmem:s4] =	stream.linear.scatter [tilespmem:s17], [sflag:$0x9], $0x1400, $0x38;
	[tilespmem:$0x1A040] =	vst v63  }
0x21: {  	_ =	swait.ge [sflag:s18], $0x1400  }
0x22: {  	[sflag:s18] =	ssyncset.done $0x0  }
0x23: {  	s3 =	rddreg [dreg:$0x3];
	[sflag:s18] =	ssyncadd.s32 $0xFFFFEC00  }
0x24: {  	[spmem:s3] =	stream.linear.scatter [tilespmem:s17], [sflag:$0x9], $0x1400, $0x38;
	[tilespmem:$0x1A040] =	vst v63  }
0x25: {  	_ =	swait.ge [sflag:s18], $0x1400  }
0x26: {  	[sflag:s18] =	ssyncset.done $0x0  }
0x27: {  	s5 =	rddreg [dreg:$0x4];
	[sflag:s18] =	ssyncadd.s32 $0xFFFFEC00  }
0x28: {  	[spmem:s5] =	stream.linear.scatter [tilespmem:s17], [sflag:$0x9], $0x1400, $0x38;
	[tilespmem:$0x1A040] =	vst v63  }
0x29: {  	_ =	swait.ge [sflag:s18], $0x1400  }
0x2a: {  	[sflag:s18] =	ssyncset.done $0x0  }
0x2b: {  	s6 =	rddreg [dreg:$0x5];
	[sflag:s18] =	ssyncadd.s32 $0xFFFFEC00  }
0x2c: {  	[spmem:s6] =	stream.linear.scatter [tilespmem:s17], [sflag:$0x9], $0x1400, $0x38;
	[tilespmem:$0x1A040] =	vst v63  }
0x2d: {  	_ =	swait.ge [sflag:s18], $0x1400  }
0x2e: {  	[sflag:s18] =	ssyncset.done $0x0  }
0x2f: {  	[sflag:s18] =	ssyncadd.s32 $0xFFFFEC00  }
0x30: {  	[spmem:s8] =	stream.linear.scatter [tilespmem:s17], [sflag:$0x9], $0x1400, $0x38;
	[tilespmem:$0x1A040] =	vst v63  }
0x31: {  	_ =	swait.ge [sflag:s18], $0x1400  }
0x32: {  	[sflag:s18] =	ssyncset.done $0x0  }
0x33: {  	[sflag:s18] =	ssyncadd.s32 $0xFFFFEC00  }
0x34: {  	[spmem:s9] =	stream.linear.scatter [tilespmem:s17], [sflag:$0x9], $0x1400, $0x38;
	[tilespmem:$0x1A040] =	vst v63  }
0x35: {  	_ =	swait.ge [sflag:s18], $0x1400  }
0x36: {  	[sflag:s18] =	ssyncset.done $0x0  }
0x37: {  	[sflag:s18] =	ssyncadd.s32 $0xFFFFEC00  }
0x38: {  	[spmem:s10] =	stream.linear.scatter [tilespmem:s17], [sflag:$0x9], $0x1400, $0x38;
	[tilespmem:$0x1A040] =	vst v63  }
0x39: {  	_ =	swait.ge [sflag:s18], $0x1400  }
0x3a: {  	[sflag:s18] =	ssyncset.done $0x0  }
0x3b: {  	[sflag:s18] =	ssyncadd.s32 $0xFFFFEC00  }
0x3c: {  	[spmem:s11] =	stream.linear.scatter [tilespmem:s17], [sflag:$0x9], $0x1400, $0x38;
	[tilespmem:$0x1A040] =	vst v63  }
0x3d: {  	_ =	swait.ge [sflag:s18], $0x1400  }
0x3e: {  	[sflag:s18] =	ssyncset.done $0x0  }
0x3f: {  	[sflag:s18] =	ssyncadd.s32 $0xFFFFEC00  }
0x40: {  	s7 =	simm.s32 $0x0;
	[bflag:$0x0] =	sbarrier.arrive $0xFFFF  }
0x41: {  	[tilespmem:s7], [sflag:$0x9] =	stream.linear.gather [hbm4b:s12+s7], $0x4E20, $0x38;
	[tilespmem:$0x1A040] =	vst v63  }
0x42: {  	_ =	swait.ge [sflag:s18], $0x4E20  }
0x43: {  	[sflag:s18] =	ssyncset.done $0x0  }
0x44: {  	s5 =	simm.s32 $0x4E20;
	[sflag:s18] =	ssyncadd.s32 $0xFFFFB1E0  }
0x45: {  	[tilespmem:s5], [sflag:$0x9] =	stream.linear.gather [hbm4b:s13+s7], $0x4E20, $0x38;
	[tilespmem:$0x1A040] =	vst v63  }
0x46: {  	_ =	swait.ge [sflag:s18], $0x4E20  }
0x47: {  	[sflag:s18] =	ssyncset.done $0x0  }
0x48: {  	[sflag:s18] =	ssyncadd.s32 $0xFFFFB1E0  }
0x49: {  	[tilespmem:s21], [sflag:$0x1] =	stream.indirect.gather [hbm4b:s14+s20], $0x40, s7, s20, $0xb8;
	[tilespmem:$0x1A040] =	vst v63  }
0x4a: {  	_ = 	snop  }
0x4b: {  	[tilespmem:s22], [sflag:$0x2] =	stream.indirect.gather [hbm4b:s14+s20], $0x40, s20, s20, $0xb8;
	[tilespmem:$0x1A040] =	vst v63  }
0x4c: {  	s5 =	simm.s32 $0xA0  }
0x4d: {  	[tilespmem:s24], [sflag:$0x3] =	stream.indirect.gather [hbm4b:s14+s20], $0x40, s5, s20, $0xb8;
	[tilespmem:$0x1A040] =	vst v63  }
0x4e: {  	s6 =	simm.s32 $0xF0  }
0x4f: {  	[tilespmem:s26], [sflag:$0x4] =	stream.indirect.gather [hbm4b:s14+s20], $0x40, s6, s20, $0xb8;
	[tilespmem:$0x1A040] =	vst v63  }
0x50: {  	_ =	swait.ge [sflag:s28], $0x1400  }
0x51: {  	[sflag:s28] =	ssyncset.done $0x0  }
0x52: {  	s7 =	simm.s32 $0x4E20;
	[sflag:s28] =	ssyncadd.s32 $0xFFFFEC00  }
0x53: {  	[spmem:s2] =	stream.indirect.scatter.add.f32 [tilespmem:s21], [sflag:$0x5], $0x40, s7, s20, $0xb8;
	[tilespmem:$0x1A040] =	vst v63  }
0x54: {  	_ =	swait.ge [sflag:s29], $0x1400  }
0x55: {  	[sflag:s29] =	ssyncset.done $0x0  }
0x56: {  	s5 =	simm.s32 $0x140;
	[sflag:s29] =	ssyncadd.s32 $0xFFFFEC00  }
0x57: {  	[tilespmem:s21], [sflag:$0x1] =	stream.indirect.gather [hbm4b:s14+s20], $0x40, s5, s20, $0xb8;
	[tilespmem:$0x1A040] =	vst v63  }
0x58: {  	_ =	swait.ge [sflag:s30], $0x1400  }
0x59: {  	[sflag:s30] =	ssyncset.done $0x0  }
0x5a: {  	s6 =	simm.s32 $0x4E70;
	[sflag:s30] =	ssyncadd.s32 $0xFFFFEC00  }
0x5b: {  	[spmem:s2] =	stream.indirect.scatter.add.f32 [tilespmem:s22], [sflag:$0x6], $0x40, s6, s20, $0xb8;
	[tilespmem:$0x1A040] =	vst v63  }
0x5c: {  	_ =	swait.ge [sflag:s31], $0x1400  }
0x5d: {  	[sflag:s31] =	ssyncset.done $0x0  }
0x5e: {  	s7 =	simm.s32 $0x190;
	[sflag:s31] =	ssyncadd.s32 $0xFFFFEC00  }
0x5f: {  	[tilespmem:s22], [sflag:$0x2] =	stream.indirect.gather [hbm4b:s14+s20], $0x40, s7, s20, $0xb8;
	[tilespmem:$0x1A040] =	vst v63  }
0x60: {  	_ =	swait.ge [sflag:s0], $0x1400  }
0x61: {  	[sflag:s0] =	ssyncset.done $0x0  }
0x62: {  	s5 =	simm.s32 $0x4EC0;
	[sflag:s0] =	ssyncadd.s32 $0xFFFFEC00  }
0x63: {  	[spmem:s2] =	stream.indirect.scatter.add.f32 [tilespmem:s24], [sflag:$0x7], $0x40, s5, s20, $0xb8;
	[tilespmem:$0x1A040] =	vst v63  }
0x64: {  	_ =	swait.ge [sflag:s1], $0x1400  }
0x65: {  	[sflag:s1] =	ssyncset.done $0x0  }
0x66: {  	s6 =	simm.s32 $0x1E0;
	[sflag:s1] =	ssyncadd.s32 $0xFFFFEC00  }
0x67: {  	[tilespmem:s24], [sflag:$0x3] =	stream.indirect.gather [hbm4b:s14+s20], $0x40, s6, s20, $0xb8;
	[tilespmem:$0x1A040] =	vst v63  }
0x68: {  	_ =	swait.ge [sflag:s19], $0x1400  }
0x69: {  	[sflag:s19] =	ssyncset.done $0x0  }
0x6a: {  	s7 =	simm.s32 $0x4F10;
	[sflag:s19] =	ssyncadd.s32 $0xFFFFEC00  }
0x6b: {  	[spmem:s2] =	stream.indirect.scatter.add.f32 [tilespmem:s26], [sflag:$0x8], $0x40, s7, s20, $0xb8;
	[tilespmem:$0x1A040] =	vst v63  }
0x6c: {  	_ =	swait.ge [sflag:s23], $0x1400  }
0x6d: {  	[sflag:s23] =	ssyncset.done $0x0  }
0x6e: {  	s3 =	simm.s32 $0x500;
	s5 =	simm.s32 $0x230;
	[sflag:s23] =	ssyncadd.s32 $0xFFFFEC00  }
.LBB2_4:
0x6f: {  	[tilespmem:s26], [sflag:$0x4] =	stream.indirect.gather [hbm4b:s14+s20], $0x40, s5, s20, $0xb8;
	[tilespmem:$0x1A040] =	vst v63  }
0x70: {  	s5 =	smov.u32 s3  }
0x71: {  	p0 =	sne.s32 s3, $0x12C00;
	s3 =	sadd.s32 $0x500, s3;
	_ =	swait.ge [sflag:s28], $0x1400  }
0x72: {  	s5 =	sshra.s32 s5, $0x2;
	[sflag:s28] =	ssyncset.done $0x0  }
0x73: {  	s6 =	sadd.s32 $0x4E20, s5;
	[sflag:s28] =	ssyncadd.s32 $0xFFFFEC00  }
0x74: {  	[spmem:s2] =	stream.indirect.scatter.add.f32 [tilespmem:s21], [sflag:$0x5], $0x40, s6, s20, $0xb8;
	[tilespmem:$0x1A040] =	vst v63  }
0x75: {  	_ =	swait.ge [sflag:s29], $0x1400  }
0x76: {  	[sflag:s29] =	ssyncset.done $0x0  }
0x77: {  	s6 =	sadd.s32 $0x140, s5;
	[sflag:s29] =	ssyncadd.s32 $0xFFFFEC00  }
0x78: {  	[tilespmem:s21], [sflag:$0x1] =	stream.indirect.gather [hbm4b:s14+s20], $0x40, s6, s20, $0xb8;
	[tilespmem:$0x1A040] =	vst v63  }
0x79: {  	_ =	swait.ge [sflag:s30], $0x1400  }
0x7a: {  	[sflag:s30] =	ssyncset.done $0x0  }
0x7b: {  	s6 =	sadd.s32 $0x4E70, s5;
	[sflag:s30] =	ssyncadd.s32 $0xFFFFEC00  }
0x7c: {  	[spmem:s2] =	stream.indirect.scatter.add.f32 [tilespmem:s22], [sflag:$0x6], $0x40, s6, s20, $0xb8;
	[tilespmem:$0x1A040] =	vst v63  }
0x7d: {  	_ =	swait.ge [sflag:s31], $0x1400  }
0x7e: {  	[sflag:s31] =	ssyncset.done $0x0  }
0x7f: {  	s6 =	sadd.s32 $0x190, s5;
	[sflag:s31] =	ssyncadd.s32 $0xFFFFEC00  }
0x80: {  	[tilespmem:s22], [sflag:$0x2] =	stream.indirect.gather [hbm4b:s14+s20], $0x40, s6, s20, $0xb8;
	[tilespmem:$0x1A040] =	vst v63  }
0x81: {  	_ =	swait.ge [sflag:s0], $0x1400  }
0x82: {  	[sflag:s0] =	ssyncset.done $0x0  }
0x83: {  	s6 =	sadd.s32 $0x4EC0, s5;
	[sflag:s0] =	ssyncadd.s32 $0xFFFFEC00  }
0x84: {  	[spmem:s2] =	stream.indirect.scatter.add.f32 [tilespmem:s24], [sflag:$0x7], $0x40, s6, s20, $0xb8;
	[tilespmem:$0x1A040] =	vst v63  }
0x85: {  	_ =	swait.ge [sflag:s1], $0x1400  }
0x86: {  	[sflag:s1] =	ssyncset.done $0x0  }
0x87: {  	s6 =	sadd.s32 $0x1E0, s5;
	[sflag:s1] =	ssyncadd.s32 $0xFFFFEC00  }
0x88: {  	[tilespmem:s24], [sflag:$0x3] =	stream.indirect.gather [hbm4b:s14+s20], $0x40, s6, s20, $0xb8;
	[tilespmem:$0x1A040] =	vst v63  }
0x89: {  	_ =	swait.ge [sflag:s19], $0x1400  }
0x8a: {  	[sflag:s19] =	ssyncset.done $0x0  }
.Ltmp1:
0x8b: {  	s6 =	sadd.s32 $0x4F10, s5;
	[sflag:s19] =	ssyncadd.s32 $0xFFFFEC00;
	(pc) =	sbr.rel @p0 .LBB2_4-.Ltmp1, $4  }
0x8c: {  	[spmem:s2] =	stream.indirect.scatter.add.f32 [tilespmem:s26], [sflag:$0x8], $0x40, s6, s20, $0xb8;
	[tilespmem:$0x1A040] =	vst v63  }
0x8d: {  	_ =	swait.ge [sflag:s23], $0x1400  }
0x8e: {  	[sflag:s23] =	ssyncset.done $0x0  }
0x8f: {  	s5 =	sadd.s32 $0x230, s5;
	[sflag:s23] =	ssyncadd.s32 $0xFFFFEC00  }
0x90: {  	[tilespmem:s26], [sflag:$0x4] =	stream.indirect.gather [hbm4b:s14+s20], $0x40, s5, s20, $0xb8;
	[tilespmem:$0x1A040] =	vst v63  }
0x91: {  	_ =	swait.ge [sflag:s28], $0x1400  }
0x92: {  	[sflag:s28] =	ssyncset.done $0x0  }
0x93: {  	s3 =	simm.s32 $0x9A60;
	[sflag:s28] =	ssyncadd.s32 $0xFFFFEC00  }
0x94: {  	[spmem:s2] =	stream.indirect.scatter.add.f32 [tilespmem:s21], [sflag:$0x5], $0x40, s3, s20, $0xb8;
	[tilespmem:$0x1A040] =	vst v63  }
0x95: {  	_ =	swait.ge [sflag:s29], $0x1400  }
0x96: {  	[sflag:s29] =	ssyncset.done $0x0  }
0x97: {  	s5 =	simm.s32 $0x4D80;
	[sflag:s29] =	ssyncadd.s32 $0xFFFFEC00  }
0x98: {  	[tilespmem:s21], [sflag:$0x1] =	stream.indirect.gather [hbm4b:s14+s20], $0x40, s5, s20, $0xb8;
	[tilespmem:$0x1A040] =	vst v63  }
0x99: {  	_ =	swait.ge [sflag:s30], $0x1400  }
0x9a: {  	[sflag:s30] =	ssyncset.done $0x0  }
0x9b: {  	s6 =	simm.s32 $0x9AB0;
	[sflag:s30] =	ssyncadd.s32 $0xFFFFEC00  }
0x9c: {  	[spmem:s2] =	stream.indirect.scatter.add.f32 [tilespmem:s22], [sflag:$0x6], $0x40, s6, s20, $0xb8;
	[tilespmem:$0x1A040] =	vst v63  }
0x9d: {  	_ =	swait.ge [sflag:s31], $0x1400  }
0x9e: {  	[sflag:s31] =	ssyncset.done $0x0  }
0x9f: {  	s7 =	simm.s32 $0x4DD0;
	[sflag:s31] =	ssyncadd.s32 $0xFFFFEC00  }
0xa0: {  	[tilespmem:s22], [sflag:$0x2] =	stream.indirect.gather [hbm4b:s14+s20], $0x40, s7, s20, $0xb8;
	[tilespmem:$0x1A040] =	vst v63  }
0xa1: {  	_ =	swait.ge [sflag:s0], $0x1400  }
0xa2: {  	[sflag:s0] =	ssyncset.done $0x0  }
0xa3: {  	s5 =	simm.s32 $0x9B00;
	[sflag:s0] =	ssyncadd.s32 $0xFFFFEC00  }
0xa4: {  	[spmem:s2] =	stream.indirect.scatter.add.f32 [tilespmem:s24], [sflag:$0x7], $0x40, s5, s20, $0xb8;
	[tilespmem:$0x1A040] =	vst v63  }
0xa5: {  	_ =	swait.ge [sflag:s19], $0x1400  }
0xa6: {  	[sflag:s19] =	ssyncset.done $0x0  }
0xa7: {  	s6 =	simm.s32 $0x9B50;
	[sflag:s19] =	ssyncadd.s32 $0xFFFFEC00  }
0xa8: {  	[spmem:s2] =	stream.indirect.scatter.add.f32 [tilespmem:s26], [sflag:$0x8], $0x40, s6, s20, $0xb8;
	[tilespmem:$0x1A040] =	vst v63  }
0xa9: {  	_ =	swait.ge [sflag:s28], $0x1400  }
0xaa: {  	[sflag:s28] =	ssyncset.done $0x0  }
0xab: {  	s7 =	simm.s32 $0x9BA0;
	[sflag:s28] =	ssyncadd.s32 $0xFFFFEC00  }
0xac: {  	[spmem:s2] =	stream.indirect.scatter.add.f32 [tilespmem:s21], [sflag:$0x5], $0x40, s7, s20, $0xb8;
	[tilespmem:$0x1A040] =	vst v63  }
0xad: {  	_ =	swait.ge [sflag:s30], $0x1400  }
0xae: {  	[sflag:s30] =	ssyncset.done $0x0  }
0xaf: {  	s5 =	simm.s32 $0x9BF0;
	[sflag:s30] =	ssyncadd.s32 $0xFFFFEC00  }
0xb0: {  	[spmem:s2] =	stream.indirect.scatter.add.f32 [tilespmem:s22], [sflag:$0x6], $0x40, s5, s20, $0xb8;
	[tilespmem:$0x1A040] =	vst v63  }
0xb1: {  	_ =	swait.ge [sflag:s29], $0x1400  }
0xb2: {  	[sflag:s29] =	ssyncset.done $0x0  }
0xb3: {  	[sflag:s29] =	ssyncadd.s32 $0xFFFFEC00  }
0xb4: {  	_ =	swait.ge [sflag:s31], $0x1400  }
0xb5: {  	[sflag:s31] =	ssyncset.done $0x0  }
0xb6: {  	[sflag:s31] =	ssyncadd.s32 $0xFFFFEC00  }
0xb7: {  	_ =	swait.ge [sflag:s1], $0x1400  }
0xb8: {  	[sflag:s1] =	ssyncset.done $0x0  }
0xb9: {  	[sflag:s1] =	ssyncadd.s32 $0xFFFFEC00  }
0xba: {  	s6 =	stileid.u32;
	_ =	swait.ge [sflag:s23], $0x1400  }
0xbb: {  	s25 =	sadd.s32 $0x1, s25;
	s3 =	sshll.u32 s6, $0x6;
	[sflag:s23] =	ssyncset.done $0x0  }
0xbc: {  	p0 =	sne.s32 s25, s16;
	s3 =	sor.u32 $0x1C09, s3;
	[sflag:s23] =	ssyncadd.s32 $0xFFFFEC00  }
.Ltmp2:
0xbd: {  	s7 =	sshrl.u32 s4, $0x3;
	[bflag:$0x0] =	sbarrier.arrive $0xFFFF;
	(pc) =	sbr.rel @p0 .LBB2_1-.Ltmp2, $4  }
0xbe: {  	[hbm:s15], [sflag:s3] =	dma.local [spmem:s7], $0x1400  }
0xbf: {  	_ =	swait.ge [sflag:s18], $0x1400  }
0xc0: {  	[sflag:s18] =	ssyncset.done $0x0  }
0xc1: {  	[sflag:s18] =	ssyncadd.s32 $0xFFFFEC00  }
0xc2: {  	_ =	sfence.sel $0x180000  }
0xc3: {  	[bflag:$0x0] =	sbarrier.arrive $0xFFFF  }
0xc4: {  	_ =	strace $0x90000047  }
0xc5: {  	s0 =	stileid.u32;
	[bflag:$0x2] =	sbarrier.arrive $0xFFFF  }
0xc6: {  	p0 =	sne.s32 s0, $0x0;
	s0 =	rddreg [dreg:$0x2]  }
0xc7: {  	s0 =	sadd.s32 @!p0 $0x100000, s0  }
0xc8: {  	[sflag:s0] =	ssyncadd.tile.s32 @!p0 $0x1;
	_ =	shalt  }
.Lfunc_end2:
_tile_overlayer_lowered:
.L_overlay_start_2:
0xc9: {  	(tag) =	ssettag $0x2  }
0xca: {  	s0 =	rddreg [dreg:$0x0];
	s2 =	stileid.u32  }
0xcb: {  	s1 =	rddreg [dreg:$0x1];
	p0 =	sne.s32 s2, $0x0  }
0xcc: {  	s3 =	rddreg [dreg:$0x2];
	[bflag:$0x3] =	sbarrier.arrive $0xFFFF;
	s2 =	simm.s32 @!p0 $0x1C09  }
0xcd: {  	[timem:s3], [sflag:s2] =	dma.local @!p0 [hbm:s0], s1  }
0xce: {  	s0 =	simm.s32 @!p0 $0x9  }
0xcf: {  	_ =	swait.ge @!p0 [sflag:s0], s1  }
0xd0: {  	s1 =	ssub.s32 @!p0 $0x0, s1;
	[sflag:s0] =	ssyncset.done @!p0 $0x0  }
0xd1: {  	[sflag:s0] =	ssyncadd.s32 @!p0 s1  }
0xd2: {  	[bflag:$0x3] =	sbarrier.arrive $0xFFFF  }
0xd3: {  	_ =	shalt  }

// kernel: kernel.14.cloned.1.call-start
scs
__scs_entry_jumppad:
0x0: {  	(pc) =	sbr.rel $0x88, $3  }
0x1: {  	(tag) =	ssettag $0x0;
	lr =	simm.s32 $0x1  }
0x2: {  	[smem:$0x3F6B] =	sst lr;
	_ =	strace $0xD0000000  }
0x3: {  	_ = 	snop  }
0x4: {  	_ = 	snop  }
0x5: {  	_ = 	snop  }
0x6: {  	_ = 	snop  }
0x7: {  	_ = 	snop  }
__scs_overlays_trampoline_lowered:
0x8: {  	[smem:$0x3F7A] =	sst s0  }
0x9: {  	[smem:$0x3F7B] =	sst s1  }
0xa: {  	[smem:$0x3F7C] =	sst s2  }
0xb: {  	[smem:$0x3F7D] =	sst s3  }
0xc: {  	[smem:$0x3F7E] =	sst s4  }
0xd: {  	[smem:$0x3F7F] =	sst s5  }
0xe: {  	[smem:$0x3F80] =	sst s6  }
0xf: {  	[smem:$0x3F81] =	sst s7  }
0x10: {  	[smem:$0x3F82] =	sst s8  }
0x11: {  	[smem:$0x3F83] =	sst s9;
	s0 =	simm.s32 @!p0 $0x0  }
0x12: {  	s1 =	sld [smem:$0x3F69];
	s0 =	simm.s32 @p0 $0x1  }
0x13: {  	[smem:$0x3F84] =	sst s0;
	s0 =	simm.s32 @!p1 $0x0  }
0x14: {  	s2 =	sld [smem:$0x3F68];
	s0 =	simm.s32 @p1 $0x1  }
0x15: {  	[smem:$0x3F85] =	sst s0;
	s0 =	simm.s32 @!p2 $0x0  }
0x16: {  	s3 =	sld [smem:$0x3FDB];
	s0 =	simm.s32 @p2 $0x1  }
0x17: {  	s4 =	simm.s32 $0x1BF5;
	[smem:$0x3F87] =	sst s0  }
0x18: {  	s0 =	sld [smem:$0x3F6A];
	_ =	swait.ge [sflag:s4], $0x0  }
0x19: {  	s7 =	sld [smem:$0x3F6B]  }
0x1a: {  	s8 =	sadd.s32 $0xFFFFE003, lr  }
0x1b: {  	s9 =	sadd.s32 $0xFFFFFEF7, lr;
	s5 =	simm.s32 $0xFFFFFFFF;
	p2 =	slt.u32 s8, $0xFFFFF086  }
0x1c: {  	p1 =	slt.u32 s9, $0xF7A;
	s5 =	simm.s32 @!p2 $0x0  }
0x1d: {  	s5 =	simm.s32 @p1 $0x1;
	p0 =	seq.s32 s7, s2  }
0x1e: {  	s7 =	smul.u32 @!p0 $0xF7A, s2;
	p2 =	seq.s32 @!p0 s5, $0x0  }
0x1f: {  	s9 =	smul.u32 $0xF7A, s1;
	s8 =	simm.s32 @!p0 $0x1BF5;
	p2 =	por !p2, p0  }
0x20: {  	[sflag:s8] =	ssyncset.s32 @!p0 $0xFFFFF086;
	s6 =	sadd.s32 @!p0 s3, s7;
	s7 =	simm.s32 @!p0 $0x108  }
0x21: {  	s3 =	sadd.s32 s3, s9;
	s6 =	sadd.s32 @!p0 $0x88, s6;
	s7 =	simm.s32 @p2 $0x1082  }
0x22: {  	[simem:s7], [sflag:s8] =	dma.local @!p0 [hbm:s6], $0xF7A  }
0x23: {  	s9 =	sor.u32 $0xD0000000, s2;
	s6 =	simm.s32 $0x108;
	_ =	swait.ge @!p0 [sflag:s8], $0x0  }
0x24: {  	s3 =	sadd.s32 $0x88, s3;
	s6 =	simm.s32 @!p1 $0x1082;
	[sflag:s4] =	ssyncset.s32 $0xFFFFF086  }
0x25: {  	[simem:s6], [sflag:s4] =	dma.local [hbm:s3], $0xF7A  }
0x26: {  	[smem:$0x3F6B] =	sst s1;
	(tag) =	ssettag s2;
	_ =	strace s9  }
0x27: {  	s1 =	sld [smem:$0x3F7B]  }
0x28: {  	s2 =	sld [smem:$0x3F7C]  }
0x29: {  	s4 =	sld [smem:$0x3F7E]  }
0x2a: {  	p0 =	seq.s32 s5, $0x0;
	s5 =	sld [smem:$0x3F7F]  }
0x2b: {  	s6 =	sld [smem:$0x3F80]  }
0x2c: {  	s7 =	sld [smem:$0x3F81]  }
0x2d: {  	s3 =	simm.s32 $0x108;
	s8 =	sld [smem:$0x3F82]  }
0x2e: {  	s3 =	simm.s32 @!p0 $0x1082;
	s9 =	sld [smem:$0x3F83]  }
0x2f: {  	lr =	sadd.s32 s0, s3;
	s0 =	sld [smem:$0x3F7A]  }
0x30: {  	s3 =	sld [smem:$0x3F7D]  }
0x31: {  	[smem:$0x3F86] =	sst s10  }
0x32: {  	s10 =	sld [smem:$0x3F84];
	_ =	sdelay $0x3  }
0x33: {  	p0 =	seq.s32 s10, $0x1;
	s10 =	sld [smem:$0x3F86];
	_ =	sdelay $0x3  }
0x34: {  	[smem:$0x3F86] =	sst s10  }
0x35: {  	s10 =	sld [smem:$0x3F85];
	_ =	sdelay $0x3  }
0x36: {  	p1 =	seq.s32 s10, $0x1;
	s10 =	sld [smem:$0x3F86];
	_ =	sdelay $0x3  }
0x37: {  	[smem:$0x3F86] =	sst s10  }
0x38: {  	s10 =	sld [smem:$0x3F87]  }
0x39: {  	_ = 	snop;
	(pc) =	sbr.ind lr, $3  }
0x3a: {  	_ = 	snop  }
0x3b: {  	_ = 	snop  }
0x3c: {  	p2 =	seq.s32 s10, $0x1;
	s10 =	sld [smem:$0x3F86]  }
0x3d: {  	_ =	shalt  }
0x3e: {  	_ =	shalt  }
0x3f: {  	_ =	shalt  }
0x40: {  	_ =	shalt  }
0x41: {  	_ =	shalt  }
0x42: {  	_ =	shalt  }
0x43: {  	_ =	shalt  }
0x44: {  	_ =	shalt  }
0x45: {  	_ =	shalt  }
0x46: {  	_ =	shalt  }
0x47: {  	_ =	shalt  }
0x48: {  	_ =	shalt  }
0x49: {  	_ =	shalt  }
0x4a: {  	_ =	shalt  }
0x4b: {  	_ =	shalt  }
0x4c: {  	_ =	shalt  }
0x4d: {  	_ =	shalt  }
0x4e: {  	_ =	shalt  }
0x4f: {  	_ =	shalt  }
0x50: {  	_ =	shalt  }
0x51: {  	_ =	shalt  }
0x52: {  	_ =	shalt  }
0x53: {  	_ =	shalt  }
0x54: {  	_ =	shalt  }
0x55: {  	_ =	shalt  }
0x56: {  	_ =	shalt  }
0x57: {  	_ =	shalt  }
0x58: {  	_ =	shalt  }
0x59: {  	_ =	shalt  }
0x5a: {  	_ =	shalt  }
0x5b: {  	_ =	shalt  }
0x5c: {  	_ =	shalt  }
0x5d: {  	_ =	shalt  }
0x5e: {  	_ =	shalt  }
0x5f: {  	_ =	shalt  }
0x60: {  	_ =	shalt  }
0x61: {  	_ =	shalt  }
0x62: {  	_ =	shalt  }
0x63: {  	_ =	shalt  }
0x64: {  	_ =	shalt  }
0x65: {  	_ =	shalt  }
0x66: {  	_ =	shalt  }
0x67: {  	_ =	shalt  }
0x68: {  	_ =	shalt  }
0x69: {  	_ =	shalt  }
0x6a: {  	_ =	shalt  }
0x6b: {  	_ =	shalt  }
0x6c: {  	_ =	shalt  }
0x6d: {  	_ =	shalt  }
0x6e: {  	_ =	shalt  }
0x6f: {  	_ =	shalt  }
0x70: {  	_ =	shalt  }
0x71: {  	_ =	shalt  }
0x72: {  	_ =	shalt  }
0x73: {  	_ =	shalt  }
0x74: {  	_ =	shalt  }
0x75: {  	_ =	shalt  }
0x76: {  	_ =	shalt  }
0x77: {  	_ =	shalt  }
0x78: {  	_ =	shalt  }
0x79: {  	_ =	shalt  }
0x7a: {  	_ =	shalt  }
0x7b: {  	_ =	shalt  }
0x7c: {  	_ =	shalt  }
0x7d: {  	_ =	shalt  }
0x7e: {  	_ =	shalt  }
0x7f: {  	_ =	shalt  }
0x80: {  	_ =	shalt  }
0x81: {  	_ =	shalt  }
0x82: {  	_ =	shalt  }
0x83: {  	_ =	shalt  }
0x84: {  	_ =	shalt  }
0x85: {  	_ =	shalt  }
0x86: {  	_ =	shalt  }
0x87: {  	_ =	shalt  }
.Lfunc_end0:
.L_simem_size_0:
called_computation.2_lowered:
.L_overlay_start_0:
0x88: {  	s2 =	sld [smem:$0x3FD9]  }
0x89: {  	s3 =	sld [smem:$0x3FFE];
	_ =	sdelay $0x1  }
0x8a: {  	s1 =	srdreg.scid  }
0x8b: {  	s0 =	sand.u32 $0x1, s1  }
0x8c: {  	s16 =	sshll.u32 s0, $0xA;
	s2 =	sadd.s32 s3, s2  }
0x8d: {  	s2 =	sadd.s32 s2, s16  }
0x8e: {  	[smem:$0x3F92] =	sst s2  }
0x8f: {  	_ = 	snop  }
0x90: {  	(tm) =	ssettm $0x1  }
0x91: {  	s17 =	sld [smem:$0x3FFB];
	_ =	sdelay $0x3  }
0x92: {  	_ =	strace s17  }
0x93: {  	s2 =	sld [smem:$0x3FFC];
	_ =	sdelay $0x3  }
0x94: {  	_ =	strace s2  }
0x95: {  	s2 =	sld [smem:$0x3FFD];
	_ =	sdelay $0x3  }
0x96: {  	_ =	strace s2  }
0x97: {  	_ =	strace $0x8FFFFFFF  }
0x98: {  	s18 =	sld [smem:$0x3FDB];
	_ =	sdelay $0x1  }
0x99: {  	s19 =	simm.s32 $_scs_section_size  }
0x9a: {  	s4 =	simm.s32 $_size__tile_overlayer_lowered;
	s5 =	simm.s32 $_tile_overlayer_lowered  }
0x9b: {  	s22 =	simm.s32 $0x1BFF;
	s21 =	sshll.u32 s5, $0x1;
	s2 =	sadd.s32 s19, s18  }
0x9c: {  	s6 =	simm.s32 $0x0;
	s20 =	sshll.u32 s4, $0x1;
	s4 =	sadd.s32 s21, s2  }
0x9d: {  	[timem:s6], [sflag:s22] =	dma.local [hbm:s4], s20  }
0x9e: {  	_ =	swait.ge [sflag:s22], s20  }
0x9f: {  	s3 =	ssub.s32 $0x0, s20;
	[sflag:s22] =	ssyncset.done $0x0  }
0xa0: {  	[sflag:s22] =	ssyncadd.s32 s3;
	_ =	sdelay $0x1  }
0xa1: {  	s23 =	simm.s32 $0x1B8B  }
0xa2: {  	_ =	swait.ge [sflag:s23], $0x1  }
0xa3: {  	[sflag:s23] =	ssyncset.done $0x0  }
0xa4: {  	s25 =	simm.s32 $0x1B8E;
	s24 =	sld [smem:$0x3FFE];
	[sflag:s23] =	ssyncadd.s32 $0xFFFFFFFF  }
0xa5: {  	s26 =	simm.s32 $execute0_lowered;
	[smem:$0x3FD2] =	sst s25  }
0xa6: {  	s4 =	sshll.u32 s26, $0x1;
	_ =	strace $0x8000004C;
	[dreg:$0x1] =	wrdreg $0xFFFFFFFF  }
0xa7: {  	s28 =	simm.s32 $_size_execute0_lowered;
	s2 =	sadd.s32 s2, s4;
	[dreg:$0x0] =	wrdreg $0x0  }
0xa8: {  	s4 =	sshll.u32 s28, $0x1;
	[dreg:$0x2] =	wrdreg s2  }
0xa9: {  	[dreg:$0x3] =	wrdreg s4  }
0xaa: {  	[dreg:$0x4] =	wrdreg $0xC0  }
0xab: {  	_ =	task [dreg:s6], $0x5FFFF  }
0xac: {  	[dreg:$0x1] =	wrdreg $0xFFFFFFFF  }
0xad: {  	[dreg:$0x0] =	wrdreg $0x60  }
0xae: {  	[dreg:$0x2] =	wrdreg s24  }
0xaf: {  	[dreg:$0x3] =	wrdreg $0x100400  }
0xb0: {  	[dreg:$0x4] =	wrdreg $0x9  }
0xb1: {  	_ =	task.clear_ibuf [dreg:s6], $0x5FFFF;
	_ =	strace $0x9000004C  }
0xb2: {  	s29 =	simm.s32 $0x9;
	_ =	strace $0x8000004E  }
0xb3: {  	_ =	swait.ge [sflag:s29], $0x1  }
0xb4: {  	[sflag:s29] =	ssyncadd.s32 $0xFFFFFFFF  }
0xb5: {  	_ =	strace $0x9000004E  }
0xb6: {  	_ =	sfence  }
0xb7: {  	s30 =	sld [smem:$0x0];
	_ =	sdelay $0x2  }
0xb8: {  	s31 =	sshll.u32 s1, $0xD;
	s1 =	sshrl.u32 s1, $0x2  }
0xb9: {  	s3 =	sand.u32 $0x4000, s31;
	s1 =	sadd.s32 s1, s30  }
0xba: {  	s0 =	sor.u32 s3, s0;
	s1 =	sshll.u32 s1, $0x11  }
0xbb: {  	s0 =	sor.u32 s1, s0  }
0xbc: {  	s0 =	sadd.s32 $0x8F2B, s0  }
0xbd: {  	[sflag:s0] =	ssyncadd.remote.s32 $0x1  }
0xbe: {  	_ =	sfence.sel $0xFFFF  }
0xbf: {  	[dreg:$0x0] =	wrdreg $0xFFFFFFFF;
	(pc) =	sbr.abs _section_cstart, $3  }
0xc0: {  	[dreg:$0x1] =	wrdreg $0xFFFFFFFF  }
0xc1: {  	_ =	task.clear_ibuf [dreg:s6], $0x2FFFF;
	_ =	strace $0x9FFFFFFF  }
0xc2: {  	(tm) =	ssettm $0x7FFFFFFF  }
0xc3: {  	_ =	shalt  }
tec
execute0_lowered:
.L_overlay_start_1:
0x0: {  	(tag) =	ssettag $0x1  }
0x1: {  	s0 =	rddreg [dreg:$0x0];
	s1 =	srdreg.scid  }
0x2: {  	s2 =	rddreg [dreg:$0x1];
	s7 =	stileid.u32  }
0x3: {  	s5 =	simm.s32 $0x0;
	s17 =	simm.s32 $0xEC40;
	s18 =	simm.s32 $0x9  }
0x4: {  	s20 =	simm.s32 $0x50;
	s21 =	simm.s32 $0x9C40;
	s4 =	smul.u32 $0xA000, s7  }
0x5: {  	s28 =	simm.s32 $0x1;
	s29 =	simm.s32 $0x5;
	s6 =	smul.u32 $0x9C4, s7  }
0x6: {  	s30 =	simm.s32 $0x2;
	s1 =	sand.u32 $0x1, s1;
	s7 =	smul.u32 $0x28000, s7  }
0x7: {  	s31 =	simm.s32 $0x6;
	s19 =	simm.s32 $0x4;
	s3 =	smul.u32 $0x13880, s1  }
0x8: {  	[smem:$0x7FF] =	sst s5;
	s22 =	smul.u32 $0xA0000, s1;
	s1 =	ssub.s32 $0x2, s1  }
0x9: {  	_ =	strace $0x8000004D;
	s6 =	sadd.s32 s6, s0;
	s23 =	sshrl.u32 s1, $0x1  }
0xa: {  	s7 =	sshrl.u32 s7, $0x2;
	s3 =	sadd.s32 s3, s0;
	s5 =	sadd.s32 s4, s22  }
0xb: {  	s1 =	ssub.s32 s1, s23;
	s4 =	sadd.s32 s4, s2;
	s24 =	sadd.s32 s7, s2  }
0xc: {  	s12 =	sadd.s32 $0x11400, s6;
	s13 =	sadd.s32 $0x7600, s6;
	s22 =	simm.s32 $0xB040  }
0xd: {  	s23 =	simm.s32 $0x8;
	s5 =	sshrl.u32 s5, $0x3;
	s7 =	sadd.s32 $0x1400, s24  }
0xe: {  	s25 =	sadd.s32 $0x2800, s24;
	s26 =	sadd.s32 $0x3C00, s24;
	s8 =	sadd.s32 $0x5000, s24  }
0xf: {  	s9 =	sadd.s32 $0x6400, s24;
	s10 =	sadd.s32 $0x7800, s24;
	s11 =	sadd.s32 $0x8C00, s24  }
0x10: {  	s14 =	sadd.s32 $0x42400, s3;
	s16 =	smax.u32 s1, $0x1;
	[dreg:$0x3] =	wrdreg s7  }
0x11: {  	s24 =	simm.s32 $0xC440;
	s1 =	simm.s32 $0x7;
	[dreg:$0x4] =	wrdreg s25  }
0x12: {  	s0 =	sadd.s32 s5, s0;
	[dreg:$0x5] =	wrdreg s26;
	s26 =	simm.s32 $0xD840  }
0x13: {  	v0 =	vimm.f32 $0.0e+00;
	s25 =	simm.s32 $0x0;
	s15 =	sadd.s32 $0x69600, s0;
	s0 =	simm.s32 $0x3  }
.LBB2_1:
0x14: {  	s5 =	simm.s32 $0x0  }
0x15: {  	s3 =	sand.u32 $0x7F00, s5  }
0x16: {  	s5 =	sand.u32 $0x30, s5;
	s6 =	sshrl.u32 s3, $0x2  }
0x17: {  	s3 =	simm.s32 $0x40;
	s6 =	sor.u32 s5, s6;
	s5 =	simm.s32 $0x0  }
.LBB2_2:
0x18: {  	p0 =	sne.s32 s3, $0x4FC0  }
0x19: {  	[tilespmem:s6+$0xEC40] =	vst v0;
	s5 =	sadd.s32 $0x10, s5;
	s6 =	smov.u32 s3;
	s3 =	sadd.s32 $0x40, s3  }
.Ltmp0:
0x1a: {  	(pc) =	sbr.rel @p0 .LBB2_2-.Ltmp0, $4  }
0x1b: {  	_ = 	snop  }
0x1c: {  	s6 =	sand.u32 $0x7F00, s6  }
0x1d: {  	s7 =	sand.u32 $0x30, s5;
	s6 =	sshrl.u32 s6, $0x2  }
0x1e: {  	s6 =	sor.u32 s7, s6  }
0x1f: {  	[tilespmem:s6+$0xEC40] =	vst v0  }
0x20: {  	[spmem:s4] =	stream.linear.scatter [tilespmem:s17], [sflag:$0x9], $0x1400, $0x38;
	[tilespmem:$0x1A040] =	vst v63  }
0x21: {  	_ =	swait.ge [sflag:s18], $0x1400  }
0x22: {  	[sflag:s18] =	ssyncset.done $0x0  }
0x23: {  	s3 =	rddreg [dreg:$0x3];
	[sflag:s18] =	ssyncadd.s32 $0xFFFFEC00  }
0x24: {  	[spmem:s3] =	stream.linear.scatter [tilespmem:s17], [sflag:$0x9], $0x1400, $0x38;
	[tilespmem:$0x1A040] =	vst v63  }
0x25: {  	_ =	swait.ge [sflag:s18], $0x1400  }
0x26: {  	[sflag:s18] =	ssyncset.done $0x0  }
0x27: {  	s5 =	rddreg [dreg:$0x4];
	[sflag:s18] =	ssyncadd.s32 $0xFFFFEC00  }
0x28: {  	[spmem:s5] =	stream.linear.scatter [tilespmem:s17], [sflag:$0x9], $0x1400, $0x38;
	[tilespmem:$0x1A040] =	vst v63  }
0x29: {  	_ =	swait.ge [sflag:s18], $0x1400  }
0x2a: {  	[sflag:s18] =	ssyncset.done $0x0  }
0x2b: {  	s6 =	rddreg [dreg:$0x5];
	[sflag:s18] =	ssyncadd.s32 $0xFFFFEC00  }
0x2c: {  	[spmem:s6] =	stream.linear.scatter [tilespmem:s17], [sflag:$0x9], $0x1400, $0x38;
	[tilespmem:$0x1A040] =	vst v63  }
0x2d: {  	_ =	swait.ge [sflag:s18], $0x1400  }
0x2e: {  	[sflag:s18] =	ssyncset.done $0x0  }
0x2f: {  	[sflag:s18] =	ssyncadd.s32 $0xFFFFEC00  }
0x30: {  	[spmem:s8] =	stream.linear.scatter [tilespmem:s17], [sflag:$0x9], $0x1400, $0x38;
	[tilespmem:$0x1A040] =	vst v63  }
0x31: {  	_ =	swait.ge [sflag:s18], $0x1400  }
0x32: {  	[sflag:s18] =	ssyncset.done $0x0  }
0x33: {  	[sflag:s18] =	ssyncadd.s32 $0xFFFFEC00  }
0x34: {  	[spmem:s9] =	stream.linear.scatter [tilespmem:s17], [sflag:$0x9], $0x1400, $0x38;
	[tilespmem:$0x1A040] =	vst v63  }
0x35: {  	_ =	swait.ge [sflag:s18], $0x1400  }
0x36: {  	[sflag:s18] =	ssyncset.done $0x0  }
0x37: {  	[sflag:s18] =	ssyncadd.s32 $0xFFFFEC00  }
0x38: {  	[spmem:s10] =	stream.linear.scatter [tilespmem:s17], [sflag:$0x9], $0x1400, $0x38;
	[tilespmem:$0x1A040] =	vst v63  }
0x39: {  	_ =	swait.ge [sflag:s18], $0x1400  }
0x3a: {  	[sflag:s18] =	ssyncset.done $0x0  }
0x3b: {  	[sflag:s18] =	ssyncadd.s32 $0xFFFFEC00  }
0x3c: {  	[spmem:s11] =	stream.linear.scatter [tilespmem:s17], [sflag:$0x9], $0x1400, $0x38;
	[tilespmem:$0x1A040] =	vst v63  }
0x3d: {  	_ =	swait.ge [sflag:s18], $0x1400  }
0x3e: {  	[sflag:s18] =	ssyncset.done $0x0  }
0x3f: {  	[sflag:s18] =	ssyncadd.s32 $0xFFFFEC00  }
0x40: {  	s7 =	simm.s32 $0x0;
	[bflag:$0x0] =	sbarrier.arrive $0xFFFF  }
0x41: {  	[tilespmem:s7], [sflag:$0x9] =	stream.linear.gather [hbm4b:s12+s7], $0x4E20, $0x38;
	[tilespmem:$0x1A040] =	vst v63  }
0x42: {  	_ =	swait.ge [sflag:s18], $0x4E20  }
0x43: {  	[sflag:s18] =	ssyncset.done $0x0  }
0x44: {  	s5 =	simm.s32 $0x4E20;
	[sflag:s18] =	ssyncadd.s32 $0xFFFFB1E0  }
0x45: {  	[tilespmem:s5], [sflag:$0x9] =	stream.linear.gather [hbm4b:s13+s7], $0x4E20, $0x38;
	[tilespmem:$0x1A040] =	vst v63  }
0x46: {  	_ =	swait.ge [sflag:s18], $0x4E20  }
0x47: {  	[sflag:s18] =	ssyncset.done $0x0  }
0x48: {  	[sflag:s18] =	ssyncadd.s32 $0xFFFFB1E0  }
0x49: {  	[tilespmem:s21], [sflag:$0x1] =	stream.indirect.gather [hbm4b:s14+s20], $0x40, s7, s20, $0xb8;
	[tilespmem:$0x1A040] =	vst v63  }
0x4a: {  	_ = 	snop  }
0x4b: {  	[tilespmem:s22], [sflag:$0x2] =	stream.indirect.gather [hbm4b:s14+s20], $0x40, s20, s20, $0xb8;
	[tilespmem:$0x1A040] =	vst v63  }
0x4c: {  	s5 =	simm.s32 $0xA0  }
0x4d: {  	[tilespmem:s24], [sflag:$0x3] =	stream.indirect.gather [hbm4b:s14+s20], $0x40, s5, s20, $0xb8;
	[tilespmem:$0x1A040] =	vst v63  }
0x4e: {  	s6 =	simm.s32 $0xF0  }
0x4f: {  	[tilespmem:s26], [sflag:$0x4] =	stream.indirect.gather [hbm4b:s14+s20], $0x40, s6, s20, $0xb8;
	[tilespmem:$0x1A040] =	vst v63  }
0x50: {  	_ =	swait.ge [sflag:s28], $0x1400  }
0x51: {  	[sflag:s28] =	ssyncset.done $0x0  }
0x52: {  	s7 =	simm.s32 $0x4E20;
	[sflag:s28] =	ssyncadd.s32 $0xFFFFEC00  }
0x53: {  	[spmem:s2] =	stream.indirect.scatter.add.f32 [tilespmem:s21], [sflag:$0x5], $0x40, s7, s20, $0xb8;
	[tilespmem:$0x1A040] =	vst v63  }
0x54: {  	_ =	swait.ge [sflag:s29], $0x1400  }
0x55: {  	[sflag:s29] =	ssyncset.done $0x0  }
0x56: {  	s5 =	simm.s32 $0x140;
	[sflag:s29] =	ssyncadd.s32 $0xFFFFEC00  }
0x57: {  	[tilespmem:s21], [sflag:$0x1] =	stream.indirect.gather [hbm4b:s14+s20], $0x40, s5, s20, $0xb8;
	[tilespmem:$0x1A040] =	vst v63  }
0x58: {  	_ =	swait.ge [sflag:s30], $0x1400  }
0x59: {  	[sflag:s30] =	ssyncset.done $0x0  }
0x5a: {  	s6 =	simm.s32 $0x4E70;
	[sflag:s30] =	ssyncadd.s32 $0xFFFFEC00  }
0x5b: {  	[spmem:s2] =	stream.indirect.scatter.add.f32 [tilespmem:s22], [sflag:$0x6], $0x40, s6, s20, $0xb8;
	[tilespmem:$0x1A040] =	vst v63  }
0x5c: {  	_ =	swait.ge [sflag:s31], $0x1400  }
0x5d: {  	[sflag:s31] =	ssyncset.done $0x0  }
0x5e: {  	s7 =	simm.s32 $0x190;
	[sflag:s31] =	ssyncadd.s32 $0xFFFFEC00  }
0x5f: {  	[tilespmem:s22], [sflag:$0x2] =	stream.indirect.gather [hbm4b:s14+s20], $0x40, s7, s20, $0xb8;
	[tilespmem:$0x1A040] =	vst v63  }
0x60: {  	_ =	swait.ge [sflag:s0], $0x1400  }
0x61: {  	[sflag:s0] =	ssyncset.done $0x0  }
0x62: {  	s5 =	simm.s32 $0x4EC0;
	[sflag:s0] =	ssyncadd.s32 $0xFFFFEC00  }
0x63: {  	[spmem:s2] =	stream.indirect.scatter.add.f32 [tilespmem:s24], [sflag:$0x7], $0x40, s5, s20, $0xb8;
	[tilespmem:$0x1A040] =	vst v63  }
0x64: {  	_ =	swait.ge [sflag:s1], $0x1400  }
0x65: {  	[sflag:s1] =	ssyncset.done $0x0  }
0x66: {  	s6 =	simm.s32 $0x1E0;
	[sflag:s1] =	ssyncadd.s32 $0xFFFFEC00  }
0x67: {  	[tilespmem:s24], [sflag:$0x3] =	stream.indirect.gather [hbm4b:s14+s20], $0x40, s6, s20, $0xb8;
	[tilespmem:$0x1A040] =	vst v63  }
0x68: {  	_ =	swait.ge [sflag:s19], $0x1400  }
0x69: {  	[sflag:s19] =	ssyncset.done $0x0  }
0x6a: {  	s7 =	simm.s32 $0x4F10;
	[sflag:s19] =	ssyncadd.s32 $0xFFFFEC00  }
0x6b: {  	[spmem:s2] =	stream.indirect.scatter.add.f32 [tilespmem:s26], [sflag:$0x8], $0x40, s7, s20, $0xb8;
	[tilespmem:$0x1A040] =	vst v63  }
0x6c: {  	_ =	swait.ge [sflag:s23], $0x1400  }
0x6d: {  	[sflag:s23] =	ssyncset.done $0x0  }
0x6e: {  	s3 =	simm.s32 $0x500;
	s5 =	simm.s32 $0x230;
	[sflag:s23] =	ssyncadd.s32 $0xFFFFEC00  }
.LBB2_4:
0x6f: {  	[tilespmem:s26], [sflag:$0x4] =	stream.indirect.gather [hbm4b:s14+s20], $0x40, s5, s20, $0xb8;
	[tilespmem:$0x1A040] =	vst v63  }
0x70: {  	s5 =	smov.u32 s3  }
0x71: {  	p0 =	sne.s32 s3, $0x12C00;
	s3 =	sadd.s32 $0x500, s3;
	_ =	swait.ge [sflag:s28], $0x1400  }
0x72: {  	s5 =	sshra.s32 s5, $0x2;
	[sflag:s28] =	ssyncset.done $0x0  }
0x73: {  	s6 =	sadd.s32 $0x4E20, s5;
	[sflag:s28] =	ssyncadd.s32 $0xFFFFEC00  }
0x74: {  	[spmem:s2] =	stream.indirect.scatter.add.f32 [tilespmem:s21], [sflag:$0x5], $0x40, s6, s20, $0xb8;
	[tilespmem:$0x1A040] =	vst v63  }
0x75: {  	_ =	swait.ge [sflag:s29], $0x1400  }
0x76: {  	[sflag:s29] =	ssyncset.done $0x0  }
0x77: {  	s6 =	sadd.s32 $0x140, s5;
	[sflag:s29] =	ssyncadd.s32 $0xFFFFEC00  }
0x78: {  	[tilespmem:s21], [sflag:$0x1] =	stream.indirect.gather [hbm4b:s14+s20], $0x40, s6, s20, $0xb8;
	[tilespmem:$0x1A040] =	vst v63  }
0x79: {  	_ =	swait.ge [sflag:s30], $0x1400  }
0x7a: {  	[sflag:s30] =	ssyncset.done $0x0  }
0x7b: {  	s6 =	sadd.s32 $0x4E70, s5;
	[sflag:s30] =	ssyncadd.s32 $0xFFFFEC00  }
0x7c: {  	[spmem:s2] =	stream.indirect.scatter.add.f32 [tilespmem:s22], [sflag:$0x6], $0x40, s6, s20, $0xb8;
	[tilespmem:$0x1A040] =	vst v63  }
0x7d: {  	_ =	swait.ge [sflag:s31], $0x1400  }
0x7e: {  	[sflag:s31] =	ssyncset.done $0x0  }
0x7f: {  	s6 =	sadd.s32 $0x190, s5;
	[sflag:s31] =	ssyncadd.s32 $0xFFFFEC00  }
0x80: {  	[tilespmem:s22], [sflag:$0x2] =	stream.indirect.gather [hbm4b:s14+s20], $0x40, s6, s20, $0xb8;
	[tilespmem:$0x1A040] =	vst v63  }
0x81: {  	_ =	swait.ge [sflag:s0], $0x1400  }
0x82: {  	[sflag:s0] =	ssyncset.done $0x0  }
0x83: {  	s6 =	sadd.s32 $0x4EC0, s5;
	[sflag:s0] =	ssyncadd.s32 $0xFFFFEC00  }
0x84: {  	[spmem:s2] =	stream.indirect.scatter.add.f32 [tilespmem:s24], [sflag:$0x7], $0x40, s6, s20, $0xb8;
	[tilespmem:$0x1A040] =	vst v63  }
0x85: {  	_ =	swait.ge [sflag:s1], $0x1400  }
0x86: {  	[sflag:s1] =	ssyncset.done $0x0  }
0x87: {  	s6 =	sadd.s32 $0x1E0, s5;
	[sflag:s1] =	ssyncadd.s32 $0xFFFFEC00  }
0x88: {  	[tilespmem:s24], [sflag:$0x3] =	stream.indirect.gather [hbm4b:s14+s20], $0x40, s6, s20, $0xb8;
	[tilespmem:$0x1A040] =	vst v63  }
0x89: {  	_ =	swait.ge [sflag:s19], $0x1400  }
0x8a: {  	[sflag:s19] =	ssyncset.done $0x0  }
.Ltmp1:
0x8b: {  	s6 =	sadd.s32 $0x4F10, s5;
	[sflag:s19] =	ssyncadd.s32 $0xFFFFEC00;
	(pc) =	sbr.rel @p0 .LBB2_4-.Ltmp1, $4  }
0x8c: {  	[spmem:s2] =	stream.indirect.scatter.add.f32 [tilespmem:s26], [sflag:$0x8], $0x40, s6, s20, $0xb8;
	[tilespmem:$0x1A040] =	vst v63  }
0x8d: {  	_ =	swait.ge [sflag:s23], $0x1400  }
0x8e: {  	[sflag:s23] =	ssyncset.done $0x0  }
0x8f: {  	s5 =	sadd.s32 $0x230, s5;
	[sflag:s23] =	ssyncadd.s32 $0xFFFFEC00  }
0x90: {  	[tilespmem:s26], [sflag:$0x4] =	stream.indirect.gather [hbm4b:s14+s20], $0x40, s5, s20, $0xb8;
	[tilespmem:$0x1A040] =	vst v63  }
0x91: {  	_ =	swait.ge [sflag:s28], $0x1400  }
0x92: {  	[sflag:s28] =	ssyncset.done $0x0  }
0x93: {  	s3 =	simm.s32 $0x9A60;
	[sflag:s28] =	ssyncadd.s32 $0xFFFFEC00  }
0x94: {  	[spmem:s2] =	stream.indirect.scatter.add.f32 [tilespmem:s21], [sflag:$0x5], $0x40, s3, s20, $0xb8;
	[tilespmem:$0x1A040] =	vst v63  }
0x95: {  	_ =	swait.ge [sflag:s29], $0x1400  }
0x96: {  	[sflag:s29] =	ssyncset.done $0x0  }
0x97: {  	s5 =	simm.s32 $0x4D80;
	[sflag:s29] =	ssyncadd.s32 $0xFFFFEC00  }
0x98: {  	[tilespmem:s21], [sflag:$0x1] =	stream.indirect.gather [hbm4b:s14+s20], $0x40, s5, s20, $0xb8;
	[tilespmem:$0x1A040] =	vst v63  }
0x99: {  	_ =	swait.ge [sflag:s30], $0x1400  }
0x9a: {  	[sflag:s30] =	ssyncset.done $0x0  }
0x9b: {  	s6 =	simm.s32 $0x9AB0;
	[sflag:s30] =	ssyncadd.s32 $0xFFFFEC00  }
0x9c: {  	[spmem:s2] =	stream.indirect.scatter.add.f32 [tilespmem:s22], [sflag:$0x6], $0x40, s6, s20, $0xb8;
	[tilespmem:$0x1A040] =	vst v63  }
0x9d: {  	_ =	swait.ge [sflag:s31], $0x1400  }
0x9e: {  	[sflag:s31] =	ssyncset.done $0x0  }
0x9f: {  	s7 =	simm.s32 $0x4DD0;
	[sflag:s31] =	ssyncadd.s32 $0xFFFFEC00  }
0xa0: {  	[tilespmem:s22], [sflag:$0x2] =	stream.indirect.gather [hbm4b:s14+s20], $0x40, s7, s20, $0xb8;
	[tilespmem:$0x1A040] =	vst v63  }
0xa1: {  	_ =	swait.ge [sflag:s0], $0x1400  }
0xa2: {  	[sflag:s0] =	ssyncset.done $0x0  }
0xa3: {  	s5 =	simm.s32 $0x9B00;
	[sflag:s0] =	ssyncadd.s32 $0xFFFFEC00  }
0xa4: {  	[spmem:s2] =	stream.indirect.scatter.add.f32 [tilespmem:s24], [sflag:$0x7], $0x40, s5, s20, $0xb8;
	[tilespmem:$0x1A040] =	vst v63  }
0xa5: {  	_ =	swait.ge [sflag:s19], $0x1400  }
0xa6: {  	[sflag:s19] =	ssyncset.done $0x0  }
0xa7: {  	s6 =	simm.s32 $0x9B50;
	[sflag:s19] =	ssyncadd.s32 $0xFFFFEC00  }
0xa8: {  	[spmem:s2] =	stream.indirect.scatter.add.f32 [tilespmem:s26], [sflag:$0x8], $0x40, s6, s20, $0xb8;
	[tilespmem:$0x1A040] =	vst v63  }
0xa9: {  	_ =	swait.ge [sflag:s28], $0x1400  }
0xaa: {  	[sflag:s28] =	ssyncset.done $0x0  }
0xab: {  	s7 =	simm.s32 $0x9BA0;
	[sflag:s28] =	ssyncadd.s32 $0xFFFFEC00  }
0xac: {  	[spmem:s2] =	stream.indirect.scatter.add.f32 [tilespmem:s21], [sflag:$0x5], $0x40, s7, s20, $0xb8;
	[tilespmem:$0x1A040] =	vst v63  }
0xad: {  	_ =	swait.ge [sflag:s30], $0x1400  }
0xae: {  	[sflag:s30] =	ssyncset.done $0x0  }
0xaf: {  	s5 =	simm.s32 $0x9BF0;
	[sflag:s30] =	ssyncadd.s32 $0xFFFFEC00  }
0xb0: {  	[spmem:s2] =	stream.indirect.scatter.add.f32 [tilespmem:s22], [sflag:$0x6], $0x40, s5, s20, $0xb8;
	[tilespmem:$0x1A040] =	vst v63  }
0xb1: {  	_ =	swait.ge [sflag:s29], $0x1400  }
0xb2: {  	[sflag:s29] =	ssyncset.done $0x0  }
0xb3: {  	[sflag:s29] =	ssyncadd.s32 $0xFFFFEC00  }
0xb4: {  	_ =	swait.ge [sflag:s31], $0x1400  }
0xb5: {  	[sflag:s31] =	ssyncset.done $0x0  }
0xb6: {  	[sflag:s31] =	ssyncadd.s32 $0xFFFFEC00  }
0xb7: {  	_ =	swait.ge [sflag:s1], $0x1400  }
0xb8: {  	[sflag:s1] =	ssyncset.done $0x0  }
0xb9: {  	[sflag:s1] =	ssyncadd.s32 $0xFFFFEC00  }
0xba: {  	s6 =	stileid.u32;
	_ =	swait.ge [sflag:s23], $0x1400  }
0xbb: {  	s25 =	sadd.s32 $0x1, s25;
	s3 =	sshll.u32 s6, $0x6;
	[sflag:s23] =	ssyncset.done $0x0  }
0xbc: {  	p0 =	sne.s32 s25, s16;
	s3 =	sor.u32 $0x1C09, s3;
	[sflag:s23] =	ssyncadd.s32 $0xFFFFEC00  }
.Ltmp2:
0xbd: {  	s7 =	sshrl.u32 s4, $0x3;
	[bflag:$0x0] =	sbarrier.arrive $0xFFFF;
	(pc) =	sbr.rel @p0 .LBB2_1-.Ltmp2, $4  }
0xbe: {  	[hbm:s15], [sflag:s3] =	dma.local [spmem:s7], $0x1400  }
0xbf: {  	_ =	swait.ge [sflag:s18], $0x1400  }
0xc0: {  	[sflag:s18] =	ssyncset.done $0x0  }
0xc1: {  	[sflag:s18] =	ssyncadd.s32 $0xFFFFEC00  }
0xc2: {  	_ =	sfence.sel $0x180000  }
0xc3: {  	[bflag:$0x0] =	sbarrier.arrive $0xFFFF  }
0xc4: {  	_ =	strace $0x9000004D  }
0xc5: {  	s0 =	stileid.u32;
	[bflag:$0x2] =	sbarrier.arrive $0xFFFF  }
0xc6: {  	p0 =	sne.s32 s0, $0x0;
	s0 =	rddreg [dreg:$0x2]  }
0xc7: {  	s0 =	sadd.s32 @!p0 $0x100000, s0  }
0xc8: {  	[sflag:s0] =	ssyncadd.tile.s32 @!p0 $0x1;
	_ =	shalt  }
.Lfunc_end2:
_tile_overlayer_lowered:
.L_overlay_start_2:
0xc9: {  	(tag) =	ssettag $0x2  }
0xca: {  	s0 =	rddreg [dreg:$0x0];
	s2 =	stileid.u32  }
0xcb: {  	s1 =	rddreg [dreg:$0x1];
	p0 =	sne.s32 s2, $0x0  }
0xcc: {  	s3 =	rddreg [dreg:$0x2];
	[bflag:$0x3] =	sbarrier.arrive $0xFFFF;
	s2 =	simm.s32 @!p0 $0x1C09  }
0xcd: {  	[timem:s3], [sflag:s2] =	dma.local @!p0 [hbm:s0], s1  }
0xce: {  	s0 =	simm.s32 @!p0 $0x9  }
0xcf: {  	_ =	swait.ge @!p0 [sflag:s0], s1  }
0xd0: {  	s1 =	ssub.s32 @!p0 $0x0, s1;
	[sflag:s0] =	ssyncset.done @!p0 $0x0  }
0xd1: {  	[sflag:s0] =	ssyncadd.s32 @!p0 s1  }
0xd2: {  	[bflag:$0x3] =	sbarrier.arrive $0xFFFF  }
0xd3: {  	_ =	shalt  }

// kernel: kernel.8.cloned.1.call-start
scs
__scs_entry_jumppad:
0x0: {  	(pc) =	sbr.rel $0x88, $3  }
0x1: {  	(tag) =	ssettag $0x0;
	lr =	simm.s32 $0x1  }
0x2: {  	[smem:$0x3F6B] =	sst lr;
	_ =	strace $0xD0000000  }
0x3: {  	_ = 	snop  }
0x4: {  	_ = 	snop  }
0x5: {  	_ = 	snop  }
0x6: {  	_ = 	snop  }
0x7: {  	_ = 	snop  }
__scs_overlays_trampoline_lowered:
0x8: {  	[smem:$0x3F7A] =	sst s0  }
0x9: {  	[smem:$0x3F7B] =	sst s1  }
0xa: {  	[smem:$0x3F7C] =	sst s2  }
0xb: {  	[smem:$0x3F7D] =	sst s3  }
0xc: {  	[smem:$0x3F7E] =	sst s4  }
0xd: {  	[smem:$0x3F7F] =	sst s5  }
0xe: {  	[smem:$0x3F80] =	sst s6  }
0xf: {  	[smem:$0x3F81] =	sst s7  }
0x10: {  	[smem:$0x3F82] =	sst s8  }
0x11: {  	[smem:$0x3F83] =	sst s9;
	s0 =	simm.s32 @!p0 $0x0  }
0x12: {  	s1 =	sld [smem:$0x3F69];
	s0 =	simm.s32 @p0 $0x1  }
0x13: {  	[smem:$0x3F84] =	sst s0;
	s0 =	simm.s32 @!p1 $0x0  }
0x14: {  	s2 =	sld [smem:$0x3F68];
	s0 =	simm.s32 @p1 $0x1  }
0x15: {  	[smem:$0x3F85] =	sst s0;
	s0 =	simm.s32 @!p2 $0x0  }
0x16: {  	s3 =	sld [smem:$0x3FDB];
	s0 =	simm.s32 @p2 $0x1  }
0x17: {  	s4 =	simm.s32 $0x1BF5;
	[smem:$0x3F87] =	sst s0  }
0x18: {  	s0 =	sld [smem:$0x3F6A];
	_ =	swait.ge [sflag:s4], $0x0  }
0x19: {  	s7 =	sld [smem:$0x3F6B]  }
0x1a: {  	s8 =	sadd.s32 $0xFFFFE003, lr  }
0x1b: {  	s9 =	sadd.s32 $0xFFFFFEF7, lr;
	s5 =	simm.s32 $0xFFFFFFFF;
	p2 =	slt.u32 s8, $0xFFFFF086  }
0x1c: {  	p1 =	slt.u32 s9, $0xF7A;
	s5 =	simm.s32 @!p2 $0x0  }
0x1d: {  	s5 =	simm.s32 @p1 $0x1;
	p0 =	seq.s32 s7, s2  }
0x1e: {  	s7 =	smul.u32 @!p0 $0xF7A, s2;
	p2 =	seq.s32 @!p0 s5, $0x0  }
0x1f: {  	s9 =	smul.u32 $0xF7A, s1;
	s8 =	simm.s32 @!p0 $0x1BF5;
	p2 =	por !p2, p0  }
0x20: {  	[sflag:s8] =	ssyncset.s32 @!p0 $0xFFFFF086;
	s6 =	sadd.s32 @!p0 s3, s7;
	s7 =	simm.s32 @!p0 $0x108  }
0x21: {  	s3 =	sadd.s32 s3, s9;
	s6 =	sadd.s32 @!p0 $0x88, s6;
	s7 =	simm.s32 @p2 $0x1082  }
0x22: {  	[simem:s7], [sflag:s8] =	dma.local @!p0 [hbm:s6], $0xF7A  }
0x23: {  	s9 =	sor.u32 $0xD0000000, s2;
	s6 =	simm.s32 $0x108;
	_ =	swait.ge @!p0 [sflag:s8], $0x0  }
0x24: {  	s3 =	sadd.s32 $0x88, s3;
	s6 =	simm.s32 @!p1 $0x1082;
	[sflag:s4] =	ssyncset.s32 $0xFFFFF086  }
0x25: {  	[simem:s6], [sflag:s4] =	dma.local [hbm:s3], $0xF7A  }
0x26: {  	[smem:$0x3F6B] =	sst s1;
	(tag) =	ssettag s2;
	_ =	strace s9  }
0x27: {  	s1 =	sld [smem:$0x3F7B]  }
0x28: {  	s2 =	sld [smem:$0x3F7C]  }
0x29: {  	s4 =	sld [smem:$0x3F7E]  }
0x2a: {  	p0 =	seq.s32 s5, $0x0;
	s5 =	sld [smem:$0x3F7F]  }
0x2b: {  	s6 =	sld [smem:$0x3F80]  }
0x2c: {  	s7 =	sld [smem:$0x3F81]  }
0x2d: {  	s3 =	simm.s32 $0x108;
	s8 =	sld [smem:$0x3F82]  }
0x2e: {  	s3 =	simm.s32 @!p0 $0x1082;
	s9 =	sld [smem:$0x3F83]  }
0x2f: {  	lr =	sadd.s32 s0, s3;
	s0 =	sld [smem:$0x3F7A]  }
0x30: {  	s3 =	sld [smem:$0x3F7D]  }
0x31: {  	[smem:$0x3F86] =	sst s10  }
0x32: {  	s10 =	sld [smem:$0x3F84];
	_ =	sdelay $0x3  }
0x33: {  	p0 =	seq.s32 s10, $0x1;
	s10 =	sld [smem:$0x3F86];
	_ =	sdelay $0x3  }
0x34: {  	[smem:$0x3F86] =	sst s10  }
0x35: {  	s10 =	sld [smem:$0x3F85];
	_ =	sdelay $0x3  }
0x36: {  	p1 =	seq.s32 s10, $0x1;
	s10 =	sld [smem:$0x3F86];
	_ =	sdelay $0x3  }
0x37: {  	[smem:$0x3F86] =	sst s10  }
0x38: {  	s10 =	sld [smem:$0x3F87]  }
0x39: {  	_ = 	snop;
	(pc) =	sbr.ind lr, $3  }
0x3a: {  	_ = 	snop  }
0x3b: {  	_ = 	snop  }
0x3c: {  	p2 =	seq.s32 s10, $0x1;
	s10 =	sld [smem:$0x3F86]  }
0x3d: {  	_ =	shalt  }
0x3e: {  	_ =	shalt  }
0x3f: {  	_ =	shalt  }
0x40: {  	_ =	shalt  }
0x41: {  	_ =	shalt  }
0x42: {  	_ =	shalt  }
0x43: {  	_ =	shalt  }
0x44: {  	_ =	shalt  }
0x45: {  	_ =	shalt  }
0x46: {  	_ =	shalt  }
0x47: {  	_ =	shalt  }
0x48: {  	_ =	shalt  }
0x49: {  	_ =	shalt  }
0x4a: {  	_ =	shalt  }
0x4b: {  	_ =	shalt  }
0x4c: {  	_ =	shalt  }
0x4d: {  	_ =	shalt  }
0x4e: {  	_ =	shalt  }
0x4f: {  	_ =	shalt  }
0x50: {  	_ =	shalt  }
0x51: {  	_ =	shalt  }
0x52: {  	_ =	shalt  }
0x53: {  	_ =	shalt  }
0x54: {  	_ =	shalt  }
0x55: {  	_ =	shalt  }
0x56: {  	_ =	shalt  }
0x57: {  	_ =	shalt  }
0x58: {  	_ =	shalt  }
0x59: {  	_ =	shalt  }
0x5a: {  	_ =	shalt  }
0x5b: {  	_ =	shalt  }
0x5c: {  	_ =	shalt  }
0x5d: {  	_ =	shalt  }
0x5e: {  	_ =	shalt  }
0x5f: {  	_ =	shalt  }
0x60: {  	_ =	shalt  }
0x61: {  	_ =	shalt  }
0x62: {  	_ =	shalt  }
0x63: {  	_ =	shalt  }
0x64: {  	_ =	shalt  }
0x65: {  	_ =	shalt  }
0x66: {  	_ =	shalt  }
0x67: {  	_ =	shalt  }
0x68: {  	_ =	shalt  }
0x69: {  	_ =	shalt  }
0x6a: {  	_ =	shalt  }
0x6b: {  	_ =	shalt  }
0x6c: {  	_ =	shalt  }
0x6d: {  	_ =	shalt  }
0x6e: {  	_ =	shalt  }
0x6f: {  	_ =	shalt  }
0x70: {  	_ =	shalt  }
0x71: {  	_ =	shalt  }
0x72: {  	_ =	shalt  }
0x73: {  	_ =	shalt  }
0x74: {  	_ =	shalt  }
0x75: {  	_ =	shalt  }
0x76: {  	_ =	shalt  }
0x77: {  	_ =	shalt  }
0x78: {  	_ =	shalt  }
0x79: {  	_ =	shalt  }
0x7a: {  	_ =	shalt  }
0x7b: {  	_ =	shalt  }
0x7c: {  	_ =	shalt  }
0x7d: {  	_ =	shalt  }
0x7e: {  	_ =	shalt  }
0x7f: {  	_ =	shalt  }
0x80: {  	_ =	shalt  }
0x81: {  	_ =	shalt  }
0x82: {  	_ =	shalt  }
0x83: {  	_ =	shalt  }
0x84: {  	_ =	shalt  }
0x85: {  	_ =	shalt  }
0x86: {  	_ =	shalt  }
0x87: {  	_ =	shalt  }
.Lfunc_end0:
.L_simem_size_0:
called_computation_lowered:
.L_overlay_start_0:
0x88: {  	s2 =	sld [smem:$0x3FD9]  }
0x89: {  	s3 =	sld [smem:$0x3FFE];
	_ =	sdelay $0x1  }
0x8a: {  	s1 =	srdreg.scid  }
0x8b: {  	s0 =	sand.u32 $0x1, s1  }
0x8c: {  	s17 =	sshll.u32 s0, $0xA;
	s2 =	sadd.s32 s3, s2  }
0x8d: {  	s2 =	sadd.s32 s2, s17  }
0x8e: {  	[smem:$0x3F92] =	sst s2  }
0x8f: {  	_ = 	snop  }
0x90: {  	(tm) =	ssettm $0x1  }
0x91: {  	s18 =	sld [smem:$0x3FFB];
	_ =	sdelay $0x3  }
0x92: {  	_ =	strace s18  }
0x93: {  	s2 =	sld [smem:$0x3FFC];
	_ =	sdelay $0x3  }
0x94: {  	_ =	strace s2  }
0x95: {  	s2 =	sld [smem:$0x3FFD];
	_ =	sdelay $0x3  }
0x96: {  	_ =	strace s2  }
0x97: {  	_ =	strace $0x8FFFFFFF  }
0x98: {  	s19 =	sld [smem:$0x3FDB];
	_ =	sdelay $0x1  }
0x99: {  	s20 =	simm.s32 $_scs_section_size  }
0x9a: {  	s4 =	simm.s32 $_size__tile_overlayer_lowered;
	s5 =	simm.s32 $_tile_overlayer_lowered  }
0x9b: {  	s6 =	simm.s32 $0x1BFF;
	s21 =	sshll.u32 s5, $0x1;
	s3 =	sadd.s32 s20, s19  }
0x9c: {  	s22 =	simm.s32 $0x0;
	s4 =	sshll.u32 s4, $0x1;
	s5 =	sadd.s32 s21, s3  }
0x9d: {  	[timem:s22], [sflag:s6] =	dma.local [hbm:s5], s4  }
0x9e: {  	_ =	swait.ge [sflag:s6], s4  }
0x9f: {  	s4 =	ssub.s32 $0x0, s4;
	[sflag:s6] =	ssyncset.done $0x0  }
0xa0: {  	[sflag:s6] =	ssyncadd.s32 s4;
	_ =	sdelay $0x1  }
0xa1: {  	s23 =	simm.s32 $0x1B8B  }
0xa2: {  	_ =	swait.ge [sflag:s23], $0x1  }
0xa3: {  	[sflag:s23] =	ssyncset.done $0x0  }
0xa4: {  	[sflag:s23] =	ssyncadd.s32 $0xFFFFFFFF  }
0xa5: {  	s4 =	sld [smem:$0x0]  }
0xa6: {  	s5 =	sand.u32 $0xFFFFFFFE, s1  }
0xa7: {  	p0 =	sne.s32 s1, s5  }
0xa8: {  	s5 =	sshll.u32 @p0 s5, $0xE  }
0xa9: {  	s5 =	sadd.s32 @p0 $0x11B8D, s5;
	s6 =	sshll.u32 @p0 s4, $0x11  }
0xaa: {  	s5 =	sor.u32 @p0 s6, s5  }
0xab: {  	[sflag:s5] =	ssyncadd.remote.s32 @p0 $0x1;
	_ =	sdelay $0x1  }
0xac: {  	s5 =	simm.s32 @p0 $0x1B8D  }
0xad: {  	_ =	swait.eq @p0 [sflag:s5], $0x1  }
0xae: {  	[sflag:s5] =	ssyncadd.s32 @p0 $0xFFFFFFFF  }
0xaf: {  	s6 =	sshll.u32 @!p0 s1, $0xE  }
0xb0: {  	s6 =	sor.u32 @!p0 $0x4000, s6;
	s5 =	simm.s32 @!p0 $0x1B8D  }
0xb1: {  	s4 =	sshll.u32 @!p0 s4, $0x11;
	s6 =	sadd.s32 @!p0 $0x11B8D, s6;
	_ =	swait.eq @!p0 [sflag:s5], $0x1  }
0xb2: {  	s4 =	sor.u32 @!p0 s4, s6;
	[sflag:s5] =	ssyncadd.s32 @!p0 $0xFFFFFFFF  }
0xb3: {  	s25 =	simm.s32 $0x1B8E;
	s24 =	sld [smem:$0x3FFE];
	[sflag:s4] =	ssyncadd.remote.s32 @!p0 $0x1  }
0xb4: {  	s26 =	simm.s32 $execute0_lowered;
	[smem:$0x3FD2] =	sst s25  }
0xb5: {  	s5 =	sshll.u32 s26, $0x1;
	_ =	strace $0x80000049;
	[dreg:$0x1] =	wrdreg $0xFFFFFFFF  }
0xb6: {  	s28 =	simm.s32 $_size_execute0_lowered;
	s3 =	sadd.s32 s3, s5;
	[dreg:$0x0] =	wrdreg $0x0  }
0xb7: {  	s5 =	sshll.u32 s28, $0x1;
	[dreg:$0x2] =	wrdreg s3  }
0xb8: {  	[dreg:$0x3] =	wrdreg s5  }
0xb9: {  	[dreg:$0x4] =	wrdreg $0xC0  }
0xba: {  	_ =	task [dreg:s22], $0x5FFFF  }
0xbb: {  	[dreg:$0x1] =	wrdreg $0xFFFFFFFF  }
0xbc: {  	[dreg:$0x0] =	wrdreg $0x60  }
0xbd: {  	[dreg:$0x2] =	wrdreg s24  }
0xbe: {  	[dreg:$0x3] =	wrdreg $0x29E00  }
0xbf: {  	[dreg:$0x4] =	wrdreg $0x9  }
0xc0: {  	_ =	task.clear_ibuf [dreg:s22], $0x5FFFF;
	_ =	strace $0x90000049  }
0xc1: {  	s29 =	simm.s32 $0x9;
	_ =	strace $0x8000004B  }
0xc2: {  	_ =	swait.ge [sflag:s29], $0x1  }
0xc3: {  	[sflag:s29] =	ssyncadd.s32 $0xFFFFFFFF  }
0xc4: {  	_ =	strace $0x9000004B  }
0xc5: {  	_ =	sfence  }
0xc6: {  	s30 =	sld [smem:$0x0];
	_ =	sdelay $0x2  }
0xc7: {  	s31 =	sshll.u32 s1, $0xD;
	s1 =	sshrl.u32 s1, $0x2  }
0xc8: {  	s4 =	sand.u32 $0x4000, s31;
	s1 =	sadd.s32 s1, s30  }
0xc9: {  	s0 =	sor.u32 s4, s0;
	s1 =	sshll.u32 s1, $0x11  }
0xca: {  	s0 =	sor.u32 s1, s0  }
0xcb: {  	s0 =	sadd.s32 $0x8F2B, s0  }
0xcc: {  	[sflag:s0] =	ssyncadd.remote.s32 $0x1  }
0xcd: {  	_ =	sfence.sel $0xFFFF  }
0xce: {  	[dreg:$0x0] =	wrdreg $0xFFFFFFFF;
	(pc) =	sbr.abs _section_cstart, $3  }
0xcf: {  	[dreg:$0x1] =	wrdreg $0xFFFFFFFF  }
0xd0: {  	_ =	task.clear_ibuf [dreg:s22], $0x2FFFF;
	_ =	strace $0x9FFFFFFF  }
0xd1: {  	(tm) =	ssettm $0x7FFFFFFF  }
tec
execute0_lowered:
.L_overlay_start_1:
0x0: {  	(tag) =	ssettag $0x1  }
0x1: {  	s1 =	srdreg.scid;
	s4 =	rddreg [dreg:$0x0]  }
0x2: {  	s0 =	stileid.u32;
	s2 =	rddreg [dreg:$0x1]  }
0x3: {  	s3 =	simm.s32 $0x0;
	s10 =	simm.s32 $0x50;
	s6 =	smul.u32 $0x4E20, s0  }
0x4: {  	s11 =	simm.s32 $0x2710;
	s5 =	sand.u32 $0x1, s1;
	s8 =	smul.u32 $0x280, s0  }
0x5: {  	s14 =	simm.s32 $0x0;
	s1 =	rddreg [dreg:$0x2];
	s7 =	smul.u32 $0x2710, s5  }
0x6: {  	[smem:$0x7FF] =	sst s3;
	s12 =	sshll.u32 s0, $0x6;
	s9 =	smul.u32 $0x2800, s5  }
0x7: {  	_ =	strace $0x8000004A;
	s5 =	ssub.s32 $0x2, s5;
	s12 =	sor.u32 $0x1C01, s12  }
0x8: {  	s31 =	sshrl.u32 s5, $0x1;
	s6 =	sadd.s32 s7, s6;
	s30 =	sadd.s32 s8, s9  }
0x9: {  	s9 =	ssub.s32 s5, s31;
	s6 =	sshrl.u32 s6, $0x3;
	s7 =	sshrl.u32 s30, $0x3  }
0xa: {  	s6 =	sadd.s32 s6, s4;
	s7 =	sadd.s32 s7, s4;
	s4 =	sadd.s32 s8, s2  }
0xb: {  	s8 =	simm.s32 $0x2760;
	s5 =	sadd.s32 $0x7600, s6;
	s6 =	sadd.s32 $0x6A400, s7  }
0xc: {  	v0 =	vimm.f32 $0.0e+00;
	v1 =	vimm.f32 $1.000000000e+00;
	s7 =	smax.u32 s9, $0x1;
	s9 =	simm.s32 $0x1;
	s13 =	sshrl.u32 s4, $0x3  }
.LBB2_1:
0xd: {  	[tilespmem:$0x2760] =	vst v0  }
0xe: {  	[tilespmem:$0x2770] =	vst v0  }
0xf: {  	[tilespmem:$0x2780] =	vst v0  }
0x10: {  	[tilespmem:$0x2790] =	vst v0  }
0x11: {  	[tilespmem:$0x27A0] =	vst v0  }
0x12: {  	[tilespmem:$0x27B0] =	vst v0  }
0x13: {  	[tilespmem:$0x27C0] =	vst v0  }
0x14: {  	[tilespmem:$0x27D0] =	vst v0  }
0x15: {  	[tilespmem:$0x27E0] =	vst v0  }
0x16: {  	[tilespmem:$0x27F0] =	vst v0  }
0x17: {  	[tilespmem:$0x2800] =	vst v0  }
0x18: {  	[tilespmem:$0x2810] =	vst v0  }
0x19: {  	[tilespmem:$0x2820] =	vst v0  }
0x1a: {  	[tilespmem:$0x2830] =	vst v0  }
0x1b: {  	[tilespmem:$0x2840] =	vst v0  }
0x1c: {  	[tilespmem:$0x2850] =	vst v0  }
0x1d: {  	[tilespmem:$0x2860] =	vst v0  }
0x1e: {  	[tilespmem:$0x2870] =	vst v0  }
0x1f: {  	[tilespmem:$0x2880] =	vst v0  }
0x20: {  	[tilespmem:$0x2890] =	vst v0  }
0x21: {  	[tilespmem:$0x28A0] =	vst v0  }
0x22: {  	[tilespmem:$0x28B0] =	vst v0  }
0x23: {  	[tilespmem:$0x28C0] =	vst v0  }
0x24: {  	[tilespmem:$0x28D0] =	vst v0  }
0x25: {  	[tilespmem:$0x28E0] =	vst v0  }
0x26: {  	[tilespmem:$0x28F0] =	vst v0  }
0x27: {  	[tilespmem:$0x2900] =	vst v0  }
0x28: {  	[tilespmem:$0x2910] =	vst v0  }
0x29: {  	[tilespmem:$0x2920] =	vst v0  }
0x2a: {  	[tilespmem:$0x2930] =	vst v0  }
0x2b: {  	[tilespmem:$0x2940] =	vst v0  }
0x2c: {  	[tilespmem:$0x2950] =	vst v0  }
0x2d: {  	[tilespmem:$0x2960] =	vst v0  }
0x2e: {  	[tilespmem:$0x2970] =	vst v0  }
0x2f: {  	[tilespmem:$0x2980] =	vst v0  }
0x30: {  	[tilespmem:$0x2990] =	vst v0  }
0x31: {  	[tilespmem:$0x29A0] =	vst v0  }
0x32: {  	[tilespmem:$0x29B0] =	vst v0  }
0x33: {  	[tilespmem:$0x29C0] =	vst v0  }
0x34: {  	[tilespmem:$0x29D0] =	vst v0  }
0x35: {  	[spmem:s4] =	stream.linear.scatter [tilespmem:s8], [sflag:$0x1], $0x280, $0x38;
	[tilespmem:$0x2C60] =	vst v63  }
0x36: {  	_ =	swait.ge [sflag:s9], $0x280  }
0x37: {  	[sflag:s9] =	ssyncset.done $0x0  }
0x38: {  	[sflag:s9] =	ssyncadd.s32 $0xFFFFFD80  }
0x39: {  	[tilespmem:$0x2710] =	vst v1  }
0x3a: {  	[tilespmem:$0x2720] =	vst v1  }
0x3b: {  	[tilespmem:$0x2730] =	vst v1  }
0x3c: {  	[tilespmem:$0x2740] =	vst v1  }
0x3d: {  	[tilespmem:$0x2750] =	vst v1  }
0x3e: {  	[bflag:$0x0] =	sbarrier.arrive $0xFFFF  }
0x3f: {  	[tilespmem:s3], [sflag:$0x1] =	stream.linear.gather [hbm4b:s5+s3], $0x2710, $0x38;
	[tilespmem:$0x2C60] =	vst v63  }
0x40: {  	_ =	swait.ge [sflag:s9], $0x2710  }
0x41: {  	[sflag:s9] =	ssyncset.done $0x0  }
0x42: {  	s15 =	simm.s32 $0x0;
	[sflag:s9] =	ssyncadd.s32 $0xFFFFD8F0  }
0x43: {  	[spmem:s2] =	stream.indirect.scatter.add.f32 [tilespmem:s11], [sflag:$0x1], $0x1, s15, s10, $0xb8;
	[tilespmem:$0x2C60] =	vst v63  }
0x44: {  	_ =	swait.ge [sflag:s9], $0x50  }
0x45: {  	s15 =	simm.s32 $0x140;
	[sflag:s9] =	ssyncset.done $0x0  }
.LBB2_2:
0x46: {  	s16 =	sshra.s32 s15, $0x2;
	[sflag:s9] =	ssyncadd.s32 $0xFFFFFFB0;
	p0 =	sne.s32 s15, $0x9B00  }
0x47: {  	[spmem:s2] =	stream.indirect.scatter.add.f32 [tilespmem:s11], [sflag:$0x1], $0x1, s16, s10, $0xb8;
	[tilespmem:$0x2C60] =	vst v63  }
.Ltmp0:
0x48: {  	_ = 	snop;
	(pc) =	sbr.rel @p0 .LBB2_2-.Ltmp0, $4  }
0x49: {  	_ = 	snop  }
0x4a: {  	s15 =	sadd.s32 $0x140, s15  }
0x4b: {  	_ =	swait.ge [sflag:s9], $0x50  }
0x4c: {  	[sflag:s9] =	ssyncset.done $0x0  }
0x4d: {  	s14 =	sadd.s32 $0x1, s14  }
0x4e: {  	[sflag:s9] =	ssyncadd.s32 $0xFFFFFFB0;
	p0 =	sne.s32 s14, s7  }
.Ltmp1:
0x4f: {  	[bflag:$0x0] =	sbarrier.arrive $0xFFFF;
	(pc) =	sbr.rel @p0 .LBB2_1-.Ltmp1, $4  }
0x50: {  	[hbm:s6], [sflag:s12] =	dma.local [spmem:s13], $0x50  }
0x51: {  	_ =	swait.ge [sflag:s9], $0x50  }
0x52: {  	[sflag:s9] =	ssyncset.done $0x0  }
0x53: {  	[sflag:s9] =	ssyncadd.s32 $0xFFFFFFB0  }
0x54: {  	_ =	sfence.sel $0x180000  }
0x55: {  	[bflag:$0x0] =	sbarrier.arrive $0xFFFF  }
0x56: {  	p0 =	sne.s32 s0, $0x0;
	_ =	strace $0x9000004A  }
0x57: {  	s0 =	sadd.s32 @!p0 $0x100000, s1;
	[bflag:$0x2] =	sbarrier.arrive $0xFFFF  }
0x58: {  	[sflag:s0] =	ssyncadd.tile.s32 @!p0 $0x1;
	_ =	shalt  }
.Lfunc_end2:
_tile_overlayer_lowered:
.L_overlay_start_2:
0x59: {  	(tag) =	ssettag $0x2  }
0x5a: {  	s0 =	rddreg [dreg:$0x0];
	s2 =	stileid.u32  }
0x5b: {  	s1 =	rddreg [dreg:$0x1];
	p0 =	sne.s32 s2, $0x0  }
0x5c: {  	s3 =	rddreg [dreg:$0x2];
	[bflag:$0x3] =	sbarrier.arrive $0xFFFF;
	s2 =	simm.s32 @!p0 $0x1C01  }
0x5d: {  	[timem:s3], [sflag:s2] =	dma.local @!p0 [hbm:s0], s1  }
0x5e: {  	s0 =	simm.s32 @!p0 $0x1  }
0x5f: {  	_ =	swait.ge @!p0 [sflag:s0], s1  }
0x60: {  	s1 =	ssub.s32 @!p0 $0x0, s1;
	[sflag:s0] =	ssyncset.done @!p0 $0x0  }
0x61: {  	[sflag:s0] =	ssyncadd.s32 @!p0 s1  }
0x62: {  	[bflag:$0x3] =	sbarrier.arrive $0xFFFF  }
0x63: {  	_ =	shalt  }

</sc_bundles>
